<compile_context>
chip_gen: v7x
topology: tpu7x:2x2x1
jax: 0.10.2.dev20260603
libtpu: 0.0.44.dev20260713+nightly
codegen_flags: <defaults>
</compile_context>

<pallas_src>
import functools

import jax
import jax.numpy as jnp
import numpy as np
from jax import lax
from jax.experimental import pallas as pl
from jax.experimental.pallas import tpu as pltpu
from jax.experimental.pallas import tpu_sc as plsc

B = 16384
EMBED = 8
NUM_FEATS = 7
DESC_IN = 1024
DESC_OUT = 64
H1 = 128
H2 = 128
OUT = 64


_NC = 2
_NS = 16
_NW = _NC * _NS
_BPW = B // _NW
_CAT = NUM_FEATS * EMBED
_NIDX = _BPW * NUM_FEATS
_L = 16
_G = _BPW // 8
_ROWPAD = 128
_NOUT = _BPW * _ROWPAD

_SIZES = (6, 6, 4, 4, 4, 4, 6)
_OFF8 = np.zeros(NUM_FEATS, np.int32)
_acc = 0
for _fi, _s in enumerate(_SIZES):
  _OFF8[_fi] = _acc * EMBED
  _acc += _s
_TAB_LEN = _acc * EMBED

_p = np.arange(8 * _CAT, dtype=np.int32)
_b = _p // _CAT
_r = _p % _CAT
_i = _r // EMBED
_d = _r % EMBED
_PIDX_H = (_b * NUM_FEATS + _i).astype(np.int32)
_DST_H = (_b * _ROWPAD + _r).astype(np.int32)
_l = np.arange(_L, dtype=np.int32)
_FO_H = np.concatenate([
    (_OFF8[_i[:112]] + _d[:112]).astype(np.int32),
    ((_l >> 1) * _ROWPAD + _CAT + (_l & 1)).astype(np.int32),
])


def _sc_gather_body(pcat_hbm, tab_hbm, ph_hbm, dh_hbm, fh_hbm,
                    out_hbm, idx_v, tab_v, ph_v, dh_v, fh_v, rows_v):
  wid = lax.axis_index("s") * _NC + lax.axis_index("c")
  pltpu.sync_copy(pcat_hbm.at[wid], idx_v)
  pltpu.sync_copy(tab_hbm, tab_v)
  pltpu.sync_copy(ph_hbm, ph_v)
  pltpu.sync_copy(dh_hbm, dh_v)
  pltpu.sync_copy(fh_hbm, fh_v)

  for c in range(4 * NUM_FEATS):
    j = c % NUM_FEATS
    hp = ph_v[pl.ds(c * _L, _L)]
    hf = fh_v[pl.ds(j * _L, _L)]
    hd = dh_v[pl.ds(c * _L, _L)]

    @plsc.parallel_loop(0, _G, 1, unroll=4)
    def step(g, hp=hp, hf=hf, hd=hd):
      tv = plsc.load_gather(idx_v, [hp + g * (8 * NUM_FEATS)])
      val = plsc.load_gather(tab_v, [hf + tv * EMBED])
      plsc.store_scatter(rows_v, [hd + g * (8 * _ROWPAD)], val)

  pltpu.sync_copy(rows_v, out_hbm.at[pl.ds(wid * _NOUT, _NOUT)])


@functools.cache
def _sc_gather():
  return functools.partial(
      pl.kernel,
      out_type=jax.ShapeDtypeStruct((B * _ROWPAD,), jnp.float32),
      mesh=plsc.VectorSubcoreMesh(core_axis_name="c", subcore_axis_name="s",
                                  num_cores=_NC),
      scratch_types=[
          pltpu.VMEM((_NIDX,), jnp.int32),
          pltpu.VMEM((_TAB_LEN,), jnp.float32),
          pltpu.VMEM((8 * _CAT,), jnp.int32),
          pltpu.VMEM((8 * _CAT,), jnp.int32),
          pltpu.VMEM((8 * _L,), jnp.int32),
          pltpu.VMEM((_NOUT,), jnp.float32),
      ],
      compiler_params=pltpu.CompilerParams(use_tc_tiling_on_sc=False,
                                           needs_layout_passes=False),
  )(_sc_gather_body)



_BBLK = 2048


def _tc_body(cat_ref, pnum_ref, pdesc_ref, wdesc_ref, bdesc_ref,
             w1a_ref, w1b_ref, w1c_ref, b1_ref, w2_ref, b2_ref,
             w3_ref, b3_ref, out_ref):
  pd = pdesc_ref[...]
  ss = jnp.sum(pd * pd, axis=1, keepdims=True)
  inv = 1.0 / (jnp.sqrt(ss) + 1e-08)
  d0 = jnp.dot(pd, wdesc_ref[...], preferred_element_type=jnp.float32)
  desc = d0 * inv + bdesc_ref[...]
  cat = cat_ref[...].reshape(_BBLK, _ROWPAD)[:, :_CAT]
  h = (jnp.dot(cat, w1a_ref[...], preferred_element_type=jnp.float32)
       + jnp.dot(pnum_ref[...], w1b_ref[...], preferred_element_type=jnp.float32)
       + jnp.dot(desc, w1c_ref[...], preferred_element_type=jnp.float32)
       + b1_ref[...])
  h = jnp.maximum(h, 0.0)
  h = jnp.maximum(
      jnp.dot(h, w2_ref[...], preferred_element_type=jnp.float32) + b2_ref[...],
      0.0)
  out_ref[...] = (
      jnp.dot(h, w3_ref[...], preferred_element_type=jnp.float32) + b3_ref[...])


def _full(shape):
  return pl.BlockSpec(shape, lambda i: (0,) * len(shape))


def _tc_mlp(cat3, p_num, p_desc, W_desc, b_desc, W1a, W1b, W1c, b1, W2, b2,
            W3, b3):
  return pl.pallas_call(
      _tc_body,
      grid=(B // _BBLK,),
      in_specs=[
          pl.BlockSpec((_BBLK // 8, 8, _ROWPAD), lambda i: (i, 0, 0)),
          pl.BlockSpec((_BBLK, 2), lambda i: (i, 0)),
          pl.BlockSpec((_BBLK, DESC_IN), lambda i: (i, 0)),
          _full((DESC_IN, DESC_OUT)),
          _full((1, DESC_OUT)),
          _full((_CAT, H1)),
          _full((2, H1)),
          _full((DESC_OUT, H1)),
          _full((1, H1)),
          _full((H1, H2)),
          _full((1, H2)),
          _full((H2, OUT)),
          _full((1, OUT)),
      ],
      out_specs=pl.BlockSpec((_BBLK, OUT), lambda i: (i, 0)),
      out_shape=jax.ShapeDtypeStruct((B, OUT), jnp.float32),
  )(cat3, p_num, p_desc, W_desc, b_desc, W1a, W1b, W1c, b1, W2, b2, W3, b3)


def kernel(p_cat, p_num, p_desc, t_light, t_tol, t_hum, t_water, t_care,
           t_size, t_climate, W_desc, b_desc, W1, b1, W2, b2, W3, b3):
  pcat_w = p_cat.astype(jnp.int32).reshape(_NW, _NIDX)
  tab_flat = jnp.concatenate(
      [t.reshape(-1) for t in
       (t_light, t_tol, t_hum, t_water, t_care, t_size, t_climate)])
  cat_flat = _sc_gather()(pcat_w, tab_flat, jnp.asarray(_PIDX_H),
                          jnp.asarray(_DST_H), jnp.asarray(_FO_H))
  cat3 = cat_flat.reshape(B // 8, 8, _ROWPAD)
  W1a = W1[:_CAT]
  W1b = W1[_CAT:_CAT + 2]
  W1c = W1[_CAT + 2:]
  return _tc_mlp(cat3, p_num, p_desc, W_desc, b_desc.reshape(1, -1), W1a,
                 W1b, W1c, b1.reshape(1, -1), W2, b2.reshape(1, -1), W3,
                 b3.reshape(1, -1))

# --- scband reference (transcript-rebuilt; emitter-appended) ---
"""Pipeline reference for scband-plant-tower-50397146251323 (READ-ONLY COPY).

The authoritative reference and input builder live on the scoring server;
editing this copy changes nothing except your own understanding.
"""

import jax, jax.numpy as jnp
import numpy as np


def setup_inputs(seed: int = 0) -> dict:
    key = jax.random.key(seed)
    ks = jax.random.split(key, 20)
    B = 16384
    embed_dim = 8
    inp = {}
    inp["p_cat"] = jax.random.randint(ks[0], (B, 7), 0, 4)
    inp["p_num"] = jax.random.normal(ks[1], (B, 2), dtype=jnp.float32)
    inp["p_desc"] = jax.random.normal(ks[2], (B, 1024), dtype=jnp.float32)
    sizes = [6, 6, 4, 4, 4, 4, 6]
    names = ["t_light", "t_tol", "t_hum", "t_water", "t_care", "t_size", "t_climate"]
    for i, (n, s) in enumerate(zip(names, sizes)):
        inp[n] = jax.random.normal(ks[3 + i], (s, embed_dim), dtype=jnp.float32) * 0.1
    inp["W_desc"] = jax.random.normal(ks[10], (1024, 64), dtype=jnp.float32) * 0.02
    inp["b_desc"] = jnp.zeros((64,), dtype=jnp.float32)
    inp["W1"] = jax.random.normal(ks[11], (122, 128), dtype=jnp.float32) * 0.05
    inp["b1"] = jnp.zeros((128,), dtype=jnp.float32)
    inp["W2"] = jax.random.normal(ks[12], (128, 128), dtype=jnp.float32) * 0.05
    inp["b2"] = jnp.zeros((128,), dtype=jnp.float32)
    inp["W3"] = jax.random.normal(ks[13], (128, 64), dtype=jnp.float32) * 0.05
    inp["b3"] = jnp.zeros((64,), dtype=jnp.float32)
    return inp


def reference(p_cat, p_num, p_desc, t_light, t_tol, t_hum, t_water, t_care, t_size, t_climate, W_desc, b_desc, W1, b1, W2, b2, W3, b3):
    tables = [t_light, t_tol, t_hum, t_water, t_care, t_size, t_climate]
    embs = [jnp.take(tables[i], p_cat[:, i], axis=0) for i in range(7)]
    cat = jnp.concatenate(embs, axis=1)
    norm = jnp.linalg.norm(p_desc, axis=1, keepdims=True)
    p_desc_norm = p_desc / (norm + 1e-08)
    desc = p_desc_norm @ W_desc + b_desc
    x = jnp.concatenate([cat, p_num, desc], axis=1)
    h = jax.nn.relu(x @ W1 + b1)
    h = jax.nn.relu(h @ W2 + b2)
    return h @ W3 + b3

if __name__ == "__main__":
    import jax
    _d = setup_inputs()
    print(jax.jit(kernel)(*tuple(_d.values())))

</pallas_src>

<mosaic_0001>
#map = affine_map<(d0, d1) -> (0, 0)>
#map1 = affine_map<(d0, d1) -> (0)>
module attributes {stable_mosaic.version = 14 : i64} {
  func.func @_sc_gather_body(%arg0: i32, %arg1: i32, %arg2: memref<32x3584xi32, #tpu.memory_space<hbm>>, %arg3: memref<272xf32, #tpu.memory_space<hbm>>, %arg4: memref<448xi32, #tpu.memory_space<hbm>>, %arg5: memref<448xi32, #tpu.memory_space<hbm>>, %arg6: memref<128xi32, #tpu.memory_space<hbm>>, %arg7: memref<2097152xf32, #tpu.memory_space<hbm>>, %arg8: memref<3584xi32, #tpu.memory_space<vmem>>, %arg9: memref<272xf32, #tpu.memory_space<vmem>>, %arg10: memref<448xi32, #tpu.memory_space<vmem>>, %arg11: memref<448xi32, #tpu.memory_space<vmem>>, %arg12: memref<128xi32, #tpu.memory_space<vmem>>, %arg13: memref<65536xf32, #tpu.memory_space<vmem>>) attributes {dimension_semantics = [#tpu.dimension_semantics<core_parallel>, #tpu.dimension_semantics<subcore_parallel>], iteration_bounds = array<i64: 2, 16>, scalar_prefetch = 0 : i64, scratch_operands = 6 : i64, tpu.core_type = #tpu.core_type<sc_vector_subcore>, window_params = [{transform_indices = #map}, {transform_indices = #map1}, {transform_indices = #map1}, {transform_indices = #map1}, {transform_indices = #map1}, {transform_indices = #map1}]} {
    %mul3A = arith.constant 2 : i32
    %mul3A_0 = arith.muli %arg1, %mul3A : i32
    %add3A = arith.addi %mul3A_0, %arg0 : i32
    "tpu.region"() ({
      %run_scoped3A = tpu.sem_alloc : memref<!tpu.dma_semaphore, #tpu.memory_space<semaphore_mem>>
      %dma_start3A = arith.constant 0 : i32
      %dma_start3A_253 = tpu.memref_slice %arg2[%add3A, %dma_start3A] : memref<32x3584xi32, #tpu.memory_space<hbm>> -> memref<1x3584xi32, #tpu.memory_space<hbm>>
      %dma_start3A_254 = tpu.memref_squeeze %dma_start3A_253 : memref<1x3584xi32, #tpu.memory_space<hbm>> -> memref<3584xi32, #tpu.memory_space<hbm>>
      %dma_start3A_255 = arith.constant 0 : i32
      %dma_start3A_256 = tpu.memref_slice %arg2[%add3A, %dma_start3A_255] : memref<32x3584xi32, #tpu.memory_space<hbm>> -> memref<1x3584xi32, #tpu.memory_space<hbm>>
      %dma_start3A_257 = tpu.memref_squeeze %dma_start3A_256 : memref<1x3584xi32, #tpu.memory_space<hbm>> -> memref<3584xi32, #tpu.memory_space<hbm>>
      tpu.enqueue_dma source(%dma_start3A_257 : memref<3584xi32, #tpu.memory_space<hbm>>) target(%arg8 : memref<3584xi32, #tpu.memory_space<vmem>>) target_semaphore(%run_scoped3A : memref<!tpu.dma_semaphore, #tpu.memory_space<semaphore_mem>>)
      %dma_wait3A = arith.constant 0 : i32
      %dma_wait3A_258 = tpu.memref_slice %arg2[%add3A, %dma_wait3A] : memref<32x3584xi32, #tpu.memory_space<hbm>> -> memref<1x3584xi32, #tpu.memory_space<hbm>>
      %dma_wait3A_259 = tpu.memref_squeeze %dma_wait3A_258 : memref<1x3584xi32, #tpu.memory_space<hbm>> -> memref<3584xi32, #tpu.memory_space<hbm>>
      %dma_wait3A_260 = arith.constant 0 : i32
      %dma_wait3A_261 = tpu.memref_slice %arg2[%add3A, %dma_wait3A_260] : memref<32x3584xi32, #tpu.memory_space<hbm>> -> memref<1x3584xi32, #tpu.memory_space<hbm>>
      %dma_wait3A_262 = tpu.memref_squeeze %dma_wait3A_261 : memref<1x3584xi32, #tpu.memory_space<hbm>> -> memref<3584xi32, #tpu.memory_space<hbm>>
      tpu.wait_dma2 semaphore(%run_scoped3A : memref<!tpu.dma_semaphore, #tpu.memory_space<semaphore_mem>>) src(%dma_wait3A_262 : memref<3584xi32, #tpu.memory_space<hbm>>) dst(%arg8 : memref<3584xi32, #tpu.memory_space<vmem>>)
      tpu.yield
    }) : () -> ()
    "tpu.region"() ({
      %run_scoped3A = tpu.sem_alloc : memref<!tpu.dma_semaphore, #tpu.memory_space<semaphore_mem>>
      tpu.enqueue_dma source(%arg3 : memref<272xf32, #tpu.memory_space<hbm>>) target(%arg9 : memref<272xf32, #tpu.memory_space<vmem>>) target_semaphore(%run_scoped3A : memref<!tpu.dma_semaphore, #tpu.memory_space<semaphore_mem>>)
      tpu.wait_dma2 semaphore(%run_scoped3A : memref<!tpu.dma_semaphore, #tpu.memory_space<semaphore_mem>>) src(%arg3 : memref<272xf32, #tpu.memory_space<hbm>>) dst(%arg9 : memref<272xf32, #tpu.memory_space<vmem>>)
      tpu.yield
    }) : () -> ()
    "tpu.region"() ({
      %run_scoped3A = tpu.sem_alloc : memref<!tpu.dma_semaphore, #tpu.memory_space<semaphore_mem>>
      tpu.enqueue_dma source(%arg4 : memref<448xi32, #tpu.memory_space<hbm>>) target(%arg10 : memref<448xi32, #tpu.memory_space<vmem>>) target_semaphore(%run_scoped3A : memref<!tpu.dma_semaphore, #tpu.memory_space<semaphore_mem>>)
      tpu.wait_dma2 semaphore(%run_scoped3A : memref<!tpu.dma_semaphore, #tpu.memory_space<semaphore_mem>>) src(%arg4 : memref<448xi32, #tpu.memory_space<hbm>>) dst(%arg10 : memref<448xi32, #tpu.memory_space<vmem>>)
      tpu.yield
    }) : () -> ()
    "tpu.region"() ({
      %run_scoped3A = tpu.sem_alloc : memref<!tpu.dma_semaphore, #tpu.memory_space<semaphore_mem>>
      tpu.enqueue_dma source(%arg5 : memref<448xi32, #tpu.memory_space<hbm>>) target(%arg11 : memref<448xi32, #tpu.memory_space<vmem>>) target_semaphore(%run_scoped3A : memref<!tpu.dma_semaphore, #tpu.memory_space<semaphore_mem>>)
      tpu.wait_dma2 semaphore(%run_scoped3A : memref<!tpu.dma_semaphore, #tpu.memory_space<semaphore_mem>>) src(%arg5 : memref<448xi32, #tpu.memory_space<hbm>>) dst(%arg11 : memref<448xi32, #tpu.memory_space<vmem>>)
      tpu.yield
    }) : () -> ()
    "tpu.region"() ({
      %run_scoped3A = tpu.sem_alloc : memref<!tpu.dma_semaphore, #tpu.memory_space<semaphore_mem>>
      tpu.enqueue_dma source(%arg6 : memref<128xi32, #tpu.memory_space<hbm>>) target(%arg12 : memref<128xi32, #tpu.memory_space<vmem>>) target_semaphore(%run_scoped3A : memref<!tpu.dma_semaphore, #tpu.memory_space<semaphore_mem>>)
      tpu.wait_dma2 semaphore(%run_scoped3A : memref<!tpu.dma_semaphore, #tpu.memory_space<semaphore_mem>>) src(%arg6 : memref<128xi32, #tpu.memory_space<hbm>>) dst(%arg12 : memref<128xi32, #tpu.memory_space<vmem>>)
      tpu.yield
    }) : () -> ()
    %get3A = arith.constant 0 : index
    %get3A_1 = tpu.vector_load %arg10[%get3A] {strides = array<i32>} : memref<448xi32, #tpu.memory_space<vmem>>, vector<16xi32>,
    %get3A_2 = arith.constant 0 : index
    %get3A_3 = tpu.vector_load %arg12[%get3A_2] {strides = array<i32>} : memref<128xi32, #tpu.memory_space<vmem>>, vector<16xi32>,
    %get3A_4 = arith.constant 0 : index
    %get3A_5 = tpu.vector_load %arg11[%get3A_4] {strides = array<i32>} : memref<448xi32, #tpu.memory_space<vmem>>, vector<16xi32>,
    %parallel_loop3A = arith.constant 0 : i32
    %parallel_loop3A_6 = arith.constant 64 : i32
    %parallel_loop3A_7 = arith.constant 1 : i32
    scf.for %parallel_loop3A_253 = %parallel_loop3A to %parallel_loop3A_6 step %parallel_loop3A_7  : i32 {
      %parallel_loop3A_254 = arith.constant 56 : i32
      %parallel_loop3A_255 = arith.muli %parallel_loop3A_253, %parallel_loop3A_254 : i32
      %parallel_loop3A_256 = vector.broadcast %parallel_loop3A_255 : i32 to vector<16xi32>
      %parallel_loop3A_257 = arith.addi %get3A_1, %parallel_loop3A_256 : vector<16xi32>
      %parallel_loop3A_258 = tpu.vector_load_idx %arg8[%parallel_loop3A_257] : memref<3584xi32, #tpu.memory_space<vmem>>[vector<16xi32>], vector<16xi32>,
      %parallel_loop3A_259 = arith.constant 8 : i32
      %parallel_loop3A_260 = vector.broadcast %parallel_loop3A_259 : i32 to vector<16xi32>
      %parallel_loop3A_261 = arith.muli %parallel_loop3A_258, %parallel_loop3A_260 : vector<16xi32>
      %parallel_loop3A_262 = arith.addi %get3A_3, %parallel_loop3A_261 : vector<16xi32>
      %parallel_loop3A_263 = tpu.vector_load_idx %arg9[%parallel_loop3A_262] : memref<272xf32, #tpu.memory_space<vmem>>[vector<16xi32>], vector<16xf32>,
      %parallel_loop3A_264 = arith.constant 1024 : i32
      %parallel_loop3A_265 = arith.muli %parallel_loop3A_253, %parallel_loop3A_264 : i32
      %parallel_loop3A_266 = vector.broadcast %parallel_loop3A_265 : i32 to vector<16xi32>
      %parallel_loop3A_267 = arith.addi %get3A_5, %parallel_loop3A_266 : vector<16xi32>
      tpu.vector_store_idx %arg13[%parallel_loop3A_267], %parallel_loop3A_263 : memref<65536xf32, #tpu.memory_space<vmem>>[vector<16xi32>], vector<16xf32>,
    } {sc.loop_unroll_factor = 4 : i64, sc.parallel_access}
    %get3A_8 = arith.constant 16 : index
    %get3A_9 = tpu.vector_load %arg10[%get3A_8] {strides = array<i32>} : memref<448xi32, #tpu.memory_space<vmem>>, vector<16xi32>,
    %get3A_10 = arith.constant 16 : index
    %get3A_11 = tpu.vector_load %arg12[%get3A_10] {strides = array<i32>} : memref<128xi32, #tpu.memory_space<vmem>>, vector<16xi32>,
    %get3A_12 = arith.constant 16 : index
    %get3A_13 = tpu.vector_load %arg11[%get3A_12] {strides = array<i32>} : memref<448xi32, #tpu.memory_space<vmem>>, vector<16xi32>,
    %parallel_loop3A_14 = arith.constant 0 : i32
    %parallel_loop3A_15 = arith.constant 64 : i32
    %parallel_loop3A_16 = arith.constant 1 : i32
    scf.for %parallel_loop3A_253 = %parallel_loop3A_14 to %parallel_loop3A_15 step %parallel_loop3A_16  : i32 {
      %parallel_loop3A_254 = arith.constant 56 : i32
      %parallel_loop3A_255 = arith.muli %parallel_loop3A_253, %parallel_loop3A_254 : i32
      %parallel_loop3A_256 = vector.broadcast %parallel_loop3A_255 : i32 to vector<16xi32>
      %parallel_loop3A_257 = arith.addi %get3A_9, %parallel_loop3A_256 : vector<16xi32>
      %parallel_loop3A_258 = tpu.vector_load_idx %arg8[%parallel_loop3A_257] : memref<3584xi32, #tpu.memory_space<vmem>>[vector<16xi32>], vector<16xi32>,
      %parallel_loop3A_259 = arith.constant 8 : i32
      %parallel_loop3A_260 = vector.broadcast %parallel_loop3A_259 : i32 to vector<16xi32>
      %parallel_loop3A_261 = arith.muli %parallel_loop3A_258, %parallel_loop3A_260 : vector<16xi32>
      %parallel_loop3A_262 = arith.addi %get3A_11, %parallel_loop3A_261 : vector<16xi32>
      %parallel_loop3A_263 = tpu.vector_load_idx %arg9[%parallel_loop3A_262] : memref<272xf32, #tpu.memory_space<vmem>>[vector<16xi32>], vector<16xf32>,
      %parallel_loop3A_264 = arith.constant 1024 : i32
      %parallel_loop3A_265 = arith.muli %parallel_loop3A_253, %parallel_loop3A_264 : i32
      %parallel_loop3A_266 = vector.broadcast %parallel_loop3A_265 : i32 to vector<16xi32>
      %parallel_loop3A_267 = arith.addi %get3A_13, %parallel_loop3A_266 : vector<16xi32>
      tpu.vector_store_idx %arg13[%parallel_loop3A_267], %parallel_loop3A_263 : memref<65536xf32, #tpu.memory_space<vmem>>[vector<16xi32>], vector<16xf32>,
    } {sc.loop_unroll_factor = 4 : i64, sc.parallel_access}
    %get3A_17 = arith.constant 32 : index
    %get3A_18 = tpu.vector_load %arg10[%get3A_17] {strides = array<i32>} : memref<448xi32, #tpu.memory_space<vmem>>, vector<16xi32>,
    %get3A_19 = arith.constant 32 : index
    %get3A_20 = tpu.vector_load %arg12[%get3A_19] {strides = array<i32>} : memref<128xi32, #tpu.memory_space<vmem>>, vector<16xi32>,
    %get3A_21 = arith.constant 32 : index
    %get3A_22 = tpu.vector_load %arg11[%get3A_21] {strides = array<i32>} : memref<448xi32, #tpu.memory_space<vmem>>, vector<16xi32>,
    %parallel_loop3A_23 = arith.constant 0 : i32
    %parallel_loop3A_24 = arith.constant 64 : i32
    %parallel_loop3A_25 = arith.constant 1 : i32
    scf.for %parallel_loop3A_253 = %parallel_loop3A_23 to %parallel_loop3A_24 step %parallel_loop3A_25  : i32 {
      %parallel_loop3A_254 = arith.constant 56 : i32
      %parallel_loop3A_255 = arith.muli %parallel_loop3A_253, %parallel_loop3A_254 : i32
      %parallel_loop3A_256 = vector.broadcast %parallel_loop3A_255 : i32 to vector<16xi32>
      %parallel_loop3A_257 = arith.addi %get3A_18, %parallel_loop3A_256 : vector<16xi32>
      %parallel_loop3A_258 = tpu.vector_load_idx %arg8[%parallel_loop3A_257] : memref<3584xi32, #tpu.memory_space<vmem>>[vector<16xi32>], vector<16xi32>,
      %parallel_loop3A_259 = arith.constant 8 : i32
      %parallel_loop3A_260 = vector.broadcast %parallel_loop3A_259 : i32 to vector<16xi32>
      %parallel_loop3A_261 = arith.muli %parallel_loop3A_258, %parallel_loop3A_260 : vector<16xi32>
      %parallel_loop3A_262 = arith.addi %get3A_20, %parallel_loop3A_261 : vector<16xi32>
      %parallel_loop3A_263 = tpu.vector_load_idx %arg9[%parallel_loop3A_262] : memref<272xf32, #tpu.memory_space<vmem>>[vector<16xi32>], vector<16xf32>,
      %parallel_loop3A_264 = arith.constant 1024 : i32
      %parallel_loop3A_265 = arith.muli %parallel_loop3A_253, %parallel_loop3A_264 : i32
      %parallel_loop3A_266 = vector.broadcast %parallel_loop3A_265 : i32 to vector<16xi32>
      %parallel_loop3A_267 = arith.addi %get3A_22, %parallel_loop3A_266 : vector<16xi32>
      tpu.vector_store_idx %arg13[%parallel_loop3A_267], %parallel_loop3A_263 : memref<65536xf32, #tpu.memory_space<vmem>>[vector<16xi32>], vector<16xf32>,
    } {sc.loop_unroll_factor = 4 : i64, sc.parallel_access}
    %get3A_26 = arith.constant 48 : index
    %get3A_27 = tpu.vector_load %arg10[%get3A_26] {strides = array<i32>} : memref<448xi32, #tpu.memory_space<vmem>>, vector<16xi32>,
    %get3A_28 = arith.constant 48 : index
    %get3A_29 = tpu.vector_load %arg12[%get3A_28] {strides = array<i32>} : memref<128xi32, #tpu.memory_space<vmem>>, vector<16xi32>,
    %get3A_30 = arith.constant 48 : index
    %get3A_31 = tpu.vector_load %arg11[%get3A_30] {strides = array<i32>} : memref<448xi32, #tpu.memory_space<vmem>>, vector<16xi32>,
    %parallel_loop3A_32 = arith.constant 0 : i32
    %parallel_loop3A_33 = arith.constant 64 : i32
    %parallel_loop3A_34 = arith.constant 1 : i32
    scf.for %parallel_loop3A_253 = %parallel_loop3A_32 to %parallel_loop3A_33 step %parallel_loop3A_34  : i32 {
      %parallel_loop3A_254 = arith.constant 56 : i32
      %parallel_loop3A_255 = arith.muli %parallel_loop3A_253, %parallel_loop3A_254 : i32
      %parallel_loop3A_256 = vector.broadcast %parallel_loop3A_255 : i32 to vector<16xi32>
      %parallel_loop3A_257 = arith.addi %get3A_27, %parallel_loop3A_256 : vector<16xi32>
      %parallel_loop3A_258 = tpu.vector_load_idx %arg8[%parallel_loop3A_257] : memref<3584xi32, #tpu.memory_space<vmem>>[vector<16xi32>], vector<16xi32>,
      %parallel_loop3A_259 = arith.constant 8 : i32
      %parallel_loop3A_260 = vector.broadcast %parallel_loop3A_259 : i32 to vector<16xi32>
      %parallel_loop3A_261 = arith.muli %parallel_loop3A_258, %parallel_loop3A_260 : vector<16xi32>
      %parallel_loop3A_262 = arith.addi %get3A_29, %parallel_loop3A_261 : vector<16xi32>
      %parallel_loop3A_263 = tpu.vector_load_idx %arg9[%parallel_loop3A_262] : memref<272xf32, #tpu.memory_space<vmem>>[vector<16xi32>], vector<16xf32>,
      %parallel_loop3A_264 = arith.constant 1024 : i32
      %parallel_loop3A_265 = arith.muli %parallel_loop3A_253, %parallel_loop3A_264 : i32
      %parallel_loop3A_266 = vector.broadcast %parallel_loop3A_265 : i32 to vector<16xi32>
      %parallel_loop3A_267 = arith.addi %get3A_31, %parallel_loop3A_266 : vector<16xi32>
      tpu.vector_store_idx %arg13[%parallel_loop3A_267], %parallel_loop3A_263 : memref<65536xf32, #tpu.memory_space<vmem>>[vector<16xi32>], vector<16xf32>,
    } {sc.loop_unroll_factor = 4 : i64, sc.parallel_access}
    %get3A_35 = arith.constant 64 : index
    %get3A_36 = tpu.vector_load %arg10[%get3A_35] {strides = array<i32>} : memref<448xi32, #tpu.memory_space<vmem>>, vector<16xi32>,
    %get3A_37 = arith.constant 64 : index
    %get3A_38 = tpu.vector_load %arg12[%get3A_37] {strides = array<i32>} : memref<128xi32, #tpu.memory_space<vmem>>, vector<16xi32>,
    %get3A_39 = arith.constant 64 : index
    %get3A_40 = tpu.vector_load %arg11[%get3A_39] {strides = array<i32>} : memref<448xi32, #tpu.memory_space<vmem>>, vector<16xi32>,
    %parallel_loop3A_41 = arith.constant 0 : i32
    %parallel_loop3A_42 = arith.constant 64 : i32
    %parallel_loop3A_43 = arith.constant 1 : i32
    scf.for %parallel_loop3A_253 = %parallel_loop3A_41 to %parallel_loop3A_42 step %parallel_loop3A_43  : i32 {
      %parallel_loop3A_254 = arith.constant 56 : i32
      %parallel_loop3A_255 = arith.muli %parallel_loop3A_253, %parallel_loop3A_254 : i32
      %parallel_loop3A_256 = vector.broadcast %parallel_loop3A_255 : i32 to vector<16xi32>
      %parallel_loop3A_257 = arith.addi %get3A_36, %parallel_loop3A_256 : vector<16xi32>
      %parallel_loop3A_258 = tpu.vector_load_idx %arg8[%parallel_loop3A_257] : memref<3584xi32, #tpu.memory_space<vmem>>[vector<16xi32>], vector<16xi32>,
      %parallel_loop3A_259 = arith.constant 8 : i32
      %parallel_loop3A_260 = vector.broadcast %parallel_loop3A_259 : i32 to vector<16xi32>
      %parallel_loop3A_261 = arith.muli %parallel_loop3A_258, %parallel_loop3A_260 : vector<16xi32>
      %parallel_loop3A_262 = arith.addi %get3A_38, %parallel_loop3A_261 : vector<16xi32>
      %parallel_loop3A_263 = tpu.vector_load_idx %arg9[%parallel_loop3A_262] : memref<272xf32, #tpu.memory_space<vmem>>[vector<16xi32>], vector<16xf32>,
      %parallel_loop3A_264 = arith.constant 1024 : i32
      %parallel_loop3A_265 = arith.muli %parallel_loop3A_253, %parallel_loop3A_264 : i32
      %parallel_loop3A_266 = vector.broadcast %parallel_loop3A_265 : i32 to vector<16xi32>
      %parallel_loop3A_267 = arith.addi %get3A_40, %parallel_loop3A_266 : vector<16xi32>
      tpu.vector_store_idx %arg13[%parallel_loop3A_267], %parallel_loop3A_263 : memref<65536xf32, #tpu.memory_space<vmem>>[vector<16xi32>], vector<16xf32>,
    } {sc.loop_unroll_factor = 4 : i64, sc.parallel_access}
    %get3A_44 = arith.constant 80 : index
    %get3A_45 = tpu.vector_load %arg10[%get3A_44] {strides = array<i32>} : memref<448xi32, #tpu.memory_space<vmem>>, vector<16xi32>,
    %get3A_46 = arith.constant 80 : index
    %get3A_47 = tpu.vector_load %arg12[%get3A_46] {strides = array<i32>} : memref<128xi32, #tpu.memory_space<vmem>>, vector<16xi32>,
    %get3A_48 = arith.constant 80 : index
    %get3A_49 = tpu.vector_load %arg11[%get3A_48] {strides = array<i32>} : memref<448xi32, #tpu.memory_space<vmem>>, vector<16xi32>,
    %parallel_loop3A_50 = arith.constant 0 : i32
    %parallel_loop3A_51 = arith.constant 64 : i32
    %parallel_loop3A_52 = arith.constant 1 : i32
    scf.for %parallel_loop3A_253 = %parallel_loop3A_50 to %parallel_loop3A_51 step %parallel_loop3A_52  : i32 {
      %parallel_loop3A_254 = arith.constant 56 : i32
      %parallel_loop3A_255 = arith.muli %parallel_loop3A_253, %parallel_loop3A_254 : i32
      %parallel_loop3A_256 = vector.broadcast %parallel_loop3A_255 : i32 to vector<16xi32>
      %parallel_loop3A_257 = arith.addi %get3A_45, %parallel_loop3A_256 : vector<16xi32>
      %parallel_loop3A_258 = tpu.vector_load_idx %arg8[%parallel_loop3A_257] : memref<3584xi32, #tpu.memory_space<vmem>>[vector<16xi32>], vector<16xi32>,
      %parallel_loop3A_259 = arith.constant 8 : i32
      %parallel_loop3A_260 = vector.broadcast %parallel_loop3A_259 : i32 to vector<16xi32>
      %parallel_loop3A_261 = arith.muli %parallel_loop3A_258, %parallel_loop3A_260 : vector<16xi32>
      %parallel_loop3A_262 = arith.addi %get3A_47, %parallel_loop3A_261 : vector<16xi32>
      %parallel_loop3A_263 = tpu.vector_load_idx %arg9[%parallel_loop3A_262] : memref<272xf32, #tpu.memory_space<vmem>>[vector<16xi32>], vector<16xf32>,
      %parallel_loop3A_264 = arith.constant 1024 : i32
      %parallel_loop3A_265 = arith.muli %parallel_loop3A_253, %parallel_loop3A_264 : i32
      %parallel_loop3A_266 = vector.broadcast %parallel_loop3A_265 : i32 to vector<16xi32>
      %parallel_loop3A_267 = arith.addi %get3A_49, %parallel_loop3A_266 : vector<16xi32>
      tpu.vector_store_idx %arg13[%parallel_loop3A_267], %parallel_loop3A_263 : memref<65536xf32, #tpu.memory_space<vmem>>[vector<16xi32>], vector<16xf32>,
    } {sc.loop_unroll_factor = 4 : i64, sc.parallel_access}
    %get3A_53 = arith.constant 96 : index
    %get3A_54 = tpu.vector_load %arg10[%get3A_53] {strides = array<i32>} : memref<448xi32, #tpu.memory_space<vmem>>, vector<16xi32>,
    %get3A_55 = arith.constant 96 : index
    %get3A_56 = tpu.vector_load %arg12[%get3A_55] {strides = array<i32>} : memref<128xi32, #tpu.memory_space<vmem>>, vector<16xi32>,
    %get3A_57 = arith.constant 96 : index
    %get3A_58 = tpu.vector_load %arg11[%get3A_57] {strides = array<i32>} : memref<448xi32, #tpu.memory_space<vmem>>, vector<16xi32>,
    %parallel_loop3A_59 = arith.constant 0 : i32
    %parallel_loop3A_60 = arith.constant 64 : i32
    %parallel_loop3A_61 = arith.constant 1 : i32
    scf.for %parallel_loop3A_253 = %parallel_loop3A_59 to %parallel_loop3A_60 step %parallel_loop3A_61  : i32 {
      %parallel_loop3A_254 = arith.constant 56 : i32
      %parallel_loop3A_255 = arith.muli %parallel_loop3A_253, %parallel_loop3A_254 : i32
      %parallel_loop3A_256 = vector.broadcast %parallel_loop3A_255 : i32 to vector<16xi32>
      %parallel_loop3A_257 = arith.addi %get3A_54, %parallel_loop3A_256 : vector<16xi32>
      %parallel_loop3A_258 = tpu.vector_load_idx %arg8[%parallel_loop3A_257] : memref<3584xi32, #tpu.memory_space<vmem>>[vector<16xi32>], vector<16xi32>,
      %parallel_loop3A_259 = arith.constant 8 : i32
      %parallel_loop3A_260 = vector.broadcast %parallel_loop3A_259 : i32 to vector<16xi32>
      %parallel_loop3A_261 = arith.muli %parallel_loop3A_258, %parallel_loop3A_260 : vector<16xi32>
      %parallel_loop3A_262 = arith.addi %get3A_56, %parallel_loop3A_261 : vector<16xi32>
      %parallel_loop3A_263 = tpu.vector_load_idx %arg9[%parallel_loop3A_262] : memref<272xf32, #tpu.memory_space<vmem>>[vector<16xi32>], vector<16xf32>,
      %parallel_loop3A_264 = arith.constant 1024 : i32
      %parallel_loop3A_265 = arith.muli %parallel_loop3A_253, %parallel_loop3A_264 : i32
      %parallel_loop3A_266 = vector.broadcast %parallel_loop3A_265 : i32 to vector<16xi32>
      %parallel_loop3A_267 = arith.addi %get3A_58, %parallel_loop3A_266 : vector<16xi32>
      tpu.vector_store_idx %arg13[%parallel_loop3A_267], %parallel_loop3A_263 : memref<65536xf32, #tpu.memory_space<vmem>>[vector<16xi32>], vector<16xf32>,
    } {sc.loop_unroll_factor = 4 : i64, sc.parallel_access}
    %get3A_62 = arith.constant 112 : index
    %get3A_63 = tpu.vector_load %arg10[%get3A_62] {strides = array<i32>} : memref<448xi32, #tpu.memory_space<vmem>>, vector<16xi32>,
    %get3A_64 = arith.constant 0 : index
    %get3A_65 = tpu.vector_load %arg12[%get3A_64] {strides = array<i32>} : memref<128xi32, #tpu.memory_space<vmem>>, vector<16xi32>,
    %get3A_66 = arith.constant 112 : index
    %get3A_67 = tpu.vector_load %arg11[%get3A_66] {strides = array<i32>} : memref<448xi32, #tpu.memory_space<vmem>>, vector<16xi32>,
    %parallel_loop3A_68 = arith.constant 0 : i32
    %parallel_loop3A_69 = arith.constant 64 : i32
    %parallel_loop3A_70 = arith.constant 1 : i32
    scf.for %parallel_loop3A_253 = %parallel_loop3A_68 to %parallel_loop3A_69 step %parallel_loop3A_70  : i32 {
      %parallel_loop3A_254 = arith.constant 56 : i32
      %parallel_loop3A_255 = arith.muli %parallel_loop3A_253, %parallel_loop3A_254 : i32
      %parallel_loop3A_256 = vector.broadcast %parallel_loop3A_255 : i32 to vector<16xi32>
      %parallel_loop3A_257 = arith.addi %get3A_63, %parallel_loop3A_256 : vector<16xi32>
      %parallel_loop3A_258 = tpu.vector_load_idx %arg8[%parallel_loop3A_257] : memref<3584xi32, #tpu.memory_space<vmem>>[vector<16xi32>], vector<16xi32>,
      %parallel_loop3A_259 = arith.constant 8 : i32
      %parallel_loop3A_260 = vector.broadcast %parallel_loop3A_259 : i32 to vector<16xi32>
      %parallel_loop3A_261 = arith.muli %parallel_loop3A_258, %parallel_loop3A_260 : vector<16xi32>
      %parallel_loop3A_262 = arith.addi %get3A_65, %parallel_loop3A_261 : vector<16xi32>
      %parallel_loop3A_263 = tpu.vector_load_idx %arg9[%parallel_loop3A_262] : memref<272xf32, #tpu.memory_space<vmem>>[vector<16xi32>], vector<16xf32>,
      %parallel_loop3A_264 = arith.constant 1024 : i32
      %parallel_loop3A_265 = arith.muli %parallel_loop3A_253, %parallel_loop3A_264 : i32
      %parallel_loop3A_266 = vector.broadcast %parallel_loop3A_265 : i32 to vector<16xi32>
      %parallel_loop3A_267 = arith.addi %get3A_67, %parallel_loop3A_266 : vector<16xi32>
      tpu.vector_store_idx %arg13[%parallel_loop3A_267], %parallel_loop3A_263 : memref<65536xf32, #tpu.memory_space<vmem>>[vector<16xi32>], vector<16xf32>,
    } {sc.loop_unroll_factor = 4 : i64, sc.parallel_access}
    %get3A_71 = arith.constant 128 : index
    %get3A_72 = tpu.vector_load %arg10[%get3A_71] {strides = array<i32>} : memref<448xi32, #tpu.memory_space<vmem>>, vector<16xi32>,
    %get3A_73 = arith.constant 16 : index
    %get3A_74 = tpu.vector_load %arg12[%get3A_73] {strides = array<i32>} : memref<128xi32, #tpu.memory_space<vmem>>, vector<16xi32>,
    %get3A_75 = arith.constant 128 : index
    %get3A_76 = tpu.vector_load %arg11[%get3A_75] {strides = array<i32>} : memref<448xi32, #tpu.memory_space<vmem>>, vector<16xi32>,
    %parallel_loop3A_77 = arith.constant 0 : i32
    %parallel_loop3A_78 = arith.constant 64 : i32
    %parallel_loop3A_79 = arith.constant 1 : i32
    scf.for %parallel_loop3A_253 = %parallel_loop3A_77 to %parallel_loop3A_78 step %parallel_loop3A_79  : i32 {
      %parallel_loop3A_254 = arith.constant 56 : i32
      %parallel_loop3A_255 = arith.muli %parallel_loop3A_253, %parallel_loop3A_254 : i32
      %parallel_loop3A_256 = vector.broadcast %parallel_loop3A_255 : i32 to vector<16xi32>
      %parallel_loop3A_257 = arith.addi %get3A_72, %parallel_loop3A_256 : vector<16xi32>
      %parallel_loop3A_258 = tpu.vector_load_idx %arg8[%parallel_loop3A_257] : memref<3584xi32, #tpu.memory_space<vmem>>[vector<16xi32>], vector<16xi32>,
      %parallel_loop3A_259 = arith.constant 8 : i32
      %parallel_loop3A_260 = vector.broadcast %parallel_loop3A_259 : i32 to vector<16xi32>
      %parallel_loop3A_261 = arith.muli %parallel_loop3A_258, %parallel_loop3A_260 : vector<16xi32>
      %parallel_loop3A_262 = arith.addi %get3A_74, %parallel_loop3A_261 : vector<16xi32>
      %parallel_loop3A_263 = tpu.vector_load_idx %arg9[%parallel_loop3A_262] : memref<272xf32, #tpu.memory_space<vmem>>[vector<16xi32>], vector<16xf32>,
      %parallel_loop3A_264 = arith.constant 1024 : i32
      %parallel_loop3A_265 = arith.muli %parallel_loop3A_253, %parallel_loop3A_264 : i32
      %parallel_loop3A_266 = vector.broadcast %parallel_loop3A_265 : i32 to vector<16xi32>
      %parallel_loop3A_267 = arith.addi %get3A_76, %parallel_loop3A_266 : vector<16xi32>
      tpu.vector_store_idx %arg13[%parallel_loop3A_267], %parallel_loop3A_263 : memref<65536xf32, #tpu.memory_space<vmem>>[vector<16xi32>], vector<16xf32>,
    } {sc.loop_unroll_factor = 4 : i64, sc.parallel_access}
    %get3A_80 = arith.constant 144 : index
    %get3A_81 = tpu.vector_load %arg10[%get3A_80] {strides = array<i32>} : memref<448xi32, #tpu.memory_space<vmem>>, vector<16xi32>,
    %get3A_82 = arith.constant 32 : index
    %get3A_83 = tpu.vector_load %arg12[%get3A_82] {strides = array<i32>} : memref<128xi32, #tpu.memory_space<vmem>>, vector<16xi32>,
    %get3A_84 = arith.constant 144 : index
    %get3A_85 = tpu.vector_load %arg11[%get3A_84] {strides = array<i32>} : memref<448xi32, #tpu.memory_space<vmem>>, vector<16xi32>,
    %parallel_loop3A_86 = arith.constant 0 : i32
    %parallel_loop3A_87 = arith.constant 64 : i32
    %parallel_loop3A_88 = arith.constant 1 : i32
    scf.for %parallel_loop3A_253 = %parallel_loop3A_86 to %parallel_loop3A_87 step %parallel_loop3A_88  : i32 {
      %parallel_loop3A_254 = arith.constant 56 : i32
      %parallel_loop3A_255 = arith.muli %parallel_loop3A_253, %parallel_loop3A_254 : i32
      %parallel_loop3A_256 = vector.broadcast %parallel_loop3A_255 : i32 to vector<16xi32>
      %parallel_loop3A_257 = arith.addi %get3A_81, %parallel_loop3A_256 : vector<16xi32>
      %parallel_loop3A_258 = tpu.vector_load_idx %arg8[%parallel_loop3A_257] : memref<3584xi32, #tpu.memory_space<vmem>>[vector<16xi32>], vector<16xi32>,
      %parallel_loop3A_259 = arith.constant 8 : i32
      %parallel_loop3A_260 = vector.broadcast %parallel_loop3A_259 : i32 to vector<16xi32>
      %parallel_loop3A_261 = arith.muli %parallel_loop3A_258, %parallel_loop3A_260 : vector<16xi32>
      %parallel_loop3A_262 = arith.addi %get3A_83, %parallel_loop3A_261 : vector<16xi32>
      %parallel_loop3A_263 = tpu.vector_load_idx %arg9[%parallel_loop3A_262] : memref<272xf32, #tpu.memory_space<vmem>>[vector<16xi32>], vector<16xf32>,
      %parallel_loop3A_264 = arith.constant 1024 : i32
      %parallel_loop3A_265 = arith.muli %parallel_loop3A_253, %parallel_loop3A_264 : i32
      %parallel_loop3A_266 = vector.broadcast %parallel_loop3A_265 : i32 to vector<16xi32>
      %parallel_loop3A_267 = arith.addi %get3A_85, %parallel_loop3A_266 : vector<16xi32>
      tpu.vector_store_idx %arg13[%parallel_loop3A_267], %parallel_loop3A_263 : memref<65536xf32, #tpu.memory_space<vmem>>[vector<16xi32>], vector<16xf32>,
    } {sc.loop_unroll_factor = 4 : i64, sc.parallel_access}
    %get3A_89 = arith.constant 160 : index
    %get3A_90 = tpu.vector_load %arg10[%get3A_89] {strides = array<i32>} : memref<448xi32, #tpu.memory_space<vmem>>, vector<16xi32>,
    %get3A_91 = arith.constant 48 : index
    %get3A_92 = tpu.vector_load %arg12[%get3A_91] {strides = array<i32>} : memref<128xi32, #tpu.memory_space<vmem>>, vector<16xi32>,
    %get3A_93 = arith.constant 160 : index
    %get3A_94 = tpu.vector_load %arg11[%get3A_93] {strides = array<i32>} : memref<448xi32, #tpu.memory_space<vmem>>, vector<16xi32>,
    %parallel_loop3A_95 = arith.constant 0 : i32
    %parallel_loop3A_96 = arith.constant 64 : i32
    %parallel_loop3A_97 = arith.constant 1 : i32
    scf.for %parallel_loop3A_253 = %parallel_loop3A_95 to %parallel_loop3A_96 step %parallel_loop3A_97  : i32 {
      %parallel_loop3A_254 = arith.constant 56 : i32
      %parallel_loop3A_255 = arith.muli %parallel_loop3A_253, %parallel_loop3A_254 : i32
      %parallel_loop3A_256 = vector.broadcast %parallel_loop3A_255 : i32 to vector<16xi32>
      %parallel_loop3A_257 = arith.addi %get3A_90, %parallel_loop3A_256 : vector<16xi32>
      %parallel_loop3A_258 = tpu.vector_load_idx %arg8[%parallel_loop3A_257] : memref<3584xi32, #tpu.memory_space<vmem>>[vector<16xi32>], vector<16xi32>,
      %parallel_loop3A_259 = arith.constant 8 : i32
      %parallel_loop3A_260 = vector.broadcast %parallel_loop3A_259 : i32 to vector<16xi32>
      %parallel_loop3A_261 = arith.muli %parallel_loop3A_258, %parallel_loop3A_260 : vector<16xi32>
      %parallel_loop3A_262 = arith.addi %get3A_92, %parallel_loop3A_261 : vector<16xi32>
      %parallel_loop3A_263 = tpu.vector_load_idx %arg9[%parallel_loop3A_262] : memref<272xf32, #tpu.memory_space<vmem>>[vector<16xi32>], vector<16xf32>,
      %parallel_loop3A_264 = arith.constant 1024 : i32
      %parallel_loop3A_265 = arith.muli %parallel_loop3A_253, %parallel_loop3A_264 : i32
      %parallel_loop3A_266 = vector.broadcast %parallel_loop3A_265 : i32 to vector<16xi32>
      %parallel_loop3A_267 = arith.addi %get3A_94, %parallel_loop3A_266 : vector<16xi32>
      tpu.vector_store_idx %arg13[%parallel_loop3A_267], %parallel_loop3A_263 : memref<65536xf32, #tpu.memory_space<vmem>>[vector<16xi32>], vector<16xf32>,
    } {sc.loop_unroll_factor = 4 : i64, sc.parallel_access}
    %get3A_98 = arith.constant 176 : index
    %get3A_99 = tpu.vector_load %arg10[%get3A_98] {strides = array<i32>} : memref<448xi32, #tpu.memory_space<vmem>>, vector<16xi32>,
    %get3A_100 = arith.constant 64 : index
    %get3A_101 = tpu.vector_load %arg12[%get3A_100] {strides = array<i32>} : memref<128xi32, #tpu.memory_space<vmem>>, vector<16xi32>,
    %get3A_102 = arith.constant 176 : index
    %get3A_103 = tpu.vector_load %arg11[%get3A_102] {strides = array<i32>} : memref<448xi32, #tpu.memory_space<vmem>>, vector<16xi32>,
    %parallel_loop3A_104 = arith.constant 0 : i32
    %parallel_loop3A_105 = arith.constant 64 : i32
    %parallel_loop3A_106 = arith.constant 1 : i32
    scf.for %parallel_loop3A_253 = %parallel_loop3A_104 to %parallel_loop3A_105 step %parallel_loop3A_106  : i32 {
      %parallel_loop3A_254 = arith.constant 56 : i32
      %parallel_loop3A_255 = arith.muli %parallel_loop3A_253, %parallel_loop3A_254 : i32
      %parallel_loop3A_256 = vector.broadcast %parallel_loop3A_255 : i32 to vector<16xi32>
      %parallel_loop3A_257 = arith.addi %get3A_99, %parallel_loop3A_256 : vector<16xi32>
      %parallel_loop3A_258 = tpu.vector_load_idx %arg8[%parallel_loop3A_257] : memref<3584xi32, #tpu.memory_space<vmem>>[vector<16xi32>], vector<16xi32>,
      %parallel_loop3A_259 = arith.constant 8 : i32
      %parallel_loop3A_260 = vector.broadcast %parallel_loop3A_259 : i32 to vector<16xi32>
      %parallel_loop3A_261 = arith.muli %parallel_loop3A_258, %parallel_loop3A_260 : vector<16xi32>
      %parallel_loop3A_262 = arith.addi %get3A_101, %parallel_loop3A_261 : vector<16xi32>
      %parallel_loop3A_263 = tpu.vector_load_idx %arg9[%parallel_loop3A_262] : memref<272xf32, #tpu.memory_space<vmem>>[vector<16xi32>], vector<16xf32>,
      %parallel_loop3A_264 = arith.constant 1024 : i32
      %parallel_loop3A_265 = arith.muli %parallel_loop3A_253, %parallel_loop3A_264 : i32
      %parallel_loop3A_266 = vector.broadcast %parallel_loop3A_265 : i32 to vector<16xi32>
      %parallel_loop3A_267 = arith.addi %get3A_103, %parallel_loop3A_266 : vector<16xi32>
      tpu.vector_store_idx %arg13[%parallel_loop3A_267], %parallel_loop3A_263 : memref<65536xf32, #tpu.memory_space<vmem>>[vector<16xi32>], vector<16xf32>,
    } {sc.loop_unroll_factor = 4 : i64, sc.parallel_access}
    %get3A_107 = arith.constant 192 : index
    %get3A_108 = tpu.vector_load %arg10[%get3A_107] {strides = array<i32>} : memref<448xi32, #tpu.memory_space<vmem>>, vector<16xi32>,
    %get3A_109 = arith.constant 80 : index
    %get3A_110 = tpu.vector_load %arg12[%get3A_109] {strides = array<i32>} : memref<128xi32, #tpu.memory_space<vmem>>, vector<16xi32>,
    %get3A_111 = arith.constant 192 : index
    %get3A_112 = tpu.vector_load %arg11[%get3A_111] {strides = array<i32>} : memref<448xi32, #tpu.memory_space<vmem>>, vector<16xi32>,
    %parallel_loop3A_113 = arith.constant 0 : i32
    %parallel_loop3A_114 = arith.constant 64 : i32
    %parallel_loop3A_115 = arith.constant 1 : i32
    scf.for %parallel_loop3A_253 = %parallel_loop3A_113 to %parallel_loop3A_114 step %parallel_loop3A_115  : i32 {
      %parallel_loop3A_254 = arith.constant 56 : i32
      %parallel_loop3A_255 = arith.muli %parallel_loop3A_253, %parallel_loop3A_254 : i32
      %parallel_loop3A_256 = vector.broadcast %parallel_loop3A_255 : i32 to vector<16xi32>
      %parallel_loop3A_257 = arith.addi %get3A_108, %parallel_loop3A_256 : vector<16xi32>
      %parallel_loop3A_258 = tpu.vector_load_idx %arg8[%parallel_loop3A_257] : memref<3584xi32, #tpu.memory_space<vmem>>[vector<16xi32>], vector<16xi32>,
      %parallel_loop3A_259 = arith.constant 8 : i32
      %parallel_loop3A_260 = vector.broadcast %parallel_loop3A_259 : i32 to vector<16xi32>
      %parallel_loop3A_261 = arith.muli %parallel_loop3A_258, %parallel_loop3A_260 : vector<16xi32>
      %parallel_loop3A_262 = arith.addi %get3A_110, %parallel_loop3A_261 : vector<16xi32>
      %parallel_loop3A_263 = tpu.vector_load_idx %arg9[%parallel_loop3A_262] : memref<272xf32, #tpu.memory_space<vmem>>[vector<16xi32>], vector<16xf32>,
      %parallel_loop3A_264 = arith.constant 1024 : i32
      %parallel_loop3A_265 = arith.muli %parallel_loop3A_253, %parallel_loop3A_264 : i32
      %parallel_loop3A_266 = vector.broadcast %parallel_loop3A_265 : i32 to vector<16xi32>
      %parallel_loop3A_267 = arith.addi %get3A_112, %parallel_loop3A_266 : vector<16xi32>
      tpu.vector_store_idx %arg13[%parallel_loop3A_267], %parallel_loop3A_263 : memref<65536xf32, #tpu.memory_space<vmem>>[vector<16xi32>], vector<16xf32>,
    } {sc.loop_unroll_factor = 4 : i64, sc.parallel_access}
    %get3A_116 = arith.constant 208 : index
    %get3A_117 = tpu.vector_load %arg10[%get3A_116] {strides = array<i32>} : memref<448xi32, #tpu.memory_space<vmem>>, vector<16xi32>,
    %get3A_118 = arith.constant 96 : index
    %get3A_119 = tpu.vector_load %arg12[%get3A_118] {strides = array<i32>} : memref<128xi32, #tpu.memory_space<vmem>>, vector<16xi32>,
    %get3A_120 = arith.constant 208 : index
    %get3A_121 = tpu.vector_load %arg11[%get3A_120] {strides = array<i32>} : memref<448xi32, #tpu.memory_space<vmem>>, vector<16xi32>,
    %parallel_loop3A_122 = arith.constant 0 : i32
    %parallel_loop3A_123 = arith.constant 64 : i32
    %parallel_loop3A_124 = arith.constant 1 : i32
    scf.for %parallel_loop3A_253 = %parallel_loop3A_122 to %parallel_loop3A_123 step %parallel_loop3A_124  : i32 {
      %parallel_loop3A_254 = arith.constant 56 : i32
      %parallel_loop3A_255 = arith.muli %parallel_loop3A_253, %parallel_loop3A_254 : i32
      %parallel_loop3A_256 = vector.broadcast %parallel_loop3A_255 : i32 to vector<16xi32>
      %parallel_loop3A_257 = arith.addi %get3A_117, %parallel_loop3A_256 : vector<16xi32>
      %parallel_loop3A_258 = tpu.vector_load_idx %arg8[%parallel_loop3A_257] : memref<3584xi32, #tpu.memory_space<vmem>>[vector<16xi32>], vector<16xi32>,
      %parallel_loop3A_259 = arith.constant 8 : i32
      %parallel_loop3A_260 = vector.broadcast %parallel_loop3A_259 : i32 to vector<16xi32>
      %parallel_loop3A_261 = arith.muli %parallel_loop3A_258, %parallel_loop3A_260 : vector<16xi32>
      %parallel_loop3A_262 = arith.addi %get3A_119, %parallel_loop3A_261 : vector<16xi32>
      %parallel_loop3A_263 = tpu.vector_load_idx %arg9[%parallel_loop3A_262] : memref<272xf32, #tpu.memory_space<vmem>>[vector<16xi32>], vector<16xf32>,
      %parallel_loop3A_264 = arith.constant 1024 : i32
      %parallel_loop3A_265 = arith.muli %parallel_loop3A_253, %parallel_loop3A_264 : i32
      %parallel_loop3A_266 = vector.broadcast %parallel_loop3A_265 : i32 to vector<16xi32>
      %parallel_loop3A_267 = arith.addi %get3A_121, %parallel_loop3A_266 : vector<16xi32>
      tpu.vector_store_idx %arg13[%parallel_loop3A_267], %parallel_loop3A_263 : memref<65536xf32, #tpu.memory_space<vmem>>[vector<16xi32>], vector<16xf32>,
    } {sc.loop_unroll_factor = 4 : i64, sc.parallel_access}
    %get3A_125 = arith.constant 224 : index
    %get3A_126 = tpu.vector_load %arg10[%get3A_125] {strides = array<i32>} : memref<448xi32, #tpu.memory_space<vmem>>, vector<16xi32>,
    %get3A_127 = arith.constant 0 : index
    %get3A_128 = tpu.vector_load %arg12[%get3A_127] {strides = array<i32>} : memref<128xi32, #tpu.memory_space<vmem>>, vector<16xi32>,
    %get3A_129 = arith.constant 224 : index
    %get3A_130 = tpu.vector_load %arg11[%get3A_129] {strides = array<i32>} : memref<448xi32, #tpu.memory_space<vmem>>, vector<16xi32>,
    %parallel_loop3A_131 = arith.constant 0 : i32
    %parallel_loop3A_132 = arith.constant 64 : i32
    %parallel_loop3A_133 = arith.constant 1 : i32
    scf.for %parallel_loop3A_253 = %parallel_loop3A_131 to %parallel_loop3A_132 step %parallel_loop3A_133  : i32 {
      %parallel_loop3A_254 = arith.constant 56 : i32
      %parallel_loop3A_255 = arith.muli %parallel_loop3A_253, %parallel_loop3A_254 : i32
      %parallel_loop3A_256 = vector.broadcast %parallel_loop3A_255 : i32 to vector<16xi32>
      %parallel_loop3A_257 = arith.addi %get3A_126, %parallel_loop3A_256 : vector<16xi32>
      %parallel_loop3A_258 = tpu.vector_load_idx %arg8[%parallel_loop3A_257] : memref<3584xi32, #tpu.memory_space<vmem>>[vector<16xi32>], vector<16xi32>,
      %parallel_loop3A_259 = arith.constant 8 : i32
      %parallel_loop3A_260 = vector.broadcast %parallel_loop3A_259 : i32 to vector<16xi32>
      %parallel_loop3A_261 = arith.muli %parallel_loop3A_258, %parallel_loop3A_260 : vector<16xi32>
      %parallel_loop3A_262 = arith.addi %get3A_128, %parallel_loop3A_261 : vector<16xi32>
      %parallel_loop3A_263 = tpu.vector_load_idx %arg9[%parallel_loop3A_262] : memref<272xf32, #tpu.memory_space<vmem>>[vector<16xi32>], vector<16xf32>,
      %parallel_loop3A_264 = arith.constant 1024 : i32
      %parallel_loop3A_265 = arith.muli %parallel_loop3A_253, %parallel_loop3A_264 : i32
      %parallel_loop3A_266 = vector.broadcast %parallel_loop3A_265 : i32 to vector<16xi32>
      %parallel_loop3A_267 = arith.addi %get3A_130, %parallel_loop3A_266 : vector<16xi32>
      tpu.vector_store_idx %arg13[%parallel_loop3A_267], %parallel_loop3A_263 : memref<65536xf32, #tpu.memory_space<vmem>>[vector<16xi32>], vector<16xf32>,
    } {sc.loop_unroll_factor = 4 : i64, sc.parallel_access}
    %get3A_134 = arith.constant 240 : index
    %get3A_135 = tpu.vector_load %arg10[%get3A_134] {strides = array<i32>} : memref<448xi32, #tpu.memory_space<vmem>>, vector<16xi32>,
    %get3A_136 = arith.constant 16 : index
    %get3A_137 = tpu.vector_load %arg12[%get3A_136] {strides = array<i32>} : memref<128xi32, #tpu.memory_space<vmem>>, vector<16xi32>,
    %get3A_138 = arith.constant 240 : index
    %get3A_139 = tpu.vector_load %arg11[%get3A_138] {strides = array<i32>} : memref<448xi32, #tpu.memory_space<vmem>>, vector<16xi32>,
    %parallel_loop3A_140 = arith.constant 0 : i32
    %parallel_loop3A_141 = arith.constant 64 : i32
    %parallel_loop3A_142 = arith.constant 1 : i32
    scf.for %parallel_loop3A_253 = %parallel_loop3A_140 to %parallel_loop3A_141 step %parallel_loop3A_142  : i32 {
      %parallel_loop3A_254 = arith.constant 56 : i32
      %parallel_loop3A_255 = arith.muli %parallel_loop3A_253, %parallel_loop3A_254 : i32
      %parallel_loop3A_256 = vector.broadcast %parallel_loop3A_255 : i32 to vector<16xi32>
      %parallel_loop3A_257 = arith.addi %get3A_135, %parallel_loop3A_256 : vector<16xi32>
      %parallel_loop3A_258 = tpu.vector_load_idx %arg8[%parallel_loop3A_257] : memref<3584xi32, #tpu.memory_space<vmem>>[vector<16xi32>], vector<16xi32>,
      %parallel_loop3A_259 = arith.constant 8 : i32
      %parallel_loop3A_260 = vector.broadcast %parallel_loop3A_259 : i32 to vector<16xi32>
      %parallel_loop3A_261 = arith.muli %parallel_loop3A_258, %parallel_loop3A_260 : vector<16xi32>
      %parallel_loop3A_262 = arith.addi %get3A_137, %parallel_loop3A_261 : vector<16xi32>
      %parallel_loop3A_263 = tpu.vector_load_idx %arg9[%parallel_loop3A_262] : memref<272xf32, #tpu.memory_space<vmem>>[vector<16xi32>], vector<16xf32>,
      %parallel_loop3A_264 = arith.constant 1024 : i32
      %parallel_loop3A_265 = arith.muli %parallel_loop3A_253, %parallel_loop3A_264 : i32
      %parallel_loop3A_266 = vector.broadcast %parallel_loop3A_265 : i32 to vector<16xi32>
      %parallel_loop3A_267 = arith.addi %get3A_139, %parallel_loop3A_266 : vector<16xi32>
      tpu.vector_store_idx %arg13[%parallel_loop3A_267], %parallel_loop3A_263 : memref<65536xf32, #tpu.memory_space<vmem>>[vector<16xi32>], vector<16xf32>,
    } {sc.loop_unroll_factor = 4 : i64, sc.parallel_access}
    %get3A_143 = arith.constant 256 : index
    %get3A_144 = tpu.vector_load %arg10[%get3A_143] {strides = array<i32>} : memref<448xi32, #tpu.memory_space<vmem>>, vector<16xi32>,
    %get3A_145 = arith.constant 32 : index
    %get3A_146 = tpu.vector_load %arg12[%get3A_145] {strides = array<i32>} : memref<128xi32, #tpu.memory_space<vmem>>, vector<16xi32>,
    %get3A_147 = arith.constant 256 : index
    %get3A_148 = tpu.vector_load %arg11[%get3A_147] {strides = array<i32>} : memref<448xi32, #tpu.memory_space<vmem>>, vector<16xi32>,
    %parallel_loop3A_149 = arith.constant 0 : i32
    %parallel_loop3A_150 = arith.constant 64 : i32
    %parallel_loop3A_151 = arith.constant 1 : i32
    scf.for %parallel_loop3A_253 = %parallel_loop3A_149 to %parallel_loop3A_150 step %parallel_loop3A_151  : i32 {
      %parallel_loop3A_254 = arith.constant 56 : i32
      %parallel_loop3A_255 = arith.muli %parallel_loop3A_253, %parallel_loop3A_254 : i32
      %parallel_loop3A_256 = vector.broadcast %parallel_loop3A_255 : i32 to vector<16xi32>
      %parallel_loop3A_257 = arith.addi %get3A_144, %parallel_loop3A_256 : vector<16xi32>
      %parallel_loop3A_258 = tpu.vector_load_idx %arg8[%parallel_loop3A_257] : memref<3584xi32, #tpu.memory_space<vmem>>[vector<16xi32>], vector<16xi32>,
      %parallel_loop3A_259 = arith.constant 8 : i32
      %parallel_loop3A_260 = vector.broadcast %parallel_loop3A_259 : i32 to vector<16xi32>
      %parallel_loop3A_261 = arith.muli %parallel_loop3A_258, %parallel_loop3A_260 : vector<16xi32>
      %parallel_loop3A_262 = arith.addi %get3A_146, %parallel_loop3A_261 : vector<16xi32>
      %parallel_loop3A_263 = tpu.vector_load_idx %arg9[%parallel_loop3A_262] : memref<272xf32, #tpu.memory_space<vmem>>[vector<16xi32>], vector<16xf32>,
      %parallel_loop3A_264 = arith.constant 1024 : i32
      %parallel_loop3A_265 = arith.muli %parallel_loop3A_253, %parallel_loop3A_264 : i32
      %parallel_loop3A_266 = vector.broadcast %parallel_loop3A_265 : i32 to vector<16xi32>
      %parallel_loop3A_267 = arith.addi %get3A_148, %parallel_loop3A_266 : vector<16xi32>
      tpu.vector_store_idx %arg13[%parallel_loop3A_267], %parallel_loop3A_263 : memref<65536xf32, #tpu.memory_space<vmem>>[vector<16xi32>], vector<16xf32>,
    } {sc.loop_unroll_factor = 4 : i64, sc.parallel_access}
    %get3A_152 = arith.constant 272 : index
    %get3A_153 = tpu.vector_load %arg10[%get3A_152] {strides = array<i32>} : memref<448xi32, #tpu.memory_space<vmem>>, vector<16xi32>,
    %get3A_154 = arith.constant 48 : index
    %get3A_155 = tpu.vector_load %arg12[%get3A_154] {strides = array<i32>} : memref<128xi32, #tpu.memory_space<vmem>>, vector<16xi32>,
    %get3A_156 = arith.constant 272 : index
    %get3A_157 = tpu.vector_load %arg11[%get3A_156] {strides = array<i32>} : memref<448xi32, #tpu.memory_space<vmem>>, vector<16xi32>,
    %parallel_loop3A_158 = arith.constant 0 : i32
    %parallel_loop3A_159 = arith.constant 64 : i32
    %parallel_loop3A_160 = arith.constant 1 : i32
    scf.for %parallel_loop3A_253 = %parallel_loop3A_158 to %parallel_loop3A_159 step %parallel_loop3A_160  : i32 {
      %parallel_loop3A_254 = arith.constant 56 : i32
      %parallel_loop3A_255 = arith.muli %parallel_loop3A_253, %parallel_loop3A_254 : i32
      %parallel_loop3A_256 = vector.broadcast %parallel_loop3A_255 : i32 to vector<16xi32>
      %parallel_loop3A_257 = arith.addi %get3A_153, %parallel_loop3A_256 : vector<16xi32>
      %parallel_loop3A_258 = tpu.vector_load_idx %arg8[%parallel_loop3A_257] : memref<3584xi32, #tpu.memory_space<vmem>>[vector<16xi32>], vector<16xi32>,
      %parallel_loop3A_259 = arith.constant 8 : i32
      %parallel_loop3A_260 = vector.broadcast %parallel_loop3A_259 : i32 to vector<16xi32>
      %parallel_loop3A_261 = arith.muli %parallel_loop3A_258, %parallel_loop3A_260 : vector<16xi32>
      %parallel_loop3A_262 = arith.addi %get3A_155, %parallel_loop3A_261 : vector<16xi32>
      %parallel_loop3A_263 = tpu.vector_load_idx %arg9[%parallel_loop3A_262] : memref<272xf32, #tpu.memory_space<vmem>>[vector<16xi32>], vector<16xf32>,
      %parallel_loop3A_264 = arith.constant 1024 : i32
      %parallel_loop3A_265 = arith.muli %parallel_loop3A_253, %parallel_loop3A_264 : i32
      %parallel_loop3A_266 = vector.broadcast %parallel_loop3A_265 : i32 to vector<16xi32>
      %parallel_loop3A_267 = arith.addi %get3A_157, %parallel_loop3A_266 : vector<16xi32>
      tpu.vector_store_idx %arg13[%parallel_loop3A_267], %parallel_loop3A_263 : memref<65536xf32, #tpu.memory_space<vmem>>[vector<16xi32>], vector<16xf32>,
    } {sc.loop_unroll_factor = 4 : i64, sc.parallel_access}
    %get3A_161 = arith.constant 288 : index
    %get3A_162 = tpu.vector_load %arg10[%get3A_161] {strides = array<i32>} : memref<448xi32, #tpu.memory_space<vmem>>, vector<16xi32>,
    %get3A_163 = arith.constant 64 : index
    %get3A_164 = tpu.vector_load %arg12[%get3A_163] {strides = array<i32>} : memref<128xi32, #tpu.memory_space<vmem>>, vector<16xi32>,
    %get3A_165 = arith.constant 288 : index
    %get3A_166 = tpu.vector_load %arg11[%get3A_165] {strides = array<i32>} : memref<448xi32, #tpu.memory_space<vmem>>, vector<16xi32>,
    %parallel_loop3A_167 = arith.constant 0 : i32
    %parallel_loop3A_168 = arith.constant 64 : i32
    %parallel_loop3A_169 = arith.constant 1 : i32
    scf.for %parallel_loop3A_253 = %parallel_loop3A_167 to %parallel_loop3A_168 step %parallel_loop3A_169  : i32 {
      %parallel_loop3A_254 = arith.constant 56 : i32
      %parallel_loop3A_255 = arith.muli %parallel_loop3A_253, %parallel_loop3A_254 : i32
      %parallel_loop3A_256 = vector.broadcast %parallel_loop3A_255 : i32 to vector<16xi32>
      %parallel_loop3A_257 = arith.addi %get3A_162, %parallel_loop3A_256 : vector<16xi32>
      %parallel_loop3A_258 = tpu.vector_load_idx %arg8[%parallel_loop3A_257] : memref<3584xi32, #tpu.memory_space<vmem>>[vector<16xi32>], vector<16xi32>,
      %parallel_loop3A_259 = arith.constant 8 : i32
      %parallel_loop3A_260 = vector.broadcast %parallel_loop3A_259 : i32 to vector<16xi32>
      %parallel_loop3A_261 = arith.muli %parallel_loop3A_258, %parallel_loop3A_260 : vector<16xi32>
      %parallel_loop3A_262 = arith.addi %get3A_164, %parallel_loop3A_261 : vector<16xi32>
      %parallel_loop3A_263 = tpu.vector_load_idx %arg9[%parallel_loop3A_262] : memref<272xf32, #tpu.memory_space<vmem>>[vector<16xi32>], vector<16xf32>,
      %parallel_loop3A_264 = arith.constant 1024 : i32
      %parallel_loop3A_265 = arith.muli %parallel_loop3A_253, %parallel_loop3A_264 : i32
      %parallel_loop3A_266 = vector.broadcast %parallel_loop3A_265 : i32 to vector<16xi32>
      %parallel_loop3A_267 = arith.addi %get3A_166, %parallel_loop3A_266 : vector<16xi32>
      tpu.vector_store_idx %arg13[%parallel_loop3A_267], %parallel_loop3A_263 : memref<65536xf32, #tpu.memory_space<vmem>>[vector<16xi32>], vector<16xf32>,
    } {sc.loop_unroll_factor = 4 : i64, sc.parallel_access}
    %get3A_170 = arith.constant 304 : index
    %get3A_171 = tpu.vector_load %arg10[%get3A_170] {strides = array<i32>} : memref<448xi32, #tpu.memory_space<vmem>>, vector<16xi32>,
    %get3A_172 = arith.constant 80 : index
    %get3A_173 = tpu.vector_load %arg12[%get3A_172] {strides = array<i32>} : memref<128xi32, #tpu.memory_space<vmem>>, vector<16xi32>,
    %get3A_174 = arith.constant 304 : index
    %get3A_175 = tpu.vector_load %arg11[%get3A_174] {strides = array<i32>} : memref<448xi32, #tpu.memory_space<vmem>>, vector<16xi32>,
    %parallel_loop3A_176 = arith.constant 0 : i32
    %parallel_loop3A_177 = arith.constant 64 : i32
    %parallel_loop3A_178 = arith.constant 1 : i32
    scf.for %parallel_loop3A_253 = %parallel_loop3A_176 to %parallel_loop3A_177 step %parallel_loop3A_178  : i32 {
      %parallel_loop3A_254 = arith.constant 56 : i32
      %parallel_loop3A_255 = arith.muli %parallel_loop3A_253, %parallel_loop3A_254 : i32
      %parallel_loop3A_256 = vector.broadcast %parallel_loop3A_255 : i32 to vector<16xi32>
      %parallel_loop3A_257 = arith.addi %get3A_171, %parallel_loop3A_256 : vector<16xi32>
      %parallel_loop3A_258 = tpu.vector_load_idx %arg8[%parallel_loop3A_257] : memref<3584xi32, #tpu.memory_space<vmem>>[vector<16xi32>], vector<16xi32>,
      %parallel_loop3A_259 = arith.constant 8 : i32
      %parallel_loop3A_260 = vector.broadcast %parallel_loop3A_259 : i32 to vector<16xi32>
      %parallel_loop3A_261 = arith.muli %parallel_loop3A_258, %parallel_loop3A_260 : vector<16xi32>
      %parallel_loop3A_262 = arith.addi %get3A_173, %parallel_loop3A_261 : vector<16xi32>
      %parallel_loop3A_263 = tpu.vector_load_idx %arg9[%parallel_loop3A_262] : memref<272xf32, #tpu.memory_space<vmem>>[vector<16xi32>], vector<16xf32>,
      %parallel_loop3A_264 = arith.constant 1024 : i32
      %parallel_loop3A_265 = arith.muli %parallel_loop3A_253, %parallel_loop3A_264 : i32
      %parallel_loop3A_266 = vector.broadcast %parallel_loop3A_265 : i32 to vector<16xi32>
      %parallel_loop3A_267 = arith.addi %get3A_175, %parallel_loop3A_266 : vector<16xi32>
      tpu.vector_store_idx %arg13[%parallel_loop3A_267], %parallel_loop3A_263 : memref<65536xf32, #tpu.memory_space<vmem>>[vector<16xi32>], vector<16xf32>,
    } {sc.loop_unroll_factor = 4 : i64, sc.parallel_access}
    %get3A_179 = arith.constant 320 : index
    %get3A_180 = tpu.vector_load %arg10[%get3A_179] {strides = array<i32>} : memref<448xi32, #tpu.memory_space<vmem>>, vector<16xi32>,
    %get3A_181 = arith.constant 96 : index
    %get3A_182 = tpu.vector_load %arg12[%get3A_181] {strides = array<i32>} : memref<128xi32, #tpu.memory_space<vmem>>, vector<16xi32>,
    %get3A_183 = arith.constant 320 : index
    %get3A_184 = tpu.vector_load %arg11[%get3A_183] {strides = array<i32>} : memref<448xi32, #tpu.memory_space<vmem>>, vector<16xi32>,
    %parallel_loop3A_185 = arith.constant 0 : i32
    %parallel_loop3A_186 = arith.constant 64 : i32
    %parallel_loop3A_187 = arith.constant 1 : i32
    scf.for %parallel_loop3A_253 = %parallel_loop3A_185 to %parallel_loop3A_186 step %parallel_loop3A_187  : i32 {
      %parallel_loop3A_254 = arith.constant 56 : i32
      %parallel_loop3A_255 = arith.muli %parallel_loop3A_253, %parallel_loop3A_254 : i32
      %parallel_loop3A_256 = vector.broadcast %parallel_loop3A_255 : i32 to vector<16xi32>
      %parallel_loop3A_257 = arith.addi %get3A_180, %parallel_loop3A_256 : vector<16xi32>
      %parallel_loop3A_258 = tpu.vector_load_idx %arg8[%parallel_loop3A_257] : memref<3584xi32, #tpu.memory_space<vmem>>[vector<16xi32>], vector<16xi32>,
      %parallel_loop3A_259 = arith.constant 8 : i32
      %parallel_loop3A_260 = vector.broadcast %parallel_loop3A_259 : i32 to vector<16xi32>
      %parallel_loop3A_261 = arith.muli %parallel_loop3A_258, %parallel_loop3A_260 : vector<16xi32>
      %parallel_loop3A_262 = arith.addi %get3A_182, %parallel_loop3A_261 : vector<16xi32>
      %parallel_loop3A_263 = tpu.vector_load_idx %arg9[%parallel_loop3A_262] : memref<272xf32, #tpu.memory_space<vmem>>[vector<16xi32>], vector<16xf32>,
      %parallel_loop3A_264 = arith.constant 1024 : i32
      %parallel_loop3A_265 = arith.muli %parallel_loop3A_253, %parallel_loop3A_264 : i32
      %parallel_loop3A_266 = vector.broadcast %parallel_loop3A_265 : i32 to vector<16xi32>
      %parallel_loop3A_267 = arith.addi %get3A_184, %parallel_loop3A_266 : vector<16xi32>
      tpu.vector_store_idx %arg13[%parallel_loop3A_267], %parallel_loop3A_263 : memref<65536xf32, #tpu.memory_space<vmem>>[vector<16xi32>], vector<16xf32>,
    } {sc.loop_unroll_factor = 4 : i64, sc.parallel_access}
    %get3A_188 = arith.constant 336 : index
    %get3A_189 = tpu.vector_load %arg10[%get3A_188] {strides = array<i32>} : memref<448xi32, #tpu.memory_space<vmem>>, vector<16xi32>,
    %get3A_190 = arith.constant 0 : index
    %get3A_191 = tpu.vector_load %arg12[%get3A_190] {strides = array<i32>} : memref<128xi32, #tpu.memory_space<vmem>>, vector<16xi32>,
    %get3A_192 = arith.constant 336 : index
    %get3A_193 = tpu.vector_load %arg11[%get3A_192] {strides = array<i32>} : memref<448xi32, #tpu.memory_space<vmem>>, vector<16xi32>,
    %parallel_loop3A_194 = arith.constant 0 : i32
    %parallel_loop3A_195 = arith.constant 64 : i32
    %parallel_loop3A_196 = arith.constant 1 : i32
    scf.for %parallel_loop3A_253 = %parallel_loop3A_194 to %parallel_loop3A_195 step %parallel_loop3A_196  : i32 {
      %parallel_loop3A_254 = arith.constant 56 : i32
      %parallel_loop3A_255 = arith.muli %parallel_loop3A_253, %parallel_loop3A_254 : i32
      %parallel_loop3A_256 = vector.broadcast %parallel_loop3A_255 : i32 to vector<16xi32>
      %parallel_loop3A_257 = arith.addi %get3A_189, %parallel_loop3A_256 : vector<16xi32>
      %parallel_loop3A_258 = tpu.vector_load_idx %arg8[%parallel_loop3A_257] : memref<3584xi32, #tpu.memory_space<vmem>>[vector<16xi32>], vector<16xi32>,
      %parallel_loop3A_259 = arith.constant 8 : i32
      %parallel_loop3A_260 = vector.broadcast %parallel_loop3A_259 : i32 to vector<16xi32>
      %parallel_loop3A_261 = arith.muli %parallel_loop3A_258, %parallel_loop3A_260 : vector<16xi32>
      %parallel_loop3A_262 = arith.addi %get3A_191, %parallel_loop3A_261 : vector<16xi32>
      %parallel_loop3A_263 = tpu.vector_load_idx %arg9[%parallel_loop3A_262] : memref<272xf32, #tpu.memory_space<vmem>>[vector<16xi32>], vector<16xf32>,
      %parallel_loop3A_264 = arith.constant 1024 : i32
      %parallel_loop3A_265 = arith.muli %parallel_loop3A_253, %parallel_loop3A_264 : i32
      %parallel_loop3A_266 = vector.broadcast %parallel_loop3A_265 : i32 to vector<16xi32>
      %parallel_loop3A_267 = arith.addi %get3A_193, %parallel_loop3A_266 : vector<16xi32>
      tpu.vector_store_idx %arg13[%parallel_loop3A_267], %parallel_loop3A_263 : memref<65536xf32, #tpu.memory_space<vmem>>[vector<16xi32>], vector<16xf32>,
    } {sc.loop_unroll_factor = 4 : i64, sc.parallel_access}
    %get3A_197 = arith.constant 352 : index
    %get3A_198 = tpu.vector_load %arg10[%get3A_197] {strides = array<i32>} : memref<448xi32, #tpu.memory_space<vmem>>, vector<16xi32>,
    %get3A_199 = arith.constant 16 : index
    %get3A_200 = tpu.vector_load %arg12[%get3A_199] {strides = array<i32>} : memref<128xi32, #tpu.memory_space<vmem>>, vector<16xi32>,
    %get3A_201 = arith.constant 352 : index
    %get3A_202 = tpu.vector_load %arg11[%get3A_201] {strides = array<i32>} : memref<448xi32, #tpu.memory_space<vmem>>, vector<16xi32>,
    %parallel_loop3A_203 = arith.constant 0 : i32
    %parallel_loop3A_204 = arith.constant 64 : i32
    %parallel_loop3A_205 = arith.constant 1 : i32
    scf.for %parallel_loop3A_253 = %parallel_loop3A_203 to %parallel_loop3A_204 step %parallel_loop3A_205  : i32 {
      %parallel_loop3A_254 = arith.constant 56 : i32
      %parallel_loop3A_255 = arith.muli %parallel_loop3A_253, %parallel_loop3A_254 : i32
      %parallel_loop3A_256 = vector.broadcast %parallel_loop3A_255 : i32 to vector<16xi32>
      %parallel_loop3A_257 = arith.addi %get3A_198, %parallel_loop3A_256 : vector<16xi32>
      %parallel_loop3A_258 = tpu.vector_load_idx %arg8[%parallel_loop3A_257] : memref<3584xi32, #tpu.memory_space<vmem>>[vector<16xi32>], vector<16xi32>,
      %parallel_loop3A_259 = arith.constant 8 : i32
      %parallel_loop3A_260 = vector.broadcast %parallel_loop3A_259 : i32 to vector<16xi32>
      %parallel_loop3A_261 = arith.muli %parallel_loop3A_258, %parallel_loop3A_260 : vector<16xi32>
      %parallel_loop3A_262 = arith.addi %get3A_200, %parallel_loop3A_261 : vector<16xi32>
      %parallel_loop3A_263 = tpu.vector_load_idx %arg9[%parallel_loop3A_262] : memref<272xf32, #tpu.memory_space<vmem>>[vector<16xi32>], vector<16xf32>,
      %parallel_loop3A_264 = arith.constant 1024 : i32
      %parallel_loop3A_265 = arith.muli %parallel_loop3A_253, %parallel_loop3A_264 : i32
      %parallel_loop3A_266 = vector.broadcast %parallel_loop3A_265 : i32 to vector<16xi32>
      %parallel_loop3A_267 = arith.addi %get3A_202, %parallel_loop3A_266 : vector<16xi32>
      tpu.vector_store_idx %arg13[%parallel_loop3A_267], %parallel_loop3A_263 : memref<65536xf32, #tpu.memory_space<vmem>>[vector<16xi32>], vector<16xf32>,
    } {sc.loop_unroll_factor = 4 : i64, sc.parallel_access}
    %get3A_206 = arith.constant 368 : index
    %get3A_207 = tpu.vector_load %arg10[%get3A_206] {strides = array<i32>} : memref<448xi32, #tpu.memory_space<vmem>>, vector<16xi32>,
    %get3A_208 = arith.constant 32 : index
    %get3A_209 = tpu.vector_load %arg12[%get3A_208] {strides = array<i32>} : memref<128xi32, #tpu.memory_space<vmem>>, vector<16xi32>,
    %get3A_210 = arith.constant 368 : index
    %get3A_211 = tpu.vector_load %arg11[%get3A_210] {strides = array<i32>} : memref<448xi32, #tpu.memory_space<vmem>>, vector<16xi32>,
    %parallel_loop3A_212 = arith.constant 0 : i32
    %parallel_loop3A_213 = arith.constant 64 : i32
    %parallel_loop3A_214 = arith.constant 1 : i32
    scf.for %parallel_loop3A_253 = %parallel_loop3A_212 to %parallel_loop3A_213 step %parallel_loop3A_214  : i32 {
      %parallel_loop3A_254 = arith.constant 56 : i32
      %parallel_loop3A_255 = arith.muli %parallel_loop3A_253, %parallel_loop3A_254 : i32
      %parallel_loop3A_256 = vector.broadcast %parallel_loop3A_255 : i32 to vector<16xi32>
      %parallel_loop3A_257 = arith.addi %get3A_207, %parallel_loop3A_256 : vector<16xi32>
      %parallel_loop3A_258 = tpu.vector_load_idx %arg8[%parallel_loop3A_257] : memref<3584xi32, #tpu.memory_space<vmem>>[vector<16xi32>], vector<16xi32>,
      %parallel_loop3A_259 = arith.constant 8 : i32
      %parallel_loop3A_260 = vector.broadcast %parallel_loop3A_259 : i32 to vector<16xi32>
      %parallel_loop3A_261 = arith.muli %parallel_loop3A_258, %parallel_loop3A_260 : vector<16xi32>
      %parallel_loop3A_262 = arith.addi %get3A_209, %parallel_loop3A_261 : vector<16xi32>
      %parallel_loop3A_263 = tpu.vector_load_idx %arg9[%parallel_loop3A_262] : memref<272xf32, #tpu.memory_space<vmem>>[vector<16xi32>], vector<16xf32>,
      %parallel_loop3A_264 = arith.constant 1024 : i32
      %parallel_loop3A_265 = arith.muli %parallel_loop3A_253, %parallel_loop3A_264 : i32
      %parallel_loop3A_266 = vector.broadcast %parallel_loop3A_265 : i32 to vector<16xi32>
      %parallel_loop3A_267 = arith.addi %get3A_211, %parallel_loop3A_266 : vector<16xi32>
      tpu.vector_store_idx %arg13[%parallel_loop3A_267], %parallel_loop3A_263 : memref<65536xf32, #tpu.memory_space<vmem>>[vector<16xi32>], vector<16xf32>,
    } {sc.loop_unroll_factor = 4 : i64, sc.parallel_access}
    %get3A_215 = arith.constant 384 : index
    %get3A_216 = tpu.vector_load %arg10[%get3A_215] {strides = array<i32>} : memref<448xi32, #tpu.memory_space<vmem>>, vector<16xi32>,
    %get3A_217 = arith.constant 48 : index
    %get3A_218 = tpu.vector_load %arg12[%get3A_217] {strides = array<i32>} : memref<128xi32, #tpu.memory_space<vmem>>, vector<16xi32>,
    %get3A_219 = arith.constant 384 : index
    %get3A_220 = tpu.vector_load %arg11[%get3A_219] {strides = array<i32>} : memref<448xi32, #tpu.memory_space<vmem>>, vector<16xi32>,
    %parallel_loop3A_221 = arith.constant 0 : i32
    %parallel_loop3A_222 = arith.constant 64 : i32
    %parallel_loop3A_223 = arith.constant 1 : i32
    scf.for %parallel_loop3A_253 = %parallel_loop3A_221 to %parallel_loop3A_222 step %parallel_loop3A_223  : i32 {
      %parallel_loop3A_254 = arith.constant 56 : i32
      %parallel_loop3A_255 = arith.muli %parallel_loop3A_253, %parallel_loop3A_254 : i32
      %parallel_loop3A_256 = vector.broadcast %parallel_loop3A_255 : i32 to vector<16xi32>
      %parallel_loop3A_257 = arith.addi %get3A_216, %parallel_loop3A_256 : vector<16xi32>
      %parallel_loop3A_258 = tpu.vector_load_idx %arg8[%parallel_loop3A_257] : memref<3584xi32, #tpu.memory_space<vmem>>[vector<16xi32>], vector<16xi32>,
      %parallel_loop3A_259 = arith.constant 8 : i32
      %parallel_loop3A_260 = vector.broadcast %parallel_loop3A_259 : i32 to vector<16xi32>
      %parallel_loop3A_261 = arith.muli %parallel_loop3A_258, %parallel_loop3A_260 : vector<16xi32>
      %parallel_loop3A_262 = arith.addi %get3A_218, %parallel_loop3A_261 : vector<16xi32>
      %parallel_loop3A_263 = tpu.vector_load_idx %arg9[%parallel_loop3A_262] : memref<272xf32, #tpu.memory_space<vmem>>[vector<16xi32>], vector<16xf32>,
      %parallel_loop3A_264 = arith.constant 1024 : i32
      %parallel_loop3A_265 = arith.muli %parallel_loop3A_253, %parallel_loop3A_264 : i32
      %parallel_loop3A_266 = vector.broadcast %parallel_loop3A_265 : i32 to vector<16xi32>
      %parallel_loop3A_267 = arith.addi %get3A_220, %parallel_loop3A_266 : vector<16xi32>
      tpu.vector_store_idx %arg13[%parallel_loop3A_267], %parallel_loop3A_263 : memref<65536xf32, #tpu.memory_space<vmem>>[vector<16xi32>], vector<16xf32>,
    } {sc.loop_unroll_factor = 4 : i64, sc.parallel_access}
    %get3A_224 = arith.constant 400 : index
    %get3A_225 = tpu.vector_load %arg10[%get3A_224] {strides = array<i32>} : memref<448xi32, #tpu.memory_space<vmem>>, vector<16xi32>,
    %get3A_226 = arith.constant 64 : index
    %get3A_227 = tpu.vector_load %arg12[%get3A_226] {strides = array<i32>} : memref<128xi32, #tpu.memory_space<vmem>>, vector<16xi32>,
    %get3A_228 = arith.constant 400 : index
    %get3A_229 = tpu.vector_load %arg11[%get3A_228] {strides = array<i32>} : memref<448xi32, #tpu.memory_space<vmem>>, vector<16xi32>,
    %parallel_loop3A_230 = arith.constant 0 : i32
    %parallel_loop3A_231 = arith.constant 64 : i32
    %parallel_loop3A_232 = arith.constant 1 : i32
    scf.for %parallel_loop3A_253 = %parallel_loop3A_230 to %parallel_loop3A_231 step %parallel_loop3A_232  : i32 {
      %parallel_loop3A_254 = arith.constant 56 : i32
      %parallel_loop3A_255 = arith.muli %parallel_loop3A_253, %parallel_loop3A_254 : i32
      %parallel_loop3A_256 = vector.broadcast %parallel_loop3A_255 : i32 to vector<16xi32>
      %parallel_loop3A_257 = arith.addi %get3A_225, %parallel_loop3A_256 : vector<16xi32>
      %parallel_loop3A_258 = tpu.vector_load_idx %arg8[%parallel_loop3A_257] : memref<3584xi32, #tpu.memory_space<vmem>>[vector<16xi32>], vector<16xi32>,
      %parallel_loop3A_259 = arith.constant 8 : i32
      %parallel_loop3A_260 = vector.broadcast %parallel_loop3A_259 : i32 to vector<16xi32>
      %parallel_loop3A_261 = arith.muli %parallel_loop3A_258, %parallel_loop3A_260 : vector<16xi32>
      %parallel_loop3A_262 = arith.addi %get3A_227, %parallel_loop3A_261 : vector<16xi32>
      %parallel_loop3A_263 = tpu.vector_load_idx %arg9[%parallel_loop3A_262] : memref<272xf32, #tpu.memory_space<vmem>>[vector<16xi32>], vector<16xf32>,
      %parallel_loop3A_264 = arith.constant 1024 : i32
      %parallel_loop3A_265 = arith.muli %parallel_loop3A_253, %parallel_loop3A_264 : i32
      %parallel_loop3A_266 = vector.broadcast %parallel_loop3A_265 : i32 to vector<16xi32>
      %parallel_loop3A_267 = arith.addi %get3A_229, %parallel_loop3A_266 : vector<16xi32>
      tpu.vector_store_idx %arg13[%parallel_loop3A_267], %parallel_loop3A_263 : memref<65536xf32, #tpu.memory_space<vmem>>[vector<16xi32>], vector<16xf32>,
    } {sc.loop_unroll_factor = 4 : i64, sc.parallel_access}
    %get3A_233 = arith.constant 416 : index
    %get3A_234 = tpu.vector_load %arg10[%get3A_233] {strides = array<i32>} : memref<448xi32, #tpu.memory_space<vmem>>, vector<16xi32>,
    %get3A_235 = arith.constant 80 : index
    %get3A_236 = tpu.vector_load %arg12[%get3A_235] {strides = array<i32>} : memref<128xi32, #tpu.memory_space<vmem>>, vector<16xi32>,
    %get3A_237 = arith.constant 416 : index
    %get3A_238 = tpu.vector_load %arg11[%get3A_237] {strides = array<i32>} : memref<448xi32, #tpu.memory_space<vmem>>, vector<16xi32>,
    %parallel_loop3A_239 = arith.constant 0 : i32
    %parallel_loop3A_240 = arith.constant 64 : i32
    %parallel_loop3A_241 = arith.constant 1 : i32
    scf.for %parallel_loop3A_253 = %parallel_loop3A_239 to %parallel_loop3A_240 step %parallel_loop3A_241  : i32 {
      %parallel_loop3A_254 = arith.constant 56 : i32
      %parallel_loop3A_255 = arith.muli %parallel_loop3A_253, %parallel_loop3A_254 : i32
      %parallel_loop3A_256 = vector.broadcast %parallel_loop3A_255 : i32 to vector<16xi32>
      %parallel_loop3A_257 = arith.addi %get3A_234, %parallel_loop3A_256 : vector<16xi32>
      %parallel_loop3A_258 = tpu.vector_load_idx %arg8[%parallel_loop3A_257] : memref<3584xi32, #tpu.memory_space<vmem>>[vector<16xi32>], vector<16xi32>,
      %parallel_loop3A_259 = arith.constant 8 : i32
      %parallel_loop3A_260 = vector.broadcast %parallel_loop3A_259 : i32 to vector<16xi32>
      %parallel_loop3A_261 = arith.muli %parallel_loop3A_258, %parallel_loop3A_260 : vector<16xi32>
      %parallel_loop3A_262 = arith.addi %get3A_236, %parallel_loop3A_261 : vector<16xi32>
      %parallel_loop3A_263 = tpu.vector_load_idx %arg9[%parallel_loop3A_262] : memref<272xf32, #tpu.memory_space<vmem>>[vector<16xi32>], vector<16xf32>,
      %parallel_loop3A_264 = arith.constant 1024 : i32
      %parallel_loop3A_265 = arith.muli %parallel_loop3A_253, %parallel_loop3A_264 : i32
      %parallel_loop3A_266 = vector.broadcast %parallel_loop3A_265 : i32 to vector<16xi32>
      %parallel_loop3A_267 = arith.addi %get3A_238, %parallel_loop3A_266 : vector<16xi32>
      tpu.vector_store_idx %arg13[%parallel_loop3A_267], %parallel_loop3A_263 : memref<65536xf32, #tpu.memory_space<vmem>>[vector<16xi32>], vector<16xf32>,
    } {sc.loop_unroll_factor = 4 : i64, sc.parallel_access}
    %get3A_242 = arith.constant 432 : index
    %get3A_243 = tpu.vector_load %arg10[%get3A_242] {strides = array<i32>} : memref<448xi32, #tpu.memory_space<vmem>>, vector<16xi32>,
    %get3A_244 = arith.constant 96 : index
    %get3A_245 = tpu.vector_load %arg12[%get3A_244] {strides = array<i32>} : memref<128xi32, #tpu.memory_space<vmem>>, vector<16xi32>,
    %get3A_246 = arith.constant 432 : index
    %get3A_247 = tpu.vector_load %arg11[%get3A_246] {strides = array<i32>} : memref<448xi32, #tpu.memory_space<vmem>>, vector<16xi32>,
    %parallel_loop3A_248 = arith.constant 0 : i32
    %parallel_loop3A_249 = arith.constant 64 : i32
    %parallel_loop3A_250 = arith.constant 1 : i32
    scf.for %parallel_loop3A_253 = %parallel_loop3A_248 to %parallel_loop3A_249 step %parallel_loop3A_250  : i32 {
      %parallel_loop3A_254 = arith.constant 56 : i32
      %parallel_loop3A_255 = arith.muli %parallel_loop3A_253, %parallel_loop3A_254 : i32
      %parallel_loop3A_256 = vector.broadcast %parallel_loop3A_255 : i32 to vector<16xi32>
      %parallel_loop3A_257 = arith.addi %get3A_243, %parallel_loop3A_256 : vector<16xi32>
      %parallel_loop3A_258 = tpu.vector_load_idx %arg8[%parallel_loop3A_257] : memref<3584xi32, #tpu.memory_space<vmem>>[vector<16xi32>], vector<16xi32>,
      %parallel_loop3A_259 = arith.constant 8 : i32
      %parallel_loop3A_260 = vector.broadcast %parallel_loop3A_259 : i32 to vector<16xi32>
      %parallel_loop3A_261 = arith.muli %parallel_loop3A_258, %parallel_loop3A_260 : vector<16xi32>
      %parallel_loop3A_262 = arith.addi %get3A_245, %parallel_loop3A_261 : vector<16xi32>
      %parallel_loop3A_263 = tpu.vector_load_idx %arg9[%parallel_loop3A_262] : memref<272xf32, #tpu.memory_space<vmem>>[vector<16xi32>], vector<16xf32>,
      %parallel_loop3A_264 = arith.constant 1024 : i32
      %parallel_loop3A_265 = arith.muli %parallel_loop3A_253, %parallel_loop3A_264 : i32
      %parallel_loop3A_266 = vector.broadcast %parallel_loop3A_265 : i32 to vector<16xi32>
      %parallel_loop3A_267 = arith.addi %get3A_247, %parallel_loop3A_266 : vector<16xi32>
      tpu.vector_store_idx %arg13[%parallel_loop3A_267], %parallel_loop3A_263 : memref<65536xf32, #tpu.memory_space<vmem>>[vector<16xi32>], vector<16xf32>,
    } {sc.loop_unroll_factor = 4 : i64, sc.parallel_access}
    %mul3A_251 = arith.constant 65536 : i32
    %mul3A_252 = arith.muli %add3A, %mul3A_251 : i32
    "tpu.region"() ({
      %run_scoped3A = tpu.sem_alloc : memref<!tpu.dma_semaphore, #tpu.memory_space<semaphore_mem>>
      %dma_start3A = tpu.memref_slice %arg7[%mul3A_252] : memref<2097152xf32, #tpu.memory_space<hbm>> -> memref<65536xf32, #tpu.memory_space<hbm>>
      %dma_start3A_253 = tpu.memref_slice %arg7[%mul3A_252] : memref<2097152xf32, #tpu.memory_space<hbm>> -> memref<65536xf32, #tpu.memory_space<hbm>>
      tpu.enqueue_dma source(%arg13 : memref<65536xf32, #tpu.memory_space<vmem>>) target(%dma_start3A_253 : memref<65536xf32, #tpu.memory_space<hbm>>) target_semaphore(%run_scoped3A : memref<!tpu.dma_semaphore, #tpu.memory_space<semaphore_mem>>)
      %dma_wait3A = tpu.memref_slice %arg7[%mul3A_252] : memref<2097152xf32, #tpu.memory_space<hbm>> -> memref<65536xf32, #tpu.memory_space<hbm>>
      %dma_wait3A_254 = tpu.memref_slice %arg7[%mul3A_252] : memref<2097152xf32, #tpu.memory_space<hbm>> -> memref<65536xf32, #tpu.memory_space<hbm>>
      tpu.wait_dma2 semaphore(%run_scoped3A : memref<!tpu.dma_semaphore, #tpu.memory_space<semaphore_mem>>) src(%arg13 : memref<65536xf32, #tpu.memory_space<vmem>>) dst(%dma_wait3A_254 : memref<65536xf32, #tpu.memory_space<hbm>>)
      tpu.yield
    }) : () -> ()
    return
  }
}

module attributes {stable_mosaic.version = 14 : i64} {
  func.func @_tc_body(%arg0: i32, %arg1: memref<256x8x128xf32, #tpu.memory_space<vmem>>, %arg2: memref<2048x2xf32, #tpu.memory_space<vmem>>, %arg3: memref<2048x1024xf32, #tpu.memory_space<vmem>>, %arg4: memref<1024x64xf32, #tpu.memory_space<vmem>>, %arg5: memref<1x64xf32, #tpu.memory_space<vmem>>, %arg6: memref<56x128xf32, #tpu.memory_space<vmem>>, %arg7: memref<2x128xf32, #tpu.memory_space<vmem>>, %arg8: memref<64x128xf32, #tpu.memory_space<vmem>>, %arg9: memref<1x128xf32, #tpu.memory_space<vmem>>, %arg10: memref<128x128xf32, #tpu.memory_space<vmem>>, %arg11: memref<1x128xf32, #tpu.memory_space<vmem>>, %arg12: memref<128x64xf32, #tpu.memory_space<vmem>>, %arg13: memref<1x64xf32, #tpu.memory_space<vmem>>, %arg14: memref<2048x64xf32, #tpu.memory_space<vmem>>) attributes {dimension_semantics = [#tpu.dimension_semantics<arbitrary>], iteration_bounds = array<i64: 8>, scalar_prefetch = 0 : i64, scratch_operands = 0 : i64, tpu.core_type = #tpu.core_type<tc>, window_params = [{transform_indices = @transform_0, window_bounds = array<i64: 256, 8, 128>}, {transform_indices = @transform_1, window_bounds = array<i64: 2048, 2>}, {transform_indices = @transform_2, window_bounds = array<i64: 2048, 1024>}, {pipeline_mode = #tpu.pipeline_mode<synchronous>, transform_indices = @transform_3, window_bounds = array<i64: 1024, 64>}, {pipeline_mode = #tpu.pipeline_mode<synchronous>, transform_indices = @transform_4, window_bounds = array<i64: 1, 64>}, {pipeline_mode = #tpu.pipeline_mode<synchronous>, transform_indices = @transform_5, window_bounds = array<i64: 56, 128>}, {pipeline_mode = #tpu.pipeline_mode<synchronous>, transform_indices = @transform_6, window_bounds = array<i64: 2, 128>}, {pipeline_mode = #tpu.pipeline_mode<synchronous>, transform_indices = @transform_7, window_bounds = array<i64: 64, 128>}, {pipeline_mode = #tpu.pipeline_mode<synchronous>, transform_indices = @transform_8, window_bounds = array<i64: 1, 128>}, {pipeline_mode = #tpu.pipeline_mode<synchronous>, transform_indices = @transform_9, window_bounds = array<i64: 128, 128>}, {pipeline_mode = #tpu.pipeline_mode<synchronous>, transform_indices = @transform_10, window_bounds = array<i64: 1, 128>}, {pipeline_mode = #tpu.pipeline_mode<synchronous>, transform_indices = @transform_11, window_bounds = array<i64: 128, 64>}, {pipeline_mode = #tpu.pipeline_mode<synchronous>, transform_indices = @transform_12, window_bounds = array<i64: 1, 64>}, {transform_indices = @transform_13, window_bounds = array<i64: 2048, 64>}]} {
    %get3A = arith.constant 0 : index
    %get3A_0 = arith.constant 0 : index
    %get3A_1 = vector.load %arg3[%get3A, %get3A_0] : memref<2048x1024xf32, #tpu.memory_space<vmem>>, vector<2048x1024xf32>
    %mul3A = arith.mulf %get3A_1, %get3A_1 : vector<2048x1024xf32>
    %reduce_sum3A = arith.constant dense<0.000000e+00> : vector<2048xf32>
    %reduce_sum3A_2 = vector.multi_reduction <add>, %mul3A, %reduce_sum3A [1] : vector<2048x1024xf32> to vector<2048xf32>
    %broadcast_in_dim3A = vector.shape_cast %reduce_sum3A_2 : vector<2048xf32> to vector<2048x1xf32>
    %sqrt3A = math.sqrt %broadcast_in_dim3A : vector<2048x1xf32>
    %add3A = arith.constant 9.99999993E-9 : f32
    %add3A_3 = vector.broadcast %add3A : f32 to vector<2048x1xf32>
    %add3A_4 = arith.addf %sqrt3A, %add3A_3 : vector<2048x1xf32>
    %div3A = arith.constant 1.000000e+00 : f32
    %div3A_5 = vector.broadcast %div3A : f32 to vector<2048x1xf32>
    %div3A_6 = arith.divf %div3A_5, %add3A_4 : vector<2048x1xf32>
    %get3A_7 = arith.constant 0 : index
    %get3A_8 = arith.constant 0 : index
    %get3A_9 = vector.load %arg4[%get3A_7, %get3A_8] : memref<1024x64xf32, #tpu.memory_space<vmem>>, vector<1024x64xf32>
    %dot_general3A = arith.constant dense<0.000000e+00> : vector<2048x64xf32>
    %dot_general3A_10 = tpu.matmul %get3A_1, %get3A_9, %dot_general3A {dimension_numbers = #tpu.dot_dimension_numbers<[1], [0], [0], [1], [0, 0, 1, 1], [], []>, transpose_lhs_hint = false} : vector<2048x1024xf32>, vector<1024x64xf32>, vector<2048x64xf32> -> vector<2048x64xf32>
    %mul3A_11 = vector.broadcast %div3A_6 : vector<2048x1xf32> to vector<2048x64xf32>
    %mul3A_12 = arith.mulf %dot_general3A_10, %mul3A_11 : vector<2048x64xf32>
    %get3A_13 = arith.constant 0 : index
    %get3A_14 = arith.constant 0 : index
    %get3A_15 = vector.load %arg5[%get3A_13, %get3A_14] : memref<1x64xf32, #tpu.memory_space<vmem>>, vector<1x64xf32>
    %add3A_16 = vector.broadcast %get3A_15 : vector<1x64xf32> to vector<2048x64xf32>
    %add3A_17 = arith.addf %mul3A_12, %add3A_16 : vector<2048x64xf32>
    %get3A_18 = arith.constant 0 : index
    %get3A_19 = arith.constant 0 : index
    %get3A_20 = arith.constant 0 : index
    %get3A_21 = vector.load %arg1[%get3A_18, %get3A_19, %get3A_20] : memref<256x8x128xf32, #tpu.memory_space<vmem>>, vector<256x8x128xf32>
    %reshape3A = vector.shape_cast %get3A_21 : vector<256x8x128xf32> to vector<2048x128xf32>
    %slice3A = vector.extract_strided_slice %reshape3A {offsets = [0, 0], sizes = [2048, 56], strides = [1, 1]} : vector<2048x128xf32> to vector<2048x56xf32>
    %get3A_22 = arith.constant 0 : index
    %get3A_23 = arith.constant 0 : index
    %get3A_24 = vector.load %arg6[%get3A_22, %get3A_23] : memref<56x128xf32, #tpu.memory_space<vmem>>, vector<56x128xf32>
    %dot_general3A_25 = arith.constant dense<0.000000e+00> : vector<2048x128xf32>
    %dot_general3A_26 = tpu.matmul %slice3A, %get3A_24, %dot_general3A_25 {dimension_numbers = #tpu.dot_dimension_numbers<[1], [0], [0], [1], [0, 0, 1, 1], [], []>, transpose_lhs_hint = false} : vector<2048x56xf32>, vector<56x128xf32>, vector<2048x128xf32> -> vector<2048x128xf32>
    %get3A_27 = arith.constant 0 : index
    %get3A_28 = arith.constant 0 : index
    %get3A_29 = vector.load %arg2[%get3A_27, %get3A_28] : memref<2048x2xf32, #tpu.memory_space<vmem>>, vector<2048x2xf32>
    %get3A_30 = arith.constant 0 : index
    %get3A_31 = arith.constant 0 : index
    %get3A_32 = vector.load %arg7[%get3A_30, %get3A_31] : memref<2x128xf32, #tpu.memory_space<vmem>>, vector<2x128xf32>
    %dot_general3A_33 = arith.constant dense<0.000000e+00> : vector<2048x128xf32>
    %dot_general3A_34 = tpu.matmul %get3A_29, %get3A_32, %dot_general3A_33 {dimension_numbers = #tpu.dot_dimension_numbers<[1], [0], [0], [1], [0, 0, 1, 1], [], []>, transpose_lhs_hint = false} : vector<2048x2xf32>, vector<2x128xf32>, vector<2048x128xf32> -> vector<2048x128xf32>
    %add3A_35 = arith.addf %dot_general3A_26, %dot_general3A_34 : vector<2048x128xf32>
    %get3A_36 = arith.constant 0 : index
    %get3A_37 = arith.constant 0 : index
    %get3A_38 = vector.load %arg8[%get3A_36, %get3A_37] : memref<64x128xf32, #tpu.memory_space<vmem>>, vector<64x128xf32>
    %dot_general3A_39 = arith.constant dense<0.000000e+00> : vector<2048x128xf32>
    %dot_general3A_40 = tpu.matmul %add3A_17, %get3A_38, %dot_general3A_39 {dimension_numbers = #tpu.dot_dimension_numbers<[1], [0], [0], [1], [0, 0, 1, 1], [], []>, transpose_lhs_hint = false} : vector<2048x64xf32>, vector<64x128xf32>, vector<2048x128xf32> -> vector<2048x128xf32>
    %add3A_41 = arith.addf %add3A_35, %dot_general3A_40 : vector<2048x128xf32>
    %get3A_42 = arith.constant 0 : index
    %get3A_43 = arith.constant 0 : index
    %get3A_44 = vector.load %arg9[%get3A_42, %get3A_43] : memref<1x128xf32, #tpu.memory_space<vmem>>, vector<1x128xf32>
    %add3A_45 = vector.broadcast %get3A_44 : vector<1x128xf32> to vector<2048x128xf32>
    %add3A_46 = arith.addf %add3A_41, %add3A_45 : vector<2048x128xf32>
    %max3A = arith.constant 0.000000e+00 : f32
    %max3A_47 = vector.broadcast %max3A : f32 to vector<2048x128xf32>
    %max3A_48 = arith.maximumf %add3A_46, %max3A_47 : vector<2048x128xf32>
    %get3A_49 = arith.constant 0 : index
    %get3A_50 = arith.constant 0 : index
    %get3A_51 = vector.load %arg10[%get3A_49, %get3A_50] : memref<128x128xf32, #tpu.memory_space<vmem>>, vector<128x128xf32>
    %dot_general3A_52 = arith.constant dense<0.000000e+00> : vector<2048x128xf32>
    %dot_general3A_53 = tpu.matmul %max3A_48, %get3A_51, %dot_general3A_52 {dimension_numbers = #tpu.dot_dimension_numbers<[1], [0], [0], [1], [0, 0, 1, 1], [], []>, transpose_lhs_hint = false} : vector<2048x128xf32>, vector<128x128xf32>, vector<2048x128xf32> -> vector<2048x128xf32>
    %get3A_54 = arith.constant 0 : index
    %get3A_55 = arith.constant 0 : index
    %get3A_56 = vector.load %arg11[%get3A_54, %get3A_55] : memref<1x128xf32, #tpu.memory_space<vmem>>, vector<1x128xf32>
    %add3A_57 = vector.broadcast %get3A_56 : vector<1x128xf32> to vector<2048x128xf32>
    %add3A_58 = arith.addf %dot_general3A_53, %add3A_57 : vector<2048x128xf32>
    %max3A_59 = arith.constant 0.000000e+00 : f32
    %max3A_60 = vector.broadcast %max3A_59 : f32 to vector<2048x128xf32>
    %max3A_61 = arith.maximumf %add3A_58, %max3A_60 : vector<2048x128xf32>
    %get3A_62 = arith.constant 0 : index
    %get3A_63 = arith.constant 0 : index
    %get3A_64 = vector.load %arg12[%get3A_62, %get3A_63] : memref<128x64xf32, #tpu.memory_space<vmem>>, vector<128x64xf32>
    %dot_general3A_65 = arith.constant dense<0.000000e+00> : vector<2048x64xf32>
    %dot_general3A_66 = tpu.matmul %max3A_61, %get3A_64, %dot_general3A_65 {dimension_numbers = #tpu.dot_dimension_numbers<[1], [0], [0], [1], [0, 0, 1, 1], [], []>, transpose_lhs_hint = false} : vector<2048x128xf32>, vector<128x64xf32>, vector<2048x64xf32> -> vector<2048x64xf32>
    %get3A_67 = arith.constant 0 : index
    %get3A_68 = arith.constant 0 : index
    %get3A_69 = vector.load %arg13[%get3A_67, %get3A_68] : memref<1x64xf32, #tpu.memory_space<vmem>>, vector<1x64xf32>
    %add3A_70 = vector.broadcast %get3A_69 : vector<1x64xf32> to vector<2048x64xf32>
    %add3A_71 = arith.addf %dot_general3A_66, %add3A_70 : vector<2048x64xf32>
    %swap3A = arith.constant 0 : index
    %swap3A_72 = arith.constant 0 : index
    %swap3A_73 = vector.load %arg14[%swap3A, %swap3A_72] : memref<2048x64xf32, #tpu.memory_space<vmem>>, vector<2048x64xf32>
    tpu.vector_store %arg14[%swap3A, %swap3A_72], %add3A_71 {strides = array<i32>} : memref<2048x64xf32, #tpu.memory_space<vmem>>, vector<2048x64xf32>,
    return
  }
  func.func @transform_0(%arg0: i32) -> (i32, i32, i32) {
    %c0_i32 = arith.constant 0 : i32
    %c0_i32_0 = arith.constant 0 : i32
    %c0_i32_1 = arith.constant 0 : i32
    return %arg0, %c0_i32, %c0_i32_0 : i32, i32, i32
  }
  func.func @transform_1(%arg0: i32) -> (i32, i32) {
    %c0_i32 = arith.constant 0 : i32
    %c0_i32_0 = arith.constant 0 : i32
    return %arg0, %c0_i32 : i32, i32
  }
  func.func @transform_2(%arg0: i32) -> (i32, i32) {
    %c0_i32 = arith.constant 0 : i32
    %c0_i32_0 = arith.constant 0 : i32
    return %arg0, %c0_i32 : i32, i32
  }
  func.func @transform_3(%arg0: i32) -> (i32, i32) {
    %c0_i32 = arith.constant 0 : i32
    %c0_i32_0 = arith.constant 0 : i32
    %c0_i32_1 = arith.constant 0 : i32
    return %c0_i32, %c0_i32_0 : i32, i32
  }
  func.func @transform_4(%arg0: i32) -> (i32, i32) {
    %c0_i32 = arith.constant 0 : i32
    %c0_i32_0 = arith.constant 0 : i32
    %c0_i32_1 = arith.constant 0 : i32
    return %c0_i32, %c0_i32_0 : i32, i32
  }
  func.func @transform_5(%arg0: i32) -> (i32, i32) {
    %c0_i32 = arith.constant 0 : i32
    %c0_i32_0 = arith.constant 0 : i32
    %c0_i32_1 = arith.constant 0 : i32
    return %c0_i32, %c0_i32_0 : i32, i32
  }
  func.func @transform_6(%arg0: i32) -> (i32, i32) {
    %c0_i32 = arith.constant 0 : i32
    %c0_i32_0 = arith.constant 0 : i32
    %c0_i32_1 = arith.constant 0 : i32
    return %c0_i32, %c0_i32_0 : i32, i32
  }
  func.func @transform_7(%arg0: i32) -> (i32, i32) {
    %c0_i32 = arith.constant 0 : i32
    %c0_i32_0 = arith.constant 0 : i32
    %c0_i32_1 = arith.constant 0 : i32
    return %c0_i32, %c0_i32_0 : i32, i32
  }
  func.func @transform_8(%arg0: i32) -> (i32, i32) {
    %c0_i32 = arith.constant 0 : i32
    %c0_i32_0 = arith.constant 0 : i32
    %c0_i32_1 = arith.constant 0 : i32
    return %c0_i32, %c0_i32_0 : i32, i32
  }
  func.func @transform_9(%arg0: i32) -> (i32, i32) {
    %c0_i32 = arith.constant 0 : i32
    %c0_i32_0 = arith.constant 0 : i32
    %c0_i32_1 = arith.constant 0 : i32
    return %c0_i32, %c0_i32_0 : i32, i32
  }
  func.func @transform_10(%arg0: i32) -> (i32, i32) {
    %c0_i32 = arith.constant 0 : i32
    %c0_i32_0 = arith.constant 0 : i32
    %c0_i32_1 = arith.constant 0 : i32
    return %c0_i32, %c0_i32_0 : i32, i32
  }
  func.func @transform_11(%arg0: i32) -> (i32, i32) {
    %c0_i32 = arith.constant 0 : i32
    %c0_i32_0 = arith.constant 0 : i32
    %c0_i32_1 = arith.constant 0 : i32
    return %c0_i32, %c0_i32_0 : i32, i32
  }
  func.func @transform_12(%arg0: i32) -> (i32, i32) {
    %c0_i32 = arith.constant 0 : i32
    %c0_i32_0 = arith.constant 0 : i32
    %c0_i32_1 = arith.constant 0 : i32
    return %c0_i32, %c0_i32_0 : i32, i32
  }
  func.func @transform_13(%arg0: i32) -> (i32, i32) {
    %c0_i32 = arith.constant 0 : i32
    %c0_i32_0 = arith.constant 0 : i32
    return %arg0, %c0_i32 : i32, i32
  }
}

</mosaic_0001>

<sc_bundles>
// kernel: kernel.4.cloned.1.call-start
scs
__scs_entry_jumppad:
0x0: {  	(pc) =	sbr.rel $0x88, $3  }
0x1: {  	(tag) =	ssettag $0x0;
	lr =	simm.s32 $0x1  }
0x2: {  	[smem:$0x3F8F] =	sst lr;
	_ =	strace $0xD0000000  }
0x3: {  	_ = 	snop  }
0x4: {  	_ = 	snop  }
0x5: {  	_ = 	snop  }
0x6: {  	_ = 	snop  }
0x7: {  	_ = 	snop  }
__scs_overlays_trampoline_lowered:
0x8: {  	[smem:$0x3F9E] =	sst s0  }
0x9: {  	[smem:$0x3F9F] =	sst s1  }
0xa: {  	[smem:$0x3FA0] =	sst s2  }
0xb: {  	[smem:$0x3FA1] =	sst s3  }
0xc: {  	[smem:$0x3FA2] =	sst s4  }
0xd: {  	[smem:$0x3FA3] =	sst s5  }
0xe: {  	[smem:$0x3FA4] =	sst s6  }
0xf: {  	[smem:$0x3FA5] =	sst s7  }
0x10: {  	[smem:$0x3FA6] =	sst s8  }
0x11: {  	[smem:$0x3FA7] =	sst s9;
	s0 =	simm.s32 @!p0 $0x0  }
0x12: {  	s1 =	sld [smem:$0x3F8D];
	s0 =	simm.s32 @p0 $0x1  }
0x13: {  	[smem:$0x3FA8] =	sst s0;
	s0 =	simm.s32 @!p1 $0x0  }
0x14: {  	s2 =	sld [smem:$0x3F8C];
	s0 =	simm.s32 @p1 $0x1  }
0x15: {  	[smem:$0x3FA9] =	sst s0;
	s0 =	simm.s32 @!p2 $0x0  }
0x16: {  	s3 =	sld [smem:$0x3FDB];
	s0 =	simm.s32 @p2 $0x1  }
0x17: {  	s4 =	simm.s32 $0x1BF5;
	[smem:$0x3FAB] =	sst s0  }
0x18: {  	s0 =	sld [smem:$0x3F8E];
	_ =	swait.ge [sflag:s4], $0x0  }
0x19: {  	s7 =	sld [smem:$0x3F8F]  }
0x1a: {  	s8 =	sadd.s32 $0xFFFFE003, lr  }
0x1b: {  	s9 =	sadd.s32 $0xFFFFFEF7, lr;
	s5 =	simm.s32 $0xFFFFFFFF;
	p2 =	slt.u32 s8, $0xFFFFF086  }
0x1c: {  	p1 =	slt.u32 s9, $0xF7A;
	s5 =	simm.s32 @!p2 $0x0  }
0x1d: {  	s5 =	simm.s32 @p1 $0x1;
	p0 =	seq.s32 s7, s2  }
0x1e: {  	s7 =	smul.u32 @!p0 $0xF7A, s2;
	p2 =	seq.s32 @!p0 s5, $0x0  }
0x1f: {  	s9 =	smul.u32 $0xF7A, s1;
	s8 =	simm.s32 @!p0 $0x1BF5;
	p2 =	por !p2, p0  }
0x20: {  	[sflag:s8] =	ssyncset.s32 @!p0 $0xFFFFF086;
	s6 =	sadd.s32 @!p0 s3, s7;
	s7 =	simm.s32 @!p0 $0x108  }
0x21: {  	s3 =	sadd.s32 s3, s9;
	s6 =	sadd.s32 @!p0 $0x88, s6;
	s7 =	simm.s32 @p2 $0x1082  }
0x22: {  	[simem:s7], [sflag:s8] =	dma.local @!p0 [hbm:s6], $0xF7A  }
0x23: {  	s9 =	sor.u32 $0xD0000000, s2;
	s6 =	simm.s32 $0x108;
	_ =	swait.ge @!p0 [sflag:s8], $0x0  }
0x24: {  	s3 =	sadd.s32 $0x88, s3;
	s6 =	simm.s32 @!p1 $0x1082;
	[sflag:s4] =	ssyncset.s32 $0xFFFFF086  }
0x25: {  	[simem:s6], [sflag:s4] =	dma.local [hbm:s3], $0xF7A  }
0x26: {  	[smem:$0x3F8F] =	sst s1;
	(tag) =	ssettag s2;
	_ =	strace s9  }
0x27: {  	s1 =	sld [smem:$0x3F9F]  }
0x28: {  	s2 =	sld [smem:$0x3FA0]  }
0x29: {  	s4 =	sld [smem:$0x3FA2]  }
0x2a: {  	p0 =	seq.s32 s5, $0x0;
	s5 =	sld [smem:$0x3FA3]  }
0x2b: {  	s6 =	sld [smem:$0x3FA4]  }
0x2c: {  	s7 =	sld [smem:$0x3FA5]  }
0x2d: {  	s3 =	simm.s32 $0x108;
	s8 =	sld [smem:$0x3FA6]  }
0x2e: {  	s3 =	simm.s32 @!p0 $0x1082;
	s9 =	sld [smem:$0x3FA7]  }
0x2f: {  	lr =	sadd.s32 s0, s3;
	s0 =	sld [smem:$0x3F9E]  }
0x30: {  	s3 =	sld [smem:$0x3FA1]  }
0x31: {  	[smem:$0x3FAA] =	sst s10  }
0x32: {  	s10 =	sld [smem:$0x3FA8];
	_ =	sdelay $0x3  }
0x33: {  	p0 =	seq.s32 s10, $0x1;
	s10 =	sld [smem:$0x3FAA];
	_ =	sdelay $0x3  }
0x34: {  	[smem:$0x3FAA] =	sst s10  }
0x35: {  	s10 =	sld [smem:$0x3FA9];
	_ =	sdelay $0x3  }
0x36: {  	p1 =	seq.s32 s10, $0x1;
	s10 =	sld [smem:$0x3FAA];
	_ =	sdelay $0x3  }
0x37: {  	[smem:$0x3FAA] =	sst s10  }
0x38: {  	s10 =	sld [smem:$0x3FAB]  }
0x39: {  	_ = 	snop;
	(pc) =	sbr.ind lr, $3  }
0x3a: {  	_ = 	snop  }
0x3b: {  	_ = 	snop  }
0x3c: {  	p2 =	seq.s32 s10, $0x1;
	s10 =	sld [smem:$0x3FAA]  }
0x3d: {  	_ =	shalt  }
0x3e: {  	_ =	shalt  }
0x3f: {  	_ =	shalt  }
0x40: {  	_ =	shalt  }
0x41: {  	_ =	shalt  }
0x42: {  	_ =	shalt  }
0x43: {  	_ =	shalt  }
0x44: {  	_ =	shalt  }
0x45: {  	_ =	shalt  }
0x46: {  	_ =	shalt  }
0x47: {  	_ =	shalt  }
0x48: {  	_ =	shalt  }
0x49: {  	_ =	shalt  }
0x4a: {  	_ =	shalt  }
0x4b: {  	_ =	shalt  }
0x4c: {  	_ =	shalt  }
0x4d: {  	_ =	shalt  }
0x4e: {  	_ =	shalt  }
0x4f: {  	_ =	shalt  }
0x50: {  	_ =	shalt  }
0x51: {  	_ =	shalt  }
0x52: {  	_ =	shalt  }
0x53: {  	_ =	shalt  }
0x54: {  	_ =	shalt  }
0x55: {  	_ =	shalt  }
0x56: {  	_ =	shalt  }
0x57: {  	_ =	shalt  }
0x58: {  	_ =	shalt  }
0x59: {  	_ =	shalt  }
0x5a: {  	_ =	shalt  }
0x5b: {  	_ =	shalt  }
0x5c: {  	_ =	shalt  }
0x5d: {  	_ =	shalt  }
0x5e: {  	_ =	shalt  }
0x5f: {  	_ =	shalt  }
0x60: {  	_ =	shalt  }
0x61: {  	_ =	shalt  }
0x62: {  	_ =	shalt  }
0x63: {  	_ =	shalt  }
0x64: {  	_ =	shalt  }
0x65: {  	_ =	shalt  }
0x66: {  	_ =	shalt  }
0x67: {  	_ =	shalt  }
0x68: {  	_ =	shalt  }
0x69: {  	_ =	shalt  }
0x6a: {  	_ =	shalt  }
0x6b: {  	_ =	shalt  }
0x6c: {  	_ =	shalt  }
0x6d: {  	_ =	shalt  }
0x6e: {  	_ =	shalt  }
0x6f: {  	_ =	shalt  }
0x70: {  	_ =	shalt  }
0x71: {  	_ =	shalt  }
0x72: {  	_ =	shalt  }
0x73: {  	_ =	shalt  }
0x74: {  	_ =	shalt  }
0x75: {  	_ =	shalt  }
0x76: {  	_ =	shalt  }
0x77: {  	_ =	shalt  }
0x78: {  	_ =	shalt  }
0x79: {  	_ =	shalt  }
0x7a: {  	_ =	shalt  }
0x7b: {  	_ =	shalt  }
0x7c: {  	_ =	shalt  }
0x7d: {  	_ =	shalt  }
0x7e: {  	_ =	shalt  }
0x7f: {  	_ =	shalt  }
0x80: {  	_ =	shalt  }
0x81: {  	_ =	shalt  }
0x82: {  	_ =	shalt  }
0x83: {  	_ =	shalt  }
0x84: {  	_ =	shalt  }
0x85: {  	_ =	shalt  }
0x86: {  	_ =	shalt  }
0x87: {  	_ =	shalt  }
.Lfunc_end0:
.L_simem_size_0:
called_computation_lowered:
.L_overlay_start_0:
0x88: {  	s2 =	sld [smem:$0x3FD9]  }
0x89: {  	s3 =	sld [smem:$0x3FFE];
	_ =	sdelay $0x1  }
0x8a: {  	s1 =	srdreg.scid  }
0x8b: {  	s0 =	sand.u32 $0x1, s1  }
0x8c: {  	s17 =	sshll.u32 s0, $0xA;
	s2 =	sadd.s32 s3, s2  }
0x8d: {  	s2 =	sadd.s32 s2, s17  }
0x8e: {  	[smem:$0x3FB6] =	sst s2  }
0x8f: {  	_ = 	snop  }
0x90: {  	s2 =	sld [smem:$0x3FD0];
	(tm) =	ssettm $0x1  }
0x91: {  	s18 =	sld [smem:$0x3FFB];
	_ =	sdelay $0x3  }
0x92: {  	_ =	strace s18  }
0x93: {  	s3 =	sld [smem:$0x3FFC];
	_ =	sdelay $0x3  }
0x94: {  	_ =	strace s3  }
0x95: {  	s3 =	sld [smem:$0x3FFD];
	_ =	sdelay $0x3  }
0x96: {  	_ =	strace s3  }
0x97: {  	_ =	strace $0x8FFFFFFF  }
0x98: {  	s19 =	sld [smem:$0x3FDB];
	_ =	sdelay $0x1  }
0x99: {  	s4 =	simm.s32 $_scs_section_size  }
0x9a: {  	s5 =	simm.s32 $_size__tile_overlayer_lowered;
	s6 =	simm.s32 $_tile_overlayer_lowered  }
0x9b: {  	s22 =	simm.s32 $0x1BFF;
	s21 =	sshll.u32 s6, $0x1;
	s3 =	sadd.s32 s4, s19  }
0x9c: {  	s7 =	simm.s32 $0x0;
	s20 =	sshll.u32 s5, $0x1;
	s5 =	sadd.s32 s21, s3  }
0x9d: {  	[timem:s7], [sflag:s22] =	dma.local [hbm:s5], s20  }
0x9e: {  	_ =	swait.ge [sflag:s22], s20  }
0x9f: {  	s4 =	ssub.s32 $0x0, s20;
	[sflag:s22] =	ssyncset.done $0x0  }
0xa0: {  	[sflag:s22] =	ssyncadd.s32 s4;
	_ =	sdelay $0x1  }
0xa1: {  	s23 =	simm.s32 $0x1B8B  }
0xa2: {  	_ =	swait.ge [sflag:s23], $0x1  }
0xa3: {  	[sflag:s23] =	ssyncset.done $0x0  }
0xa4: {  	s25 =	simm.s32 $0x1B8E;
	s24 =	sld [smem:$0x3FFE];
	[sflag:s23] =	ssyncadd.s32 $0xFFFFFFFF  }
0xa5: {  	s26 =	simm.s32 $execute0_lowered;
	[smem:$0x3FD2] =	sst s25  }
0xa6: {  	s5 =	sshll.u32 s26, $0x1;
	_ =	strace $0x80000046;
	[dreg:$0x1] =	wrdreg $0xFFFFFFFF  }
0xa7: {  	s28 =	simm.s32 $_size_execute0_lowered;
	s3 =	sadd.s32 s3, s5;
	[dreg:$0x0] =	wrdreg $0x0  }
0xa8: {  	s5 =	sshll.u32 s28, $0x1;
	[dreg:$0x2] =	wrdreg s3  }
0xa9: {  	[dreg:$0x3] =	wrdreg s5  }
0xaa: {  	[dreg:$0x4] =	wrdreg $0xC0  }
0xab: {  	_ =	task [dreg:s7], $0x5FFFF  }
0xac: {  	[dreg:$0x1] =	wrdreg $0xFFFFFFFF  }
0xad: {  	[dreg:$0x0] =	wrdreg $0x60  }
0xae: {  	[dreg:$0x2] =	wrdreg s2  }
0xaf: {  	[dreg:$0x3] =	wrdreg s24  }
0xb0: {  	[dreg:$0x4] =	wrdreg $0x9  }
0xb1: {  	_ =	task.clear_ibuf [dreg:s7], $0x5FFFF;
	_ =	strace $0x90000046  }
0xb2: {  	s29 =	simm.s32 $0x9;
	_ =	strace $0x80000048  }
0xb3: {  	_ =	swait.ge [sflag:s29], $0x1  }
0xb4: {  	[sflag:s29] =	ssyncadd.s32 $0xFFFFFFFF  }
0xb5: {  	_ =	strace $0x90000048  }
0xb6: {  	_ =	sfence  }
0xb7: {  	s30 =	sld [smem:$0x0];
	_ =	sdelay $0x2  }
0xb8: {  	s31 =	sshll.u32 s1, $0xD;
	s1 =	sshrl.u32 s1, $0x2  }
0xb9: {  	s3 =	sand.u32 $0x4000, s31;
	s1 =	sadd.s32 s1, s30  }
0xba: {  	s0 =	sor.u32 s3, s0;
	s1 =	sshll.u32 s1, $0x11  }
0xbb: {  	s0 =	sor.u32 s1, s0  }
0xbc: {  	s0 =	sadd.s32 $0x8F2B, s0  }
0xbd: {  	[sflag:s0] =	ssyncadd.remote.s32 $0x1  }
0xbe: {  	_ =	sfence.sel $0xFFFF  }
0xbf: {  	[dreg:$0x0] =	wrdreg $0xFFFFFFFF;
	(pc) =	sbr.abs _section_cstart, $3  }
0xc0: {  	[dreg:$0x1] =	wrdreg $0xFFFFFFFF  }
0xc1: {  	_ =	task.clear_ibuf [dreg:s7], $0x2FFFF;
	_ =	strace $0x9FFFFFFF  }
0xc2: {  	(tm) =	ssettm $0x7FFFFFFF  }
0xc3: {  	_ =	shalt  }
tec
execute0_lowered:
.L_overlay_start_1:
0x0: {  	(tag) =	ssettag $0x1  }
0x1: {  	s7 =	rddreg [dreg:$0x0]  }
0x2: {  	s8 =	rddreg [dreg:$0x1]  }
0x3: {  	s0 =	rddreg [dreg:$0x2];
	s2 =	simm.s32 $0x0  }
0x4: {  	s3 =	srdreg.scid;
	s1 =	stileid.u32;
	s13 =	simm.s32 $0x10D0  }
0x5: {  	s14 =	simm.s32 $0x1290;
	s15 =	simm.s32 $0x1310;
	s16 =	simm.s32 $0x0  }
0x6: {  	[smem:$0x7FF] =	sst s2;
	s6 =	sand.u32 $0x1, s3;
	s5 =	sshll.u32 s1, $0x1  }
0x7: {  	s3 =	sadd.s32 $0x1E00, s8;
	s4 =	sadd.s32 $0x2400, s8;
	_ =	strace $0x80000047  }
0x8: {  	s9 =	sor.u32 s6, s5;
	s5 =	sadd.s32 $0x2200, s8;
	s10 =	ssub.s32 $0x2, s6  }
0x9: {  	s11 =	smul.u32 $0x1C0, s9;
	s9 =	sshll.u32 s9, $0xD;
	s12 =	sshrl.u32 s10, $0x1  }
0xa: {  	s6 =	sadd.s32 $0x2000, s8;
	s8 =	sadd.s32 s9, s8;
	s31 =	ssub.s32 s10, s12  }
0xb: {  	s10 =	simm.s32 $0x1;
	s12 =	simm.s32 $0xF10;
	s7 =	sadd.s32 s7, s11  }
0xc: {  	s8 =	sadd.s32 $0x2600, s8;
	s9 =	smax.u32 s31, $0x1;
	s11 =	simm.s32 $0xE00  }
.LBB2_1:
0xd: {  	[tilespmem:s2], [sflag:$0x1] =	stream.linear.gather [hbm4b:s7+s2], $0xE00, $0x38;
	[tilespmem:$0x11310] =	vst v63  }
0xe: {  	_ =	swait.ge [sflag:s10], $0xE00  }
0xf: {  	[sflag:s10] =	ssyncset.done $0x0  }
0x10: {  	[sflag:s10] =	ssyncadd.s32 $0xFFFFF200  }
0x11: {  	[tilespmem:s11], [sflag:$0x1] =	stream.linear.gather [hbm4b:s3+s2], $0x110, $0x38;
	[tilespmem:$0x11310] =	vst v63  }
0x12: {  	_ =	swait.ge [sflag:s10], $0x110  }
0x13: {  	[sflag:s10] =	ssyncset.done $0x0  }
0x14: {  	[sflag:s10] =	ssyncadd.s32 $0xFFFFFEF0  }
0x15: {  	[tilespmem:s12], [sflag:$0x1] =	stream.linear.gather [hbm4b:s4+s2], $0x1C0, $0x38;
	[tilespmem:$0x11310] =	vst v63  }
0x16: {  	_ =	swait.ge [sflag:s10], $0x1C0  }
0x17: {  	[sflag:s10] =	ssyncset.done $0x0  }
0x18: {  	[sflag:s10] =	ssyncadd.s32 $0xFFFFFE40  }
0x19: {  	[tilespmem:s13], [sflag:$0x1] =	stream.linear.gather [hbm4b:s5+s2], $0x1C0, $0x38;
	[tilespmem:$0x11310] =	vst v63  }
0x1a: {  	_ =	swait.ge [sflag:s10], $0x1C0  }
0x1b: {  	[sflag:s10] =	ssyncset.done $0x0  }
0x1c: {  	[sflag:s10] =	ssyncadd.s32 $0xFFFFFE40  }
0x1d: {  	[tilespmem:s14], [sflag:$0x1] =	stream.linear.gather [hbm4b:s6+s2], $0x80, $0x38;
	[tilespmem:$0x11310] =	vst v63  }
0x1e: {  	_ =	swait.ge [sflag:s10], $0x80  }
0x1f: {  	[sflag:s10] =	ssyncset.done $0x0  }
0x20: {  	[sflag:s10] =	ssyncadd.s32 $0xFFFFFF80  }
0x21: {  	v2 =	vld [tilespmem:$0xF10];
	_ =	sdelay $0x3  }
0x22: {  	s17 =	simm.s32 $0xA8  }
0x23: {  	s18 =	simm.s32 $0x70;
	v0 =	vadd.s32 s17, v2  }
0x24: {  	s20 =	simm.s32 $0x0;
	v3 =	vadd.s32 s18, v2  }
0x25: {  	s21 =	simm.s32 $0x38;
	v4 =	vadd.s32 s20, v2  }
0x26: {  	v5 =	vadd.s32 s21, v2  }
0x27: {  	s22 =	simm.s32 $0x188;
	v1 =	vld [tilespmem:$0x1290]  }
0x28: {  	v6 =	vadd.s32 s22, v2;
	v0 =	vld.idx.msk [tilespmem:v0+s2+$0x0], $0xffff  }
0x29: {  	s23 =	simm.s32 $0x150;
	v3 =	vld.idx.msk [tilespmem:v3+s2+$0x0], $0xffff  }
0x2a: {  	s24 =	simm.s32 $0xE0;
	v7 =	vadd.s32 s23, v2;
	v4 =	vld.idx.msk [tilespmem:v4+s2+$0x0], $0xffff  }
0x2b: {  	s25 =	simm.s32 $0x118;
	v8 =	vadd.s32 s24, v2;
	v5 =	vld.idx.msk [tilespmem:v5+s2+$0x0], $0xffff  }
0x2c: {  	s26 =	simm.s32 $0x268;
	v9 =	vadd.s32 s25, v2  }
0x2d: {  	v14 =	vadd.s32 s26, v2;
	v6 =	vld.idx.msk [tilespmem:v6+s2+$0x0], $0xffff;
	v10 =	vshll.u32 v0, $0x3  }
0x2e: {  	v0 =	vld [tilespmem:$0x10D0];
	v3 =	vshll.u32 v3, $0x3;
	v10 =	vadd.s32 v1, v10  }
0x2f: {  	v11 =	vld.idx.msk [tilespmem:v7+s2+$0x0], $0xffff;
	v4 =	vshll.u32 v4, $0x3;
	v3 =	vadd.s32 v1, v3  }
0x30: {  	v12 =	vld.idx.msk [tilespmem:v8+s2+$0x0], $0xffff;
	v5 =	vshll.u32 v5, $0x3;
	v4 =	vadd.s32 v1, v4  }
0x31: {  	s28 =	simm.s32 $0x230;
	v17 =	vld.idx.msk [tilespmem:v9+s2+$0x0], $0xffff;
	v13 =	vadd.s32 v1, v5  }
0x32: {  	s19 =	simm.s32 $0x1C0;
	s17 =	simm.s32 $0xC00;
	v15 =	vadd.s32 s28, v2;
	v14 =	vld.idx.msk [tilespmem:v14+s2+$0x0], $0xffff  }
0x33: {  	s29 =	simm.s32 $0x1F8;
	s31 =	simm.s32 $0x800;
	v19 =	vadd.s32 s17, v0;
	v18 =	vld.idx.msk [tilespmem:v10+s11+$0x0], $0xffff;
	v10 =	vadd.s32 s19, v2  }
0x34: {  	s30 =	simm.s32 $0x0;
	v8 =	vadd.s32 s29, v2;
	v6 =	vshll.u32 v6, $0x3;
	v9 =	vadd.s32 s31, v0;
	v5 =	vld.idx.msk [tilespmem:v3+s11+$0x0], $0xffff  }
0x35: {  	s20 =	simm.s32 $0x400;
	v11 =	vshll.u32 v11, $0x3;
	v16 =	vadd.s32 v1, v6;
	v7 =	vadd.s32 s30, v0;
	v4 =	vld.idx.msk [tilespmem:v4+s11+$0x0], $0xffff  }
0x36: {  	v12 =	vshll.u32 v12, $0x3;
	v6 =	vadd.s32 s20, v0;
	v3 =	vld.idx.msk [tilespmem:v13+s11+$0x0], $0xffff;
	v13 =	vadd.s32 v1, v11  }
0x37: {  	v15 =	vld.idx.msk [tilespmem:v15+s2+$0x0], $0xffff;
	v17 =	vshll.u32 v17, $0x3;
	v11 =	vadd.s32 v1, v12  }
0x38: {  	s18 =	simm.s32 $0x8;
	s19 =	simm.s32 $0x348;
	v12 =	vld.idx.msk [tilespmem:v10+s2+$0x0], $0xffff;
	v10 =	vadd.s32 v1, v17;
	[tilespmem:v19+s15+$0x0] =	vst.idx.msk $0xffff, v18  }
.LBB2_2:
0x39: {  	s20 =	sadd.s32 $0xFFFFFF90, s19;
	s21 =	sadd.s32 $0xFFFFFFC8, s19;
	v17 =	vadd.s32 s19, v2;
	s18 =	sadd.s32 $0x4, s18;
	v18 =	vld.idx.msk [tilespmem:v8+s2+$0x0], $0xffff;
	[tilespmem:v9+s15+$0x0] =	vst.idx.msk $0xffff, v5  }
0x3a: {  	s22 =	sadd.s32 $0xFFFFFF58, s19;
	s17 =	sadd.s32 $0x1000, s17;
	v8 =	vadd.s32 s20, v2;
	v19 =	vadd.s32 s21, v2;
	p0 =	slt.u32 s18, $0x3C;
	v20 =	vld.idx.msk [tilespmem:v16+s11+$0x0], $0xffff;
	[tilespmem:v7+s15+$0x0] =	vst.idx.msk $0xffff, v4  }
0x3b: {  	v21 =	vadd.s32 s22, v2;
	s20 =	sadd.s32 $0xFFFFF400, s17;
	s21 =	sadd.s32 $0xFFFFF800, s17;
	s22 =	sadd.s32 $0xFFFFFC00, s17;
	v22 =	vadd.s32 s17, v0;
	v5 =	vld.idx.msk [tilespmem:v13+s11+$0x0], $0xffff;
	[tilespmem:v6+s15+$0x0] =	vst.idx.msk $0xffff, v3  }
.Ltmp0:
0x3c: {  	v3 =	vshll.u32 v14, $0x3;
	v7 =	vadd.s32 s20, v0;
	v9 =	vadd.s32 s22, v0;
	v4 =	vld.idx.msk [tilespmem:v11+s11+$0x0], $0xffff;
	(pc) =	sbr.rel @p0 .LBB2_2-.Ltmp0, $4  }
0x3d: {  	v6 =	vadd.s32 s21, v0;
	v11 =	vshll.u32 v15, $0x3;
	v16 =	vadd.s32 v1, v3;
	v3 =	vld.idx.msk [tilespmem:v10+s11+$0x0], $0xffff  }
0x3e: {  	v10 =	vshll.u32 v12, $0x3;
	v13 =	vadd.s32 v1, v11;
	v14 =	vld.idx.msk [tilespmem:v17+s2+$0x0], $0xffff  }
0x3f: {  	v11 =	vadd.s32 v1, v10;
	v10 =	vshll.u32 v18, $0x3;
	v15 =	vld.idx.msk [tilespmem:v19+s2+$0x0], $0xffff  }
0x40: {  	s19 =	sadd.s32 $0xE0, s19;
	v10 =	vadd.s32 v1, v10;
	v12 =	vld.idx.msk [tilespmem:v21+s2+$0x0], $0xffff;
	[tilespmem:v22+s15+$0x0] =	vst.idx.msk $0xffff, v20  }
0x41: {  	_ =	sdelay $0x3  }
0x42: {  	v2 =	vld.idx.msk [tilespmem:v8+s2+$0x0], $0xffff;
	_ =	sdelay $0x1  }
0x43: {  	s17 =	sadd.s32 $0x1000, s17;
	v8 =	vshll.u32 v14, $0x3  }
0x44: {  	s18 =	sadd.s32 $0xFFFFFC00, s17;
	v14 =	vshll.u32 v15, $0x3;
	v8 =	vadd.s32 v1, v8  }
0x45: {  	v13 =	vld.idx.msk [tilespmem:v13+s11+$0x0], $0xffff;
	s19 =	sadd.s32 $0xFFFFF400, s17;
	v17 =	vadd.s32 s18, v0;
	v12 =	vshll.u32 v12, $0x3;
	v14 =	vadd.s32 v1, v14  }
0x46: {  	[tilespmem:v9+s15+$0x0] =	vst.idx.msk $0xffff, v5;
	v5 =	vld.idx.msk [tilespmem:v11+s11+$0x0], $0xffff;
	v9 =	vadd.s32 s19, v0;
	v12 =	vadd.s32 v1, v12;
	v2 =	vshll.u32 v2, $0x3  }
0x47: {  	s26 =	sadd.s32 $0xFFFFF800, s17;
	v15 =	vld.idx.msk [tilespmem:v16+s11+$0x0], $0xffff;
	v16 =	vadd.s32 s17, v0;
	v1 =	vadd.s32 v1, v2  }
0x48: {  	[tilespmem:v7+s15+$0x0] =	vst.idx.msk $0xffff, v4;
	v4 =	vadd.s32 s26, v0;
	s17 =	sadd.s32 $0x1000, s17;
	v2 =	vld.idx.msk [tilespmem:v10+s11+$0x0], $0xffff  }
0x49: {  	[tilespmem:v6+s15+$0x0] =	vst.idx.msk $0xffff, v3;
	s28 =	sadd.s32 $0xFFFFFC00, s17;
	v6 =	vadd.s32 s17, v0;
	v3 =	vld.idx.msk [tilespmem:v8+s11+$0x0], $0xffff  }
0x4a: {  	s29 =	sadd.s32 $0xFFFFF400, s17;
	[tilespmem:v17+s15+$0x0] =	vst.idx.msk $0xffff, v13;
	v8 =	vadd.s32 s28, v0;
	v7 =	vld.idx.msk [tilespmem:v14+s11+$0x0], $0xffff  }
0x4b: {  	s17 =	sadd.s32 $0xFFFFF800, s17;
	v11 =	vadd.s32 s29, v0;
	[tilespmem:v9+s15+$0x0] =	vst.idx.msk $0xffff, v5;
	v10 =	vld.idx.msk [tilespmem:v12+s11+$0x0], $0xffff  }
0x4c: {  	[tilespmem:v16+s15+$0x0] =	vst.idx.msk $0xffff, v15;
	v0 =	vadd.s32 s17, v0;
	v1 =	vld.idx.msk [tilespmem:v1+s11+$0x0], $0xffff  }
0x4d: {  	[tilespmem:v4+s15+$0x0] =	vst.idx.msk $0xffff, v2  }
0x4e: {  	[tilespmem:v6+s15+$0x0] =	vst.idx.msk $0xffff, v3  }
0x4f: {  	[tilespmem:v8+s15+$0x0] =	vst.idx.msk $0xffff, v7  }
0x50: {  	[tilespmem:v11+s15+$0x0] =	vst.idx.msk $0xffff, v10  }
0x51: {  	[tilespmem:v0+s15+$0x0] =	vst.idx.msk $0xffff, v1  }
0x52: {  	v2 =	vld [tilespmem:$0xF20];
	_ =	sdelay $0x3  }
0x53: {  	s30 =	simm.s32 $0xA8  }
0x54: {  	s31 =	simm.s32 $0x70;
	v0 =	vadd.s32 s30, v2  }
0x55: {  	s19 =	simm.s32 $0x0;
	v3 =	vadd.s32 s31, v2  }
0x56: {  	s20 =	simm.s32 $0x38;
	v4 =	vadd.s32 s19, v2  }
0x57: {  	v5 =	vadd.s32 s20, v2  }
0x58: {  	s21 =	simm.s32 $0x188;
	v1 =	vld [tilespmem:$0x12A0]  }
0x59: {  	v6 =	vadd.s32 s21, v2;
	v0 =	vld.idx.msk [tilespmem:v0+s2+$0x0], $0xffff  }
0x5a: {  	s22 =	simm.s32 $0x150;
	v3 =	vld.idx.msk [tilespmem:v3+s2+$0x0], $0xffff  }
0x5b: {  	s23 =	simm.s32 $0xE0;
	v7 =	vadd.s32 s22, v2;
	v4 =	vld.idx.msk [tilespmem:v4+s2+$0x0], $0xffff  }
0x5c: {  	s24 =	simm.s32 $0x118;
	v8 =	vadd.s32 s23, v2;
	v5 =	vld.idx.msk [tilespmem:v5+s2+$0x0], $0xffff  }
0x5d: {  	s25 =	simm.s32 $0x268;
	v9 =	vadd.s32 s24, v2  }
0x5e: {  	v14 =	vadd.s32 s25, v2;
	v6 =	vld.idx.msk [tilespmem:v6+s2+$0x0], $0xffff;
	v10 =	vshll.u32 v0, $0x3  }
0x5f: {  	v0 =	vld [tilespmem:$0x10E0];
	v3 =	vshll.u32 v3, $0x3;
	v10 =	vadd.s32 v1, v10  }
0x60: {  	v11 =	vld.idx.msk [tilespmem:v7+s2+$0x0], $0xffff;
	v4 =	vshll.u32 v4, $0x3;
	v3 =	vadd.s32 v1, v3  }
0x61: {  	v12 =	vld.idx.msk [tilespmem:v8+s2+$0x0], $0xffff;
	v5 =	vshll.u32 v5, $0x3;
	v4 =	vadd.s32 v1, v4  }
0x62: {  	s26 =	simm.s32 $0x230;
	v17 =	vld.idx.msk [tilespmem:v9+s2+$0x0], $0xffff;
	v13 =	vadd.s32 v1, v5  }
0x63: {  	s17 =	simm.s32 $0xC00;
	s28 =	simm.s32 $0x1C0;
	v15 =	vadd.s32 s26, v2;
	v14 =	vld.idx.msk [tilespmem:v14+s2+$0x0], $0xffff  }
0x64: {  	s29 =	simm.s32 $0x1F8;
	s31 =	simm.s32 $0x800;
	v19 =	vadd.s32 s17, v0;
	v18 =	vld.idx.msk [tilespmem:v10+s11+$0x0], $0xffff;
	v10 =	vadd.s32 s28, v2  }
0x65: {  	s30 =	simm.s32 $0x0;
	v8 =	vadd.s32 s29, v2;
	v6 =	vshll.u32 v6, $0x3;
	v9 =	vadd.s32 s31, v0;
	v5 =	vld.idx.msk [tilespmem:v3+s11+$0x0], $0xffff  }
0x66: {  	s20 =	simm.s32 $0x400;
	v11 =	vshll.u32 v11, $0x3;
	v16 =	vadd.s32 v1, v6;
	v7 =	vadd.s32 s30, v0;
	v4 =	vld.idx.msk [tilespmem:v4+s11+$0x0], $0xffff  }
0x67: {  	v12 =	vshll.u32 v12, $0x3;
	v6 =	vadd.s32 s20, v0;
	v3 =	vld.idx.msk [tilespmem:v13+s11+$0x0], $0xffff;
	v13 =	vadd.s32 v1, v11  }
0x68: {  	v15 =	vld.idx.msk [tilespmem:v15+s2+$0x0], $0xffff;
	v17 =	vshll.u32 v17, $0x3;
	v11 =	vadd.s32 v1, v12  }
0x69: {  	s18 =	simm.s32 $0x8;
	s19 =	simm.s32 $0x348;
	v12 =	vld.idx.msk [tilespmem:v10+s2+$0x0], $0xffff;
	v10 =	vadd.s32 v1, v17;
	[tilespmem:v19+s15+$0x0] =	vst.idx.msk $0xffff, v18  }
.LBB2_4:
0x6a: {  	s20 =	sadd.s32 $0xFFFFFF90, s19;
	s21 =	sadd.s32 $0xFFFFFFC8, s19;
	v17 =	vadd.s32 s19, v2;
	s18 =	sadd.s32 $0x4, s18;
	v18 =	vld.idx.msk [tilespmem:v8+s2+$0x0], $0xffff;
	[tilespmem:v9+s15+$0x0] =	vst.idx.msk $0xffff, v5  }
0x6b: {  	s22 =	sadd.s32 $0xFFFFFF58, s19;
	s17 =	sadd.s32 $0x1000, s17;
	v8 =	vadd.s32 s20, v2;
	v19 =	vadd.s32 s21, v2;
	p0 =	slt.u32 s18, $0x3C;
	v20 =	vld.idx.msk [tilespmem:v16+s11+$0x0], $0xffff;
	[tilespmem:v7+s15+$0x0] =	vst.idx.msk $0xffff, v4  }
0x6c: {  	v21 =	vadd.s32 s22, v2;
	s20 =	sadd.s32 $0xFFFFF400, s17;
	s21 =	sadd.s32 $0xFFFFF800, s17;
	s22 =	sadd.s32 $0xFFFFFC00, s17;
	v22 =	vadd.s32 s17, v0;
	v5 =	vld.idx.msk [tilespmem:v13+s11+$0x0], $0xffff;
	[tilespmem:v6+s15+$0x0] =	vst.idx.msk $0xffff, v3  }
.Ltmp1:
0x6d: {  	v3 =	vshll.u32 v14, $0x3;
	v7 =	vadd.s32 s20, v0;
	v9 =	vadd.s32 s22, v0;
	v4 =	vld.idx.msk [tilespmem:v11+s11+$0x0], $0xffff;
	(pc) =	sbr.rel @p0 .LBB2_4-.Ltmp1, $4  }
0x6e: {  	v6 =	vadd.s32 s21, v0;
	v11 =	vshll.u32 v15, $0x3;
	v16 =	vadd.s32 v1, v3;
	v3 =	vld.idx.msk [tilespmem:v10+s11+$0x0], $0xffff  }
0x6f: {  	v10 =	vshll.u32 v12, $0x3;
	v13 =	vadd.s32 v1, v11;
	v14 =	vld.idx.msk [tilespmem:v17+s2+$0x0], $0xffff  }
0x70: {  	v11 =	vadd.s32 v1, v10;
	v10 =	vshll.u32 v18, $0x3;
	v15 =	vld.idx.msk [tilespmem:v19+s2+$0x0], $0xffff  }
0x71: {  	s19 =	sadd.s32 $0xE0, s19;
	v10 =	vadd.s32 v1, v10;
	v12 =	vld.idx.msk [tilespmem:v21+s2+$0x0], $0xffff;
	[tilespmem:v22+s15+$0x0] =	vst.idx.msk $0xffff, v20  }
0x72: {  	_ =	sdelay $0x3  }
0x73: {  	v2 =	vld.idx.msk [tilespmem:v8+s2+$0x0], $0xffff;
	_ =	sdelay $0x1  }
0x74: {  	s17 =	sadd.s32 $0x1000, s17;
	v8 =	vshll.u32 v14, $0x3  }
0x75: {  	s18 =	sadd.s32 $0xFFFFFC00, s17;
	v14 =	vshll.u32 v15, $0x3;
	v8 =	vadd.s32 v1, v8  }
0x76: {  	v13 =	vld.idx.msk [tilespmem:v13+s11+$0x0], $0xffff;
	s19 =	sadd.s32 $0xFFFFF400, s17;
	v17 =	vadd.s32 s18, v0;
	v12 =	vshll.u32 v12, $0x3;
	v14 =	vadd.s32 v1, v14  }
0x77: {  	[tilespmem:v9+s15+$0x0] =	vst.idx.msk $0xffff, v5;
	v5 =	vld.idx.msk [tilespmem:v11+s11+$0x0], $0xffff;
	v9 =	vadd.s32 s19, v0;
	v12 =	vadd.s32 v1, v12;
	v2 =	vshll.u32 v2, $0x3  }
0x78: {  	s26 =	sadd.s32 $0xFFFFF800, s17;
	v15 =	vld.idx.msk [tilespmem:v16+s11+$0x0], $0xffff;
	v16 =	vadd.s32 s17, v0;
	v1 =	vadd.s32 v1, v2  }
0x79: {  	[tilespmem:v7+s15+$0x0] =	vst.idx.msk $0xffff, v4;
	v4 =	vadd.s32 s26, v0;
	s17 =	sadd.s32 $0x1000, s17;
	v2 =	vld.idx.msk [tilespmem:v10+s11+$0x0], $0xffff  }
0x7a: {  	[tilespmem:v6+s15+$0x0] =	vst.idx.msk $0xffff, v3;
	s28 =	sadd.s32 $0xFFFFFC00, s17;
	v6 =	vadd.s32 s17, v0;
	v3 =	vld.idx.msk [tilespmem:v8+s11+$0x0], $0xffff  }
0x7b: {  	s29 =	sadd.s32 $0xFFFFF400, s17;
	[tilespmem:v17+s15+$0x0] =	vst.idx.msk $0xffff, v13;
	v8 =	vadd.s32 s28, v0;
	v7 =	vld.idx.msk [tilespmem:v14+s11+$0x0], $0xffff  }
0x7c: {  	s17 =	sadd.s32 $0xFFFFF800, s17;
	v11 =	vadd.s32 s29, v0;
	[tilespmem:v9+s15+$0x0] =	vst.idx.msk $0xffff, v5;
	v10 =	vld.idx.msk [tilespmem:v12+s11+$0x0], $0xffff  }
0x7d: {  	[tilespmem:v16+s15+$0x0] =	vst.idx.msk $0xffff, v15;
	v0 =	vadd.s32 s17, v0;
	v1 =	vld.idx.msk [tilespmem:v1+s11+$0x0], $0xffff  }
0x7e: {  	[tilespmem:v4+s15+$0x0] =	vst.idx.msk $0xffff, v2  }
0x7f: {  	[tilespmem:v6+s15+$0x0] =	vst.idx.msk $0xffff, v3  }
0x80: {  	[tilespmem:v8+s15+$0x0] =	vst.idx.msk $0xffff, v7  }
0x81: {  	[tilespmem:v11+s15+$0x0] =	vst.idx.msk $0xffff, v10  }
0x82: {  	[tilespmem:v0+s15+$0x0] =	vst.idx.msk $0xffff, v1  }
0x83: {  	v2 =	vld [tilespmem:$0xF30];
	_ =	sdelay $0x3  }
0x84: {  	s30 =	simm.s32 $0xA8  }
0x85: {  	s31 =	simm.s32 $0x70;
	v0 =	vadd.s32 s30, v2  }
0x86: {  	s19 =	simm.s32 $0x0;
	v3 =	vadd.s32 s31, v2  }
0x87: {  	s20 =	simm.s32 $0x38;
	v4 =	vadd.s32 s19, v2  }
0x88: {  	v5 =	vadd.s32 s20, v2  }
0x89: {  	s21 =	simm.s32 $0x188;
	v1 =	vld [tilespmem:$0x12B0]  }
0x8a: {  	v6 =	vadd.s32 s21, v2;
	v0 =	vld.idx.msk [tilespmem:v0+s2+$0x0], $0xffff  }
0x8b: {  	s22 =	simm.s32 $0x150;
	v3 =	vld.idx.msk [tilespmem:v3+s2+$0x0], $0xffff  }
0x8c: {  	s23 =	simm.s32 $0xE0;
	v7 =	vadd.s32 s22, v2;
	v4 =	vld.idx.msk [tilespmem:v4+s2+$0x0], $0xffff  }
0x8d: {  	s24 =	simm.s32 $0x118;
	v8 =	vadd.s32 s23, v2;
	v5 =	vld.idx.msk [tilespmem:v5+s2+$0x0], $0xffff  }
0x8e: {  	s25 =	simm.s32 $0x268;
	v9 =	vadd.s32 s24, v2  }
0x8f: {  	v14 =	vadd.s32 s25, v2;
	v6 =	vld.idx.msk [tilespmem:v6+s2+$0x0], $0xffff;
	v10 =	vshll.u32 v0, $0x3  }
0x90: {  	v0 =	vld [tilespmem:$0x10F0];
	v3 =	vshll.u32 v3, $0x3;
	v10 =	vadd.s32 v1, v10  }
0x91: {  	v11 =	vld.idx.msk [tilespmem:v7+s2+$0x0], $0xffff;
	v4 =	vshll.u32 v4, $0x3;
	v3 =	vadd.s32 v1, v3  }
0x92: {  	v12 =	vld.idx.msk [tilespmem:v8+s2+$0x0], $0xffff;
	v5 =	vshll.u32 v5, $0x3;
	v4 =	vadd.s32 v1, v4  }
0x93: {  	s26 =	simm.s32 $0x230;
	v17 =	vld.idx.msk [tilespmem:v9+s2+$0x0], $0xffff;
	v13 =	vadd.s32 v1, v5  }
0x94: {  	s17 =	simm.s32 $0xC00;
	s28 =	simm.s32 $0x1C0;
	v15 =	vadd.s32 s26, v2;
	v14 =	vld.idx.msk [tilespmem:v14+s2+$0x0], $0xffff  }
0x95: {  	s29 =	simm.s32 $0x1F8;
	s31 =	simm.s32 $0x800;
	v19 =	vadd.s32 s17, v0;
	v18 =	vld.idx.msk [tilespmem:v10+s11+$0x0], $0xffff;
	v10 =	vadd.s32 s28, v2  }
0x96: {  	s30 =	simm.s32 $0x0;
	v8 =	vadd.s32 s29, v2;
	v6 =	vshll.u32 v6, $0x3;
	v9 =	vadd.s32 s31, v0;
	v5 =	vld.idx.msk [tilespmem:v3+s11+$0x0], $0xffff  }
0x97: {  	s20 =	simm.s32 $0x400;
	v11 =	vshll.u32 v11, $0x3;
	v16 =	vadd.s32 v1, v6;
	v7 =	vadd.s32 s30, v0;
	v4 =	vld.idx.msk [tilespmem:v4+s11+$0x0], $0xffff  }
0x98: {  	v12 =	vshll.u32 v12, $0x3;
	v6 =	vadd.s32 s20, v0;
	v3 =	vld.idx.msk [tilespmem:v13+s11+$0x0], $0xffff;
	v13 =	vadd.s32 v1, v11  }
0x99: {  	v15 =	vld.idx.msk [tilespmem:v15+s2+$0x0], $0xffff;
	v17 =	vshll.u32 v17, $0x3;
	v11 =	vadd.s32 v1, v12  }
0x9a: {  	s18 =	simm.s32 $0x8;
	s19 =	simm.s32 $0x348;
	v12 =	vld.idx.msk [tilespmem:v10+s2+$0x0], $0xffff;
	v10 =	vadd.s32 v1, v17;
	[tilespmem:v19+s15+$0x0] =	vst.idx.msk $0xffff, v18  }
.LBB2_6:
0x9b: {  	s20 =	sadd.s32 $0xFFFFFF90, s19;
	s21 =	sadd.s32 $0xFFFFFFC8, s19;
	v17 =	vadd.s32 s19, v2;
	s18 =	sadd.s32 $0x4, s18;
	v18 =	vld.idx.msk [tilespmem:v8+s2+$0x0], $0xffff;
	[tilespmem:v9+s15+$0x0] =	vst.idx.msk $0xffff, v5  }
0x9c: {  	s22 =	sadd.s32 $0xFFFFFF58, s19;
	s17 =	sadd.s32 $0x1000, s17;
	v8 =	vadd.s32 s20, v2;
	v19 =	vadd.s32 s21, v2;
	p0 =	slt.u32 s18, $0x3C;
	v20 =	vld.idx.msk [tilespmem:v16+s11+$0x0], $0xffff;
	[tilespmem:v7+s15+$0x0] =	vst.idx.msk $0xffff, v4  }
0x9d: {  	v21 =	vadd.s32 s22, v2;
	s20 =	sadd.s32 $0xFFFFF400, s17;
	s21 =	sadd.s32 $0xFFFFF800, s17;
	s22 =	sadd.s32 $0xFFFFFC00, s17;
	v22 =	vadd.s32 s17, v0;
	v5 =	vld.idx.msk [tilespmem:v13+s11+$0x0], $0xffff;
	[tilespmem:v6+s15+$0x0] =	vst.idx.msk $0xffff, v3  }
.Ltmp2:
0x9e: {  	v3 =	vshll.u32 v14, $0x3;
	v7 =	vadd.s32 s20, v0;
	v9 =	vadd.s32 s22, v0;
	v4 =	vld.idx.msk [tilespmem:v11+s11+$0x0], $0xffff;
	(pc) =	sbr.rel @p0 .LBB2_6-.Ltmp2, $4  }
0x9f: {  	v6 =	vadd.s32 s21, v0;
	v11 =	vshll.u32 v15, $0x3;
	v16 =	vadd.s32 v1, v3;
	v3 =	vld.idx.msk [tilespmem:v10+s11+$0x0], $0xffff  }
0xa0: {  	v10 =	vshll.u32 v12, $0x3;
	v13 =	vadd.s32 v1, v11;
	v14 =	vld.idx.msk [tilespmem:v17+s2+$0x0], $0xffff  }
0xa1: {  	v11 =	vadd.s32 v1, v10;
	v10 =	vshll.u32 v18, $0x3;
	v15 =	vld.idx.msk [tilespmem:v19+s2+$0x0], $0xffff  }
0xa2: {  	s19 =	sadd.s32 $0xE0, s19;
	v10 =	vadd.s32 v1, v10;
	v12 =	vld.idx.msk [tilespmem:v21+s2+$0x0], $0xffff;
	[tilespmem:v22+s15+$0x0] =	vst.idx.msk $0xffff, v20  }
0xa3: {  	_ =	sdelay $0x3  }
0xa4: {  	v2 =	vld.idx.msk [tilespmem:v8+s2+$0x0], $0xffff;
	_ =	sdelay $0x1  }
0xa5: {  	s17 =	sadd.s32 $0x1000, s17;
	v8 =	vshll.u32 v14, $0x3  }
0xa6: {  	s18 =	sadd.s32 $0xFFFFFC00, s17;
	v14 =	vshll.u32 v15, $0x3;
	v8 =	vadd.s32 v1, v8  }
0xa7: {  	v13 =	vld.idx.msk [tilespmem:v13+s11+$0x0], $0xffff;
	s19 =	sadd.s32 $0xFFFFF400, s17;
	v17 =	vadd.s32 s18, v0;
	v12 =	vshll.u32 v12, $0x3;
	v14 =	vadd.s32 v1, v14  }
0xa8: {  	[tilespmem:v9+s15+$0x0] =	vst.idx.msk $0xffff, v5;
	v5 =	vld.idx.msk [tilespmem:v11+s11+$0x0], $0xffff;
	v9 =	vadd.s32 s19, v0;
	v12 =	vadd.s32 v1, v12;
	v2 =	vshll.u32 v2, $0x3  }
0xa9: {  	s26 =	sadd.s32 $0xFFFFF800, s17;
	v15 =	vld.idx.msk [tilespmem:v16+s11+$0x0], $0xffff;
	v16 =	vadd.s32 s17, v0;
	v1 =	vadd.s32 v1, v2  }
0xaa: {  	[tilespmem:v7+s15+$0x0] =	vst.idx.msk $0xffff, v4;
	v4 =	vadd.s32 s26, v0;
	s17 =	sadd.s32 $0x1000, s17;
	v2 =	vld.idx.msk [tilespmem:v10+s11+$0x0], $0xffff  }
0xab: {  	[tilespmem:v6+s15+$0x0] =	vst.idx.msk $0xffff, v3;
	s28 =	sadd.s32 $0xFFFFFC00, s17;
	v6 =	vadd.s32 s17, v0;
	v3 =	vld.idx.msk [tilespmem:v8+s11+$0x0], $0xffff  }
0xac: {  	s29 =	sadd.s32 $0xFFFFF400, s17;
	[tilespmem:v17+s15+$0x0] =	vst.idx.msk $0xffff, v13;
	v8 =	vadd.s32 s28, v0;
	v7 =	vld.idx.msk [tilespmem:v14+s11+$0x0], $0xffff  }
0xad: {  	s17 =	sadd.s32 $0xFFFFF800, s17;
	v11 =	vadd.s32 s29, v0;
	[tilespmem:v9+s15+$0x0] =	vst.idx.msk $0xffff, v5;
	v10 =	vld.idx.msk [tilespmem:v12+s11+$0x0], $0xffff  }
0xae: {  	[tilespmem:v16+s15+$0x0] =	vst.idx.msk $0xffff, v15;
	v0 =	vadd.s32 s17, v0;
	v1 =	vld.idx.msk [tilespmem:v1+s11+$0x0], $0xffff  }
0xaf: {  	[tilespmem:v4+s15+$0x0] =	vst.idx.msk $0xffff, v2  }
0xb0: {  	[tilespmem:v6+s15+$0x0] =	vst.idx.msk $0xffff, v3  }
0xb1: {  	[tilespmem:v8+s15+$0x0] =	vst.idx.msk $0xffff, v7  }
0xb2: {  	[tilespmem:v11+s15+$0x0] =	vst.idx.msk $0xffff, v10  }
0xb3: {  	[tilespmem:v0+s15+$0x0] =	vst.idx.msk $0xffff, v1  }
0xb4: {  	v2 =	vld [tilespmem:$0xF40];
	_ =	sdelay $0x3  }
0xb5: {  	s30 =	simm.s32 $0xA8  }
0xb6: {  	s31 =	simm.s32 $0x70;
	v0 =	vadd.s32 s30, v2  }
0xb7: {  	s19 =	simm.s32 $0x0;
	v3 =	vadd.s32 s31, v2  }
0xb8: {  	s20 =	simm.s32 $0x38;
	v4 =	vadd.s32 s19, v2  }
0xb9: {  	v5 =	vadd.s32 s20, v2  }
0xba: {  	s21 =	simm.s32 $0x188;
	v1 =	vld [tilespmem:$0x12C0]  }
0xbb: {  	v6 =	vadd.s32 s21, v2;
	v0 =	vld.idx.msk [tilespmem:v0+s2+$0x0], $0xffff  }
0xbc: {  	s22 =	simm.s32 $0x150;
	v3 =	vld.idx.msk [tilespmem:v3+s2+$0x0], $0xffff  }
0xbd: {  	s23 =	simm.s32 $0xE0;
	v7 =	vadd.s32 s22, v2;
	v4 =	vld.idx.msk [tilespmem:v4+s2+$0x0], $0xffff  }
0xbe: {  	s24 =	simm.s32 $0x118;
	v8 =	vadd.s32 s23, v2;
	v5 =	vld.idx.msk [tilespmem:v5+s2+$0x0], $0xffff  }
0xbf: {  	s25 =	simm.s32 $0x268;
	v9 =	vadd.s32 s24, v2  }
0xc0: {  	v14 =	vadd.s32 s25, v2;
	v6 =	vld.idx.msk [tilespmem:v6+s2+$0x0], $0xffff;
	v10 =	vshll.u32 v0, $0x3  }
0xc1: {  	v0 =	vld [tilespmem:$0x1100];
	v3 =	vshll.u32 v3, $0x3;
	v10 =	vadd.s32 v1, v10  }
0xc2: {  	v11 =	vld.idx.msk [tilespmem:v7+s2+$0x0], $0xffff;
	v4 =	vshll.u32 v4, $0x3;
	v3 =	vadd.s32 v1, v3  }
0xc3: {  	v12 =	vld.idx.msk [tilespmem:v8+s2+$0x0], $0xffff;
	v5 =	vshll.u32 v5, $0x3;
	v4 =	vadd.s32 v1, v4  }
0xc4: {  	s26 =	simm.s32 $0x230;
	v17 =	vld.idx.msk [tilespmem:v9+s2+$0x0], $0xffff;
	v13 =	vadd.s32 v1, v5  }
0xc5: {  	s17 =	simm.s32 $0xC00;
	s28 =	simm.s32 $0x1C0;
	v15 =	vadd.s32 s26, v2;
	v14 =	vld.idx.msk [tilespmem:v14+s2+$0x0], $0xffff  }
0xc6: {  	s29 =	simm.s32 $0x1F8;
	s31 =	simm.s32 $0x800;
	v19 =	vadd.s32 s17, v0;
	v18 =	vld.idx.msk [tilespmem:v10+s11+$0x0], $0xffff;
	v10 =	vadd.s32 s28, v2  }
0xc7: {  	s30 =	simm.s32 $0x0;
	v8 =	vadd.s32 s29, v2;
	v6 =	vshll.u32 v6, $0x3;
	v9 =	vadd.s32 s31, v0;
	v5 =	vld.idx.msk [tilespmem:v3+s11+$0x0], $0xffff  }
0xc8: {  	s20 =	simm.s32 $0x400;
	v11 =	vshll.u32 v11, $0x3;
	v16 =	vadd.s32 v1, v6;
	v7 =	vadd.s32 s30, v0;
	v4 =	vld.idx.msk [tilespmem:v4+s11+$0x0], $0xffff  }
0xc9: {  	v12 =	vshll.u32 v12, $0x3;
	v6 =	vadd.s32 s20, v0;
	v3 =	vld.idx.msk [tilespmem:v13+s11+$0x0], $0xffff;
	v13 =	vadd.s32 v1, v11  }
0xca: {  	v15 =	vld.idx.msk [tilespmem:v15+s2+$0x0], $0xffff;
	v17 =	vshll.u32 v17, $0x3;
	v11 =	vadd.s32 v1, v12  }
0xcb: {  	s18 =	simm.s32 $0x8;
	s19 =	simm.s32 $0x348;
	v12 =	vld.idx.msk [tilespmem:v10+s2+$0x0], $0xffff;
	v10 =	vadd.s32 v1, v17;
	[tilespmem:v19+s15+$0x0] =	vst.idx.msk $0xffff, v18  }
.LBB2_8:
0xcc: {  	s20 =	sadd.s32 $0xFFFFFF90, s19;
	s21 =	sadd.s32 $0xFFFFFFC8, s19;
	v17 =	vadd.s32 s19, v2;
	s18 =	sadd.s32 $0x4, s18;
	v18 =	vld.idx.msk [tilespmem:v8+s2+$0x0], $0xffff;
	[tilespmem:v9+s15+$0x0] =	vst.idx.msk $0xffff, v5  }
0xcd: {  	s22 =	sadd.s32 $0xFFFFFF58, s19;
	s17 =	sadd.s32 $0x1000, s17;
	v8 =	vadd.s32 s20, v2;
	v19 =	vadd.s32 s21, v2;
	p0 =	slt.u32 s18, $0x3C;
	v20 =	vld.idx.msk [tilespmem:v16+s11+$0x0], $0xffff;
	[tilespmem:v7+s15+$0x0] =	vst.idx.msk $0xffff, v4  }
0xce: {  	v21 =	vadd.s32 s22, v2;
	s20 =	sadd.s32 $0xFFFFF400, s17;
	s21 =	sadd.s32 $0xFFFFF800, s17;
	s22 =	sadd.s32 $0xFFFFFC00, s17;
	v22 =	vadd.s32 s17, v0;
	v5 =	vld.idx.msk [tilespmem:v13+s11+$0x0], $0xffff;
	[tilespmem:v6+s15+$0x0] =	vst.idx.msk $0xffff, v3  }
.Ltmp3:
0xcf: {  	v3 =	vshll.u32 v14, $0x3;
	v7 =	vadd.s32 s20, v0;
	v9 =	vadd.s32 s22, v0;
	v4 =	vld.idx.msk [tilespmem:v11+s11+$0x0], $0xffff;
	(pc) =	sbr.rel @p0 .LBB2_8-.Ltmp3, $4  }
0xd0: {  	v6 =	vadd.s32 s21, v0;
	v11 =	vshll.u32 v15, $0x3;
	v16 =	vadd.s32 v1, v3;
	v3 =	vld.idx.msk [tilespmem:v10+s11+$0x0], $0xffff  }
0xd1: {  	v10 =	vshll.u32 v12, $0x3;
	v13 =	vadd.s32 v1, v11;
	v14 =	vld.idx.msk [tilespmem:v17+s2+$0x0], $0xffff  }
0xd2: {  	v11 =	vadd.s32 v1, v10;
	v10 =	vshll.u32 v18, $0x3;
	v15 =	vld.idx.msk [tilespmem:v19+s2+$0x0], $0xffff  }
0xd3: {  	s19 =	sadd.s32 $0xE0, s19;
	v10 =	vadd.s32 v1, v10;
	v12 =	vld.idx.msk [tilespmem:v21+s2+$0x0], $0xffff;
	[tilespmem:v22+s15+$0x0] =	vst.idx.msk $0xffff, v20  }
0xd4: {  	_ =	sdelay $0x3  }
0xd5: {  	v2 =	vld.idx.msk [tilespmem:v8+s2+$0x0], $0xffff;
	_ =	sdelay $0x1  }
0xd6: {  	s17 =	sadd.s32 $0x1000, s17;
	v8 =	vshll.u32 v14, $0x3  }
0xd7: {  	s18 =	sadd.s32 $0xFFFFFC00, s17;
	v14 =	vshll.u32 v15, $0x3;
	v8 =	vadd.s32 v1, v8  }
0xd8: {  	v13 =	vld.idx.msk [tilespmem:v13+s11+$0x0], $0xffff;
	s19 =	sadd.s32 $0xFFFFF400, s17;
	v17 =	vadd.s32 s18, v0;
	v12 =	vshll.u32 v12, $0x3;
	v14 =	vadd.s32 v1, v14  }
0xd9: {  	[tilespmem:v9+s15+$0x0] =	vst.idx.msk $0xffff, v5;
	v5 =	vld.idx.msk [tilespmem:v11+s11+$0x0], $0xffff;
	v9 =	vadd.s32 s19, v0;
	v12 =	vadd.s32 v1, v12;
	v2 =	vshll.u32 v2, $0x3  }
0xda: {  	s26 =	sadd.s32 $0xFFFFF800, s17;
	v15 =	vld.idx.msk [tilespmem:v16+s11+$0x0], $0xffff;
	v16 =	vadd.s32 s17, v0;
	v1 =	vadd.s32 v1, v2  }
0xdb: {  	[tilespmem:v7+s15+$0x0] =	vst.idx.msk $0xffff, v4;
	v4 =	vadd.s32 s26, v0;
	s17 =	sadd.s32 $0x1000, s17;
	v2 =	vld.idx.msk [tilespmem:v10+s11+$0x0], $0xffff  }
0xdc: {  	[tilespmem:v6+s15+$0x0] =	vst.idx.msk $0xffff, v3;
	s28 =	sadd.s32 $0xFFFFFC00, s17;
	v6 =	vadd.s32 s17, v0;
	v3 =	vld.idx.msk [tilespmem:v8+s11+$0x0], $0xffff  }
0xdd: {  	s29 =	sadd.s32 $0xFFFFF400, s17;
	[tilespmem:v17+s15+$0x0] =	vst.idx.msk $0xffff, v13;
	v8 =	vadd.s32 s28, v0;
	v7 =	vld.idx.msk [tilespmem:v14+s11+$0x0], $0xffff  }
0xde: {  	s17 =	sadd.s32 $0xFFFFF800, s17;
	v11 =	vadd.s32 s29, v0;
	[tilespmem:v9+s15+$0x0] =	vst.idx.msk $0xffff, v5;
	v10 =	vld.idx.msk [tilespmem:v12+s11+$0x0], $0xffff  }
0xdf: {  	[tilespmem:v16+s15+$0x0] =	vst.idx.msk $0xffff, v15;
	v0 =	vadd.s32 s17, v0;
	v1 =	vld.idx.msk [tilespmem:v1+s11+$0x0], $0xffff  }
0xe0: {  	[tilespmem:v4+s15+$0x0] =	vst.idx.msk $0xffff, v2  }
0xe1: {  	[tilespmem:v6+s15+$0x0] =	vst.idx.msk $0xffff, v3  }
0xe2: {  	[tilespmem:v8+s15+$0x0] =	vst.idx.msk $0xffff, v7  }
0xe3: {  	[tilespmem:v11+s15+$0x0] =	vst.idx.msk $0xffff, v10  }
0xe4: {  	[tilespmem:v0+s15+$0x0] =	vst.idx.msk $0xffff, v1  }
0xe5: {  	v2 =	vld [tilespmem:$0xF50];
	_ =	sdelay $0x3  }
0xe6: {  	s30 =	simm.s32 $0xA8  }
0xe7: {  	s31 =	simm.s32 $0x70;
	v0 =	vadd.s32 s30, v2  }
0xe8: {  	s19 =	simm.s32 $0x0;
	v3 =	vadd.s32 s31, v2  }
0xe9: {  	s20 =	simm.s32 $0x38;
	v4 =	vadd.s32 s19, v2  }
0xea: {  	v5 =	vadd.s32 s20, v2  }
0xeb: {  	s21 =	simm.s32 $0x188;
	v1 =	vld [tilespmem:$0x12D0]  }
0xec: {  	v6 =	vadd.s32 s21, v2;
	v0 =	vld.idx.msk [tilespmem:v0+s2+$0x0], $0xffff  }
0xed: {  	s22 =	simm.s32 $0x150;
	v3 =	vld.idx.msk [tilespmem:v3+s2+$0x0], $0xffff  }
0xee: {  	s23 =	simm.s32 $0xE0;
	v7 =	vadd.s32 s22, v2;
	v4 =	vld.idx.msk [tilespmem:v4+s2+$0x0], $0xffff  }
0xef: {  	s24 =	simm.s32 $0x118;
	v8 =	vadd.s32 s23, v2;
	v5 =	vld.idx.msk [tilespmem:v5+s2+$0x0], $0xffff  }
0xf0: {  	s25 =	simm.s32 $0x268;
	v9 =	vadd.s32 s24, v2  }
0xf1: {  	v14 =	vadd.s32 s25, v2;
	v6 =	vld.idx.msk [tilespmem:v6+s2+$0x0], $0xffff;
	v10 =	vshll.u32 v0, $0x3  }
0xf2: {  	v0 =	vld [tilespmem:$0x1110];
	v3 =	vshll.u32 v3, $0x3;
	v10 =	vadd.s32 v1, v10  }
0xf3: {  	v11 =	vld.idx.msk [tilespmem:v7+s2+$0x0], $0xffff;
	v4 =	vshll.u32 v4, $0x3;
	v3 =	vadd.s32 v1, v3  }
0xf4: {  	v12 =	vld.idx.msk [tilespmem:v8+s2+$0x0], $0xffff;
	v5 =	vshll.u32 v5, $0x3;
	v4 =	vadd.s32 v1, v4  }
0xf5: {  	s26 =	simm.s32 $0x230;
	v17 =	vld.idx.msk [tilespmem:v9+s2+$0x0], $0xffff;
	v13 =	vadd.s32 v1, v5  }
0xf6: {  	s17 =	simm.s32 $0xC00;
	s28 =	simm.s32 $0x1C0;
	v15 =	vadd.s32 s26, v2;
	v14 =	vld.idx.msk [tilespmem:v14+s2+$0x0], $0xffff  }
0xf7: {  	s29 =	simm.s32 $0x1F8;
	s31 =	simm.s32 $0x800;
	v19 =	vadd.s32 s17, v0;
	v18 =	vld.idx.msk [tilespmem:v10+s11+$0x0], $0xffff;
	v10 =	vadd.s32 s28, v2  }
0xf8: {  	s30 =	simm.s32 $0x0;
	v8 =	vadd.s32 s29, v2;
	v6 =	vshll.u32 v6, $0x3;
	v9 =	vadd.s32 s31, v0;
	v5 =	vld.idx.msk [tilespmem:v3+s11+$0x0], $0xffff  }
0xf9: {  	s20 =	simm.s32 $0x400;
	v11 =	vshll.u32 v11, $0x3;
	v16 =	vadd.s32 v1, v6;
	v7 =	vadd.s32 s30, v0;
	v4 =	vld.idx.msk [tilespmem:v4+s11+$0x0], $0xffff  }
0xfa: {  	v12 =	vshll.u32 v12, $0x3;
	v6 =	vadd.s32 s20, v0;
	v3 =	vld.idx.msk [tilespmem:v13+s11+$0x0], $0xffff;
	v13 =	vadd.s32 v1, v11  }
0xfb: {  	v15 =	vld.idx.msk [tilespmem:v15+s2+$0x0], $0xffff;
	v17 =	vshll.u32 v17, $0x3;
	v11 =	vadd.s32 v1, v12  }
0xfc: {  	s18 =	simm.s32 $0x8;
	s19 =	simm.s32 $0x348;
	v12 =	vld.idx.msk [tilespmem:v10+s2+$0x0], $0xffff;
	v10 =	vadd.s32 v1, v17;
	[tilespmem:v19+s15+$0x0] =	vst.idx.msk $0xffff, v18  }
.LBB2_10:
0xfd: {  	s20 =	sadd.s32 $0xFFFFFF90, s19;
	s21 =	sadd.s32 $0xFFFFFFC8, s19;
	v17 =	vadd.s32 s19, v2;
	s18 =	sadd.s32 $0x4, s18;
	v18 =	vld.idx.msk [tilespmem:v8+s2+$0x0], $0xffff;
	[tilespmem:v9+s15+$0x0] =	vst.idx.msk $0xffff, v5  }
0xfe: {  	s22 =	sadd.s32 $0xFFFFFF58, s19;
	s17 =	sadd.s32 $0x1000, s17;
	v8 =	vadd.s32 s20, v2;
	v19 =	vadd.s32 s21, v2;
	p0 =	slt.u32 s18, $0x3C;
	v20 =	vld.idx.msk [tilespmem:v16+s11+$0x0], $0xffff;
	[tilespmem:v7+s15+$0x0] =	vst.idx.msk $0xffff, v4  }
0xff: {  	v21 =	vadd.s32 s22, v2;
	s20 =	sadd.s32 $0xFFFFF400, s17;
	s21 =	sadd.s32 $0xFFFFF800, s17;
	s22 =	sadd.s32 $0xFFFFFC00, s17;
	v22 =	vadd.s32 s17, v0;
	v5 =	vld.idx.msk [tilespmem:v13+s11+$0x0], $0xffff;
	[tilespmem:v6+s15+$0x0] =	vst.idx.msk $0xffff, v3  }
.Ltmp4:
0x100: {  	v3 =	vshll.u32 v14, $0x3;
	v7 =	vadd.s32 s20, v0;
	v9 =	vadd.s32 s22, v0;
	v4 =	vld.idx.msk [tilespmem:v11+s11+$0x0], $0xffff;
	(pc) =	sbr.rel @p0 .LBB2_10-.Ltmp4, $4  }
0x101: {  	v6 =	vadd.s32 s21, v0;
	v11 =	vshll.u32 v15, $0x3;
	v16 =	vadd.s32 v1, v3;
	v3 =	vld.idx.msk [tilespmem:v10+s11+$0x0], $0xffff  }
0x102: {  	v10 =	vshll.u32 v12, $0x3;
	v13 =	vadd.s32 v1, v11;
	v14 =	vld.idx.msk [tilespmem:v17+s2+$0x0], $0xffff  }
0x103: {  	v11 =	vadd.s32 v1, v10;
	v10 =	vshll.u32 v18, $0x3;
	v15 =	vld.idx.msk [tilespmem:v19+s2+$0x0], $0xffff  }
0x104: {  	s19 =	sadd.s32 $0xE0, s19;
	v10 =	vadd.s32 v1, v10;
	v12 =	vld.idx.msk [tilespmem:v21+s2+$0x0], $0xffff;
	[tilespmem:v22+s15+$0x0] =	vst.idx.msk $0xffff, v20  }
0x105: {  	_ =	sdelay $0x3  }
0x106: {  	v2 =	vld.idx.msk [tilespmem:v8+s2+$0x0], $0xffff;
	_ =	sdelay $0x1  }
0x107: {  	s17 =	sadd.s32 $0x1000, s17;
	v8 =	vshll.u32 v14, $0x3  }
0x108: {  	s18 =	sadd.s32 $0xFFFFFC00, s17;
	v14 =	vshll.u32 v15, $0x3;
	v8 =	vadd.s32 v1, v8  }
0x109: {  	v13 =	vld.idx.msk [tilespmem:v13+s11+$0x0], $0xffff;
	s19 =	sadd.s32 $0xFFFFF400, s17;
	v17 =	vadd.s32 s18, v0;
	v12 =	vshll.u32 v12, $0x3;
	v14 =	vadd.s32 v1, v14  }
0x10a: {  	[tilespmem:v9+s15+$0x0] =	vst.idx.msk $0xffff, v5;
	v5 =	vld.idx.msk [tilespmem:v11+s11+$0x0], $0xffff;
	v9 =	vadd.s32 s19, v0;
	v12 =	vadd.s32 v1, v12;
	v2 =	vshll.u32 v2, $0x3  }
0x10b: {  	s26 =	sadd.s32 $0xFFFFF800, s17;
	v15 =	vld.idx.msk [tilespmem:v16+s11+$0x0], $0xffff;
	v16 =	vadd.s32 s17, v0;
	v1 =	vadd.s32 v1, v2  }
0x10c: {  	[tilespmem:v7+s15+$0x0] =	vst.idx.msk $0xffff, v4;
	v4 =	vadd.s32 s26, v0;
	s17 =	sadd.s32 $0x1000, s17;
	v2 =	vld.idx.msk [tilespmem:v10+s11+$0x0], $0xffff  }
0x10d: {  	[tilespmem:v6+s15+$0x0] =	vst.idx.msk $0xffff, v3;
	s28 =	sadd.s32 $0xFFFFFC00, s17;
	v6 =	vadd.s32 s17, v0;
	v3 =	vld.idx.msk [tilespmem:v8+s11+$0x0], $0xffff  }
0x10e: {  	s29 =	sadd.s32 $0xFFFFF400, s17;
	[tilespmem:v17+s15+$0x0] =	vst.idx.msk $0xffff, v13;
	v8 =	vadd.s32 s28, v0;
	v7 =	vld.idx.msk [tilespmem:v14+s11+$0x0], $0xffff  }
0x10f: {  	s17 =	sadd.s32 $0xFFFFF800, s17;
	v11 =	vadd.s32 s29, v0;
	[tilespmem:v9+s15+$0x0] =	vst.idx.msk $0xffff, v5;
	v10 =	vld.idx.msk [tilespmem:v12+s11+$0x0], $0xffff  }
0x110: {  	[tilespmem:v16+s15+$0x0] =	vst.idx.msk $0xffff, v15;
	v0 =	vadd.s32 s17, v0;
	v1 =	vld.idx.msk [tilespmem:v1+s11+$0x0], $0xffff  }
0x111: {  	[tilespmem:v4+s15+$0x0] =	vst.idx.msk $0xffff, v2  }
0x112: {  	[tilespmem:v6+s15+$0x0] =	vst.idx.msk $0xffff, v3  }
0x113: {  	[tilespmem:v8+s15+$0x0] =	vst.idx.msk $0xffff, v7  }
0x114: {  	[tilespmem:v11+s15+$0x0] =	vst.idx.msk $0xffff, v10  }
0x115: {  	[tilespmem:v0+s15+$0x0] =	vst.idx.msk $0xffff, v1  }
0x116: {  	v2 =	vld [tilespmem:$0xF60];
	_ =	sdelay $0x3  }
0x117: {  	s30 =	simm.s32 $0xA8  }
0x118: {  	s31 =	simm.s32 $0x70;
	v0 =	vadd.s32 s30, v2  }
0x119: {  	s19 =	simm.s32 $0x0;
	v3 =	vadd.s32 s31, v2  }
0x11a: {  	s20 =	simm.s32 $0x38;
	v4 =	vadd.s32 s19, v2  }
0x11b: {  	v5 =	vadd.s32 s20, v2  }
0x11c: {  	s21 =	simm.s32 $0x188;
	v1 =	vld [tilespmem:$0x12E0]  }
0x11d: {  	v6 =	vadd.s32 s21, v2;
	v0 =	vld.idx.msk [tilespmem:v0+s2+$0x0], $0xffff  }
0x11e: {  	s22 =	simm.s32 $0x150;
	v3 =	vld.idx.msk [tilespmem:v3+s2+$0x0], $0xffff  }
0x11f: {  	s23 =	simm.s32 $0xE0;
	v7 =	vadd.s32 s22, v2;
	v4 =	vld.idx.msk [tilespmem:v4+s2+$0x0], $0xffff  }
0x120: {  	s24 =	simm.s32 $0x118;
	v8 =	vadd.s32 s23, v2;
	v5 =	vld.idx.msk [tilespmem:v5+s2+$0x0], $0xffff  }
0x121: {  	s25 =	simm.s32 $0x268;
	v9 =	vadd.s32 s24, v2  }
0x122: {  	v14 =	vadd.s32 s25, v2;
	v6 =	vld.idx.msk [tilespmem:v6+s2+$0x0], $0xffff;
	v10 =	vshll.u32 v0, $0x3  }
0x123: {  	v0 =	vld [tilespmem:$0x1120];
	v3 =	vshll.u32 v3, $0x3;
	v10 =	vadd.s32 v1, v10  }
0x124: {  	v11 =	vld.idx.msk [tilespmem:v7+s2+$0x0], $0xffff;
	v4 =	vshll.u32 v4, $0x3;
	v3 =	vadd.s32 v1, v3  }
0x125: {  	v12 =	vld.idx.msk [tilespmem:v8+s2+$0x0], $0xffff;
	v5 =	vshll.u32 v5, $0x3;
	v4 =	vadd.s32 v1, v4  }
0x126: {  	s26 =	simm.s32 $0x230;
	v17 =	vld.idx.msk [tilespmem:v9+s2+$0x0], $0xffff;
	v13 =	vadd.s32 v1, v5  }
0x127: {  	s17 =	simm.s32 $0xC00;
	s28 =	simm.s32 $0x1C0;
	v15 =	vadd.s32 s26, v2;
	v14 =	vld.idx.msk [tilespmem:v14+s2+$0x0], $0xffff  }
0x128: {  	s29 =	simm.s32 $0x1F8;
	s31 =	simm.s32 $0x800;
	v19 =	vadd.s32 s17, v0;
	v18 =	vld.idx.msk [tilespmem:v10+s11+$0x0], $0xffff;
	v10 =	vadd.s32 s28, v2  }
0x129: {  	s30 =	simm.s32 $0x0;
	v8 =	vadd.s32 s29, v2;
	v6 =	vshll.u32 v6, $0x3;
	v9 =	vadd.s32 s31, v0;
	v5 =	vld.idx.msk [tilespmem:v3+s11+$0x0], $0xffff  }
0x12a: {  	s20 =	simm.s32 $0x400;
	v11 =	vshll.u32 v11, $0x3;
	v16 =	vadd.s32 v1, v6;
	v7 =	vadd.s32 s30, v0;
	v4 =	vld.idx.msk [tilespmem:v4+s11+$0x0], $0xffff  }
0x12b: {  	v12 =	vshll.u32 v12, $0x3;
	v6 =	vadd.s32 s20, v0;
	v3 =	vld.idx.msk [tilespmem:v13+s11+$0x0], $0xffff;
	v13 =	vadd.s32 v1, v11  }
0x12c: {  	v15 =	vld.idx.msk [tilespmem:v15+s2+$0x0], $0xffff;
	v17 =	vshll.u32 v17, $0x3;
	v11 =	vadd.s32 v1, v12  }
0x12d: {  	s18 =	simm.s32 $0x8;
	s19 =	simm.s32 $0x348;
	v12 =	vld.idx.msk [tilespmem:v10+s2+$0x0], $0xffff;
	v10 =	vadd.s32 v1, v17;
	[tilespmem:v19+s15+$0x0] =	vst.idx.msk $0xffff, v18  }
.LBB2_12:
0x12e: {  	s20 =	sadd.s32 $0xFFFFFF90, s19;
	s21 =	sadd.s32 $0xFFFFFFC8, s19;
	v17 =	vadd.s32 s19, v2;
	s18 =	sadd.s32 $0x4, s18;
	v18 =	vld.idx.msk [tilespmem:v8+s2+$0x0], $0xffff;
	[tilespmem:v9+s15+$0x0] =	vst.idx.msk $0xffff, v5  }
0x12f: {  	s22 =	sadd.s32 $0xFFFFFF58, s19;
	s17 =	sadd.s32 $0x1000, s17;
	v8 =	vadd.s32 s20, v2;
	v19 =	vadd.s32 s21, v2;
	p0 =	slt.u32 s18, $0x3C;
	v20 =	vld.idx.msk [tilespmem:v16+s11+$0x0], $0xffff;
	[tilespmem:v7+s15+$0x0] =	vst.idx.msk $0xffff, v4  }
0x130: {  	v21 =	vadd.s32 s22, v2;
	s20 =	sadd.s32 $0xFFFFF400, s17;
	s21 =	sadd.s32 $0xFFFFF800, s17;
	s22 =	sadd.s32 $0xFFFFFC00, s17;
	v22 =	vadd.s32 s17, v0;
	v5 =	vld.idx.msk [tilespmem:v13+s11+$0x0], $0xffff;
	[tilespmem:v6+s15+$0x0] =	vst.idx.msk $0xffff, v3  }
.Ltmp5:
0x131: {  	v3 =	vshll.u32 v14, $0x3;
	v7 =	vadd.s32 s20, v0;
	v9 =	vadd.s32 s22, v0;
	v4 =	vld.idx.msk [tilespmem:v11+s11+$0x0], $0xffff;
	(pc) =	sbr.rel @p0 .LBB2_12-.Ltmp5, $4  }
0x132: {  	v6 =	vadd.s32 s21, v0;
	v11 =	vshll.u32 v15, $0x3;
	v16 =	vadd.s32 v1, v3;
	v3 =	vld.idx.msk [tilespmem:v10+s11+$0x0], $0xffff  }
0x133: {  	v10 =	vshll.u32 v12, $0x3;
	v13 =	vadd.s32 v1, v11;
	v14 =	vld.idx.msk [tilespmem:v17+s2+$0x0], $0xffff  }
0x134: {  	v11 =	vadd.s32 v1, v10;
	v10 =	vshll.u32 v18, $0x3;
	v15 =	vld.idx.msk [tilespmem:v19+s2+$0x0], $0xffff  }
0x135: {  	s19 =	sadd.s32 $0xE0, s19;
	v10 =	vadd.s32 v1, v10;
	v12 =	vld.idx.msk [tilespmem:v21+s2+$0x0], $0xffff;
	[tilespmem:v22+s15+$0x0] =	vst.idx.msk $0xffff, v20  }
0x136: {  	_ =	sdelay $0x3  }
0x137: {  	v2 =	vld.idx.msk [tilespmem:v8+s2+$0x0], $0xffff;
	_ =	sdelay $0x1  }
0x138: {  	s17 =	sadd.s32 $0x1000, s17;
	v8 =	vshll.u32 v14, $0x3  }
0x139: {  	s18 =	sadd.s32 $0xFFFFFC00, s17;
	v14 =	vshll.u32 v15, $0x3;
	v8 =	vadd.s32 v1, v8  }
0x13a: {  	v13 =	vld.idx.msk [tilespmem:v13+s11+$0x0], $0xffff;
	s19 =	sadd.s32 $0xFFFFF400, s17;
	v17 =	vadd.s32 s18, v0;
	v12 =	vshll.u32 v12, $0x3;
	v14 =	vadd.s32 v1, v14  }
0x13b: {  	[tilespmem:v9+s15+$0x0] =	vst.idx.msk $0xffff, v5;
	v5 =	vld.idx.msk [tilespmem:v11+s11+$0x0], $0xffff;
	v9 =	vadd.s32 s19, v0;
	v12 =	vadd.s32 v1, v12;
	v2 =	vshll.u32 v2, $0x3  }
0x13c: {  	s26 =	sadd.s32 $0xFFFFF800, s17;
	v15 =	vld.idx.msk [tilespmem:v16+s11+$0x0], $0xffff;
	v16 =	vadd.s32 s17, v0;
	v1 =	vadd.s32 v1, v2  }
0x13d: {  	[tilespmem:v7+s15+$0x0] =	vst.idx.msk $0xffff, v4;
	v4 =	vadd.s32 s26, v0;
	s17 =	sadd.s32 $0x1000, s17;
	v2 =	vld.idx.msk [tilespmem:v10+s11+$0x0], $0xffff  }
0x13e: {  	[tilespmem:v6+s15+$0x0] =	vst.idx.msk $0xffff, v3;
	s28 =	sadd.s32 $0xFFFFFC00, s17;
	v6 =	vadd.s32 s17, v0;
	v3 =	vld.idx.msk [tilespmem:v8+s11+$0x0], $0xffff  }
0x13f: {  	s29 =	sadd.s32 $0xFFFFF400, s17;
	[tilespmem:v17+s15+$0x0] =	vst.idx.msk $0xffff, v13;
	v8 =	vadd.s32 s28, v0;
	v7 =	vld.idx.msk [tilespmem:v14+s11+$0x0], $0xffff  }
0x140: {  	s17 =	sadd.s32 $0xFFFFF800, s17;
	v11 =	vadd.s32 s29, v0;
	[tilespmem:v9+s15+$0x0] =	vst.idx.msk $0xffff, v5;
	v10 =	vld.idx.msk [tilespmem:v12+s11+$0x0], $0xffff  }
0x141: {  	[tilespmem:v16+s15+$0x0] =	vst.idx.msk $0xffff, v15;
	v0 =	vadd.s32 s17, v0;
	v1 =	vld.idx.msk [tilespmem:v1+s11+$0x0], $0xffff  }
0x142: {  	[tilespmem:v4+s15+$0x0] =	vst.idx.msk $0xffff, v2  }
0x143: {  	[tilespmem:v6+s15+$0x0] =	vst.idx.msk $0xffff, v3  }
0x144: {  	[tilespmem:v8+s15+$0x0] =	vst.idx.msk $0xffff, v7  }
0x145: {  	[tilespmem:v11+s15+$0x0] =	vst.idx.msk $0xffff, v10  }
0x146: {  	[tilespmem:v0+s15+$0x0] =	vst.idx.msk $0xffff, v1  }
0x147: {  	v2 =	vld [tilespmem:$0xF70];
	_ =	sdelay $0x3  }
0x148: {  	s30 =	simm.s32 $0xA8  }
0x149: {  	s31 =	simm.s32 $0x70;
	v0 =	vadd.s32 s30, v2  }
0x14a: {  	s19 =	simm.s32 $0x0;
	v3 =	vadd.s32 s31, v2  }
0x14b: {  	s20 =	simm.s32 $0x38;
	v4 =	vadd.s32 s19, v2  }
0x14c: {  	v5 =	vadd.s32 s20, v2  }
0x14d: {  	s21 =	simm.s32 $0x188;
	v1 =	vld [tilespmem:$0x12F0]  }
0x14e: {  	v6 =	vadd.s32 s21, v2;
	v0 =	vld.idx.msk [tilespmem:v0+s2+$0x0], $0xffff  }
0x14f: {  	s22 =	simm.s32 $0x150;
	v3 =	vld.idx.msk [tilespmem:v3+s2+$0x0], $0xffff  }
0x150: {  	s23 =	simm.s32 $0xE0;
	v7 =	vadd.s32 s22, v2;
	v4 =	vld.idx.msk [tilespmem:v4+s2+$0x0], $0xffff  }
0x151: {  	s24 =	simm.s32 $0x118;
	v8 =	vadd.s32 s23, v2;
	v5 =	vld.idx.msk [tilespmem:v5+s2+$0x0], $0xffff  }
0x152: {  	s25 =	simm.s32 $0x268;
	v9 =	vadd.s32 s24, v2  }
0x153: {  	v14 =	vadd.s32 s25, v2;
	v6 =	vld.idx.msk [tilespmem:v6+s2+$0x0], $0xffff;
	v10 =	vshll.u32 v0, $0x3  }
0x154: {  	v0 =	vld [tilespmem:$0x1130];
	v3 =	vshll.u32 v3, $0x3;
	v10 =	vadd.s32 v1, v10  }
0x155: {  	v11 =	vld.idx.msk [tilespmem:v7+s2+$0x0], $0xffff;
	v4 =	vshll.u32 v4, $0x3;
	v3 =	vadd.s32 v1, v3  }
0x156: {  	v12 =	vld.idx.msk [tilespmem:v8+s2+$0x0], $0xffff;
	v5 =	vshll.u32 v5, $0x3;
	v4 =	vadd.s32 v1, v4  }
0x157: {  	s26 =	simm.s32 $0x230;
	v17 =	vld.idx.msk [tilespmem:v9+s2+$0x0], $0xffff;
	v13 =	vadd.s32 v1, v5  }
0x158: {  	s17 =	simm.s32 $0xC00;
	s28 =	simm.s32 $0x1C0;
	v15 =	vadd.s32 s26, v2;
	v14 =	vld.idx.msk [tilespmem:v14+s2+$0x0], $0xffff  }
0x159: {  	s29 =	simm.s32 $0x1F8;
	s31 =	simm.s32 $0x800;
	v19 =	vadd.s32 s17, v0;
	v18 =	vld.idx.msk [tilespmem:v10+s11+$0x0], $0xffff;
	v10 =	vadd.s32 s28, v2  }
0x15a: {  	s30 =	simm.s32 $0x0;
	v8 =	vadd.s32 s29, v2;
	v6 =	vshll.u32 v6, $0x3;
	v9 =	vadd.s32 s31, v0;
	v5 =	vld.idx.msk [tilespmem:v3+s11+$0x0], $0xffff  }
0x15b: {  	s20 =	simm.s32 $0x400;
	v11 =	vshll.u32 v11, $0x3;
	v16 =	vadd.s32 v1, v6;
	v7 =	vadd.s32 s30, v0;
	v4 =	vld.idx.msk [tilespmem:v4+s11+$0x0], $0xffff  }
0x15c: {  	v12 =	vshll.u32 v12, $0x3;
	v6 =	vadd.s32 s20, v0;
	v3 =	vld.idx.msk [tilespmem:v13+s11+$0x0], $0xffff;
	v13 =	vadd.s32 v1, v11  }
0x15d: {  	v15 =	vld.idx.msk [tilespmem:v15+s2+$0x0], $0xffff;
	v17 =	vshll.u32 v17, $0x3;
	v11 =	vadd.s32 v1, v12  }
0x15e: {  	s18 =	simm.s32 $0x8;
	s19 =	simm.s32 $0x348;
	v12 =	vld.idx.msk [tilespmem:v10+s2+$0x0], $0xffff;
	v10 =	vadd.s32 v1, v17;
	[tilespmem:v19+s15+$0x0] =	vst.idx.msk $0xffff, v18  }
.LBB2_14:
0x15f: {  	s20 =	sadd.s32 $0xFFFFFF90, s19;
	s21 =	sadd.s32 $0xFFFFFFC8, s19;
	v17 =	vadd.s32 s19, v2;
	s18 =	sadd.s32 $0x4, s18;
	v18 =	vld.idx.msk [tilespmem:v8+s2+$0x0], $0xffff;
	[tilespmem:v9+s15+$0x0] =	vst.idx.msk $0xffff, v5  }
0x160: {  	s22 =	sadd.s32 $0xFFFFFF58, s19;
	s17 =	sadd.s32 $0x1000, s17;
	v8 =	vadd.s32 s20, v2;
	v19 =	vadd.s32 s21, v2;
	p0 =	slt.u32 s18, $0x3C;
	v20 =	vld.idx.msk [tilespmem:v16+s11+$0x0], $0xffff;
	[tilespmem:v7+s15+$0x0] =	vst.idx.msk $0xffff, v4  }
0x161: {  	v21 =	vadd.s32 s22, v2;
	s20 =	sadd.s32 $0xFFFFF400, s17;
	s21 =	sadd.s32 $0xFFFFF800, s17;
	s22 =	sadd.s32 $0xFFFFFC00, s17;
	v22 =	vadd.s32 s17, v0;
	v5 =	vld.idx.msk [tilespmem:v13+s11+$0x0], $0xffff;
	[tilespmem:v6+s15+$0x0] =	vst.idx.msk $0xffff, v3  }
.Ltmp6:
0x162: {  	v3 =	vshll.u32 v14, $0x3;
	v7 =	vadd.s32 s20, v0;
	v9 =	vadd.s32 s22, v0;
	v4 =	vld.idx.msk [tilespmem:v11+s11+$0x0], $0xffff;
	(pc) =	sbr.rel @p0 .LBB2_14-.Ltmp6, $4  }
0x163: {  	v6 =	vadd.s32 s21, v0;
	v11 =	vshll.u32 v15, $0x3;
	v16 =	vadd.s32 v1, v3;
	v3 =	vld.idx.msk [tilespmem:v10+s11+$0x0], $0xffff  }
0x164: {  	v10 =	vshll.u32 v12, $0x3;
	v13 =	vadd.s32 v1, v11;
	v14 =	vld.idx.msk [tilespmem:v17+s2+$0x0], $0xffff  }
0x165: {  	v11 =	vadd.s32 v1, v10;
	v10 =	vshll.u32 v18, $0x3;
	v15 =	vld.idx.msk [tilespmem:v19+s2+$0x0], $0xffff  }
0x166: {  	s19 =	sadd.s32 $0xE0, s19;
	v10 =	vadd.s32 v1, v10;
	v12 =	vld.idx.msk [tilespmem:v21+s2+$0x0], $0xffff;
	[tilespmem:v22+s15+$0x0] =	vst.idx.msk $0xffff, v20  }
0x167: {  	_ =	sdelay $0x3  }
0x168: {  	v2 =	vld.idx.msk [tilespmem:v8+s2+$0x0], $0xffff;
	_ =	sdelay $0x1  }
0x169: {  	s17 =	sadd.s32 $0x1000, s17;
	v8 =	vshll.u32 v14, $0x3  }
0x16a: {  	s18 =	sadd.s32 $0xFFFFFC00, s17;
	v14 =	vshll.u32 v15, $0x3;
	v8 =	vadd.s32 v1, v8  }
0x16b: {  	v13 =	vld.idx.msk [tilespmem:v13+s11+$0x0], $0xffff;
	s19 =	sadd.s32 $0xFFFFF400, s17;
	v17 =	vadd.s32 s18, v0;
	v12 =	vshll.u32 v12, $0x3;
	v14 =	vadd.s32 v1, v14  }
0x16c: {  	[tilespmem:v9+s15+$0x0] =	vst.idx.msk $0xffff, v5;
	v5 =	vld.idx.msk [tilespmem:v11+s11+$0x0], $0xffff;
	v9 =	vadd.s32 s19, v0;
	v12 =	vadd.s32 v1, v12;
	v2 =	vshll.u32 v2, $0x3  }
0x16d: {  	s26 =	sadd.s32 $0xFFFFF800, s17;
	v15 =	vld.idx.msk [tilespmem:v16+s11+$0x0], $0xffff;
	v16 =	vadd.s32 s17, v0;
	v1 =	vadd.s32 v1, v2  }
0x16e: {  	[tilespmem:v7+s15+$0x0] =	vst.idx.msk $0xffff, v4;
	v4 =	vadd.s32 s26, v0;
	s17 =	sadd.s32 $0x1000, s17;
	v2 =	vld.idx.msk [tilespmem:v10+s11+$0x0], $0xffff  }
0x16f: {  	[tilespmem:v6+s15+$0x0] =	vst.idx.msk $0xffff, v3;
	s28 =	sadd.s32 $0xFFFFFC00, s17;
	v6 =	vadd.s32 s17, v0;
	v3 =	vld.idx.msk [tilespmem:v8+s11+$0x0], $0xffff  }
0x170: {  	s29 =	sadd.s32 $0xFFFFF400, s17;
	[tilespmem:v17+s15+$0x0] =	vst.idx.msk $0xffff, v13;
	v8 =	vadd.s32 s28, v0;
	v7 =	vld.idx.msk [tilespmem:v14+s11+$0x0], $0xffff  }
0x171: {  	s17 =	sadd.s32 $0xFFFFF800, s17;
	v11 =	vadd.s32 s29, v0;
	[tilespmem:v9+s15+$0x0] =	vst.idx.msk $0xffff, v5;
	v10 =	vld.idx.msk [tilespmem:v12+s11+$0x0], $0xffff  }
0x172: {  	[tilespmem:v16+s15+$0x0] =	vst.idx.msk $0xffff, v15;
	v0 =	vadd.s32 s17, v0;
	v1 =	vld.idx.msk [tilespmem:v1+s11+$0x0], $0xffff  }
0x173: {  	[tilespmem:v4+s15+$0x0] =	vst.idx.msk $0xffff, v2  }
0x174: {  	[tilespmem:v6+s15+$0x0] =	vst.idx.msk $0xffff, v3  }
0x175: {  	[tilespmem:v8+s15+$0x0] =	vst.idx.msk $0xffff, v7  }
0x176: {  	[tilespmem:v11+s15+$0x0] =	vst.idx.msk $0xffff, v10  }
0x177: {  	[tilespmem:v0+s15+$0x0] =	vst.idx.msk $0xffff, v1  }
0x178: {  	v2 =	vld [tilespmem:$0xF80];
	_ =	sdelay $0x3  }
0x179: {  	s30 =	simm.s32 $0xA8  }
0x17a: {  	s31 =	simm.s32 $0x70;
	v0 =	vadd.s32 s30, v2  }
0x17b: {  	s19 =	simm.s32 $0x0;
	v3 =	vadd.s32 s31, v2  }
0x17c: {  	s20 =	simm.s32 $0x38;
	v4 =	vadd.s32 s19, v2  }
0x17d: {  	v5 =	vadd.s32 s20, v2  }
0x17e: {  	s21 =	simm.s32 $0x188;
	v1 =	vld [tilespmem:$0x1290]  }
0x17f: {  	v6 =	vadd.s32 s21, v2;
	v0 =	vld.idx.msk [tilespmem:v0+s2+$0x0], $0xffff  }
0x180: {  	s22 =	simm.s32 $0x150;
	v3 =	vld.idx.msk [tilespmem:v3+s2+$0x0], $0xffff  }
0x181: {  	s23 =	simm.s32 $0xE0;
	v7 =	vadd.s32 s22, v2;
	v4 =	vld.idx.msk [tilespmem:v4+s2+$0x0], $0xffff  }
0x182: {  	s24 =	simm.s32 $0x118;
	v8 =	vadd.s32 s23, v2;
	v5 =	vld.idx.msk [tilespmem:v5+s2+$0x0], $0xffff  }
0x183: {  	s25 =	simm.s32 $0x268;
	v9 =	vadd.s32 s24, v2  }
0x184: {  	v14 =	vadd.s32 s25, v2;
	v6 =	vld.idx.msk [tilespmem:v6+s2+$0x0], $0xffff;
	v10 =	vshll.u32 v0, $0x3  }
0x185: {  	v0 =	vld [tilespmem:$0x1140];
	v3 =	vshll.u32 v3, $0x3;
	v10 =	vadd.s32 v1, v10  }
0x186: {  	v11 =	vld.idx.msk [tilespmem:v7+s2+$0x0], $0xffff;
	v4 =	vshll.u32 v4, $0x3;
	v3 =	vadd.s32 v1, v3  }
0x187: {  	v12 =	vld.idx.msk [tilespmem:v8+s2+$0x0], $0xffff;
	v5 =	vshll.u32 v5, $0x3;
	v4 =	vadd.s32 v1, v4  }
0x188: {  	s26 =	simm.s32 $0x230;
	v17 =	vld.idx.msk [tilespmem:v9+s2+$0x0], $0xffff;
	v13 =	vadd.s32 v1, v5  }
0x189: {  	s17 =	simm.s32 $0xC00;
	s28 =	simm.s32 $0x1C0;
	v15 =	vadd.s32 s26, v2;
	v14 =	vld.idx.msk [tilespmem:v14+s2+$0x0], $0xffff  }
0x18a: {  	s29 =	simm.s32 $0x1F8;
	s31 =	simm.s32 $0x800;
	v19 =	vadd.s32 s17, v0;
	v18 =	vld.idx.msk [tilespmem:v10+s11+$0x0], $0xffff;
	v10 =	vadd.s32 s28, v2  }
0x18b: {  	s30 =	simm.s32 $0x0;
	v8 =	vadd.s32 s29, v2;
	v6 =	vshll.u32 v6, $0x3;
	v9 =	vadd.s32 s31, v0;
	v5 =	vld.idx.msk [tilespmem:v3+s11+$0x0], $0xffff  }
0x18c: {  	s20 =	simm.s32 $0x400;
	v11 =	vshll.u32 v11, $0x3;
	v16 =	vadd.s32 v1, v6;
	v7 =	vadd.s32 s30, v0;
	v4 =	vld.idx.msk [tilespmem:v4+s11+$0x0], $0xffff  }
0x18d: {  	v12 =	vshll.u32 v12, $0x3;
	v6 =	vadd.s32 s20, v0;
	v3 =	vld.idx.msk [tilespmem:v13+s11+$0x0], $0xffff;
	v13 =	vadd.s32 v1, v11  }
0x18e: {  	v15 =	vld.idx.msk [tilespmem:v15+s2+$0x0], $0xffff;
	v17 =	vshll.u32 v17, $0x3;
	v11 =	vadd.s32 v1, v12  }
0x18f: {  	s18 =	simm.s32 $0x8;
	s19 =	simm.s32 $0x348;
	v12 =	vld.idx.msk [tilespmem:v10+s2+$0x0], $0xffff;
	v10 =	vadd.s32 v1, v17;
	[tilespmem:v19+s15+$0x0] =	vst.idx.msk $0xffff, v18  }
.LBB2_16:
0x190: {  	s20 =	sadd.s32 $0xFFFFFF90, s19;
	s21 =	sadd.s32 $0xFFFFFFC8, s19;
	v17 =	vadd.s32 s19, v2;
	s18 =	sadd.s32 $0x4, s18;
	v18 =	vld.idx.msk [tilespmem:v8+s2+$0x0], $0xffff;
	[tilespmem:v9+s15+$0x0] =	vst.idx.msk $0xffff, v5  }
0x191: {  	s22 =	sadd.s32 $0xFFFFFF58, s19;
	s17 =	sadd.s32 $0x1000, s17;
	v8 =	vadd.s32 s20, v2;
	v19 =	vadd.s32 s21, v2;
	p0 =	slt.u32 s18, $0x3C;
	v20 =	vld.idx.msk [tilespmem:v16+s11+$0x0], $0xffff;
	[tilespmem:v7+s15+$0x0] =	vst.idx.msk $0xffff, v4  }
0x192: {  	v21 =	vadd.s32 s22, v2;
	s20 =	sadd.s32 $0xFFFFF400, s17;
	s21 =	sadd.s32 $0xFFFFF800, s17;
	s22 =	sadd.s32 $0xFFFFFC00, s17;
	v22 =	vadd.s32 s17, v0;
	v5 =	vld.idx.msk [tilespmem:v13+s11+$0x0], $0xffff;
	[tilespmem:v6+s15+$0x0] =	vst.idx.msk $0xffff, v3  }
.Ltmp7:
0x193: {  	v3 =	vshll.u32 v14, $0x3;
	v7 =	vadd.s32 s20, v0;
	v9 =	vadd.s32 s22, v0;
	v4 =	vld.idx.msk [tilespmem:v11+s11+$0x0], $0xffff;
	(pc) =	sbr.rel @p0 .LBB2_16-.Ltmp7, $4  }
0x194: {  	v6 =	vadd.s32 s21, v0;
	v11 =	vshll.u32 v15, $0x3;
	v16 =	vadd.s32 v1, v3;
	v3 =	vld.idx.msk [tilespmem:v10+s11+$0x0], $0xffff  }
0x195: {  	v10 =	vshll.u32 v12, $0x3;
	v13 =	vadd.s32 v1, v11;
	v14 =	vld.idx.msk [tilespmem:v17+s2+$0x0], $0xffff  }
0x196: {  	v11 =	vadd.s32 v1, v10;
	v10 =	vshll.u32 v18, $0x3;
	v15 =	vld.idx.msk [tilespmem:v19+s2+$0x0], $0xffff  }
0x197: {  	s19 =	sadd.s32 $0xE0, s19;
	v10 =	vadd.s32 v1, v10;
	v12 =	vld.idx.msk [tilespmem:v21+s2+$0x0], $0xffff;
	[tilespmem:v22+s15+$0x0] =	vst.idx.msk $0xffff, v20  }
0x198: {  	_ =	sdelay $0x3  }
0x199: {  	v2 =	vld.idx.msk [tilespmem:v8+s2+$0x0], $0xffff;
	_ =	sdelay $0x1  }
0x19a: {  	s17 =	sadd.s32 $0x1000, s17;
	v8 =	vshll.u32 v14, $0x3  }
0x19b: {  	s18 =	sadd.s32 $0xFFFFFC00, s17;
	v14 =	vshll.u32 v15, $0x3;
	v8 =	vadd.s32 v1, v8  }
0x19c: {  	v13 =	vld.idx.msk [tilespmem:v13+s11+$0x0], $0xffff;
	s19 =	sadd.s32 $0xFFFFF400, s17;
	v17 =	vadd.s32 s18, v0;
	v12 =	vshll.u32 v12, $0x3;
	v14 =	vadd.s32 v1, v14  }
0x19d: {  	[tilespmem:v9+s15+$0x0] =	vst.idx.msk $0xffff, v5;
	v5 =	vld.idx.msk [tilespmem:v11+s11+$0x0], $0xffff;
	v9 =	vadd.s32 s19, v0;
	v12 =	vadd.s32 v1, v12;
	v2 =	vshll.u32 v2, $0x3  }
0x19e: {  	s26 =	sadd.s32 $0xFFFFF800, s17;
	v15 =	vld.idx.msk [tilespmem:v16+s11+$0x0], $0xffff;
	v16 =	vadd.s32 s17, v0;
	v1 =	vadd.s32 v1, v2  }
0x19f: {  	[tilespmem:v7+s15+$0x0] =	vst.idx.msk $0xffff, v4;
	v4 =	vadd.s32 s26, v0;
	s17 =	sadd.s32 $0x1000, s17;
	v2 =	vld.idx.msk [tilespmem:v10+s11+$0x0], $0xffff  }
0x1a0: {  	[tilespmem:v6+s15+$0x0] =	vst.idx.msk $0xffff, v3;
	s28 =	sadd.s32 $0xFFFFFC00, s17;
	v6 =	vadd.s32 s17, v0;
	v3 =	vld.idx.msk [tilespmem:v8+s11+$0x0], $0xffff  }
0x1a1: {  	s29 =	sadd.s32 $0xFFFFF400, s17;
	[tilespmem:v17+s15+$0x0] =	vst.idx.msk $0xffff, v13;
	v8 =	vadd.s32 s28, v0;
	v7 =	vld.idx.msk [tilespmem:v14+s11+$0x0], $0xffff  }
0x1a2: {  	s17 =	sadd.s32 $0xFFFFF800, s17;
	v11 =	vadd.s32 s29, v0;
	[tilespmem:v9+s15+$0x0] =	vst.idx.msk $0xffff, v5;
	v10 =	vld.idx.msk [tilespmem:v12+s11+$0x0], $0xffff  }
0x1a3: {  	[tilespmem:v16+s15+$0x0] =	vst.idx.msk $0xffff, v15;
	v0 =	vadd.s32 s17, v0;
	v1 =	vld.idx.msk [tilespmem:v1+s11+$0x0], $0xffff  }
0x1a4: {  	[tilespmem:v4+s15+$0x0] =	vst.idx.msk $0xffff, v2  }
0x1a5: {  	[tilespmem:v6+s15+$0x0] =	vst.idx.msk $0xffff, v3  }
0x1a6: {  	[tilespmem:v8+s15+$0x0] =	vst.idx.msk $0xffff, v7  }
0x1a7: {  	[tilespmem:v11+s15+$0x0] =	vst.idx.msk $0xffff, v10  }
0x1a8: {  	[tilespmem:v0+s15+$0x0] =	vst.idx.msk $0xffff, v1  }
0x1a9: {  	v2 =	vld [tilespmem:$0xF90];
	_ =	sdelay $0x3  }
0x1aa: {  	s30 =	simm.s32 $0xA8  }
0x1ab: {  	s31 =	simm.s32 $0x70;
	v0 =	vadd.s32 s30, v2  }
0x1ac: {  	s19 =	simm.s32 $0x0;
	v3 =	vadd.s32 s31, v2  }
0x1ad: {  	s20 =	simm.s32 $0x38;
	v4 =	vadd.s32 s19, v2  }
0x1ae: {  	v5 =	vadd.s32 s20, v2  }
0x1af: {  	s21 =	simm.s32 $0x188;
	v1 =	vld [tilespmem:$0x12A0]  }
0x1b0: {  	v6 =	vadd.s32 s21, v2;
	v0 =	vld.idx.msk [tilespmem:v0+s2+$0x0], $0xffff  }
0x1b1: {  	s22 =	simm.s32 $0x150;
	v3 =	vld.idx.msk [tilespmem:v3+s2+$0x0], $0xffff  }
0x1b2: {  	s23 =	simm.s32 $0xE0;
	v7 =	vadd.s32 s22, v2;
	v4 =	vld.idx.msk [tilespmem:v4+s2+$0x0], $0xffff  }
0x1b3: {  	s24 =	simm.s32 $0x118;
	v8 =	vadd.s32 s23, v2;
	v5 =	vld.idx.msk [tilespmem:v5+s2+$0x0], $0xffff  }
0x1b4: {  	s25 =	simm.s32 $0x268;
	v9 =	vadd.s32 s24, v2  }
0x1b5: {  	v14 =	vadd.s32 s25, v2;
	v6 =	vld.idx.msk [tilespmem:v6+s2+$0x0], $0xffff;
	v10 =	vshll.u32 v0, $0x3  }
0x1b6: {  	v0 =	vld [tilespmem:$0x1150];
	v3 =	vshll.u32 v3, $0x3;
	v10 =	vadd.s32 v1, v10  }
0x1b7: {  	v11 =	vld.idx.msk [tilespmem:v7+s2+$0x0], $0xffff;
	v4 =	vshll.u32 v4, $0x3;
	v3 =	vadd.s32 v1, v3  }
0x1b8: {  	v12 =	vld.idx.msk [tilespmem:v8+s2+$0x0], $0xffff;
	v5 =	vshll.u32 v5, $0x3;
	v4 =	vadd.s32 v1, v4  }
0x1b9: {  	s26 =	simm.s32 $0x230;
	v17 =	vld.idx.msk [tilespmem:v9+s2+$0x0], $0xffff;
	v13 =	vadd.s32 v1, v5  }
0x1ba: {  	s17 =	simm.s32 $0xC00;
	s28 =	simm.s32 $0x1C0;
	v15 =	vadd.s32 s26, v2;
	v14 =	vld.idx.msk [tilespmem:v14+s2+$0x0], $0xffff  }
0x1bb: {  	s29 =	simm.s32 $0x1F8;
	s31 =	simm.s32 $0x800;
	v19 =	vadd.s32 s17, v0;
	v18 =	vld.idx.msk [tilespmem:v10+s11+$0x0], $0xffff;
	v10 =	vadd.s32 s28, v2  }
0x1bc: {  	s30 =	simm.s32 $0x0;
	v8 =	vadd.s32 s29, v2;
	v6 =	vshll.u32 v6, $0x3;
	v9 =	vadd.s32 s31, v0;
	v5 =	vld.idx.msk [tilespmem:v3+s11+$0x0], $0xffff  }
0x1bd: {  	s20 =	simm.s32 $0x400;
	v11 =	vshll.u32 v11, $0x3;
	v16 =	vadd.s32 v1, v6;
	v7 =	vadd.s32 s30, v0;
	v4 =	vld.idx.msk [tilespmem:v4+s11+$0x0], $0xffff  }
0x1be: {  	v12 =	vshll.u32 v12, $0x3;
	v6 =	vadd.s32 s20, v0;
	v3 =	vld.idx.msk [tilespmem:v13+s11+$0x0], $0xffff;
	v13 =	vadd.s32 v1, v11  }
0x1bf: {  	v15 =	vld.idx.msk [tilespmem:v15+s2+$0x0], $0xffff;
	v17 =	vshll.u32 v17, $0x3;
	v11 =	vadd.s32 v1, v12  }
0x1c0: {  	s18 =	simm.s32 $0x8;
	s19 =	simm.s32 $0x348;
	v12 =	vld.idx.msk [tilespmem:v10+s2+$0x0], $0xffff;
	v10 =	vadd.s32 v1, v17;
	[tilespmem:v19+s15+$0x0] =	vst.idx.msk $0xffff, v18  }
.LBB2_18:
0x1c1: {  	s20 =	sadd.s32 $0xFFFFFF90, s19;
	s21 =	sadd.s32 $0xFFFFFFC8, s19;
	v17 =	vadd.s32 s19, v2;
	s18 =	sadd.s32 $0x4, s18;
	v18 =	vld.idx.msk [tilespmem:v8+s2+$0x0], $0xffff;
	[tilespmem:v9+s15+$0x0] =	vst.idx.msk $0xffff, v5  }
0x1c2: {  	s22 =	sadd.s32 $0xFFFFFF58, s19;
	s17 =	sadd.s32 $0x1000, s17;
	v8 =	vadd.s32 s20, v2;
	v19 =	vadd.s32 s21, v2;
	p0 =	slt.u32 s18, $0x3C;
	v20 =	vld.idx.msk [tilespmem:v16+s11+$0x0], $0xffff;
	[tilespmem:v7+s15+$0x0] =	vst.idx.msk $0xffff, v4  }
0x1c3: {  	v21 =	vadd.s32 s22, v2;
	s20 =	sadd.s32 $0xFFFFF400, s17;
	s21 =	sadd.s32 $0xFFFFF800, s17;
	s22 =	sadd.s32 $0xFFFFFC00, s17;
	v22 =	vadd.s32 s17, v0;
	v5 =	vld.idx.msk [tilespmem:v13+s11+$0x0], $0xffff;
	[tilespmem:v6+s15+$0x0] =	vst.idx.msk $0xffff, v3  }
.Ltmp8:
0x1c4: {  	v3 =	vshll.u32 v14, $0x3;
	v7 =	vadd.s32 s20, v0;
	v9 =	vadd.s32 s22, v0;
	v4 =	vld.idx.msk [tilespmem:v11+s11+$0x0], $0xffff;
	(pc) =	sbr.rel @p0 .LBB2_18-.Ltmp8, $4  }
0x1c5: {  	v6 =	vadd.s32 s21, v0;
	v11 =	vshll.u32 v15, $0x3;
	v16 =	vadd.s32 v1, v3;
	v3 =	vld.idx.msk [tilespmem:v10+s11+$0x0], $0xffff  }
0x1c6: {  	v10 =	vshll.u32 v12, $0x3;
	v13 =	vadd.s32 v1, v11;
	v14 =	vld.idx.msk [tilespmem:v17+s2+$0x0], $0xffff  }
0x1c7: {  	v11 =	vadd.s32 v1, v10;
	v10 =	vshll.u32 v18, $0x3;
	v15 =	vld.idx.msk [tilespmem:v19+s2+$0x0], $0xffff  }
0x1c8: {  	s19 =	sadd.s32 $0xE0, s19;
	v10 =	vadd.s32 v1, v10;
	v12 =	vld.idx.msk [tilespmem:v21+s2+$0x0], $0xffff;
	[tilespmem:v22+s15+$0x0] =	vst.idx.msk $0xffff, v20  }
0x1c9: {  	_ =	sdelay $0x3  }
0x1ca: {  	v2 =	vld.idx.msk [tilespmem:v8+s2+$0x0], $0xffff;
	_ =	sdelay $0x1  }
0x1cb: {  	s17 =	sadd.s32 $0x1000, s17;
	v8 =	vshll.u32 v14, $0x3  }
0x1cc: {  	s18 =	sadd.s32 $0xFFFFFC00, s17;
	v14 =	vshll.u32 v15, $0x3;
	v8 =	vadd.s32 v1, v8  }
0x1cd: {  	v13 =	vld.idx.msk [tilespmem:v13+s11+$0x0], $0xffff;
	s19 =	sadd.s32 $0xFFFFF400, s17;
	v17 =	vadd.s32 s18, v0;
	v12 =	vshll.u32 v12, $0x3;
	v14 =	vadd.s32 v1, v14  }
0x1ce: {  	[tilespmem:v9+s15+$0x0] =	vst.idx.msk $0xffff, v5;
	v5 =	vld.idx.msk [tilespmem:v11+s11+$0x0], $0xffff;
	v9 =	vadd.s32 s19, v0;
	v12 =	vadd.s32 v1, v12;
	v2 =	vshll.u32 v2, $0x3  }
0x1cf: {  	s26 =	sadd.s32 $0xFFFFF800, s17;
	v15 =	vld.idx.msk [tilespmem:v16+s11+$0x0], $0xffff;
	v16 =	vadd.s32 s17, v0;
	v1 =	vadd.s32 v1, v2  }
0x1d0: {  	[tilespmem:v7+s15+$0x0] =	vst.idx.msk $0xffff, v4;
	v4 =	vadd.s32 s26, v0;
	s17 =	sadd.s32 $0x1000, s17;
	v2 =	vld.idx.msk [tilespmem:v10+s11+$0x0], $0xffff  }
0x1d1: {  	[tilespmem:v6+s15+$0x0] =	vst.idx.msk $0xffff, v3;
	s28 =	sadd.s32 $0xFFFFFC00, s17;
	v6 =	vadd.s32 s17, v0;
	v3 =	vld.idx.msk [tilespmem:v8+s11+$0x0], $0xffff  }
0x1d2: {  	s29 =	sadd.s32 $0xFFFFF400, s17;
	[tilespmem:v17+s15+$0x0] =	vst.idx.msk $0xffff, v13;
	v8 =	vadd.s32 s28, v0;
	v7 =	vld.idx.msk [tilespmem:v14+s11+$0x0], $0xffff  }
0x1d3: {  	s17 =	sadd.s32 $0xFFFFF800, s17;
	v11 =	vadd.s32 s29, v0;
	[tilespmem:v9+s15+$0x0] =	vst.idx.msk $0xffff, v5;
	v10 =	vld.idx.msk [tilespmem:v12+s11+$0x0], $0xffff  }
0x1d4: {  	[tilespmem:v16+s15+$0x0] =	vst.idx.msk $0xffff, v15;
	v0 =	vadd.s32 s17, v0;
	v1 =	vld.idx.msk [tilespmem:v1+s11+$0x0], $0xffff  }
0x1d5: {  	[tilespmem:v4+s15+$0x0] =	vst.idx.msk $0xffff, v2  }
0x1d6: {  	[tilespmem:v6+s15+$0x0] =	vst.idx.msk $0xffff, v3  }
0x1d7: {  	[tilespmem:v8+s15+$0x0] =	vst.idx.msk $0xffff, v7  }
0x1d8: {  	[tilespmem:v11+s15+$0x0] =	vst.idx.msk $0xffff, v10  }
0x1d9: {  	[tilespmem:v0+s15+$0x0] =	vst.idx.msk $0xffff, v1  }
0x1da: {  	v2 =	vld [tilespmem:$0xFA0];
	_ =	sdelay $0x3  }
0x1db: {  	s30 =	simm.s32 $0xA8  }
0x1dc: {  	s31 =	simm.s32 $0x70;
	v0 =	vadd.s32 s30, v2  }
0x1dd: {  	s19 =	simm.s32 $0x0;
	v3 =	vadd.s32 s31, v2  }
0x1de: {  	s20 =	simm.s32 $0x38;
	v4 =	vadd.s32 s19, v2  }
0x1df: {  	v5 =	vadd.s32 s20, v2  }
0x1e0: {  	s21 =	simm.s32 $0x188;
	v1 =	vld [tilespmem:$0x12B0]  }
0x1e1: {  	v6 =	vadd.s32 s21, v2;
	v0 =	vld.idx.msk [tilespmem:v0+s2+$0x0], $0xffff  }
0x1e2: {  	s22 =	simm.s32 $0x150;
	v3 =	vld.idx.msk [tilespmem:v3+s2+$0x0], $0xffff  }
0x1e3: {  	s23 =	simm.s32 $0xE0;
	v7 =	vadd.s32 s22, v2;
	v4 =	vld.idx.msk [tilespmem:v4+s2+$0x0], $0xffff  }
0x1e4: {  	s24 =	simm.s32 $0x118;
	v8 =	vadd.s32 s23, v2;
	v5 =	vld.idx.msk [tilespmem:v5+s2+$0x0], $0xffff  }
0x1e5: {  	s25 =	simm.s32 $0x268;
	v9 =	vadd.s32 s24, v2  }
0x1e6: {  	v14 =	vadd.s32 s25, v2;
	v6 =	vld.idx.msk [tilespmem:v6+s2+$0x0], $0xffff;
	v10 =	vshll.u32 v0, $0x3  }
0x1e7: {  	v0 =	vld [tilespmem:$0x1160];
	v3 =	vshll.u32 v3, $0x3;
	v10 =	vadd.s32 v1, v10  }
0x1e8: {  	v11 =	vld.idx.msk [tilespmem:v7+s2+$0x0], $0xffff;
	v4 =	vshll.u32 v4, $0x3;
	v3 =	vadd.s32 v1, v3  }
0x1e9: {  	v12 =	vld.idx.msk [tilespmem:v8+s2+$0x0], $0xffff;
	v5 =	vshll.u32 v5, $0x3;
	v4 =	vadd.s32 v1, v4  }
0x1ea: {  	s26 =	simm.s32 $0x230;
	v17 =	vld.idx.msk [tilespmem:v9+s2+$0x0], $0xffff;
	v13 =	vadd.s32 v1, v5  }
0x1eb: {  	s17 =	simm.s32 $0xC00;
	s28 =	simm.s32 $0x1C0;
	v15 =	vadd.s32 s26, v2;
	v14 =	vld.idx.msk [tilespmem:v14+s2+$0x0], $0xffff  }
0x1ec: {  	s29 =	simm.s32 $0x1F8;
	s31 =	simm.s32 $0x800;
	v19 =	vadd.s32 s17, v0;
	v18 =	vld.idx.msk [tilespmem:v10+s11+$0x0], $0xffff;
	v10 =	vadd.s32 s28, v2  }
0x1ed: {  	s30 =	simm.s32 $0x0;
	v8 =	vadd.s32 s29, v2;
	v6 =	vshll.u32 v6, $0x3;
	v9 =	vadd.s32 s31, v0;
	v5 =	vld.idx.msk [tilespmem:v3+s11+$0x0], $0xffff  }
0x1ee: {  	s20 =	simm.s32 $0x400;
	v11 =	vshll.u32 v11, $0x3;
	v16 =	vadd.s32 v1, v6;
	v7 =	vadd.s32 s30, v0;
	v4 =	vld.idx.msk [tilespmem:v4+s11+$0x0], $0xffff  }
0x1ef: {  	v12 =	vshll.u32 v12, $0x3;
	v6 =	vadd.s32 s20, v0;
	v3 =	vld.idx.msk [tilespmem:v13+s11+$0x0], $0xffff;
	v13 =	vadd.s32 v1, v11  }
0x1f0: {  	v15 =	vld.idx.msk [tilespmem:v15+s2+$0x0], $0xffff;
	v17 =	vshll.u32 v17, $0x3;
	v11 =	vadd.s32 v1, v12  }
0x1f1: {  	s18 =	simm.s32 $0x8;
	s19 =	simm.s32 $0x348;
	v12 =	vld.idx.msk [tilespmem:v10+s2+$0x0], $0xffff;
	v10 =	vadd.s32 v1, v17;
	[tilespmem:v19+s15+$0x0] =	vst.idx.msk $0xffff, v18  }
.LBB2_20:
0x1f2: {  	s20 =	sadd.s32 $0xFFFFFF90, s19;
	s21 =	sadd.s32 $0xFFFFFFC8, s19;
	v17 =	vadd.s32 s19, v2;
	s18 =	sadd.s32 $0x4, s18;
	v18 =	vld.idx.msk [tilespmem:v8+s2+$0x0], $0xffff;
	[tilespmem:v9+s15+$0x0] =	vst.idx.msk $0xffff, v5  }
0x1f3: {  	s22 =	sadd.s32 $0xFFFFFF58, s19;
	s17 =	sadd.s32 $0x1000, s17;
	v8 =	vadd.s32 s20, v2;
	v19 =	vadd.s32 s21, v2;
	p0 =	slt.u32 s18, $0x3C;
	v20 =	vld.idx.msk [tilespmem:v16+s11+$0x0], $0xffff;
	[tilespmem:v7+s15+$0x0] =	vst.idx.msk $0xffff, v4  }
0x1f4: {  	v21 =	vadd.s32 s22, v2;
	s20 =	sadd.s32 $0xFFFFF400, s17;
	s21 =	sadd.s32 $0xFFFFF800, s17;
	s22 =	sadd.s32 $0xFFFFFC00, s17;
	v22 =	vadd.s32 s17, v0;
	v5 =	vld.idx.msk [tilespmem:v13+s11+$0x0], $0xffff;
	[tilespmem:v6+s15+$0x0] =	vst.idx.msk $0xffff, v3  }
.Ltmp9:
0x1f5: {  	v3 =	vshll.u32 v14, $0x3;
	v7 =	vadd.s32 s20, v0;
	v9 =	vadd.s32 s22, v0;
	v4 =	vld.idx.msk [tilespmem:v11+s11+$0x0], $0xffff;
	(pc) =	sbr.rel @p0 .LBB2_20-.Ltmp9, $4  }
0x1f6: {  	v6 =	vadd.s32 s21, v0;
	v11 =	vshll.u32 v15, $0x3;
	v16 =	vadd.s32 v1, v3;
	v3 =	vld.idx.msk [tilespmem:v10+s11+$0x0], $0xffff  }
0x1f7: {  	v10 =	vshll.u32 v12, $0x3;
	v13 =	vadd.s32 v1, v11;
	v14 =	vld.idx.msk [tilespmem:v17+s2+$0x0], $0xffff  }
0x1f8: {  	v11 =	vadd.s32 v1, v10;
	v10 =	vshll.u32 v18, $0x3;
	v15 =	vld.idx.msk [tilespmem:v19+s2+$0x0], $0xffff  }
0x1f9: {  	s19 =	sadd.s32 $0xE0, s19;
	v10 =	vadd.s32 v1, v10;
	v12 =	vld.idx.msk [tilespmem:v21+s2+$0x0], $0xffff;
	[tilespmem:v22+s15+$0x0] =	vst.idx.msk $0xffff, v20  }
0x1fa: {  	_ =	sdelay $0x3  }
0x1fb: {  	v2 =	vld.idx.msk [tilespmem:v8+s2+$0x0], $0xffff;
	_ =	sdelay $0x1  }
0x1fc: {  	s17 =	sadd.s32 $0x1000, s17;
	v8 =	vshll.u32 v14, $0x3  }
0x1fd: {  	s18 =	sadd.s32 $0xFFFFFC00, s17;
	v14 =	vshll.u32 v15, $0x3;
	v8 =	vadd.s32 v1, v8  }
0x1fe: {  	v13 =	vld.idx.msk [tilespmem:v13+s11+$0x0], $0xffff;
	s19 =	sadd.s32 $0xFFFFF400, s17;
	v17 =	vadd.s32 s18, v0;
	v12 =	vshll.u32 v12, $0x3;
	v14 =	vadd.s32 v1, v14  }
0x1ff: {  	[tilespmem:v9+s15+$0x0] =	vst.idx.msk $0xffff, v5;
	v5 =	vld.idx.msk [tilespmem:v11+s11+$0x0], $0xffff;
	v9 =	vadd.s32 s19, v0;
	v12 =	vadd.s32 v1, v12;
	v2 =	vshll.u32 v2, $0x3  }
0x200: {  	s26 =	sadd.s32 $0xFFFFF800, s17;
	v15 =	vld.idx.msk [tilespmem:v16+s11+$0x0], $0xffff;
	v16 =	vadd.s32 s17, v0;
	v1 =	vadd.s32 v1, v2  }
0x201: {  	[tilespmem:v7+s15+$0x0] =	vst.idx.msk $0xffff, v4;
	v4 =	vadd.s32 s26, v0;
	s17 =	sadd.s32 $0x1000, s17;
	v2 =	vld.idx.msk [tilespmem:v10+s11+$0x0], $0xffff  }
0x202: {  	[tilespmem:v6+s15+$0x0] =	vst.idx.msk $0xffff, v3;
	s28 =	sadd.s32 $0xFFFFFC00, s17;
	v6 =	vadd.s32 s17, v0;
	v3 =	vld.idx.msk [tilespmem:v8+s11+$0x0], $0xffff  }
0x203: {  	s29 =	sadd.s32 $0xFFFFF400, s17;
	[tilespmem:v17+s15+$0x0] =	vst.idx.msk $0xffff, v13;
	v8 =	vadd.s32 s28, v0;
	v7 =	vld.idx.msk [tilespmem:v14+s11+$0x0], $0xffff  }
0x204: {  	s17 =	sadd.s32 $0xFFFFF800, s17;
	v11 =	vadd.s32 s29, v0;
	[tilespmem:v9+s15+$0x0] =	vst.idx.msk $0xffff, v5;
	v10 =	vld.idx.msk [tilespmem:v12+s11+$0x0], $0xffff  }
0x205: {  	[tilespmem:v16+s15+$0x0] =	vst.idx.msk $0xffff, v15;
	v0 =	vadd.s32 s17, v0;
	v1 =	vld.idx.msk [tilespmem:v1+s11+$0x0], $0xffff  }
0x206: {  	[tilespmem:v4+s15+$0x0] =	vst.idx.msk $0xffff, v2  }
0x207: {  	[tilespmem:v6+s15+$0x0] =	vst.idx.msk $0xffff, v3  }
0x208: {  	[tilespmem:v8+s15+$0x0] =	vst.idx.msk $0xffff, v7  }
0x209: {  	[tilespmem:v11+s15+$0x0] =	vst.idx.msk $0xffff, v10  }
0x20a: {  	[tilespmem:v0+s15+$0x0] =	vst.idx.msk $0xffff, v1  }
0x20b: {  	v2 =	vld [tilespmem:$0xFB0];
	_ =	sdelay $0x3  }
0x20c: {  	s30 =	simm.s32 $0xA8  }
0x20d: {  	s31 =	simm.s32 $0x70;
	v0 =	vadd.s32 s30, v2  }
0x20e: {  	s19 =	simm.s32 $0x0;
	v3 =	vadd.s32 s31, v2  }
0x20f: {  	s20 =	simm.s32 $0x38;
	v4 =	vadd.s32 s19, v2  }
0x210: {  	v5 =	vadd.s32 s20, v2  }
0x211: {  	s21 =	simm.s32 $0x188;
	v1 =	vld [tilespmem:$0x12C0]  }
0x212: {  	v6 =	vadd.s32 s21, v2;
	v0 =	vld.idx.msk [tilespmem:v0+s2+$0x0], $0xffff  }
0x213: {  	s22 =	simm.s32 $0x150;
	v3 =	vld.idx.msk [tilespmem:v3+s2+$0x0], $0xffff  }
0x214: {  	s23 =	simm.s32 $0xE0;
	v7 =	vadd.s32 s22, v2;
	v4 =	vld.idx.msk [tilespmem:v4+s2+$0x0], $0xffff  }
0x215: {  	s24 =	simm.s32 $0x118;
	v8 =	vadd.s32 s23, v2;
	v5 =	vld.idx.msk [tilespmem:v5+s2+$0x0], $0xffff  }
0x216: {  	s25 =	simm.s32 $0x268;
	v9 =	vadd.s32 s24, v2  }
0x217: {  	v14 =	vadd.s32 s25, v2;
	v6 =	vld.idx.msk [tilespmem:v6+s2+$0x0], $0xffff;
	v10 =	vshll.u32 v0, $0x3  }
0x218: {  	v0 =	vld [tilespmem:$0x1170];
	v3 =	vshll.u32 v3, $0x3;
	v10 =	vadd.s32 v1, v10  }
0x219: {  	v11 =	vld.idx.msk [tilespmem:v7+s2+$0x0], $0xffff;
	v4 =	vshll.u32 v4, $0x3;
	v3 =	vadd.s32 v1, v3  }
0x21a: {  	v12 =	vld.idx.msk [tilespmem:v8+s2+$0x0], $0xffff;
	v5 =	vshll.u32 v5, $0x3;
	v4 =	vadd.s32 v1, v4  }
0x21b: {  	s26 =	simm.s32 $0x230;
	v17 =	vld.idx.msk [tilespmem:v9+s2+$0x0], $0xffff;
	v13 =	vadd.s32 v1, v5  }
0x21c: {  	s17 =	simm.s32 $0xC00;
	s28 =	simm.s32 $0x1C0;
	v15 =	vadd.s32 s26, v2;
	v14 =	vld.idx.msk [tilespmem:v14+s2+$0x0], $0xffff  }
0x21d: {  	s29 =	simm.s32 $0x1F8;
	s31 =	simm.s32 $0x800;
	v19 =	vadd.s32 s17, v0;
	v18 =	vld.idx.msk [tilespmem:v10+s11+$0x0], $0xffff;
	v10 =	vadd.s32 s28, v2  }
0x21e: {  	s30 =	simm.s32 $0x0;
	v8 =	vadd.s32 s29, v2;
	v6 =	vshll.u32 v6, $0x3;
	v9 =	vadd.s32 s31, v0;
	v5 =	vld.idx.msk [tilespmem:v3+s11+$0x0], $0xffff  }
0x21f: {  	s20 =	simm.s32 $0x400;
	v11 =	vshll.u32 v11, $0x3;
	v16 =	vadd.s32 v1, v6;
	v7 =	vadd.s32 s30, v0;
	v4 =	vld.idx.msk [tilespmem:v4+s11+$0x0], $0xffff  }
0x220: {  	v12 =	vshll.u32 v12, $0x3;
	v6 =	vadd.s32 s20, v0;
	v3 =	vld.idx.msk [tilespmem:v13+s11+$0x0], $0xffff;
	v13 =	vadd.s32 v1, v11  }
0x221: {  	v15 =	vld.idx.msk [tilespmem:v15+s2+$0x0], $0xffff;
	v17 =	vshll.u32 v17, $0x3;
	v11 =	vadd.s32 v1, v12  }
0x222: {  	s18 =	simm.s32 $0x8;
	s19 =	simm.s32 $0x348;
	v12 =	vld.idx.msk [tilespmem:v10+s2+$0x0], $0xffff;
	v10 =	vadd.s32 v1, v17;
	[tilespmem:v19+s15+$0x0] =	vst.idx.msk $0xffff, v18  }
.LBB2_22:
0x223: {  	s20 =	sadd.s32 $0xFFFFFF90, s19;
	s21 =	sadd.s32 $0xFFFFFFC8, s19;
	v17 =	vadd.s32 s19, v2;
	s18 =	sadd.s32 $0x4, s18;
	v18 =	vld.idx.msk [tilespmem:v8+s2+$0x0], $0xffff;
	[tilespmem:v9+s15+$0x0] =	vst.idx.msk $0xffff, v5  }
0x224: {  	s22 =	sadd.s32 $0xFFFFFF58, s19;
	s17 =	sadd.s32 $0x1000, s17;
	v8 =	vadd.s32 s20, v2;
	v19 =	vadd.s32 s21, v2;
	p0 =	slt.u32 s18, $0x3C;
	v20 =	vld.idx.msk [tilespmem:v16+s11+$0x0], $0xffff;
	[tilespmem:v7+s15+$0x0] =	vst.idx.msk $0xffff, v4  }
0x225: {  	v21 =	vadd.s32 s22, v2;
	s20 =	sadd.s32 $0xFFFFF400, s17;
	s21 =	sadd.s32 $0xFFFFF800, s17;
	s22 =	sadd.s32 $0xFFFFFC00, s17;
	v22 =	vadd.s32 s17, v0;
	v5 =	vld.idx.msk [tilespmem:v13+s11+$0x0], $0xffff;
	[tilespmem:v6+s15+$0x0] =	vst.idx.msk $0xffff, v3  }
.Ltmp10:
0x226: {  	v3 =	vshll.u32 v14, $0x3;
	v7 =	vadd.s32 s20, v0;
	v9 =	vadd.s32 s22, v0;
	v4 =	vld.idx.msk [tilespmem:v11+s11+$0x0], $0xffff;
	(pc) =	sbr.rel @p0 .LBB2_22-.Ltmp10, $4  }
0x227: {  	v6 =	vadd.s32 s21, v0;
	v11 =	vshll.u32 v15, $0x3;
	v16 =	vadd.s32 v1, v3;
	v3 =	vld.idx.msk [tilespmem:v10+s11+$0x0], $0xffff  }
0x228: {  	v10 =	vshll.u32 v12, $0x3;
	v13 =	vadd.s32 v1, v11;
	v14 =	vld.idx.msk [tilespmem:v17+s2+$0x0], $0xffff  }
0x229: {  	v11 =	vadd.s32 v1, v10;
	v10 =	vshll.u32 v18, $0x3;
	v15 =	vld.idx.msk [tilespmem:v19+s2+$0x0], $0xffff  }
0x22a: {  	s19 =	sadd.s32 $0xE0, s19;
	v10 =	vadd.s32 v1, v10;
	v12 =	vld.idx.msk [tilespmem:v21+s2+$0x0], $0xffff;
	[tilespmem:v22+s15+$0x0] =	vst.idx.msk $0xffff, v20  }
0x22b: {  	_ =	sdelay $0x3  }
0x22c: {  	v2 =	vld.idx.msk [tilespmem:v8+s2+$0x0], $0xffff;
	_ =	sdelay $0x1  }
0x22d: {  	s17 =	sadd.s32 $0x1000, s17;
	v8 =	vshll.u32 v14, $0x3  }
0x22e: {  	s18 =	sadd.s32 $0xFFFFFC00, s17;
	v14 =	vshll.u32 v15, $0x3;
	v8 =	vadd.s32 v1, v8  }
0x22f: {  	v13 =	vld.idx.msk [tilespmem:v13+s11+$0x0], $0xffff;
	s19 =	sadd.s32 $0xFFFFF400, s17;
	v17 =	vadd.s32 s18, v0;
	v12 =	vshll.u32 v12, $0x3;
	v14 =	vadd.s32 v1, v14  }
0x230: {  	[tilespmem:v9+s15+$0x0] =	vst.idx.msk $0xffff, v5;
	v5 =	vld.idx.msk [tilespmem:v11+s11+$0x0], $0xffff;
	v9 =	vadd.s32 s19, v0;
	v12 =	vadd.s32 v1, v12;
	v2 =	vshll.u32 v2, $0x3  }
0x231: {  	s26 =	sadd.s32 $0xFFFFF800, s17;
	v15 =	vld.idx.msk [tilespmem:v16+s11+$0x0], $0xffff;
	v16 =	vadd.s32 s17, v0;
	v1 =	vadd.s32 v1, v2  }
0x232: {  	[tilespmem:v7+s15+$0x0] =	vst.idx.msk $0xffff, v4;
	v4 =	vadd.s32 s26, v0;
	s17 =	sadd.s32 $0x1000, s17;
	v2 =	vld.idx.msk [tilespmem:v10+s11+$0x0], $0xffff  }
0x233: {  	[tilespmem:v6+s15+$0x0] =	vst.idx.msk $0xffff, v3;
	s28 =	sadd.s32 $0xFFFFFC00, s17;
	v6 =	vadd.s32 s17, v0;
	v3 =	vld.idx.msk [tilespmem:v8+s11+$0x0], $0xffff  }
0x234: {  	s29 =	sadd.s32 $0xFFFFF400, s17;
	[tilespmem:v17+s15+$0x0] =	vst.idx.msk $0xffff, v13;
	v8 =	vadd.s32 s28, v0;
	v7 =	vld.idx.msk [tilespmem:v14+s11+$0x0], $0xffff  }
0x235: {  	s17 =	sadd.s32 $0xFFFFF800, s17;
	v11 =	vadd.s32 s29, v0;
	[tilespmem:v9+s15+$0x0] =	vst.idx.msk $0xffff, v5;
	v10 =	vld.idx.msk [tilespmem:v12+s11+$0x0], $0xffff  }
0x236: {  	[tilespmem:v16+s15+$0x0] =	vst.idx.msk $0xffff, v15;
	v0 =	vadd.s32 s17, v0;
	v1 =	vld.idx.msk [tilespmem:v1+s11+$0x0], $0xffff  }
0x237: {  	[tilespmem:v4+s15+$0x0] =	vst.idx.msk $0xffff, v2  }
0x238: {  	[tilespmem:v6+s15+$0x0] =	vst.idx.msk $0xffff, v3  }
0x239: {  	[tilespmem:v8+s15+$0x0] =	vst.idx.msk $0xffff, v7  }
0x23a: {  	[tilespmem:v11+s15+$0x0] =	vst.idx.msk $0xffff, v10  }
0x23b: {  	[tilespmem:v0+s15+$0x0] =	vst.idx.msk $0xffff, v1  }
0x23c: {  	v2 =	vld [tilespmem:$0xFC0];
	_ =	sdelay $0x3  }
0x23d: {  	s30 =	simm.s32 $0xA8  }
0x23e: {  	s31 =	simm.s32 $0x70;
	v0 =	vadd.s32 s30, v2  }
0x23f: {  	s19 =	simm.s32 $0x0;
	v3 =	vadd.s32 s31, v2  }
0x240: {  	s20 =	simm.s32 $0x38;
	v4 =	vadd.s32 s19, v2  }
0x241: {  	v5 =	vadd.s32 s20, v2  }
0x242: {  	s21 =	simm.s32 $0x188;
	v1 =	vld [tilespmem:$0x12D0]  }
0x243: {  	v6 =	vadd.s32 s21, v2;
	v0 =	vld.idx.msk [tilespmem:v0+s2+$0x0], $0xffff  }
0x244: {  	s22 =	simm.s32 $0x150;
	v3 =	vld.idx.msk [tilespmem:v3+s2+$0x0], $0xffff  }
0x245: {  	s23 =	simm.s32 $0xE0;
	v7 =	vadd.s32 s22, v2;
	v4 =	vld.idx.msk [tilespmem:v4+s2+$0x0], $0xffff  }
0x246: {  	s24 =	simm.s32 $0x118;
	v8 =	vadd.s32 s23, v2;
	v5 =	vld.idx.msk [tilespmem:v5+s2+$0x0], $0xffff  }
0x247: {  	s25 =	simm.s32 $0x268;
	v9 =	vadd.s32 s24, v2  }
0x248: {  	v14 =	vadd.s32 s25, v2;
	v6 =	vld.idx.msk [tilespmem:v6+s2+$0x0], $0xffff;
	v10 =	vshll.u32 v0, $0x3  }
0x249: {  	v0 =	vld [tilespmem:$0x1180];
	v3 =	vshll.u32 v3, $0x3;
	v10 =	vadd.s32 v1, v10  }
0x24a: {  	v11 =	vld.idx.msk [tilespmem:v7+s2+$0x0], $0xffff;
	v4 =	vshll.u32 v4, $0x3;
	v3 =	vadd.s32 v1, v3  }
0x24b: {  	v12 =	vld.idx.msk [tilespmem:v8+s2+$0x0], $0xffff;
	v5 =	vshll.u32 v5, $0x3;
	v4 =	vadd.s32 v1, v4  }
0x24c: {  	s26 =	simm.s32 $0x230;
	v17 =	vld.idx.msk [tilespmem:v9+s2+$0x0], $0xffff;
	v13 =	vadd.s32 v1, v5  }
0x24d: {  	s17 =	simm.s32 $0xC00;
	s28 =	simm.s32 $0x1C0;
	v15 =	vadd.s32 s26, v2;
	v14 =	vld.idx.msk [tilespmem:v14+s2+$0x0], $0xffff  }
0x24e: {  	s29 =	simm.s32 $0x1F8;
	s31 =	simm.s32 $0x800;
	v19 =	vadd.s32 s17, v0;
	v18 =	vld.idx.msk [tilespmem:v10+s11+$0x0], $0xffff;
	v10 =	vadd.s32 s28, v2  }
0x24f: {  	s30 =	simm.s32 $0x0;
	v8 =	vadd.s32 s29, v2;
	v6 =	vshll.u32 v6, $0x3;
	v9 =	vadd.s32 s31, v0;
	v5 =	vld.idx.msk [tilespmem:v3+s11+$0x0], $0xffff  }
0x250: {  	s20 =	simm.s32 $0x400;
	v11 =	vshll.u32 v11, $0x3;
	v16 =	vadd.s32 v1, v6;
	v7 =	vadd.s32 s30, v0;
	v4 =	vld.idx.msk [tilespmem:v4+s11+$0x0], $0xffff  }
0x251: {  	v12 =	vshll.u32 v12, $0x3;
	v6 =	vadd.s32 s20, v0;
	v3 =	vld.idx.msk [tilespmem:v13+s11+$0x0], $0xffff;
	v13 =	vadd.s32 v1, v11  }
0x252: {  	v15 =	vld.idx.msk [tilespmem:v15+s2+$0x0], $0xffff;
	v17 =	vshll.u32 v17, $0x3;
	v11 =	vadd.s32 v1, v12  }
0x253: {  	s18 =	simm.s32 $0x8;
	s19 =	simm.s32 $0x348;
	v12 =	vld.idx.msk [tilespmem:v10+s2+$0x0], $0xffff;
	v10 =	vadd.s32 v1, v17;
	[tilespmem:v19+s15+$0x0] =	vst.idx.msk $0xffff, v18  }
.LBB2_24:
0x254: {  	s20 =	sadd.s32 $0xFFFFFF90, s19;
	s21 =	sadd.s32 $0xFFFFFFC8, s19;
	v17 =	vadd.s32 s19, v2;
	s18 =	sadd.s32 $0x4, s18;
	v18 =	vld.idx.msk [tilespmem:v8+s2+$0x0], $0xffff;
	[tilespmem:v9+s15+$0x0] =	vst.idx.msk $0xffff, v5  }
0x255: {  	s22 =	sadd.s32 $0xFFFFFF58, s19;
	s17 =	sadd.s32 $0x1000, s17;
	v8 =	vadd.s32 s20, v2;
	v19 =	vadd.s32 s21, v2;
	p0 =	slt.u32 s18, $0x3C;
	v20 =	vld.idx.msk [tilespmem:v16+s11+$0x0], $0xffff;
	[tilespmem:v7+s15+$0x0] =	vst.idx.msk $0xffff, v4  }
0x256: {  	v21 =	vadd.s32 s22, v2;
	s20 =	sadd.s32 $0xFFFFF400, s17;
	s21 =	sadd.s32 $0xFFFFF800, s17;
	s22 =	sadd.s32 $0xFFFFFC00, s17;
	v22 =	vadd.s32 s17, v0;
	v5 =	vld.idx.msk [tilespmem:v13+s11+$0x0], $0xffff;
	[tilespmem:v6+s15+$0x0] =	vst.idx.msk $0xffff, v3  }
.Ltmp11:
0x257: {  	v3 =	vshll.u32 v14, $0x3;
	v7 =	vadd.s32 s20, v0;
	v9 =	vadd.s32 s22, v0;
	v4 =	vld.idx.msk [tilespmem:v11+s11+$0x0], $0xffff;
	(pc) =	sbr.rel @p0 .LBB2_24-.Ltmp11, $4  }
0x258: {  	v6 =	vadd.s32 s21, v0;
	v11 =	vshll.u32 v15, $0x3;
	v16 =	vadd.s32 v1, v3;
	v3 =	vld.idx.msk [tilespmem:v10+s11+$0x0], $0xffff  }
0x259: {  	v10 =	vshll.u32 v12, $0x3;
	v13 =	vadd.s32 v1, v11;
	v14 =	vld.idx.msk [tilespmem:v17+s2+$0x0], $0xffff  }
0x25a: {  	v11 =	vadd.s32 v1, v10;
	v10 =	vshll.u32 v18, $0x3;
	v15 =	vld.idx.msk [tilespmem:v19+s2+$0x0], $0xffff  }
0x25b: {  	s19 =	sadd.s32 $0xE0, s19;
	v10 =	vadd.s32 v1, v10;
	v12 =	vld.idx.msk [tilespmem:v21+s2+$0x0], $0xffff;
	[tilespmem:v22+s15+$0x0] =	vst.idx.msk $0xffff, v20  }
0x25c: {  	_ =	sdelay $0x3  }
0x25d: {  	v2 =	vld.idx.msk [tilespmem:v8+s2+$0x0], $0xffff;
	_ =	sdelay $0x1  }
0x25e: {  	s17 =	sadd.s32 $0x1000, s17;
	v8 =	vshll.u32 v14, $0x3  }
0x25f: {  	s18 =	sadd.s32 $0xFFFFFC00, s17;
	v14 =	vshll.u32 v15, $0x3;
	v8 =	vadd.s32 v1, v8  }
0x260: {  	v13 =	vld.idx.msk [tilespmem:v13+s11+$0x0], $0xffff;
	s19 =	sadd.s32 $0xFFFFF400, s17;
	v17 =	vadd.s32 s18, v0;
	v12 =	vshll.u32 v12, $0x3;
	v14 =	vadd.s32 v1, v14  }
0x261: {  	[tilespmem:v9+s15+$0x0] =	vst.idx.msk $0xffff, v5;
	v5 =	vld.idx.msk [tilespmem:v11+s11+$0x0], $0xffff;
	v9 =	vadd.s32 s19, v0;
	v12 =	vadd.s32 v1, v12;
	v2 =	vshll.u32 v2, $0x3  }
0x262: {  	s26 =	sadd.s32 $0xFFFFF800, s17;
	v15 =	vld.idx.msk [tilespmem:v16+s11+$0x0], $0xffff;
	v16 =	vadd.s32 s17, v0;
	v1 =	vadd.s32 v1, v2  }
0x263: {  	[tilespmem:v7+s15+$0x0] =	vst.idx.msk $0xffff, v4;
	v4 =	vadd.s32 s26, v0;
	s17 =	sadd.s32 $0x1000, s17;
	v2 =	vld.idx.msk [tilespmem:v10+s11+$0x0], $0xffff  }
0x264: {  	[tilespmem:v6+s15+$0x0] =	vst.idx.msk $0xffff, v3;
	s28 =	sadd.s32 $0xFFFFFC00, s17;
	v6 =	vadd.s32 s17, v0;
	v3 =	vld.idx.msk [tilespmem:v8+s11+$0x0], $0xffff  }
0x265: {  	s29 =	sadd.s32 $0xFFFFF400, s17;
	[tilespmem:v17+s15+$0x0] =	vst.idx.msk $0xffff, v13;
	v8 =	vadd.s32 s28, v0;
	v7 =	vld.idx.msk [tilespmem:v14+s11+$0x0], $0xffff  }
0x266: {  	s17 =	sadd.s32 $0xFFFFF800, s17;
	v11 =	vadd.s32 s29, v0;
	[tilespmem:v9+s15+$0x0] =	vst.idx.msk $0xffff, v5;
	v10 =	vld.idx.msk [tilespmem:v12+s11+$0x0], $0xffff  }
0x267: {  	[tilespmem:v16+s15+$0x0] =	vst.idx.msk $0xffff, v15;
	v0 =	vadd.s32 s17, v0;
	v1 =	vld.idx.msk [tilespmem:v1+s11+$0x0], $0xffff  }
0x268: {  	[tilespmem:v4+s15+$0x0] =	vst.idx.msk $0xffff, v2  }
0x269: {  	[tilespmem:v6+s15+$0x0] =	vst.idx.msk $0xffff, v3  }
0x26a: {  	[tilespmem:v8+s15+$0x0] =	vst.idx.msk $0xffff, v7  }
0x26b: {  	[tilespmem:v11+s15+$0x0] =	vst.idx.msk $0xffff, v10  }
0x26c: {  	[tilespmem:v0+s15+$0x0] =	vst.idx.msk $0xffff, v1  }
0x26d: {  	v2 =	vld [tilespmem:$0xFD0];
	_ =	sdelay $0x3  }
0x26e: {  	s30 =	simm.s32 $0xA8  }
0x26f: {  	s31 =	simm.s32 $0x70;
	v0 =	vadd.s32 s30, v2  }
0x270: {  	s19 =	simm.s32 $0x0;
	v3 =	vadd.s32 s31, v2  }
0x271: {  	s20 =	simm.s32 $0x38;
	v4 =	vadd.s32 s19, v2  }
0x272: {  	v5 =	vadd.s32 s20, v2  }
0x273: {  	s21 =	simm.s32 $0x188;
	v1 =	vld [tilespmem:$0x12E0]  }
0x274: {  	v6 =	vadd.s32 s21, v2;
	v0 =	vld.idx.msk [tilespmem:v0+s2+$0x0], $0xffff  }
0x275: {  	s22 =	simm.s32 $0x150;
	v3 =	vld.idx.msk [tilespmem:v3+s2+$0x0], $0xffff  }
0x276: {  	s23 =	simm.s32 $0xE0;
	v7 =	vadd.s32 s22, v2;
	v4 =	vld.idx.msk [tilespmem:v4+s2+$0x0], $0xffff  }
0x277: {  	s24 =	simm.s32 $0x118;
	v8 =	vadd.s32 s23, v2;
	v5 =	vld.idx.msk [tilespmem:v5+s2+$0x0], $0xffff  }
0x278: {  	s25 =	simm.s32 $0x268;
	v9 =	vadd.s32 s24, v2  }
0x279: {  	v14 =	vadd.s32 s25, v2;
	v6 =	vld.idx.msk [tilespmem:v6+s2+$0x0], $0xffff;
	v10 =	vshll.u32 v0, $0x3  }
0x27a: {  	v0 =	vld [tilespmem:$0x1190];
	v3 =	vshll.u32 v3, $0x3;
	v10 =	vadd.s32 v1, v10  }
0x27b: {  	v11 =	vld.idx.msk [tilespmem:v7+s2+$0x0], $0xffff;
	v4 =	vshll.u32 v4, $0x3;
	v3 =	vadd.s32 v1, v3  }
0x27c: {  	v12 =	vld.idx.msk [tilespmem:v8+s2+$0x0], $0xffff;
	v5 =	vshll.u32 v5, $0x3;
	v4 =	vadd.s32 v1, v4  }
0x27d: {  	s26 =	simm.s32 $0x230;
	v17 =	vld.idx.msk [tilespmem:v9+s2+$0x0], $0xffff;
	v13 =	vadd.s32 v1, v5  }
0x27e: {  	s17 =	simm.s32 $0xC00;
	s28 =	simm.s32 $0x1C0;
	v15 =	vadd.s32 s26, v2;
	v14 =	vld.idx.msk [tilespmem:v14+s2+$0x0], $0xffff  }
0x27f: {  	s29 =	simm.s32 $0x1F8;
	s31 =	simm.s32 $0x800;
	v19 =	vadd.s32 s17, v0;
	v18 =	vld.idx.msk [tilespmem:v10+s11+$0x0], $0xffff;
	v10 =	vadd.s32 s28, v2  }
0x280: {  	s30 =	simm.s32 $0x0;
	v8 =	vadd.s32 s29, v2;
	v6 =	vshll.u32 v6, $0x3;
	v9 =	vadd.s32 s31, v0;
	v5 =	vld.idx.msk [tilespmem:v3+s11+$0x0], $0xffff  }
0x281: {  	s20 =	simm.s32 $0x400;
	v11 =	vshll.u32 v11, $0x3;
	v16 =	vadd.s32 v1, v6;
	v7 =	vadd.s32 s30, v0;
	v4 =	vld.idx.msk [tilespmem:v4+s11+$0x0], $0xffff  }
0x282: {  	v12 =	vshll.u32 v12, $0x3;
	v6 =	vadd.s32 s20, v0;
	v3 =	vld.idx.msk [tilespmem:v13+s11+$0x0], $0xffff;
	v13 =	vadd.s32 v1, v11  }
0x283: {  	v15 =	vld.idx.msk [tilespmem:v15+s2+$0x0], $0xffff;
	v17 =	vshll.u32 v17, $0x3;
	v11 =	vadd.s32 v1, v12  }
0x284: {  	s18 =	simm.s32 $0x8;
	s19 =	simm.s32 $0x348;
	v12 =	vld.idx.msk [tilespmem:v10+s2+$0x0], $0xffff;
	v10 =	vadd.s32 v1, v17;
	[tilespmem:v19+s15+$0x0] =	vst.idx.msk $0xffff, v18  }
.LBB2_26:
0x285: {  	s20 =	sadd.s32 $0xFFFFFF90, s19;
	s21 =	sadd.s32 $0xFFFFFFC8, s19;
	v17 =	vadd.s32 s19, v2;
	s18 =	sadd.s32 $0x4, s18;
	v18 =	vld.idx.msk [tilespmem:v8+s2+$0x0], $0xffff;
	[tilespmem:v9+s15+$0x0] =	vst.idx.msk $0xffff, v5  }
0x286: {  	s22 =	sadd.s32 $0xFFFFFF58, s19;
	s17 =	sadd.s32 $0x1000, s17;
	v8 =	vadd.s32 s20, v2;
	v19 =	vadd.s32 s21, v2;
	p0 =	slt.u32 s18, $0x3C;
	v20 =	vld.idx.msk [tilespmem:v16+s11+$0x0], $0xffff;
	[tilespmem:v7+s15+$0x0] =	vst.idx.msk $0xffff, v4  }
0x287: {  	v21 =	vadd.s32 s22, v2;
	s20 =	sadd.s32 $0xFFFFF400, s17;
	s21 =	sadd.s32 $0xFFFFF800, s17;
	s22 =	sadd.s32 $0xFFFFFC00, s17;
	v22 =	vadd.s32 s17, v0;
	v5 =	vld.idx.msk [tilespmem:v13+s11+$0x0], $0xffff;
	[tilespmem:v6+s15+$0x0] =	vst.idx.msk $0xffff, v3  }
.Ltmp12:
0x288: {  	v3 =	vshll.u32 v14, $0x3;
	v7 =	vadd.s32 s20, v0;
	v9 =	vadd.s32 s22, v0;
	v4 =	vld.idx.msk [tilespmem:v11+s11+$0x0], $0xffff;
	(pc) =	sbr.rel @p0 .LBB2_26-.Ltmp12, $4  }
0x289: {  	v6 =	vadd.s32 s21, v0;
	v11 =	vshll.u32 v15, $0x3;
	v16 =	vadd.s32 v1, v3;
	v3 =	vld.idx.msk [tilespmem:v10+s11+$0x0], $0xffff  }
0x28a: {  	v10 =	vshll.u32 v12, $0x3;
	v13 =	vadd.s32 v1, v11;
	v14 =	vld.idx.msk [tilespmem:v17+s2+$0x0], $0xffff  }
0x28b: {  	v11 =	vadd.s32 v1, v10;
	v10 =	vshll.u32 v18, $0x3;
	v15 =	vld.idx.msk [tilespmem:v19+s2+$0x0], $0xffff  }
0x28c: {  	s19 =	sadd.s32 $0xE0, s19;
	v10 =	vadd.s32 v1, v10;
	v12 =	vld.idx.msk [tilespmem:v21+s2+$0x0], $0xffff;
	[tilespmem:v22+s15+$0x0] =	vst.idx.msk $0xffff, v20  }
0x28d: {  	_ =	sdelay $0x3  }
0x28e: {  	v2 =	vld.idx.msk [tilespmem:v8+s2+$0x0], $0xffff;
	_ =	sdelay $0x1  }
0x28f: {  	s17 =	sadd.s32 $0x1000, s17;
	v8 =	vshll.u32 v14, $0x3  }
0x290: {  	s18 =	sadd.s32 $0xFFFFFC00, s17;
	v14 =	vshll.u32 v15, $0x3;
	v8 =	vadd.s32 v1, v8  }
0x291: {  	v13 =	vld.idx.msk [tilespmem:v13+s11+$0x0], $0xffff;
	s19 =	sadd.s32 $0xFFFFF400, s17;
	v17 =	vadd.s32 s18, v0;
	v12 =	vshll.u32 v12, $0x3;
	v14 =	vadd.s32 v1, v14  }
0x292: {  	[tilespmem:v9+s15+$0x0] =	vst.idx.msk $0xffff, v5;
	v5 =	vld.idx.msk [tilespmem:v11+s11+$0x0], $0xffff;
	v9 =	vadd.s32 s19, v0;
	v12 =	vadd.s32 v1, v12;
	v2 =	vshll.u32 v2, $0x3  }
0x293: {  	s26 =	sadd.s32 $0xFFFFF800, s17;
	v15 =	vld.idx.msk [tilespmem:v16+s11+$0x0], $0xffff;
	v16 =	vadd.s32 s17, v0;
	v1 =	vadd.s32 v1, v2  }
0x294: {  	[tilespmem:v7+s15+$0x0] =	vst.idx.msk $0xffff, v4;
	v4 =	vadd.s32 s26, v0;
	s17 =	sadd.s32 $0x1000, s17;
	v2 =	vld.idx.msk [tilespmem:v10+s11+$0x0], $0xffff  }
0x295: {  	[tilespmem:v6+s15+$0x0] =	vst.idx.msk $0xffff, v3;
	s28 =	sadd.s32 $0xFFFFFC00, s17;
	v6 =	vadd.s32 s17, v0;
	v3 =	vld.idx.msk [tilespmem:v8+s11+$0x0], $0xffff  }
0x296: {  	s29 =	sadd.s32 $0xFFFFF400, s17;
	[tilespmem:v17+s15+$0x0] =	vst.idx.msk $0xffff, v13;
	v8 =	vadd.s32 s28, v0;
	v7 =	vld.idx.msk [tilespmem:v14+s11+$0x0], $0xffff  }
0x297: {  	s17 =	sadd.s32 $0xFFFFF800, s17;
	v11 =	vadd.s32 s29, v0;
	[tilespmem:v9+s15+$0x0] =	vst.idx.msk $0xffff, v5;
	v10 =	vld.idx.msk [tilespmem:v12+s11+$0x0], $0xffff  }
0x298: {  	[tilespmem:v16+s15+$0x0] =	vst.idx.msk $0xffff, v15;
	v0 =	vadd.s32 s17, v0;
	v1 =	vld.idx.msk [tilespmem:v1+s11+$0x0], $0xffff  }
0x299: {  	[tilespmem:v4+s15+$0x0] =	vst.idx.msk $0xffff, v2  }
0x29a: {  	[tilespmem:v6+s15+$0x0] =	vst.idx.msk $0xffff, v3  }
0x29b: {  	[tilespmem:v8+s15+$0x0] =	vst.idx.msk $0xffff, v7  }
0x29c: {  	[tilespmem:v11+s15+$0x0] =	vst.idx.msk $0xffff, v10  }
0x29d: {  	[tilespmem:v0+s15+$0x0] =	vst.idx.msk $0xffff, v1  }
0x29e: {  	v2 =	vld [tilespmem:$0xFE0];
	_ =	sdelay $0x3  }
0x29f: {  	s30 =	simm.s32 $0xA8  }
0x2a0: {  	s31 =	simm.s32 $0x70;
	v0 =	vadd.s32 s30, v2  }
0x2a1: {  	s19 =	simm.s32 $0x0;
	v3 =	vadd.s32 s31, v2  }
0x2a2: {  	s20 =	simm.s32 $0x38;
	v4 =	vadd.s32 s19, v2  }
0x2a3: {  	v5 =	vadd.s32 s20, v2  }
0x2a4: {  	s21 =	simm.s32 $0x188;
	v1 =	vld [tilespmem:$0x12F0]  }
0x2a5: {  	v6 =	vadd.s32 s21, v2;
	v0 =	vld.idx.msk [tilespmem:v0+s2+$0x0], $0xffff  }
0x2a6: {  	s22 =	simm.s32 $0x150;
	v3 =	vld.idx.msk [tilespmem:v3+s2+$0x0], $0xffff  }
0x2a7: {  	s23 =	simm.s32 $0xE0;
	v7 =	vadd.s32 s22, v2;
	v4 =	vld.idx.msk [tilespmem:v4+s2+$0x0], $0xffff  }
0x2a8: {  	s24 =	simm.s32 $0x118;
	v8 =	vadd.s32 s23, v2;
	v5 =	vld.idx.msk [tilespmem:v5+s2+$0x0], $0xffff  }
0x2a9: {  	s25 =	simm.s32 $0x268;
	v9 =	vadd.s32 s24, v2  }
0x2aa: {  	v14 =	vadd.s32 s25, v2;
	v6 =	vld.idx.msk [tilespmem:v6+s2+$0x0], $0xffff;
	v10 =	vshll.u32 v0, $0x3  }
0x2ab: {  	v0 =	vld [tilespmem:$0x11A0];
	v3 =	vshll.u32 v3, $0x3;
	v10 =	vadd.s32 v1, v10  }
0x2ac: {  	v11 =	vld.idx.msk [tilespmem:v7+s2+$0x0], $0xffff;
	v4 =	vshll.u32 v4, $0x3;
	v3 =	vadd.s32 v1, v3  }
0x2ad: {  	v12 =	vld.idx.msk [tilespmem:v8+s2+$0x0], $0xffff;
	v5 =	vshll.u32 v5, $0x3;
	v4 =	vadd.s32 v1, v4  }
0x2ae: {  	s26 =	simm.s32 $0x230;
	v17 =	vld.idx.msk [tilespmem:v9+s2+$0x0], $0xffff;
	v13 =	vadd.s32 v1, v5  }
0x2af: {  	s17 =	simm.s32 $0xC00;
	s28 =	simm.s32 $0x1C0;
	v15 =	vadd.s32 s26, v2;
	v14 =	vld.idx.msk [tilespmem:v14+s2+$0x0], $0xffff  }
0x2b0: {  	s29 =	simm.s32 $0x1F8;
	s31 =	simm.s32 $0x800;
	v19 =	vadd.s32 s17, v0;
	v18 =	vld.idx.msk [tilespmem:v10+s11+$0x0], $0xffff;
	v10 =	vadd.s32 s28, v2  }
0x2b1: {  	s30 =	simm.s32 $0x0;
	v8 =	vadd.s32 s29, v2;
	v6 =	vshll.u32 v6, $0x3;
	v9 =	vadd.s32 s31, v0;
	v5 =	vld.idx.msk [tilespmem:v3+s11+$0x0], $0xffff  }
0x2b2: {  	s20 =	simm.s32 $0x400;
	v11 =	vshll.u32 v11, $0x3;
	v16 =	vadd.s32 v1, v6;
	v7 =	vadd.s32 s30, v0;
	v4 =	vld.idx.msk [tilespmem:v4+s11+$0x0], $0xffff  }
0x2b3: {  	v12 =	vshll.u32 v12, $0x3;
	v6 =	vadd.s32 s20, v0;
	v3 =	vld.idx.msk [tilespmem:v13+s11+$0x0], $0xffff;
	v13 =	vadd.s32 v1, v11  }
0x2b4: {  	v15 =	vld.idx.msk [tilespmem:v15+s2+$0x0], $0xffff;
	v17 =	vshll.u32 v17, $0x3;
	v11 =	vadd.s32 v1, v12  }
0x2b5: {  	s18 =	simm.s32 $0x8;
	s19 =	simm.s32 $0x348;
	v12 =	vld.idx.msk [tilespmem:v10+s2+$0x0], $0xffff;
	v10 =	vadd.s32 v1, v17;
	[tilespmem:v19+s15+$0x0] =	vst.idx.msk $0xffff, v18  }
.LBB2_28:
0x2b6: {  	s20 =	sadd.s32 $0xFFFFFF90, s19;
	s21 =	sadd.s32 $0xFFFFFFC8, s19;
	v17 =	vadd.s32 s19, v2;
	s18 =	sadd.s32 $0x4, s18;
	v18 =	vld.idx.msk [tilespmem:v8+s2+$0x0], $0xffff;
	[tilespmem:v9+s15+$0x0] =	vst.idx.msk $0xffff, v5  }
0x2b7: {  	s22 =	sadd.s32 $0xFFFFFF58, s19;
	s17 =	sadd.s32 $0x1000, s17;
	v8 =	vadd.s32 s20, v2;
	v19 =	vadd.s32 s21, v2;
	p0 =	slt.u32 s18, $0x3C;
	v20 =	vld.idx.msk [tilespmem:v16+s11+$0x0], $0xffff;
	[tilespmem:v7+s15+$0x0] =	vst.idx.msk $0xffff, v4  }
0x2b8: {  	v21 =	vadd.s32 s22, v2;
	s20 =	sadd.s32 $0xFFFFF400, s17;
	s21 =	sadd.s32 $0xFFFFF800, s17;
	s22 =	sadd.s32 $0xFFFFFC00, s17;
	v22 =	vadd.s32 s17, v0;
	v5 =	vld.idx.msk [tilespmem:v13+s11+$0x0], $0xffff;
	[tilespmem:v6+s15+$0x0] =	vst.idx.msk $0xffff, v3  }
.Ltmp13:
0x2b9: {  	v3 =	vshll.u32 v14, $0x3;
	v7 =	vadd.s32 s20, v0;
	v9 =	vadd.s32 s22, v0;
	v4 =	vld.idx.msk [tilespmem:v11+s11+$0x0], $0xffff;
	(pc) =	sbr.rel @p0 .LBB2_28-.Ltmp13, $4  }
0x2ba: {  	v6 =	vadd.s32 s21, v0;
	v11 =	vshll.u32 v15, $0x3;
	v16 =	vadd.s32 v1, v3;
	v3 =	vld.idx.msk [tilespmem:v10+s11+$0x0], $0xffff  }
0x2bb: {  	v10 =	vshll.u32 v12, $0x3;
	v13 =	vadd.s32 v1, v11;
	v14 =	vld.idx.msk [tilespmem:v17+s2+$0x0], $0xffff  }
0x2bc: {  	v11 =	vadd.s32 v1, v10;
	v10 =	vshll.u32 v18, $0x3;
	v15 =	vld.idx.msk [tilespmem:v19+s2+$0x0], $0xffff  }
0x2bd: {  	s19 =	sadd.s32 $0xE0, s19;
	v10 =	vadd.s32 v1, v10;
	v12 =	vld.idx.msk [tilespmem:v21+s2+$0x0], $0xffff;
	[tilespmem:v22+s15+$0x0] =	vst.idx.msk $0xffff, v20  }
0x2be: {  	_ =	sdelay $0x3  }
0x2bf: {  	v2 =	vld.idx.msk [tilespmem:v8+s2+$0x0], $0xffff;
	_ =	sdelay $0x1  }
0x2c0: {  	s17 =	sadd.s32 $0x1000, s17;
	v8 =	vshll.u32 v14, $0x3  }
0x2c1: {  	s18 =	sadd.s32 $0xFFFFFC00, s17;
	v14 =	vshll.u32 v15, $0x3;
	v8 =	vadd.s32 v1, v8  }
0x2c2: {  	v13 =	vld.idx.msk [tilespmem:v13+s11+$0x0], $0xffff;
	s19 =	sadd.s32 $0xFFFFF400, s17;
	v17 =	vadd.s32 s18, v0;
	v12 =	vshll.u32 v12, $0x3;
	v14 =	vadd.s32 v1, v14  }
0x2c3: {  	[tilespmem:v9+s15+$0x0] =	vst.idx.msk $0xffff, v5;
	v5 =	vld.idx.msk [tilespmem:v11+s11+$0x0], $0xffff;
	v9 =	vadd.s32 s19, v0;
	v12 =	vadd.s32 v1, v12;
	v2 =	vshll.u32 v2, $0x3  }
0x2c4: {  	s26 =	sadd.s32 $0xFFFFF800, s17;
	v15 =	vld.idx.msk [tilespmem:v16+s11+$0x0], $0xffff;
	v16 =	vadd.s32 s17, v0;
	v1 =	vadd.s32 v1, v2  }
0x2c5: {  	[tilespmem:v7+s15+$0x0] =	vst.idx.msk $0xffff, v4;
	v4 =	vadd.s32 s26, v0;
	s17 =	sadd.s32 $0x1000, s17;
	v2 =	vld.idx.msk [tilespmem:v10+s11+$0x0], $0xffff  }
0x2c6: {  	[tilespmem:v6+s15+$0x0] =	vst.idx.msk $0xffff, v3;
	s28 =	sadd.s32 $0xFFFFFC00, s17;
	v6 =	vadd.s32 s17, v0;
	v3 =	vld.idx.msk [tilespmem:v8+s11+$0x0], $0xffff  }
0x2c7: {  	s29 =	sadd.s32 $0xFFFFF400, s17;
	[tilespmem:v17+s15+$0x0] =	vst.idx.msk $0xffff, v13;
	v8 =	vadd.s32 s28, v0;
	v7 =	vld.idx.msk [tilespmem:v14+s11+$0x0], $0xffff  }
0x2c8: {  	s17 =	sadd.s32 $0xFFFFF800, s17;
	v11 =	vadd.s32 s29, v0;
	[tilespmem:v9+s15+$0x0] =	vst.idx.msk $0xffff, v5;
	v10 =	vld.idx.msk [tilespmem:v12+s11+$0x0], $0xffff  }
0x2c9: {  	[tilespmem:v16+s15+$0x0] =	vst.idx.msk $0xffff, v15;
	v0 =	vadd.s32 s17, v0;
	v1 =	vld.idx.msk [tilespmem:v1+s11+$0x0], $0xffff  }
0x2ca: {  	[tilespmem:v4+s15+$0x0] =	vst.idx.msk $0xffff, v2  }
0x2cb: {  	[tilespmem:v6+s15+$0x0] =	vst.idx.msk $0xffff, v3  }
0x2cc: {  	[tilespmem:v8+s15+$0x0] =	vst.idx.msk $0xffff, v7  }
0x2cd: {  	[tilespmem:v11+s15+$0x0] =	vst.idx.msk $0xffff, v10  }
0x2ce: {  	[tilespmem:v0+s15+$0x0] =	vst.idx.msk $0xffff, v1  }
0x2cf: {  	v2 =	vld [tilespmem:$0xFF0];
	_ =	sdelay $0x3  }
0x2d0: {  	s30 =	simm.s32 $0xA8  }
0x2d1: {  	s31 =	simm.s32 $0x70;
	v0 =	vadd.s32 s30, v2  }
0x2d2: {  	s19 =	simm.s32 $0x0;
	v3 =	vadd.s32 s31, v2  }
0x2d3: {  	s20 =	simm.s32 $0x38;
	v4 =	vadd.s32 s19, v2  }
0x2d4: {  	v5 =	vadd.s32 s20, v2  }
0x2d5: {  	s21 =	simm.s32 $0x188;
	v1 =	vld [tilespmem:$0x1290]  }
0x2d6: {  	v6 =	vadd.s32 s21, v2;
	v0 =	vld.idx.msk [tilespmem:v0+s2+$0x0], $0xffff  }
0x2d7: {  	s22 =	simm.s32 $0x150;
	v3 =	vld.idx.msk [tilespmem:v3+s2+$0x0], $0xffff  }
0x2d8: {  	s23 =	simm.s32 $0xE0;
	v7 =	vadd.s32 s22, v2;
	v4 =	vld.idx.msk [tilespmem:v4+s2+$0x0], $0xffff  }
0x2d9: {  	s24 =	simm.s32 $0x118;
	v8 =	vadd.s32 s23, v2;
	v5 =	vld.idx.msk [tilespmem:v5+s2+$0x0], $0xffff  }
0x2da: {  	s25 =	simm.s32 $0x268;
	v9 =	vadd.s32 s24, v2  }
0x2db: {  	v14 =	vadd.s32 s25, v2;
	v6 =	vld.idx.msk [tilespmem:v6+s2+$0x0], $0xffff;
	v10 =	vshll.u32 v0, $0x3  }
0x2dc: {  	v0 =	vld [tilespmem:$0x11B0];
	v3 =	vshll.u32 v3, $0x3;
	v10 =	vadd.s32 v1, v10  }
0x2dd: {  	v11 =	vld.idx.msk [tilespmem:v7+s2+$0x0], $0xffff;
	v4 =	vshll.u32 v4, $0x3;
	v3 =	vadd.s32 v1, v3  }
0x2de: {  	v12 =	vld.idx.msk [tilespmem:v8+s2+$0x0], $0xffff;
	v5 =	vshll.u32 v5, $0x3;
	v4 =	vadd.s32 v1, v4  }
0x2df: {  	s26 =	simm.s32 $0x230;
	v17 =	vld.idx.msk [tilespmem:v9+s2+$0x0], $0xffff;
	v13 =	vadd.s32 v1, v5  }
0x2e0: {  	s17 =	simm.s32 $0xC00;
	s28 =	simm.s32 $0x1C0;
	v15 =	vadd.s32 s26, v2;
	v14 =	vld.idx.msk [tilespmem:v14+s2+$0x0], $0xffff  }
0x2e1: {  	s29 =	simm.s32 $0x1F8;
	s31 =	simm.s32 $0x800;
	v19 =	vadd.s32 s17, v0;
	v18 =	vld.idx.msk [tilespmem:v10+s11+$0x0], $0xffff;
	v10 =	vadd.s32 s28, v2  }
0x2e2: {  	s30 =	simm.s32 $0x0;
	v8 =	vadd.s32 s29, v2;
	v6 =	vshll.u32 v6, $0x3;
	v9 =	vadd.s32 s31, v0;
	v5 =	vld.idx.msk [tilespmem:v3+s11+$0x0], $0xffff  }
0x2e3: {  	s20 =	simm.s32 $0x400;
	v11 =	vshll.u32 v11, $0x3;
	v16 =	vadd.s32 v1, v6;
	v7 =	vadd.s32 s30, v0;
	v4 =	vld.idx.msk [tilespmem:v4+s11+$0x0], $0xffff  }
0x2e4: {  	v12 =	vshll.u32 v12, $0x3;
	v6 =	vadd.s32 s20, v0;
	v3 =	vld.idx.msk [tilespmem:v13+s11+$0x0], $0xffff;
	v13 =	vadd.s32 v1, v11  }
0x2e5: {  	v15 =	vld.idx.msk [tilespmem:v15+s2+$0x0], $0xffff;
	v17 =	vshll.u32 v17, $0x3;
	v11 =	vadd.s32 v1, v12  }
0x2e6: {  	s18 =	simm.s32 $0x8;
	s19 =	simm.s32 $0x348;
	v12 =	vld.idx.msk [tilespmem:v10+s2+$0x0], $0xffff;
	v10 =	vadd.s32 v1, v17;
	[tilespmem:v19+s15+$0x0] =	vst.idx.msk $0xffff, v18  }
.LBB2_30:
0x2e7: {  	s20 =	sadd.s32 $0xFFFFFF90, s19;
	s21 =	sadd.s32 $0xFFFFFFC8, s19;
	v17 =	vadd.s32 s19, v2;
	s18 =	sadd.s32 $0x4, s18;
	v18 =	vld.idx.msk [tilespmem:v8+s2+$0x0], $0xffff;
	[tilespmem:v9+s15+$0x0] =	vst.idx.msk $0xffff, v5  }
0x2e8: {  	s22 =	sadd.s32 $0xFFFFFF58, s19;
	s17 =	sadd.s32 $0x1000, s17;
	v8 =	vadd.s32 s20, v2;
	v19 =	vadd.s32 s21, v2;
	p0 =	slt.u32 s18, $0x3C;
	v20 =	vld.idx.msk [tilespmem:v16+s11+$0x0], $0xffff;
	[tilespmem:v7+s15+$0x0] =	vst.idx.msk $0xffff, v4  }
0x2e9: {  	v21 =	vadd.s32 s22, v2;
	s20 =	sadd.s32 $0xFFFFF400, s17;
	s21 =	sadd.s32 $0xFFFFF800, s17;
	s22 =	sadd.s32 $0xFFFFFC00, s17;
	v22 =	vadd.s32 s17, v0;
	v5 =	vld.idx.msk [tilespmem:v13+s11+$0x0], $0xffff;
	[tilespmem:v6+s15+$0x0] =	vst.idx.msk $0xffff, v3  }
.Ltmp14:
0x2ea: {  	v3 =	vshll.u32 v14, $0x3;
	v7 =	vadd.s32 s20, v0;
	v9 =	vadd.s32 s22, v0;
	v4 =	vld.idx.msk [tilespmem:v11+s11+$0x0], $0xffff;
	(pc) =	sbr.rel @p0 .LBB2_30-.Ltmp14, $4  }
0x2eb: {  	v6 =	vadd.s32 s21, v0;
	v11 =	vshll.u32 v15, $0x3;
	v16 =	vadd.s32 v1, v3;
	v3 =	vld.idx.msk [tilespmem:v10+s11+$0x0], $0xffff  }
0x2ec: {  	v10 =	vshll.u32 v12, $0x3;
	v13 =	vadd.s32 v1, v11;
	v14 =	vld.idx.msk [tilespmem:v17+s2+$0x0], $0xffff  }
0x2ed: {  	v11 =	vadd.s32 v1, v10;
	v10 =	vshll.u32 v18, $0x3;
	v15 =	vld.idx.msk [tilespmem:v19+s2+$0x0], $0xffff  }
0x2ee: {  	s19 =	sadd.s32 $0xE0, s19;
	v10 =	vadd.s32 v1, v10;
	v12 =	vld.idx.msk [tilespmem:v21+s2+$0x0], $0xffff;
	[tilespmem:v22+s15+$0x0] =	vst.idx.msk $0xffff, v20  }
0x2ef: {  	_ =	sdelay $0x3  }
0x2f0: {  	v2 =	vld.idx.msk [tilespmem:v8+s2+$0x0], $0xffff;
	_ =	sdelay $0x1  }
0x2f1: {  	s17 =	sadd.s32 $0x1000, s17;
	v8 =	vshll.u32 v14, $0x3  }
0x2f2: {  	s18 =	sadd.s32 $0xFFFFFC00, s17;
	v14 =	vshll.u32 v15, $0x3;
	v8 =	vadd.s32 v1, v8  }
0x2f3: {  	v13 =	vld.idx.msk [tilespmem:v13+s11+$0x0], $0xffff;
	s19 =	sadd.s32 $0xFFFFF400, s17;
	v17 =	vadd.s32 s18, v0;
	v12 =	vshll.u32 v12, $0x3;
	v14 =	vadd.s32 v1, v14  }
0x2f4: {  	[tilespmem:v9+s15+$0x0] =	vst.idx.msk $0xffff, v5;
	v5 =	vld.idx.msk [tilespmem:v11+s11+$0x0], $0xffff;
	v9 =	vadd.s32 s19, v0;
	v12 =	vadd.s32 v1, v12;
	v2 =	vshll.u32 v2, $0x3  }
0x2f5: {  	s26 =	sadd.s32 $0xFFFFF800, s17;
	v15 =	vld.idx.msk [tilespmem:v16+s11+$0x0], $0xffff;
	v16 =	vadd.s32 s17, v0;
	v1 =	vadd.s32 v1, v2  }
0x2f6: {  	[tilespmem:v7+s15+$0x0] =	vst.idx.msk $0xffff, v4;
	v4 =	vadd.s32 s26, v0;
	s17 =	sadd.s32 $0x1000, s17;
	v2 =	vld.idx.msk [tilespmem:v10+s11+$0x0], $0xffff  }
0x2f7: {  	[tilespmem:v6+s15+$0x0] =	vst.idx.msk $0xffff, v3;
	s28 =	sadd.s32 $0xFFFFFC00, s17;
	v6 =	vadd.s32 s17, v0;
	v3 =	vld.idx.msk [tilespmem:v8+s11+$0x0], $0xffff  }
0x2f8: {  	s29 =	sadd.s32 $0xFFFFF400, s17;
	[tilespmem:v17+s15+$0x0] =	vst.idx.msk $0xffff, v13;
	v8 =	vadd.s32 s28, v0;
	v7 =	vld.idx.msk [tilespmem:v14+s11+$0x0], $0xffff  }
0x2f9: {  	s17 =	sadd.s32 $0xFFFFF800, s17;
	v11 =	vadd.s32 s29, v0;
	[tilespmem:v9+s15+$0x0] =	vst.idx.msk $0xffff, v5;
	v10 =	vld.idx.msk [tilespmem:v12+s11+$0x0], $0xffff  }
0x2fa: {  	[tilespmem:v16+s15+$0x0] =	vst.idx.msk $0xffff, v15;
	v0 =	vadd.s32 s17, v0;
	v1 =	vld.idx.msk [tilespmem:v1+s11+$0x0], $0xffff  }
0x2fb: {  	[tilespmem:v4+s15+$0x0] =	vst.idx.msk $0xffff, v2  }
0x2fc: {  	[tilespmem:v6+s15+$0x0] =	vst.idx.msk $0xffff, v3  }
0x2fd: {  	[tilespmem:v8+s15+$0x0] =	vst.idx.msk $0xffff, v7  }
0x2fe: {  	[tilespmem:v11+s15+$0x0] =	vst.idx.msk $0xffff, v10  }
0x2ff: {  	[tilespmem:v0+s15+$0x0] =	vst.idx.msk $0xffff, v1  }
0x300: {  	v2 =	vld [tilespmem:$0x1000];
	_ =	sdelay $0x3  }
0x301: {  	s30 =	simm.s32 $0xA8  }
0x302: {  	s31 =	simm.s32 $0x70;
	v0 =	vadd.s32 s30, v2  }
0x303: {  	s19 =	simm.s32 $0x0;
	v3 =	vadd.s32 s31, v2  }
0x304: {  	s20 =	simm.s32 $0x38;
	v4 =	vadd.s32 s19, v2  }
0x305: {  	v5 =	vadd.s32 s20, v2  }
0x306: {  	s21 =	simm.s32 $0x188;
	v1 =	vld [tilespmem:$0x12A0]  }
0x307: {  	v6 =	vadd.s32 s21, v2;
	v0 =	vld.idx.msk [tilespmem:v0+s2+$0x0], $0xffff  }
0x308: {  	s22 =	simm.s32 $0x150;
	v3 =	vld.idx.msk [tilespmem:v3+s2+$0x0], $0xffff  }
0x309: {  	s23 =	simm.s32 $0xE0;
	v7 =	vadd.s32 s22, v2;
	v4 =	vld.idx.msk [tilespmem:v4+s2+$0x0], $0xffff  }
0x30a: {  	s24 =	simm.s32 $0x118;
	v8 =	vadd.s32 s23, v2;
	v5 =	vld.idx.msk [tilespmem:v5+s2+$0x0], $0xffff  }
0x30b: {  	s25 =	simm.s32 $0x268;
	v9 =	vadd.s32 s24, v2  }
0x30c: {  	v14 =	vadd.s32 s25, v2;
	v6 =	vld.idx.msk [tilespmem:v6+s2+$0x0], $0xffff;
	v10 =	vshll.u32 v0, $0x3  }
0x30d: {  	v0 =	vld [tilespmem:$0x11C0];
	v3 =	vshll.u32 v3, $0x3;
	v10 =	vadd.s32 v1, v10  }
0x30e: {  	v11 =	vld.idx.msk [tilespmem:v7+s2+$0x0], $0xffff;
	v4 =	vshll.u32 v4, $0x3;
	v3 =	vadd.s32 v1, v3  }
0x30f: {  	v12 =	vld.idx.msk [tilespmem:v8+s2+$0x0], $0xffff;
	v5 =	vshll.u32 v5, $0x3;
	v4 =	vadd.s32 v1, v4  }
0x310: {  	s26 =	simm.s32 $0x230;
	v17 =	vld.idx.msk [tilespmem:v9+s2+$0x0], $0xffff;
	v13 =	vadd.s32 v1, v5  }
0x311: {  	s17 =	simm.s32 $0xC00;
	s28 =	simm.s32 $0x1C0;
	v15 =	vadd.s32 s26, v2;
	v14 =	vld.idx.msk [tilespmem:v14+s2+$0x0], $0xffff  }
0x312: {  	s29 =	simm.s32 $0x1F8;
	s31 =	simm.s32 $0x800;
	v19 =	vadd.s32 s17, v0;
	v18 =	vld.idx.msk [tilespmem:v10+s11+$0x0], $0xffff;
	v10 =	vadd.s32 s28, v2  }
0x313: {  	s30 =	simm.s32 $0x0;
	v8 =	vadd.s32 s29, v2;
	v6 =	vshll.u32 v6, $0x3;
	v9 =	vadd.s32 s31, v0;
	v5 =	vld.idx.msk [tilespmem:v3+s11+$0x0], $0xffff  }
0x314: {  	s20 =	simm.s32 $0x400;
	v11 =	vshll.u32 v11, $0x3;
	v16 =	vadd.s32 v1, v6;
	v7 =	vadd.s32 s30, v0;
	v4 =	vld.idx.msk [tilespmem:v4+s11+$0x0], $0xffff  }
0x315: {  	v12 =	vshll.u32 v12, $0x3;
	v6 =	vadd.s32 s20, v0;
	v3 =	vld.idx.msk [tilespmem:v13+s11+$0x0], $0xffff;
	v13 =	vadd.s32 v1, v11  }
0x316: {  	v15 =	vld.idx.msk [tilespmem:v15+s2+$0x0], $0xffff;
	v17 =	vshll.u32 v17, $0x3;
	v11 =	vadd.s32 v1, v12  }
0x317: {  	s18 =	simm.s32 $0x8;
	s19 =	simm.s32 $0x348;
	v12 =	vld.idx.msk [tilespmem:v10+s2+$0x0], $0xffff;
	v10 =	vadd.s32 v1, v17;
	[tilespmem:v19+s15+$0x0] =	vst.idx.msk $0xffff, v18  }
.LBB2_32:
0x318: {  	s20 =	sadd.s32 $0xFFFFFF90, s19;
	s21 =	sadd.s32 $0xFFFFFFC8, s19;
	v17 =	vadd.s32 s19, v2;
	s18 =	sadd.s32 $0x4, s18;
	v18 =	vld.idx.msk [tilespmem:v8+s2+$0x0], $0xffff;
	[tilespmem:v9+s15+$0x0] =	vst.idx.msk $0xffff, v5  }
0x319: {  	s22 =	sadd.s32 $0xFFFFFF58, s19;
	s17 =	sadd.s32 $0x1000, s17;
	v8 =	vadd.s32 s20, v2;
	v19 =	vadd.s32 s21, v2;
	p0 =	slt.u32 s18, $0x3C;
	v20 =	vld.idx.msk [tilespmem:v16+s11+$0x0], $0xffff;
	[tilespmem:v7+s15+$0x0] =	vst.idx.msk $0xffff, v4  }
0x31a: {  	v21 =	vadd.s32 s22, v2;
	s20 =	sadd.s32 $0xFFFFF400, s17;
	s21 =	sadd.s32 $0xFFFFF800, s17;
	s22 =	sadd.s32 $0xFFFFFC00, s17;
	v22 =	vadd.s32 s17, v0;
	v5 =	vld.idx.msk [tilespmem:v13+s11+$0x0], $0xffff;
	[tilespmem:v6+s15+$0x0] =	vst.idx.msk $0xffff, v3  }
.Ltmp15:
0x31b: {  	v3 =	vshll.u32 v14, $0x3;
	v7 =	vadd.s32 s20, v0;
	v9 =	vadd.s32 s22, v0;
	v4 =	vld.idx.msk [tilespmem:v11+s11+$0x0], $0xffff;
	(pc) =	sbr.rel @p0 .LBB2_32-.Ltmp15, $4  }
0x31c: {  	v6 =	vadd.s32 s21, v0;
	v11 =	vshll.u32 v15, $0x3;
	v16 =	vadd.s32 v1, v3;
	v3 =	vld.idx.msk [tilespmem:v10+s11+$0x0], $0xffff  }
0x31d: {  	v10 =	vshll.u32 v12, $0x3;
	v13 =	vadd.s32 v1, v11;
	v14 =	vld.idx.msk [tilespmem:v17+s2+$0x0], $0xffff  }
0x31e: {  	v11 =	vadd.s32 v1, v10;
	v10 =	vshll.u32 v18, $0x3;
	v15 =	vld.idx.msk [tilespmem:v19+s2+$0x0], $0xffff  }
0x31f: {  	s19 =	sadd.s32 $0xE0, s19;
	v10 =	vadd.s32 v1, v10;
	v12 =	vld.idx.msk [tilespmem:v21+s2+$0x0], $0xffff;
	[tilespmem:v22+s15+$0x0] =	vst.idx.msk $0xffff, v20  }
0x320: {  	_ =	sdelay $0x3  }
0x321: {  	v2 =	vld.idx.msk [tilespmem:v8+s2+$0x0], $0xffff;
	_ =	sdelay $0x1  }
0x322: {  	s17 =	sadd.s32 $0x1000, s17;
	v8 =	vshll.u32 v14, $0x3  }
0x323: {  	s18 =	sadd.s32 $0xFFFFFC00, s17;
	v14 =	vshll.u32 v15, $0x3;
	v8 =	vadd.s32 v1, v8  }
0x324: {  	v13 =	vld.idx.msk [tilespmem:v13+s11+$0x0], $0xffff;
	s19 =	sadd.s32 $0xFFFFF400, s17;
	v17 =	vadd.s32 s18, v0;
	v12 =	vshll.u32 v12, $0x3;
	v14 =	vadd.s32 v1, v14  }
0x325: {  	[tilespmem:v9+s15+$0x0] =	vst.idx.msk $0xffff, v5;
	v5 =	vld.idx.msk [tilespmem:v11+s11+$0x0], $0xffff;
	v9 =	vadd.s32 s19, v0;
	v12 =	vadd.s32 v1, v12;
	v2 =	vshll.u32 v2, $0x3  }
0x326: {  	s26 =	sadd.s32 $0xFFFFF800, s17;
	v15 =	vld.idx.msk [tilespmem:v16+s11+$0x0], $0xffff;
	v16 =	vadd.s32 s17, v0;
	v1 =	vadd.s32 v1, v2  }
0x327: {  	[tilespmem:v7+s15+$0x0] =	vst.idx.msk $0xffff, v4;
	v4 =	vadd.s32 s26, v0;
	s17 =	sadd.s32 $0x1000, s17;
	v2 =	vld.idx.msk [tilespmem:v10+s11+$0x0], $0xffff  }
0x328: {  	[tilespmem:v6+s15+$0x0] =	vst.idx.msk $0xffff, v3;
	s28 =	sadd.s32 $0xFFFFFC00, s17;
	v6 =	vadd.s32 s17, v0;
	v3 =	vld.idx.msk [tilespmem:v8+s11+$0x0], $0xffff  }
0x329: {  	s29 =	sadd.s32 $0xFFFFF400, s17;
	[tilespmem:v17+s15+$0x0] =	vst.idx.msk $0xffff, v13;
	v8 =	vadd.s32 s28, v0;
	v7 =	vld.idx.msk [tilespmem:v14+s11+$0x0], $0xffff  }
0x32a: {  	s17 =	sadd.s32 $0xFFFFF800, s17;
	v11 =	vadd.s32 s29, v0;
	[tilespmem:v9+s15+$0x0] =	vst.idx.msk $0xffff, v5;
	v10 =	vld.idx.msk [tilespmem:v12+s11+$0x0], $0xffff  }
0x32b: {  	[tilespmem:v16+s15+$0x0] =	vst.idx.msk $0xffff, v15;
	v0 =	vadd.s32 s17, v0;
	v1 =	vld.idx.msk [tilespmem:v1+s11+$0x0], $0xffff  }
0x32c: {  	[tilespmem:v4+s15+$0x0] =	vst.idx.msk $0xffff, v2  }
0x32d: {  	[tilespmem:v6+s15+$0x0] =	vst.idx.msk $0xffff, v3  }
0x32e: {  	[tilespmem:v8+s15+$0x0] =	vst.idx.msk $0xffff, v7  }
0x32f: {  	[tilespmem:v11+s15+$0x0] =	vst.idx.msk $0xffff, v10  }
0x330: {  	[tilespmem:v0+s15+$0x0] =	vst.idx.msk $0xffff, v1  }
0x331: {  	v2 =	vld [tilespmem:$0x1010];
	_ =	sdelay $0x3  }
0x332: {  	s30 =	simm.s32 $0xA8  }
0x333: {  	s31 =	simm.s32 $0x70;
	v0 =	vadd.s32 s30, v2  }
0x334: {  	s19 =	simm.s32 $0x0;
	v3 =	vadd.s32 s31, v2  }
0x335: {  	s20 =	simm.s32 $0x38;
	v4 =	vadd.s32 s19, v2  }
0x336: {  	v5 =	vadd.s32 s20, v2  }
0x337: {  	s21 =	simm.s32 $0x188;
	v1 =	vld [tilespmem:$0x12B0]  }
0x338: {  	v6 =	vadd.s32 s21, v2;
	v0 =	vld.idx.msk [tilespmem:v0+s2+$0x0], $0xffff  }
0x339: {  	s22 =	simm.s32 $0x150;
	v3 =	vld.idx.msk [tilespmem:v3+s2+$0x0], $0xffff  }
0x33a: {  	s23 =	simm.s32 $0xE0;
	v7 =	vadd.s32 s22, v2;
	v4 =	vld.idx.msk [tilespmem:v4+s2+$0x0], $0xffff  }
0x33b: {  	s24 =	simm.s32 $0x118;
	v8 =	vadd.s32 s23, v2;
	v5 =	vld.idx.msk [tilespmem:v5+s2+$0x0], $0xffff  }
0x33c: {  	s25 =	simm.s32 $0x268;
	v9 =	vadd.s32 s24, v2  }
0x33d: {  	v14 =	vadd.s32 s25, v2;
	v6 =	vld.idx.msk [tilespmem:v6+s2+$0x0], $0xffff;
	v10 =	vshll.u32 v0, $0x3  }
0x33e: {  	v0 =	vld [tilespmem:$0x11D0];
	v3 =	vshll.u32 v3, $0x3;
	v10 =	vadd.s32 v1, v10  }
0x33f: {  	v11 =	vld.idx.msk [tilespmem:v7+s2+$0x0], $0xffff;
	v4 =	vshll.u32 v4, $0x3;
	v3 =	vadd.s32 v1, v3  }
0x340: {  	v12 =	vld.idx.msk [tilespmem:v8+s2+$0x0], $0xffff;
	v5 =	vshll.u32 v5, $0x3;
	v4 =	vadd.s32 v1, v4  }
0x341: {  	s26 =	simm.s32 $0x230;
	v17 =	vld.idx.msk [tilespmem:v9+s2+$0x0], $0xffff;
	v13 =	vadd.s32 v1, v5  }
0x342: {  	s17 =	simm.s32 $0xC00;
	s28 =	simm.s32 $0x1C0;
	v15 =	vadd.s32 s26, v2;
	v14 =	vld.idx.msk [tilespmem:v14+s2+$0x0], $0xffff  }
0x343: {  	s29 =	simm.s32 $0x1F8;
	s31 =	simm.s32 $0x800;
	v19 =	vadd.s32 s17, v0;
	v18 =	vld.idx.msk [tilespmem:v10+s11+$0x0], $0xffff;
	v10 =	vadd.s32 s28, v2  }
0x344: {  	s30 =	simm.s32 $0x0;
	v8 =	vadd.s32 s29, v2;
	v6 =	vshll.u32 v6, $0x3;
	v9 =	vadd.s32 s31, v0;
	v5 =	vld.idx.msk [tilespmem:v3+s11+$0x0], $0xffff  }
0x345: {  	s20 =	simm.s32 $0x400;
	v11 =	vshll.u32 v11, $0x3;
	v16 =	vadd.s32 v1, v6;
	v7 =	vadd.s32 s30, v0;
	v4 =	vld.idx.msk [tilespmem:v4+s11+$0x0], $0xffff  }
0x346: {  	v12 =	vshll.u32 v12, $0x3;
	v6 =	vadd.s32 s20, v0;
	v3 =	vld.idx.msk [tilespmem:v13+s11+$0x0], $0xffff;
	v13 =	vadd.s32 v1, v11  }
0x347: {  	v15 =	vld.idx.msk [tilespmem:v15+s2+$0x0], $0xffff;
	v17 =	vshll.u32 v17, $0x3;
	v11 =	vadd.s32 v1, v12  }
0x348: {  	s18 =	simm.s32 $0x8;
	s19 =	simm.s32 $0x348;
	v12 =	vld.idx.msk [tilespmem:v10+s2+$0x0], $0xffff;
	v10 =	vadd.s32 v1, v17;
	[tilespmem:v19+s15+$0x0] =	vst.idx.msk $0xffff, v18  }
.LBB2_34:
0x349: {  	s20 =	sadd.s32 $0xFFFFFF90, s19;
	s21 =	sadd.s32 $0xFFFFFFC8, s19;
	v17 =	vadd.s32 s19, v2;
	s18 =	sadd.s32 $0x4, s18;
	v18 =	vld.idx.msk [tilespmem:v8+s2+$0x0], $0xffff;
	[tilespmem:v9+s15+$0x0] =	vst.idx.msk $0xffff, v5  }
0x34a: {  	s22 =	sadd.s32 $0xFFFFFF58, s19;
	s17 =	sadd.s32 $0x1000, s17;
	v8 =	vadd.s32 s20, v2;
	v19 =	vadd.s32 s21, v2;
	p0 =	slt.u32 s18, $0x3C;
	v20 =	vld.idx.msk [tilespmem:v16+s11+$0x0], $0xffff;
	[tilespmem:v7+s15+$0x0] =	vst.idx.msk $0xffff, v4  }
0x34b: {  	v21 =	vadd.s32 s22, v2;
	s20 =	sadd.s32 $0xFFFFF400, s17;
	s21 =	sadd.s32 $0xFFFFF800, s17;
	s22 =	sadd.s32 $0xFFFFFC00, s17;
	v22 =	vadd.s32 s17, v0;
	v5 =	vld.idx.msk [tilespmem:v13+s11+$0x0], $0xffff;
	[tilespmem:v6+s15+$0x0] =	vst.idx.msk $0xffff, v3  }
.Ltmp16:
0x34c: {  	v3 =	vshll.u32 v14, $0x3;
	v7 =	vadd.s32 s20, v0;
	v9 =	vadd.s32 s22, v0;
	v4 =	vld.idx.msk [tilespmem:v11+s11+$0x0], $0xffff;
	(pc) =	sbr.rel @p0 .LBB2_34-.Ltmp16, $4  }
0x34d: {  	v6 =	vadd.s32 s21, v0;
	v11 =	vshll.u32 v15, $0x3;
	v16 =	vadd.s32 v1, v3;
	v3 =	vld.idx.msk [tilespmem:v10+s11+$0x0], $0xffff  }
0x34e: {  	v10 =	vshll.u32 v12, $0x3;
	v13 =	vadd.s32 v1, v11;
	v14 =	vld.idx.msk [tilespmem:v17+s2+$0x0], $0xffff  }
0x34f: {  	v11 =	vadd.s32 v1, v10;
	v10 =	vshll.u32 v18, $0x3;
	v15 =	vld.idx.msk [tilespmem:v19+s2+$0x0], $0xffff  }
0x350: {  	s19 =	sadd.s32 $0xE0, s19;
	v10 =	vadd.s32 v1, v10;
	v12 =	vld.idx.msk [tilespmem:v21+s2+$0x0], $0xffff;
	[tilespmem:v22+s15+$0x0] =	vst.idx.msk $0xffff, v20  }
0x351: {  	_ =	sdelay $0x3  }
0x352: {  	v2 =	vld.idx.msk [tilespmem:v8+s2+$0x0], $0xffff;
	_ =	sdelay $0x1  }
0x353: {  	s17 =	sadd.s32 $0x1000, s17;
	v8 =	vshll.u32 v14, $0x3  }
0x354: {  	s18 =	sadd.s32 $0xFFFFFC00, s17;
	v14 =	vshll.u32 v15, $0x3;
	v8 =	vadd.s32 v1, v8  }
0x355: {  	v13 =	vld.idx.msk [tilespmem:v13+s11+$0x0], $0xffff;
	s19 =	sadd.s32 $0xFFFFF400, s17;
	v17 =	vadd.s32 s18, v0;
	v12 =	vshll.u32 v12, $0x3;
	v14 =	vadd.s32 v1, v14  }
0x356: {  	[tilespmem:v9+s15+$0x0] =	vst.idx.msk $0xffff, v5;
	v5 =	vld.idx.msk [tilespmem:v11+s11+$0x0], $0xffff;
	v9 =	vadd.s32 s19, v0;
	v12 =	vadd.s32 v1, v12;
	v2 =	vshll.u32 v2, $0x3  }
0x357: {  	s26 =	sadd.s32 $0xFFFFF800, s17;
	v15 =	vld.idx.msk [tilespmem:v16+s11+$0x0], $0xffff;
	v16 =	vadd.s32 s17, v0;
	v1 =	vadd.s32 v1, v2  }
0x358: {  	[tilespmem:v7+s15+$0x0] =	vst.idx.msk $0xffff, v4;
	v4 =	vadd.s32 s26, v0;
	s17 =	sadd.s32 $0x1000, s17;
	v2 =	vld.idx.msk [tilespmem:v10+s11+$0x0], $0xffff  }
0x359: {  	[tilespmem:v6+s15+$0x0] =	vst.idx.msk $0xffff, v3;
	s28 =	sadd.s32 $0xFFFFFC00, s17;
	v6 =	vadd.s32 s17, v0;
	v3 =	vld.idx.msk [tilespmem:v8+s11+$0x0], $0xffff  }
0x35a: {  	s29 =	sadd.s32 $0xFFFFF400, s17;
	[tilespmem:v17+s15+$0x0] =	vst.idx.msk $0xffff, v13;
	v8 =	vadd.s32 s28, v0;
	v7 =	vld.idx.msk [tilespmem:v14+s11+$0x0], $0xffff  }
0x35b: {  	s17 =	sadd.s32 $0xFFFFF800, s17;
	v11 =	vadd.s32 s29, v0;
	[tilespmem:v9+s15+$0x0] =	vst.idx.msk $0xffff, v5;
	v10 =	vld.idx.msk [tilespmem:v12+s11+$0x0], $0xffff  }
0x35c: {  	[tilespmem:v16+s15+$0x0] =	vst.idx.msk $0xffff, v15;
	v0 =	vadd.s32 s17, v0;
	v1 =	vld.idx.msk [tilespmem:v1+s11+$0x0], $0xffff  }
0x35d: {  	[tilespmem:v4+s15+$0x0] =	vst.idx.msk $0xffff, v2  }
0x35e: {  	[tilespmem:v6+s15+$0x0] =	vst.idx.msk $0xffff, v3  }
0x35f: {  	[tilespmem:v8+s15+$0x0] =	vst.idx.msk $0xffff, v7  }
0x360: {  	[tilespmem:v11+s15+$0x0] =	vst.idx.msk $0xffff, v10  }
0x361: {  	[tilespmem:v0+s15+$0x0] =	vst.idx.msk $0xffff, v1  }
0x362: {  	v2 =	vld [tilespmem:$0x1020];
	_ =	sdelay $0x3  }
0x363: {  	s30 =	simm.s32 $0xA8  }
0x364: {  	s31 =	simm.s32 $0x70;
	v0 =	vadd.s32 s30, v2  }
0x365: {  	s19 =	simm.s32 $0x0;
	v3 =	vadd.s32 s31, v2  }
0x366: {  	s20 =	simm.s32 $0x38;
	v4 =	vadd.s32 s19, v2  }
0x367: {  	v5 =	vadd.s32 s20, v2  }
0x368: {  	s21 =	simm.s32 $0x188;
	v1 =	vld [tilespmem:$0x12C0]  }
0x369: {  	v6 =	vadd.s32 s21, v2;
	v0 =	vld.idx.msk [tilespmem:v0+s2+$0x0], $0xffff  }
0x36a: {  	s22 =	simm.s32 $0x150;
	v3 =	vld.idx.msk [tilespmem:v3+s2+$0x0], $0xffff  }
0x36b: {  	s23 =	simm.s32 $0xE0;
	v7 =	vadd.s32 s22, v2;
	v4 =	vld.idx.msk [tilespmem:v4+s2+$0x0], $0xffff  }
0x36c: {  	s24 =	simm.s32 $0x118;
	v8 =	vadd.s32 s23, v2;
	v5 =	vld.idx.msk [tilespmem:v5+s2+$0x0], $0xffff  }
0x36d: {  	s25 =	simm.s32 $0x268;
	v9 =	vadd.s32 s24, v2  }
0x36e: {  	v14 =	vadd.s32 s25, v2;
	v6 =	vld.idx.msk [tilespmem:v6+s2+$0x0], $0xffff;
	v10 =	vshll.u32 v0, $0x3  }
0x36f: {  	v0 =	vld [tilespmem:$0x11E0];
	v3 =	vshll.u32 v3, $0x3;
	v10 =	vadd.s32 v1, v10  }
0x370: {  	v11 =	vld.idx.msk [tilespmem:v7+s2+$0x0], $0xffff;
	v4 =	vshll.u32 v4, $0x3;
	v3 =	vadd.s32 v1, v3  }
0x371: {  	v12 =	vld.idx.msk [tilespmem:v8+s2+$0x0], $0xffff;
	v5 =	vshll.u32 v5, $0x3;
	v4 =	vadd.s32 v1, v4  }
0x372: {  	s26 =	simm.s32 $0x230;
	v17 =	vld.idx.msk [tilespmem:v9+s2+$0x0], $0xffff;
	v13 =	vadd.s32 v1, v5  }
0x373: {  	s17 =	simm.s32 $0xC00;
	s28 =	simm.s32 $0x1C0;
	v15 =	vadd.s32 s26, v2;
	v14 =	vld.idx.msk [tilespmem:v14+s2+$0x0], $0xffff  }
0x374: {  	s29 =	simm.s32 $0x1F8;
	s31 =	simm.s32 $0x800;
	v19 =	vadd.s32 s17, v0;
	v18 =	vld.idx.msk [tilespmem:v10+s11+$0x0], $0xffff;
	v10 =	vadd.s32 s28, v2  }
0x375: {  	s30 =	simm.s32 $0x0;
	v8 =	vadd.s32 s29, v2;
	v6 =	vshll.u32 v6, $0x3;
	v9 =	vadd.s32 s31, v0;
	v5 =	vld.idx.msk [tilespmem:v3+s11+$0x0], $0xffff  }
0x376: {  	s20 =	simm.s32 $0x400;
	v11 =	vshll.u32 v11, $0x3;
	v16 =	vadd.s32 v1, v6;
	v7 =	vadd.s32 s30, v0;
	v4 =	vld.idx.msk [tilespmem:v4+s11+$0x0], $0xffff  }
0x377: {  	v12 =	vshll.u32 v12, $0x3;
	v6 =	vadd.s32 s20, v0;
	v3 =	vld.idx.msk [tilespmem:v13+s11+$0x0], $0xffff;
	v13 =	vadd.s32 v1, v11  }
0x378: {  	v15 =	vld.idx.msk [tilespmem:v15+s2+$0x0], $0xffff;
	v17 =	vshll.u32 v17, $0x3;
	v11 =	vadd.s32 v1, v12  }
0x379: {  	s18 =	simm.s32 $0x8;
	s19 =	simm.s32 $0x348;
	v12 =	vld.idx.msk [tilespmem:v10+s2+$0x0], $0xffff;
	v10 =	vadd.s32 v1, v17;
	[tilespmem:v19+s15+$0x0] =	vst.idx.msk $0xffff, v18  }
.LBB2_36:
0x37a: {  	s20 =	sadd.s32 $0xFFFFFF90, s19;
	s21 =	sadd.s32 $0xFFFFFFC8, s19;
	v17 =	vadd.s32 s19, v2;
	s18 =	sadd.s32 $0x4, s18;
	v18 =	vld.idx.msk [tilespmem:v8+s2+$0x0], $0xffff;
	[tilespmem:v9+s15+$0x0] =	vst.idx.msk $0xffff, v5  }
0x37b: {  	s22 =	sadd.s32 $0xFFFFFF58, s19;
	s17 =	sadd.s32 $0x1000, s17;
	v8 =	vadd.s32 s20, v2;
	v19 =	vadd.s32 s21, v2;
	p0 =	slt.u32 s18, $0x3C;
	v20 =	vld.idx.msk [tilespmem:v16+s11+$0x0], $0xffff;
	[tilespmem:v7+s15+$0x0] =	vst.idx.msk $0xffff, v4  }
0x37c: {  	v21 =	vadd.s32 s22, v2;
	s20 =	sadd.s32 $0xFFFFF400, s17;
	s21 =	sadd.s32 $0xFFFFF800, s17;
	s22 =	sadd.s32 $0xFFFFFC00, s17;
	v22 =	vadd.s32 s17, v0;
	v5 =	vld.idx.msk [tilespmem:v13+s11+$0x0], $0xffff;
	[tilespmem:v6+s15+$0x0] =	vst.idx.msk $0xffff, v3  }
.Ltmp17:
0x37d: {  	v3 =	vshll.u32 v14, $0x3;
	v7 =	vadd.s32 s20, v0;
	v9 =	vadd.s32 s22, v0;
	v4 =	vld.idx.msk [tilespmem:v11+s11+$0x0], $0xffff;
	(pc) =	sbr.rel @p0 .LBB2_36-.Ltmp17, $4  }
0x37e: {  	v6 =	vadd.s32 s21, v0;
	v11 =	vshll.u32 v15, $0x3;
	v16 =	vadd.s32 v1, v3;
	v3 =	vld.idx.msk [tilespmem:v10+s11+$0x0], $0xffff  }
0x37f: {  	v10 =	vshll.u32 v12, $0x3;
	v13 =	vadd.s32 v1, v11;
	v14 =	vld.idx.msk [tilespmem:v17+s2+$0x0], $0xffff  }
0x380: {  	v11 =	vadd.s32 v1, v10;
	v10 =	vshll.u32 v18, $0x3;
	v15 =	vld.idx.msk [tilespmem:v19+s2+$0x0], $0xffff  }
0x381: {  	s19 =	sadd.s32 $0xE0, s19;
	v10 =	vadd.s32 v1, v10;
	v12 =	vld.idx.msk [tilespmem:v21+s2+$0x0], $0xffff;
	[tilespmem:v22+s15+$0x0] =	vst.idx.msk $0xffff, v20  }
0x382: {  	_ =	sdelay $0x3  }
0x383: {  	v2 =	vld.idx.msk [tilespmem:v8+s2+$0x0], $0xffff;
	_ =	sdelay $0x1  }
0x384: {  	s17 =	sadd.s32 $0x1000, s17;
	v8 =	vshll.u32 v14, $0x3  }
0x385: {  	s18 =	sadd.s32 $0xFFFFFC00, s17;
	v14 =	vshll.u32 v15, $0x3;
	v8 =	vadd.s32 v1, v8  }
0x386: {  	v13 =	vld.idx.msk [tilespmem:v13+s11+$0x0], $0xffff;
	s19 =	sadd.s32 $0xFFFFF400, s17;
	v17 =	vadd.s32 s18, v0;
	v12 =	vshll.u32 v12, $0x3;
	v14 =	vadd.s32 v1, v14  }
0x387: {  	[tilespmem:v9+s15+$0x0] =	vst.idx.msk $0xffff, v5;
	v5 =	vld.idx.msk [tilespmem:v11+s11+$0x0], $0xffff;
	v9 =	vadd.s32 s19, v0;
	v12 =	vadd.s32 v1, v12;
	v2 =	vshll.u32 v2, $0x3  }
0x388: {  	s26 =	sadd.s32 $0xFFFFF800, s17;
	v15 =	vld.idx.msk [tilespmem:v16+s11+$0x0], $0xffff;
	v16 =	vadd.s32 s17, v0;
	v1 =	vadd.s32 v1, v2  }
0x389: {  	[tilespmem:v7+s15+$0x0] =	vst.idx.msk $0xffff, v4;
	v4 =	vadd.s32 s26, v0;
	s17 =	sadd.s32 $0x1000, s17;
	v2 =	vld.idx.msk [tilespmem:v10+s11+$0x0], $0xffff  }
0x38a: {  	[tilespmem:v6+s15+$0x0] =	vst.idx.msk $0xffff, v3;
	s28 =	sadd.s32 $0xFFFFFC00, s17;
	v6 =	vadd.s32 s17, v0;
	v3 =	vld.idx.msk [tilespmem:v8+s11+$0x0], $0xffff  }
0x38b: {  	s29 =	sadd.s32 $0xFFFFF400, s17;
	[tilespmem:v17+s15+$0x0] =	vst.idx.msk $0xffff, v13;
	v8 =	vadd.s32 s28, v0;
	v7 =	vld.idx.msk [tilespmem:v14+s11+$0x0], $0xffff  }
0x38c: {  	s17 =	sadd.s32 $0xFFFFF800, s17;
	v11 =	vadd.s32 s29, v0;
	[tilespmem:v9+s15+$0x0] =	vst.idx.msk $0xffff, v5;
	v10 =	vld.idx.msk [tilespmem:v12+s11+$0x0], $0xffff  }
0x38d: {  	[tilespmem:v16+s15+$0x0] =	vst.idx.msk $0xffff, v15;
	v0 =	vadd.s32 s17, v0;
	v1 =	vld.idx.msk [tilespmem:v1+s11+$0x0], $0xffff  }
0x38e: {  	[tilespmem:v4+s15+$0x0] =	vst.idx.msk $0xffff, v2  }
0x38f: {  	[tilespmem:v6+s15+$0x0] =	vst.idx.msk $0xffff, v3  }
0x390: {  	[tilespmem:v8+s15+$0x0] =	vst.idx.msk $0xffff, v7  }
0x391: {  	[tilespmem:v11+s15+$0x0] =	vst.idx.msk $0xffff, v10  }
0x392: {  	[tilespmem:v0+s15+$0x0] =	vst.idx.msk $0xffff, v1  }
0x393: {  	v2 =	vld [tilespmem:$0x1030];
	_ =	sdelay $0x3  }
0x394: {  	s30 =	simm.s32 $0xA8  }
0x395: {  	s31 =	simm.s32 $0x70;
	v0 =	vadd.s32 s30, v2  }
0x396: {  	s19 =	simm.s32 $0x0;
	v3 =	vadd.s32 s31, v2  }
0x397: {  	s20 =	simm.s32 $0x38;
	v4 =	vadd.s32 s19, v2  }
0x398: {  	v5 =	vadd.s32 s20, v2  }
0x399: {  	s21 =	simm.s32 $0x188;
	v1 =	vld [tilespmem:$0x12D0]  }
0x39a: {  	v6 =	vadd.s32 s21, v2;
	v0 =	vld.idx.msk [tilespmem:v0+s2+$0x0], $0xffff  }
0x39b: {  	s22 =	simm.s32 $0x150;
	v3 =	vld.idx.msk [tilespmem:v3+s2+$0x0], $0xffff  }
0x39c: {  	s23 =	simm.s32 $0xE0;
	v7 =	vadd.s32 s22, v2;
	v4 =	vld.idx.msk [tilespmem:v4+s2+$0x0], $0xffff  }
0x39d: {  	s24 =	simm.s32 $0x118;
	v8 =	vadd.s32 s23, v2;
	v5 =	vld.idx.msk [tilespmem:v5+s2+$0x0], $0xffff  }
0x39e: {  	s25 =	simm.s32 $0x268;
	v9 =	vadd.s32 s24, v2  }
0x39f: {  	v14 =	vadd.s32 s25, v2;
	v6 =	vld.idx.msk [tilespmem:v6+s2+$0x0], $0xffff;
	v10 =	vshll.u32 v0, $0x3  }
0x3a0: {  	v0 =	vld [tilespmem:$0x11F0];
	v3 =	vshll.u32 v3, $0x3;
	v10 =	vadd.s32 v1, v10  }
0x3a1: {  	v11 =	vld.idx.msk [tilespmem:v7+s2+$0x0], $0xffff;
	v4 =	vshll.u32 v4, $0x3;
	v3 =	vadd.s32 v1, v3  }
0x3a2: {  	v12 =	vld.idx.msk [tilespmem:v8+s2+$0x0], $0xffff;
	v5 =	vshll.u32 v5, $0x3;
	v4 =	vadd.s32 v1, v4  }
0x3a3: {  	s26 =	simm.s32 $0x230;
	v17 =	vld.idx.msk [tilespmem:v9+s2+$0x0], $0xffff;
	v13 =	vadd.s32 v1, v5  }
0x3a4: {  	s17 =	simm.s32 $0xC00;
	s28 =	simm.s32 $0x1C0;
	v15 =	vadd.s32 s26, v2;
	v14 =	vld.idx.msk [tilespmem:v14+s2+$0x0], $0xffff  }
0x3a5: {  	s29 =	simm.s32 $0x1F8;
	s31 =	simm.s32 $0x800;
	v19 =	vadd.s32 s17, v0;
	v18 =	vld.idx.msk [tilespmem:v10+s11+$0x0], $0xffff;
	v10 =	vadd.s32 s28, v2  }
0x3a6: {  	s30 =	simm.s32 $0x0;
	v8 =	vadd.s32 s29, v2;
	v6 =	vshll.u32 v6, $0x3;
	v9 =	vadd.s32 s31, v0;
	v5 =	vld.idx.msk [tilespmem:v3+s11+$0x0], $0xffff  }
0x3a7: {  	s20 =	simm.s32 $0x400;
	v11 =	vshll.u32 v11, $0x3;
	v16 =	vadd.s32 v1, v6;
	v7 =	vadd.s32 s30, v0;
	v4 =	vld.idx.msk [tilespmem:v4+s11+$0x0], $0xffff  }
0x3a8: {  	v12 =	vshll.u32 v12, $0x3;
	v6 =	vadd.s32 s20, v0;
	v3 =	vld.idx.msk [tilespmem:v13+s11+$0x0], $0xffff;
	v13 =	vadd.s32 v1, v11  }
0x3a9: {  	v15 =	vld.idx.msk [tilespmem:v15+s2+$0x0], $0xffff;
	v17 =	vshll.u32 v17, $0x3;
	v11 =	vadd.s32 v1, v12  }
0x3aa: {  	s18 =	simm.s32 $0x8;
	s19 =	simm.s32 $0x348;
	v12 =	vld.idx.msk [tilespmem:v10+s2+$0x0], $0xffff;
	v10 =	vadd.s32 v1, v17;
	[tilespmem:v19+s15+$0x0] =	vst.idx.msk $0xffff, v18  }
.LBB2_38:
0x3ab: {  	s20 =	sadd.s32 $0xFFFFFF90, s19;
	s21 =	sadd.s32 $0xFFFFFFC8, s19;
	v17 =	vadd.s32 s19, v2;
	s18 =	sadd.s32 $0x4, s18;
	v18 =	vld.idx.msk [tilespmem:v8+s2+$0x0], $0xffff;
	[tilespmem:v9+s15+$0x0] =	vst.idx.msk $0xffff, v5  }
0x3ac: {  	s22 =	sadd.s32 $0xFFFFFF58, s19;
	s17 =	sadd.s32 $0x1000, s17;
	v8 =	vadd.s32 s20, v2;
	v19 =	vadd.s32 s21, v2;
	p0 =	slt.u32 s18, $0x3C;
	v20 =	vld.idx.msk [tilespmem:v16+s11+$0x0], $0xffff;
	[tilespmem:v7+s15+$0x0] =	vst.idx.msk $0xffff, v4  }
0x3ad: {  	v21 =	vadd.s32 s22, v2;
	s20 =	sadd.s32 $0xFFFFF400, s17;
	s21 =	sadd.s32 $0xFFFFF800, s17;
	s22 =	sadd.s32 $0xFFFFFC00, s17;
	v22 =	vadd.s32 s17, v0;
	v5 =	vld.idx.msk [tilespmem:v13+s11+$0x0], $0xffff;
	[tilespmem:v6+s15+$0x0] =	vst.idx.msk $0xffff, v3  }
.Ltmp18:
0x3ae: {  	v3 =	vshll.u32 v14, $0x3;
	v7 =	vadd.s32 s20, v0;
	v9 =	vadd.s32 s22, v0;
	v4 =	vld.idx.msk [tilespmem:v11+s11+$0x0], $0xffff;
	(pc) =	sbr.rel @p0 .LBB2_38-.Ltmp18, $4  }
0x3af: {  	v6 =	vadd.s32 s21, v0;
	v11 =	vshll.u32 v15, $0x3;
	v16 =	vadd.s32 v1, v3;
	v3 =	vld.idx.msk [tilespmem:v10+s11+$0x0], $0xffff  }
0x3b0: {  	v10 =	vshll.u32 v12, $0x3;
	v13 =	vadd.s32 v1, v11;
	v14 =	vld.idx.msk [tilespmem:v17+s2+$0x0], $0xffff  }
0x3b1: {  	v11 =	vadd.s32 v1, v10;
	v10 =	vshll.u32 v18, $0x3;
	v15 =	vld.idx.msk [tilespmem:v19+s2+$0x0], $0xffff  }
0x3b2: {  	s19 =	sadd.s32 $0xE0, s19;
	v10 =	vadd.s32 v1, v10;
	v12 =	vld.idx.msk [tilespmem:v21+s2+$0x0], $0xffff;
	[tilespmem:v22+s15+$0x0] =	vst.idx.msk $0xffff, v20  }
0x3b3: {  	_ =	sdelay $0x3  }
0x3b4: {  	v2 =	vld.idx.msk [tilespmem:v8+s2+$0x0], $0xffff;
	_ =	sdelay $0x1  }
0x3b5: {  	s17 =	sadd.s32 $0x1000, s17;
	v8 =	vshll.u32 v14, $0x3  }
0x3b6: {  	s18 =	sadd.s32 $0xFFFFFC00, s17;
	v14 =	vshll.u32 v15, $0x3;
	v8 =	vadd.s32 v1, v8  }
0x3b7: {  	v13 =	vld.idx.msk [tilespmem:v13+s11+$0x0], $0xffff;
	s19 =	sadd.s32 $0xFFFFF400, s17;
	v17 =	vadd.s32 s18, v0;
	v12 =	vshll.u32 v12, $0x3;
	v14 =	vadd.s32 v1, v14  }
0x3b8: {  	[tilespmem:v9+s15+$0x0] =	vst.idx.msk $0xffff, v5;
	v5 =	vld.idx.msk [tilespmem:v11+s11+$0x0], $0xffff;
	v9 =	vadd.s32 s19, v0;
	v12 =	vadd.s32 v1, v12;
	v2 =	vshll.u32 v2, $0x3  }
0x3b9: {  	s26 =	sadd.s32 $0xFFFFF800, s17;
	v15 =	vld.idx.msk [tilespmem:v16+s11+$0x0], $0xffff;
	v16 =	vadd.s32 s17, v0;
	v1 =	vadd.s32 v1, v2  }
0x3ba: {  	[tilespmem:v7+s15+$0x0] =	vst.idx.msk $0xffff, v4;
	v4 =	vadd.s32 s26, v0;
	s17 =	sadd.s32 $0x1000, s17;
	v2 =	vld.idx.msk [tilespmem:v10+s11+$0x0], $0xffff  }
0x3bb: {  	[tilespmem:v6+s15+$0x0] =	vst.idx.msk $0xffff, v3;
	s28 =	sadd.s32 $0xFFFFFC00, s17;
	v6 =	vadd.s32 s17, v0;
	v3 =	vld.idx.msk [tilespmem:v8+s11+$0x0], $0xffff  }
0x3bc: {  	s29 =	sadd.s32 $0xFFFFF400, s17;
	[tilespmem:v17+s15+$0x0] =	vst.idx.msk $0xffff, v13;
	v8 =	vadd.s32 s28, v0;
	v7 =	vld.idx.msk [tilespmem:v14+s11+$0x0], $0xffff  }
0x3bd: {  	s17 =	sadd.s32 $0xFFFFF800, s17;
	v11 =	vadd.s32 s29, v0;
	[tilespmem:v9+s15+$0x0] =	vst.idx.msk $0xffff, v5;
	v10 =	vld.idx.msk [tilespmem:v12+s11+$0x0], $0xffff  }
0x3be: {  	[tilespmem:v16+s15+$0x0] =	vst.idx.msk $0xffff, v15;
	v0 =	vadd.s32 s17, v0;
	v1 =	vld.idx.msk [tilespmem:v1+s11+$0x0], $0xffff  }
0x3bf: {  	[tilespmem:v4+s15+$0x0] =	vst.idx.msk $0xffff, v2  }
0x3c0: {  	[tilespmem:v6+s15+$0x0] =	vst.idx.msk $0xffff, v3  }
0x3c1: {  	[tilespmem:v8+s15+$0x0] =	vst.idx.msk $0xffff, v7  }
0x3c2: {  	[tilespmem:v11+s15+$0x0] =	vst.idx.msk $0xffff, v10  }
0x3c3: {  	[tilespmem:v0+s15+$0x0] =	vst.idx.msk $0xffff, v1  }
0x3c4: {  	v2 =	vld [tilespmem:$0x1040];
	_ =	sdelay $0x3  }
0x3c5: {  	s30 =	simm.s32 $0xA8  }
0x3c6: {  	s31 =	simm.s32 $0x70;
	v0 =	vadd.s32 s30, v2  }
0x3c7: {  	s19 =	simm.s32 $0x0;
	v3 =	vadd.s32 s31, v2  }
0x3c8: {  	s20 =	simm.s32 $0x38;
	v4 =	vadd.s32 s19, v2  }
0x3c9: {  	v5 =	vadd.s32 s20, v2  }
0x3ca: {  	s21 =	simm.s32 $0x188;
	v1 =	vld [tilespmem:$0x12E0]  }
0x3cb: {  	v6 =	vadd.s32 s21, v2;
	v0 =	vld.idx.msk [tilespmem:v0+s2+$0x0], $0xffff  }
0x3cc: {  	s22 =	simm.s32 $0x150;
	v3 =	vld.idx.msk [tilespmem:v3+s2+$0x0], $0xffff  }
0x3cd: {  	s23 =	simm.s32 $0xE0;
	v7 =	vadd.s32 s22, v2;
	v4 =	vld.idx.msk [tilespmem:v4+s2+$0x0], $0xffff  }
0x3ce: {  	s24 =	simm.s32 $0x118;
	v8 =	vadd.s32 s23, v2;
	v5 =	vld.idx.msk [tilespmem:v5+s2+$0x0], $0xffff  }
0x3cf: {  	s25 =	simm.s32 $0x268;
	v9 =	vadd.s32 s24, v2  }
0x3d0: {  	v14 =	vadd.s32 s25, v2;
	v6 =	vld.idx.msk [tilespmem:v6+s2+$0x0], $0xffff;
	v10 =	vshll.u32 v0, $0x3  }
0x3d1: {  	v0 =	vld [tilespmem:$0x1200];
	v3 =	vshll.u32 v3, $0x3;
	v10 =	vadd.s32 v1, v10  }
0x3d2: {  	v11 =	vld.idx.msk [tilespmem:v7+s2+$0x0], $0xffff;
	v4 =	vshll.u32 v4, $0x3;
	v3 =	vadd.s32 v1, v3  }
0x3d3: {  	v12 =	vld.idx.msk [tilespmem:v8+s2+$0x0], $0xffff;
	v5 =	vshll.u32 v5, $0x3;
	v4 =	vadd.s32 v1, v4  }
0x3d4: {  	s26 =	simm.s32 $0x230;
	v17 =	vld.idx.msk [tilespmem:v9+s2+$0x0], $0xffff;
	v13 =	vadd.s32 v1, v5  }
0x3d5: {  	s17 =	simm.s32 $0xC00;
	s28 =	simm.s32 $0x1C0;
	v15 =	vadd.s32 s26, v2;
	v14 =	vld.idx.msk [tilespmem:v14+s2+$0x0], $0xffff  }
0x3d6: {  	s29 =	simm.s32 $0x1F8;
	s31 =	simm.s32 $0x800;
	v19 =	vadd.s32 s17, v0;
	v18 =	vld.idx.msk [tilespmem:v10+s11+$0x0], $0xffff;
	v10 =	vadd.s32 s28, v2  }
0x3d7: {  	s30 =	simm.s32 $0x0;
	v8 =	vadd.s32 s29, v2;
	v6 =	vshll.u32 v6, $0x3;
	v9 =	vadd.s32 s31, v0;
	v5 =	vld.idx.msk [tilespmem:v3+s11+$0x0], $0xffff  }
0x3d8: {  	s20 =	simm.s32 $0x400;
	v11 =	vshll.u32 v11, $0x3;
	v16 =	vadd.s32 v1, v6;
	v7 =	vadd.s32 s30, v0;
	v4 =	vld.idx.msk [tilespmem:v4+s11+$0x0], $0xffff  }
0x3d9: {  	v12 =	vshll.u32 v12, $0x3;
	v6 =	vadd.s32 s20, v0;
	v3 =	vld.idx.msk [tilespmem:v13+s11+$0x0], $0xffff;
	v13 =	vadd.s32 v1, v11  }
0x3da: {  	v15 =	vld.idx.msk [tilespmem:v15+s2+$0x0], $0xffff;
	v17 =	vshll.u32 v17, $0x3;
	v11 =	vadd.s32 v1, v12  }
0x3db: {  	s18 =	simm.s32 $0x8;
	s19 =	simm.s32 $0x348;
	v12 =	vld.idx.msk [tilespmem:v10+s2+$0x0], $0xffff;
	v10 =	vadd.s32 v1, v17;
	[tilespmem:v19+s15+$0x0] =	vst.idx.msk $0xffff, v18  }
.LBB2_40:
0x3dc: {  	s20 =	sadd.s32 $0xFFFFFF90, s19;
	s21 =	sadd.s32 $0xFFFFFFC8, s19;
	v17 =	vadd.s32 s19, v2;
	s18 =	sadd.s32 $0x4, s18;
	v18 =	vld.idx.msk [tilespmem:v8+s2+$0x0], $0xffff;
	[tilespmem:v9+s15+$0x0] =	vst.idx.msk $0xffff, v5  }
0x3dd: {  	s22 =	sadd.s32 $0xFFFFFF58, s19;
	s17 =	sadd.s32 $0x1000, s17;
	v8 =	vadd.s32 s20, v2;
	v19 =	vadd.s32 s21, v2;
	p0 =	slt.u32 s18, $0x3C;
	v20 =	vld.idx.msk [tilespmem:v16+s11+$0x0], $0xffff;
	[tilespmem:v7+s15+$0x0] =	vst.idx.msk $0xffff, v4  }
0x3de: {  	v21 =	vadd.s32 s22, v2;
	s20 =	sadd.s32 $0xFFFFF400, s17;
	s21 =	sadd.s32 $0xFFFFF800, s17;
	s22 =	sadd.s32 $0xFFFFFC00, s17;
	v22 =	vadd.s32 s17, v0;
	v5 =	vld.idx.msk [tilespmem:v13+s11+$0x0], $0xffff;
	[tilespmem:v6+s15+$0x0] =	vst.idx.msk $0xffff, v3  }
.Ltmp19:
0x3df: {  	v3 =	vshll.u32 v14, $0x3;
	v7 =	vadd.s32 s20, v0;
	v9 =	vadd.s32 s22, v0;
	v4 =	vld.idx.msk [tilespmem:v11+s11+$0x0], $0xffff;
	(pc) =	sbr.rel @p0 .LBB2_40-.Ltmp19, $4  }
0x3e0: {  	v6 =	vadd.s32 s21, v0;
	v11 =	vshll.u32 v15, $0x3;
	v16 =	vadd.s32 v1, v3;
	v3 =	vld.idx.msk [tilespmem:v10+s11+$0x0], $0xffff  }
0x3e1: {  	v10 =	vshll.u32 v12, $0x3;
	v13 =	vadd.s32 v1, v11;
	v14 =	vld.idx.msk [tilespmem:v17+s2+$0x0], $0xffff  }
0x3e2: {  	v11 =	vadd.s32 v1, v10;
	v10 =	vshll.u32 v18, $0x3;
	v15 =	vld.idx.msk [tilespmem:v19+s2+$0x0], $0xffff  }
0x3e3: {  	s19 =	sadd.s32 $0xE0, s19;
	v10 =	vadd.s32 v1, v10;
	v12 =	vld.idx.msk [tilespmem:v21+s2+$0x0], $0xffff;
	[tilespmem:v22+s15+$0x0] =	vst.idx.msk $0xffff, v20  }
0x3e4: {  	_ =	sdelay $0x3  }
0x3e5: {  	v2 =	vld.idx.msk [tilespmem:v8+s2+$0x0], $0xffff;
	_ =	sdelay $0x1  }
0x3e6: {  	s17 =	sadd.s32 $0x1000, s17;
	v8 =	vshll.u32 v14, $0x3  }
0x3e7: {  	s18 =	sadd.s32 $0xFFFFFC00, s17;
	v14 =	vshll.u32 v15, $0x3;
	v8 =	vadd.s32 v1, v8  }
0x3e8: {  	v13 =	vld.idx.msk [tilespmem:v13+s11+$0x0], $0xffff;
	s19 =	sadd.s32 $0xFFFFF400, s17;
	v17 =	vadd.s32 s18, v0;
	v12 =	vshll.u32 v12, $0x3;
	v14 =	vadd.s32 v1, v14  }
0x3e9: {  	[tilespmem:v9+s15+$0x0] =	vst.idx.msk $0xffff, v5;
	v5 =	vld.idx.msk [tilespmem:v11+s11+$0x0], $0xffff;
	v9 =	vadd.s32 s19, v0;
	v12 =	vadd.s32 v1, v12;
	v2 =	vshll.u32 v2, $0x3  }
0x3ea: {  	s26 =	sadd.s32 $0xFFFFF800, s17;
	v15 =	vld.idx.msk [tilespmem:v16+s11+$0x0], $0xffff;
	v16 =	vadd.s32 s17, v0;
	v1 =	vadd.s32 v1, v2  }
0x3eb: {  	[tilespmem:v7+s15+$0x0] =	vst.idx.msk $0xffff, v4;
	v4 =	vadd.s32 s26, v0;
	s17 =	sadd.s32 $0x1000, s17;
	v2 =	vld.idx.msk [tilespmem:v10+s11+$0x0], $0xffff  }
0x3ec: {  	[tilespmem:v6+s15+$0x0] =	vst.idx.msk $0xffff, v3;
	s28 =	sadd.s32 $0xFFFFFC00, s17;
	v6 =	vadd.s32 s17, v0;
	v3 =	vld.idx.msk [tilespmem:v8+s11+$0x0], $0xffff  }
0x3ed: {  	s29 =	sadd.s32 $0xFFFFF400, s17;
	[tilespmem:v17+s15+$0x0] =	vst.idx.msk $0xffff, v13;
	v8 =	vadd.s32 s28, v0;
	v7 =	vld.idx.msk [tilespmem:v14+s11+$0x0], $0xffff  }
0x3ee: {  	s17 =	sadd.s32 $0xFFFFF800, s17;
	v11 =	vadd.s32 s29, v0;
	[tilespmem:v9+s15+$0x0] =	vst.idx.msk $0xffff, v5;
	v10 =	vld.idx.msk [tilespmem:v12+s11+$0x0], $0xffff  }
0x3ef: {  	[tilespmem:v16+s15+$0x0] =	vst.idx.msk $0xffff, v15;
	v0 =	vadd.s32 s17, v0;
	v1 =	vld.idx.msk [tilespmem:v1+s11+$0x0], $0xffff  }
0x3f0: {  	[tilespmem:v4+s15+$0x0] =	vst.idx.msk $0xffff, v2  }
0x3f1: {  	[tilespmem:v6+s15+$0x0] =	vst.idx.msk $0xffff, v3  }
0x3f2: {  	[tilespmem:v8+s15+$0x0] =	vst.idx.msk $0xffff, v7  }
0x3f3: {  	[tilespmem:v11+s15+$0x0] =	vst.idx.msk $0xffff, v10  }
0x3f4: {  	[tilespmem:v0+s15+$0x0] =	vst.idx.msk $0xffff, v1  }
0x3f5: {  	v2 =	vld [tilespmem:$0x1050];
	_ =	sdelay $0x3  }
0x3f6: {  	s30 =	simm.s32 $0xA8  }
0x3f7: {  	s31 =	simm.s32 $0x70;
	v0 =	vadd.s32 s30, v2  }
0x3f8: {  	s19 =	simm.s32 $0x0;
	v3 =	vadd.s32 s31, v2  }
0x3f9: {  	s20 =	simm.s32 $0x38;
	v4 =	vadd.s32 s19, v2  }
0x3fa: {  	v5 =	vadd.s32 s20, v2  }
0x3fb: {  	s21 =	simm.s32 $0x188;
	v1 =	vld [tilespmem:$0x12F0]  }
0x3fc: {  	v6 =	vadd.s32 s21, v2;
	v0 =	vld.idx.msk [tilespmem:v0+s2+$0x0], $0xffff  }
0x3fd: {  	s22 =	simm.s32 $0x150;
	v3 =	vld.idx.msk [tilespmem:v3+s2+$0x0], $0xffff  }
0x3fe: {  	s23 =	simm.s32 $0xE0;
	v7 =	vadd.s32 s22, v2;
	v4 =	vld.idx.msk [tilespmem:v4+s2+$0x0], $0xffff  }
0x3ff: {  	s24 =	simm.s32 $0x118;
	v8 =	vadd.s32 s23, v2;
	v5 =	vld.idx.msk [tilespmem:v5+s2+$0x0], $0xffff  }
0x400: {  	s25 =	simm.s32 $0x268;
	v9 =	vadd.s32 s24, v2  }
0x401: {  	v14 =	vadd.s32 s25, v2;
	v6 =	vld.idx.msk [tilespmem:v6+s2+$0x0], $0xffff;
	v10 =	vshll.u32 v0, $0x3  }
0x402: {  	v0 =	vld [tilespmem:$0x1210];
	v3 =	vshll.u32 v3, $0x3;
	v10 =	vadd.s32 v1, v10  }
0x403: {  	v11 =	vld.idx.msk [tilespmem:v7+s2+$0x0], $0xffff;
	v4 =	vshll.u32 v4, $0x3;
	v3 =	vadd.s32 v1, v3  }
0x404: {  	v12 =	vld.idx.msk [tilespmem:v8+s2+$0x0], $0xffff;
	v5 =	vshll.u32 v5, $0x3;
	v4 =	vadd.s32 v1, v4  }
0x405: {  	s26 =	simm.s32 $0x230;
	v17 =	vld.idx.msk [tilespmem:v9+s2+$0x0], $0xffff;
	v13 =	vadd.s32 v1, v5  }
0x406: {  	s17 =	simm.s32 $0xC00;
	s28 =	simm.s32 $0x1C0;
	v15 =	vadd.s32 s26, v2;
	v14 =	vld.idx.msk [tilespmem:v14+s2+$0x0], $0xffff  }
0x407: {  	s29 =	simm.s32 $0x1F8;
	s31 =	simm.s32 $0x800;
	v19 =	vadd.s32 s17, v0;
	v18 =	vld.idx.msk [tilespmem:v10+s11+$0x0], $0xffff;
	v10 =	vadd.s32 s28, v2  }
0x408: {  	s30 =	simm.s32 $0x0;
	v8 =	vadd.s32 s29, v2;
	v6 =	vshll.u32 v6, $0x3;
	v9 =	vadd.s32 s31, v0;
	v5 =	vld.idx.msk [tilespmem:v3+s11+$0x0], $0xffff  }
0x409: {  	s20 =	simm.s32 $0x400;
	v11 =	vshll.u32 v11, $0x3;
	v16 =	vadd.s32 v1, v6;
	v7 =	vadd.s32 s30, v0;
	v4 =	vld.idx.msk [tilespmem:v4+s11+$0x0], $0xffff  }
0x40a: {  	v12 =	vshll.u32 v12, $0x3;
	v6 =	vadd.s32 s20, v0;
	v3 =	vld.idx.msk [tilespmem:v13+s11+$0x0], $0xffff;
	v13 =	vadd.s32 v1, v11  }
0x40b: {  	v15 =	vld.idx.msk [tilespmem:v15+s2+$0x0], $0xffff;
	v17 =	vshll.u32 v17, $0x3;
	v11 =	vadd.s32 v1, v12  }
0x40c: {  	s18 =	simm.s32 $0x8;
	s19 =	simm.s32 $0x348;
	v12 =	vld.idx.msk [tilespmem:v10+s2+$0x0], $0xffff;
	v10 =	vadd.s32 v1, v17;
	[tilespmem:v19+s15+$0x0] =	vst.idx.msk $0xffff, v18  }
.LBB2_42:
0x40d: {  	s20 =	sadd.s32 $0xFFFFFF90, s19;
	s21 =	sadd.s32 $0xFFFFFFC8, s19;
	v17 =	vadd.s32 s19, v2;
	s18 =	sadd.s32 $0x4, s18;
	v18 =	vld.idx.msk [tilespmem:v8+s2+$0x0], $0xffff;
	[tilespmem:v9+s15+$0x0] =	vst.idx.msk $0xffff, v5  }
0x40e: {  	s22 =	sadd.s32 $0xFFFFFF58, s19;
	s17 =	sadd.s32 $0x1000, s17;
	v8 =	vadd.s32 s20, v2;
	v19 =	vadd.s32 s21, v2;
	p0 =	slt.u32 s18, $0x3C;
	v20 =	vld.idx.msk [tilespmem:v16+s11+$0x0], $0xffff;
	[tilespmem:v7+s15+$0x0] =	vst.idx.msk $0xffff, v4  }
0x40f: {  	v21 =	vadd.s32 s22, v2;
	s20 =	sadd.s32 $0xFFFFF400, s17;
	s21 =	sadd.s32 $0xFFFFF800, s17;
	s22 =	sadd.s32 $0xFFFFFC00, s17;
	v22 =	vadd.s32 s17, v0;
	v5 =	vld.idx.msk [tilespmem:v13+s11+$0x0], $0xffff;
	[tilespmem:v6+s15+$0x0] =	vst.idx.msk $0xffff, v3  }
.Ltmp20:
0x410: {  	v3 =	vshll.u32 v14, $0x3;
	v7 =	vadd.s32 s20, v0;
	v9 =	vadd.s32 s22, v0;
	v4 =	vld.idx.msk [tilespmem:v11+s11+$0x0], $0xffff;
	(pc) =	sbr.rel @p0 .LBB2_42-.Ltmp20, $4  }
0x411: {  	v6 =	vadd.s32 s21, v0;
	v11 =	vshll.u32 v15, $0x3;
	v16 =	vadd.s32 v1, v3;
	v3 =	vld.idx.msk [tilespmem:v10+s11+$0x0], $0xffff  }
0x412: {  	v10 =	vshll.u32 v12, $0x3;
	v13 =	vadd.s32 v1, v11;
	v14 =	vld.idx.msk [tilespmem:v17+s2+$0x0], $0xffff  }
0x413: {  	v11 =	vadd.s32 v1, v10;
	v10 =	vshll.u32 v18, $0x3;
	v15 =	vld.idx.msk [tilespmem:v19+s2+$0x0], $0xffff  }
0x414: {  	s19 =	sadd.s32 $0xE0, s19;
	v10 =	vadd.s32 v1, v10;
	v12 =	vld.idx.msk [tilespmem:v21+s2+$0x0], $0xffff;
	[tilespmem:v22+s15+$0x0] =	vst.idx.msk $0xffff, v20  }
0x415: {  	_ =	sdelay $0x3  }
0x416: {  	v2 =	vld.idx.msk [tilespmem:v8+s2+$0x0], $0xffff;
	_ =	sdelay $0x1  }
0x417: {  	s17 =	sadd.s32 $0x1000, s17;
	v8 =	vshll.u32 v14, $0x3  }
0x418: {  	s18 =	sadd.s32 $0xFFFFFC00, s17;
	v14 =	vshll.u32 v15, $0x3;
	v8 =	vadd.s32 v1, v8  }
0x419: {  	v13 =	vld.idx.msk [tilespmem:v13+s11+$0x0], $0xffff;
	s19 =	sadd.s32 $0xFFFFF400, s17;
	v17 =	vadd.s32 s18, v0;
	v12 =	vshll.u32 v12, $0x3;
	v14 =	vadd.s32 v1, v14  }
0x41a: {  	[tilespmem:v9+s15+$0x0] =	vst.idx.msk $0xffff, v5;
	v5 =	vld.idx.msk [tilespmem:v11+s11+$0x0], $0xffff;
	v9 =	vadd.s32 s19, v0;
	v12 =	vadd.s32 v1, v12;
	v2 =	vshll.u32 v2, $0x3  }
0x41b: {  	s26 =	sadd.s32 $0xFFFFF800, s17;
	v15 =	vld.idx.msk [tilespmem:v16+s11+$0x0], $0xffff;
	v16 =	vadd.s32 s17, v0;
	v1 =	vadd.s32 v1, v2  }
0x41c: {  	[tilespmem:v7+s15+$0x0] =	vst.idx.msk $0xffff, v4;
	v4 =	vadd.s32 s26, v0;
	s17 =	sadd.s32 $0x1000, s17;
	v2 =	vld.idx.msk [tilespmem:v10+s11+$0x0], $0xffff  }
0x41d: {  	[tilespmem:v6+s15+$0x0] =	vst.idx.msk $0xffff, v3;
	s28 =	sadd.s32 $0xFFFFFC00, s17;
	v6 =	vadd.s32 s17, v0;
	v3 =	vld.idx.msk [tilespmem:v8+s11+$0x0], $0xffff  }
0x41e: {  	s29 =	sadd.s32 $0xFFFFF400, s17;
	[tilespmem:v17+s15+$0x0] =	vst.idx.msk $0xffff, v13;
	v8 =	vadd.s32 s28, v0;
	v7 =	vld.idx.msk [tilespmem:v14+s11+$0x0], $0xffff  }
0x41f: {  	s17 =	sadd.s32 $0xFFFFF800, s17;
	v11 =	vadd.s32 s29, v0;
	[tilespmem:v9+s15+$0x0] =	vst.idx.msk $0xffff, v5;
	v10 =	vld.idx.msk [tilespmem:v12+s11+$0x0], $0xffff  }
0x420: {  	[tilespmem:v16+s15+$0x0] =	vst.idx.msk $0xffff, v15;
	v0 =	vadd.s32 s17, v0;
	v1 =	vld.idx.msk [tilespmem:v1+s11+$0x0], $0xffff  }
0x421: {  	[tilespmem:v4+s15+$0x0] =	vst.idx.msk $0xffff, v2  }
0x422: {  	[tilespmem:v6+s15+$0x0] =	vst.idx.msk $0xffff, v3  }
0x423: {  	[tilespmem:v8+s15+$0x0] =	vst.idx.msk $0xffff, v7  }
0x424: {  	[tilespmem:v11+s15+$0x0] =	vst.idx.msk $0xffff, v10  }
0x425: {  	[tilespmem:v0+s15+$0x0] =	vst.idx.msk $0xffff, v1  }
0x426: {  	v2 =	vld [tilespmem:$0x1060];
	_ =	sdelay $0x3  }
0x427: {  	s30 =	simm.s32 $0xA8  }
0x428: {  	s31 =	simm.s32 $0x70;
	v0 =	vadd.s32 s30, v2  }
0x429: {  	s19 =	simm.s32 $0x0;
	v3 =	vadd.s32 s31, v2  }
0x42a: {  	s20 =	simm.s32 $0x38;
	v4 =	vadd.s32 s19, v2  }
0x42b: {  	v5 =	vadd.s32 s20, v2  }
0x42c: {  	s21 =	simm.s32 $0x188;
	v1 =	vld [tilespmem:$0x1290]  }
0x42d: {  	v6 =	vadd.s32 s21, v2;
	v0 =	vld.idx.msk [tilespmem:v0+s2+$0x0], $0xffff  }
0x42e: {  	s22 =	simm.s32 $0x150;
	v3 =	vld.idx.msk [tilespmem:v3+s2+$0x0], $0xffff  }
0x42f: {  	s23 =	simm.s32 $0xE0;
	v7 =	vadd.s32 s22, v2;
	v4 =	vld.idx.msk [tilespmem:v4+s2+$0x0], $0xffff  }
0x430: {  	s24 =	simm.s32 $0x118;
	v8 =	vadd.s32 s23, v2;
	v5 =	vld.idx.msk [tilespmem:v5+s2+$0x0], $0xffff  }
0x431: {  	s25 =	simm.s32 $0x268;
	v9 =	vadd.s32 s24, v2  }
0x432: {  	v14 =	vadd.s32 s25, v2;
	v6 =	vld.idx.msk [tilespmem:v6+s2+$0x0], $0xffff;
	v10 =	vshll.u32 v0, $0x3  }
0x433: {  	v0 =	vld [tilespmem:$0x1220];
	v3 =	vshll.u32 v3, $0x3;
	v10 =	vadd.s32 v1, v10  }
0x434: {  	v11 =	vld.idx.msk [tilespmem:v7+s2+$0x0], $0xffff;
	v4 =	vshll.u32 v4, $0x3;
	v3 =	vadd.s32 v1, v3  }
0x435: {  	v12 =	vld.idx.msk [tilespmem:v8+s2+$0x0], $0xffff;
	v5 =	vshll.u32 v5, $0x3;
	v4 =	vadd.s32 v1, v4  }
0x436: {  	s26 =	simm.s32 $0x230;
	v17 =	vld.idx.msk [tilespmem:v9+s2+$0x0], $0xffff;
	v13 =	vadd.s32 v1, v5  }
0x437: {  	s17 =	simm.s32 $0xC00;
	s28 =	simm.s32 $0x1C0;
	v15 =	vadd.s32 s26, v2;
	v14 =	vld.idx.msk [tilespmem:v14+s2+$0x0], $0xffff  }
0x438: {  	s29 =	simm.s32 $0x1F8;
	s31 =	simm.s32 $0x800;
	v19 =	vadd.s32 s17, v0;
	v18 =	vld.idx.msk [tilespmem:v10+s11+$0x0], $0xffff;
	v10 =	vadd.s32 s28, v2  }
0x439: {  	s30 =	simm.s32 $0x0;
	v8 =	vadd.s32 s29, v2;
	v6 =	vshll.u32 v6, $0x3;
	v9 =	vadd.s32 s31, v0;
	v5 =	vld.idx.msk [tilespmem:v3+s11+$0x0], $0xffff  }
0x43a: {  	s20 =	simm.s32 $0x400;
	v11 =	vshll.u32 v11, $0x3;
	v16 =	vadd.s32 v1, v6;
	v7 =	vadd.s32 s30, v0;
	v4 =	vld.idx.msk [tilespmem:v4+s11+$0x0], $0xffff  }
0x43b: {  	v12 =	vshll.u32 v12, $0x3;
	v6 =	vadd.s32 s20, v0;
	v3 =	vld.idx.msk [tilespmem:v13+s11+$0x0], $0xffff;
	v13 =	vadd.s32 v1, v11  }
0x43c: {  	v15 =	vld.idx.msk [tilespmem:v15+s2+$0x0], $0xffff;
	v17 =	vshll.u32 v17, $0x3;
	v11 =	vadd.s32 v1, v12  }
0x43d: {  	s18 =	simm.s32 $0x8;
	s19 =	simm.s32 $0x348;
	v12 =	vld.idx.msk [tilespmem:v10+s2+$0x0], $0xffff;
	v10 =	vadd.s32 v1, v17;
	[tilespmem:v19+s15+$0x0] =	vst.idx.msk $0xffff, v18  }
.LBB2_44:
0x43e: {  	s20 =	sadd.s32 $0xFFFFFF90, s19;
	s21 =	sadd.s32 $0xFFFFFFC8, s19;
	v17 =	vadd.s32 s19, v2;
	s18 =	sadd.s32 $0x4, s18;
	v18 =	vld.idx.msk [tilespmem:v8+s2+$0x0], $0xffff;
	[tilespmem:v9+s15+$0x0] =	vst.idx.msk $0xffff, v5  }
0x43f: {  	s22 =	sadd.s32 $0xFFFFFF58, s19;
	s17 =	sadd.s32 $0x1000, s17;
	v8 =	vadd.s32 s20, v2;
	v19 =	vadd.s32 s21, v2;
	p0 =	slt.u32 s18, $0x3C;
	v20 =	vld.idx.msk [tilespmem:v16+s11+$0x0], $0xffff;
	[tilespmem:v7+s15+$0x0] =	vst.idx.msk $0xffff, v4  }
0x440: {  	v21 =	vadd.s32 s22, v2;
	s20 =	sadd.s32 $0xFFFFF400, s17;
	s21 =	sadd.s32 $0xFFFFF800, s17;
	s22 =	sadd.s32 $0xFFFFFC00, s17;
	v22 =	vadd.s32 s17, v0;
	v5 =	vld.idx.msk [tilespmem:v13+s11+$0x0], $0xffff;
	[tilespmem:v6+s15+$0x0] =	vst.idx.msk $0xffff, v3  }
.Ltmp21:
0x441: {  	v3 =	vshll.u32 v14, $0x3;
	v7 =	vadd.s32 s20, v0;
	v9 =	vadd.s32 s22, v0;
	v4 =	vld.idx.msk [tilespmem:v11+s11+$0x0], $0xffff;
	(pc) =	sbr.rel @p0 .LBB2_44-.Ltmp21, $4  }
0x442: {  	v6 =	vadd.s32 s21, v0;
	v11 =	vshll.u32 v15, $0x3;
	v16 =	vadd.s32 v1, v3;
	v3 =	vld.idx.msk [tilespmem:v10+s11+$0x0], $0xffff  }
0x443: {  	v10 =	vshll.u32 v12, $0x3;
	v13 =	vadd.s32 v1, v11;
	v14 =	vld.idx.msk [tilespmem:v17+s2+$0x0], $0xffff  }
0x444: {  	v11 =	vadd.s32 v1, v10;
	v10 =	vshll.u32 v18, $0x3;
	v15 =	vld.idx.msk [tilespmem:v19+s2+$0x0], $0xffff  }
0x445: {  	s19 =	sadd.s32 $0xE0, s19;
	v10 =	vadd.s32 v1, v10;
	v12 =	vld.idx.msk [tilespmem:v21+s2+$0x0], $0xffff;
	[tilespmem:v22+s15+$0x0] =	vst.idx.msk $0xffff, v20  }
0x446: {  	_ =	sdelay $0x3  }
0x447: {  	v2 =	vld.idx.msk [tilespmem:v8+s2+$0x0], $0xffff;
	_ =	sdelay $0x1  }
0x448: {  	s17 =	sadd.s32 $0x1000, s17;
	v8 =	vshll.u32 v14, $0x3  }
0x449: {  	s18 =	sadd.s32 $0xFFFFFC00, s17;
	v14 =	vshll.u32 v15, $0x3;
	v8 =	vadd.s32 v1, v8  }
0x44a: {  	v13 =	vld.idx.msk [tilespmem:v13+s11+$0x0], $0xffff;
	s19 =	sadd.s32 $0xFFFFF400, s17;
	v17 =	vadd.s32 s18, v0;
	v12 =	vshll.u32 v12, $0x3;
	v14 =	vadd.s32 v1, v14  }
0x44b: {  	[tilespmem:v9+s15+$0x0] =	vst.idx.msk $0xffff, v5;
	v5 =	vld.idx.msk [tilespmem:v11+s11+$0x0], $0xffff;
	v9 =	vadd.s32 s19, v0;
	v12 =	vadd.s32 v1, v12;
	v2 =	vshll.u32 v2, $0x3  }
0x44c: {  	s26 =	sadd.s32 $0xFFFFF800, s17;
	v15 =	vld.idx.msk [tilespmem:v16+s11+$0x0], $0xffff;
	v16 =	vadd.s32 s17, v0;
	v1 =	vadd.s32 v1, v2  }
0x44d: {  	[tilespmem:v7+s15+$0x0] =	vst.idx.msk $0xffff, v4;
	v4 =	vadd.s32 s26, v0;
	s17 =	sadd.s32 $0x1000, s17;
	v2 =	vld.idx.msk [tilespmem:v10+s11+$0x0], $0xffff  }
0x44e: {  	[tilespmem:v6+s15+$0x0] =	vst.idx.msk $0xffff, v3;
	s28 =	sadd.s32 $0xFFFFFC00, s17;
	v6 =	vadd.s32 s17, v0;
	v3 =	vld.idx.msk [tilespmem:v8+s11+$0x0], $0xffff  }
0x44f: {  	s29 =	sadd.s32 $0xFFFFF400, s17;
	[tilespmem:v17+s15+$0x0] =	vst.idx.msk $0xffff, v13;
	v8 =	vadd.s32 s28, v0;
	v7 =	vld.idx.msk [tilespmem:v14+s11+$0x0], $0xffff  }
0x450: {  	s17 =	sadd.s32 $0xFFFFF800, s17;
	v11 =	vadd.s32 s29, v0;
	[tilespmem:v9+s15+$0x0] =	vst.idx.msk $0xffff, v5;
	v10 =	vld.idx.msk [tilespmem:v12+s11+$0x0], $0xffff  }
0x451: {  	[tilespmem:v16+s15+$0x0] =	vst.idx.msk $0xffff, v15;
	v0 =	vadd.s32 s17, v0;
	v1 =	vld.idx.msk [tilespmem:v1+s11+$0x0], $0xffff  }
0x452: {  	[tilespmem:v4+s15+$0x0] =	vst.idx.msk $0xffff, v2  }
0x453: {  	[tilespmem:v6+s15+$0x0] =	vst.idx.msk $0xffff, v3  }
0x454: {  	[tilespmem:v8+s15+$0x0] =	vst.idx.msk $0xffff, v7  }
0x455: {  	[tilespmem:v11+s15+$0x0] =	vst.idx.msk $0xffff, v10  }
0x456: {  	[tilespmem:v0+s15+$0x0] =	vst.idx.msk $0xffff, v1  }
0x457: {  	v2 =	vld [tilespmem:$0x1070];
	_ =	sdelay $0x3  }
0x458: {  	s30 =	simm.s32 $0xA8  }
0x459: {  	s31 =	simm.s32 $0x70;
	v0 =	vadd.s32 s30, v2  }
0x45a: {  	s19 =	simm.s32 $0x0;
	v3 =	vadd.s32 s31, v2  }
0x45b: {  	s20 =	simm.s32 $0x38;
	v4 =	vadd.s32 s19, v2  }
0x45c: {  	v5 =	vadd.s32 s20, v2  }
0x45d: {  	s21 =	simm.s32 $0x188;
	v1 =	vld [tilespmem:$0x12A0]  }
0x45e: {  	v6 =	vadd.s32 s21, v2;
	v0 =	vld.idx.msk [tilespmem:v0+s2+$0x0], $0xffff  }
0x45f: {  	s22 =	simm.s32 $0x150;
	v3 =	vld.idx.msk [tilespmem:v3+s2+$0x0], $0xffff  }
0x460: {  	s23 =	simm.s32 $0xE0;
	v7 =	vadd.s32 s22, v2;
	v4 =	vld.idx.msk [tilespmem:v4+s2+$0x0], $0xffff  }
0x461: {  	s24 =	simm.s32 $0x118;
	v8 =	vadd.s32 s23, v2;
	v5 =	vld.idx.msk [tilespmem:v5+s2+$0x0], $0xffff  }
0x462: {  	s25 =	simm.s32 $0x268;
	v9 =	vadd.s32 s24, v2  }
0x463: {  	v14 =	vadd.s32 s25, v2;
	v6 =	vld.idx.msk [tilespmem:v6+s2+$0x0], $0xffff;
	v10 =	vshll.u32 v0, $0x3  }
0x464: {  	v0 =	vld [tilespmem:$0x1230];
	v3 =	vshll.u32 v3, $0x3;
	v10 =	vadd.s32 v1, v10  }
0x465: {  	v11 =	vld.idx.msk [tilespmem:v7+s2+$0x0], $0xffff;
	v4 =	vshll.u32 v4, $0x3;
	v3 =	vadd.s32 v1, v3  }
0x466: {  	v12 =	vld.idx.msk [tilespmem:v8+s2+$0x0], $0xffff;
	v5 =	vshll.u32 v5, $0x3;
	v4 =	vadd.s32 v1, v4  }
0x467: {  	s26 =	simm.s32 $0x230;
	v17 =	vld.idx.msk [tilespmem:v9+s2+$0x0], $0xffff;
	v13 =	vadd.s32 v1, v5  }
0x468: {  	s17 =	simm.s32 $0xC00;
	s28 =	simm.s32 $0x1C0;
	v15 =	vadd.s32 s26, v2;
	v14 =	vld.idx.msk [tilespmem:v14+s2+$0x0], $0xffff  }
0x469: {  	s29 =	simm.s32 $0x1F8;
	s31 =	simm.s32 $0x800;
	v19 =	vadd.s32 s17, v0;
	v18 =	vld.idx.msk [tilespmem:v10+s11+$0x0], $0xffff;
	v10 =	vadd.s32 s28, v2  }
0x46a: {  	s30 =	simm.s32 $0x0;
	v8 =	vadd.s32 s29, v2;
	v6 =	vshll.u32 v6, $0x3;
	v9 =	vadd.s32 s31, v0;
	v5 =	vld.idx.msk [tilespmem:v3+s11+$0x0], $0xffff  }
0x46b: {  	s20 =	simm.s32 $0x400;
	v11 =	vshll.u32 v11, $0x3;
	v16 =	vadd.s32 v1, v6;
	v7 =	vadd.s32 s30, v0;
	v4 =	vld.idx.msk [tilespmem:v4+s11+$0x0], $0xffff  }
0x46c: {  	v12 =	vshll.u32 v12, $0x3;
	v6 =	vadd.s32 s20, v0;
	v3 =	vld.idx.msk [tilespmem:v13+s11+$0x0], $0xffff;
	v13 =	vadd.s32 v1, v11  }
0x46d: {  	v15 =	vld.idx.msk [tilespmem:v15+s2+$0x0], $0xffff;
	v17 =	vshll.u32 v17, $0x3;
	v11 =	vadd.s32 v1, v12  }
0x46e: {  	s18 =	simm.s32 $0x8;
	s19 =	simm.s32 $0x348;
	v12 =	vld.idx.msk [tilespmem:v10+s2+$0x0], $0xffff;
	v10 =	vadd.s32 v1, v17;
	[tilespmem:v19+s15+$0x0] =	vst.idx.msk $0xffff, v18  }
.LBB2_46:
0x46f: {  	s20 =	sadd.s32 $0xFFFFFF90, s19;
	s21 =	sadd.s32 $0xFFFFFFC8, s19;
	v17 =	vadd.s32 s19, v2;
	s18 =	sadd.s32 $0x4, s18;
	v18 =	vld.idx.msk [tilespmem:v8+s2+$0x0], $0xffff;
	[tilespmem:v9+s15+$0x0] =	vst.idx.msk $0xffff, v5  }
0x470: {  	s22 =	sadd.s32 $0xFFFFFF58, s19;
	s17 =	sadd.s32 $0x1000, s17;
	v8 =	vadd.s32 s20, v2;
	v19 =	vadd.s32 s21, v2;
	p0 =	slt.u32 s18, $0x3C;
	v20 =	vld.idx.msk [tilespmem:v16+s11+$0x0], $0xffff;
	[tilespmem:v7+s15+$0x0] =	vst.idx.msk $0xffff, v4  }
0x471: {  	v21 =	vadd.s32 s22, v2;
	s20 =	sadd.s32 $0xFFFFF400, s17;
	s21 =	sadd.s32 $0xFFFFF800, s17;
	s22 =	sadd.s32 $0xFFFFFC00, s17;
	v22 =	vadd.s32 s17, v0;
	v5 =	vld.idx.msk [tilespmem:v13+s11+$0x0], $0xffff;
	[tilespmem:v6+s15+$0x0] =	vst.idx.msk $0xffff, v3  }
.Ltmp22:
0x472: {  	v3 =	vshll.u32 v14, $0x3;
	v7 =	vadd.s32 s20, v0;
	v9 =	vadd.s32 s22, v0;
	v4 =	vld.idx.msk [tilespmem:v11+s11+$0x0], $0xffff;
	(pc) =	sbr.rel @p0 .LBB2_46-.Ltmp22, $4  }
0x473: {  	v6 =	vadd.s32 s21, v0;
	v11 =	vshll.u32 v15, $0x3;
	v16 =	vadd.s32 v1, v3;
	v3 =	vld.idx.msk [tilespmem:v10+s11+$0x0], $0xffff  }
0x474: {  	v10 =	vshll.u32 v12, $0x3;
	v13 =	vadd.s32 v1, v11;
	v14 =	vld.idx.msk [tilespmem:v17+s2+$0x0], $0xffff  }
0x475: {  	v11 =	vadd.s32 v1, v10;
	v10 =	vshll.u32 v18, $0x3;
	v15 =	vld.idx.msk [tilespmem:v19+s2+$0x0], $0xffff  }
0x476: {  	s19 =	sadd.s32 $0xE0, s19;
	v10 =	vadd.s32 v1, v10;
	v12 =	vld.idx.msk [tilespmem:v21+s2+$0x0], $0xffff;
	[tilespmem:v22+s15+$0x0] =	vst.idx.msk $0xffff, v20  }
0x477: {  	_ =	sdelay $0x3  }
0x478: {  	v2 =	vld.idx.msk [tilespmem:v8+s2+$0x0], $0xffff;
	_ =	sdelay $0x1  }
0x479: {  	s17 =	sadd.s32 $0x1000, s17;
	v8 =	vshll.u32 v14, $0x3  }
0x47a: {  	s18 =	sadd.s32 $0xFFFFFC00, s17;
	v14 =	vshll.u32 v15, $0x3;
	v8 =	vadd.s32 v1, v8  }
0x47b: {  	v13 =	vld.idx.msk [tilespmem:v13+s11+$0x0], $0xffff;
	s19 =	sadd.s32 $0xFFFFF400, s17;
	v17 =	vadd.s32 s18, v0;
	v12 =	vshll.u32 v12, $0x3;
	v14 =	vadd.s32 v1, v14  }
0x47c: {  	[tilespmem:v9+s15+$0x0] =	vst.idx.msk $0xffff, v5;
	v5 =	vld.idx.msk [tilespmem:v11+s11+$0x0], $0xffff;
	v9 =	vadd.s32 s19, v0;
	v12 =	vadd.s32 v1, v12;
	v2 =	vshll.u32 v2, $0x3  }
0x47d: {  	s26 =	sadd.s32 $0xFFFFF800, s17;
	v15 =	vld.idx.msk [tilespmem:v16+s11+$0x0], $0xffff;
	v16 =	vadd.s32 s17, v0;
	v1 =	vadd.s32 v1, v2  }
0x47e: {  	[tilespmem:v7+s15+$0x0] =	vst.idx.msk $0xffff, v4;
	v4 =	vadd.s32 s26, v0;
	s17 =	sadd.s32 $0x1000, s17;
	v2 =	vld.idx.msk [tilespmem:v10+s11+$0x0], $0xffff  }
0x47f: {  	[tilespmem:v6+s15+$0x0] =	vst.idx.msk $0xffff, v3;
	s28 =	sadd.s32 $0xFFFFFC00, s17;
	v6 =	vadd.s32 s17, v0;
	v3 =	vld.idx.msk [tilespmem:v8+s11+$0x0], $0xffff  }
0x480: {  	s29 =	sadd.s32 $0xFFFFF400, s17;
	[tilespmem:v17+s15+$0x0] =	vst.idx.msk $0xffff, v13;
	v8 =	vadd.s32 s28, v0;
	v7 =	vld.idx.msk [tilespmem:v14+s11+$0x0], $0xffff  }
0x481: {  	s17 =	sadd.s32 $0xFFFFF800, s17;
	v11 =	vadd.s32 s29, v0;
	[tilespmem:v9+s15+$0x0] =	vst.idx.msk $0xffff, v5;
	v10 =	vld.idx.msk [tilespmem:v12+s11+$0x0], $0xffff  }
0x482: {  	[tilespmem:v16+s15+$0x0] =	vst.idx.msk $0xffff, v15;
	v0 =	vadd.s32 s17, v0;
	v1 =	vld.idx.msk [tilespmem:v1+s11+$0x0], $0xffff  }
0x483: {  	[tilespmem:v4+s15+$0x0] =	vst.idx.msk $0xffff, v2  }
0x484: {  	[tilespmem:v6+s15+$0x0] =	vst.idx.msk $0xffff, v3  }
0x485: {  	[tilespmem:v8+s15+$0x0] =	vst.idx.msk $0xffff, v7  }
0x486: {  	[tilespmem:v11+s15+$0x0] =	vst.idx.msk $0xffff, v10  }
0x487: {  	[tilespmem:v0+s15+$0x0] =	vst.idx.msk $0xffff, v1  }
0x488: {  	v2 =	vld [tilespmem:$0x1080];
	_ =	sdelay $0x3  }
0x489: {  	s30 =	simm.s32 $0xA8  }
0x48a: {  	s31 =	simm.s32 $0x70;
	v0 =	vadd.s32 s30, v2  }
0x48b: {  	s19 =	simm.s32 $0x0;
	v3 =	vadd.s32 s31, v2  }
0x48c: {  	s20 =	simm.s32 $0x38;
	v4 =	vadd.s32 s19, v2  }
0x48d: {  	v5 =	vadd.s32 s20, v2  }
0x48e: {  	s21 =	simm.s32 $0x188;
	v1 =	vld [tilespmem:$0x12B0]  }
0x48f: {  	v6 =	vadd.s32 s21, v2;
	v0 =	vld.idx.msk [tilespmem:v0+s2+$0x0], $0xffff  }
0x490: {  	s22 =	simm.s32 $0x150;
	v3 =	vld.idx.msk [tilespmem:v3+s2+$0x0], $0xffff  }
0x491: {  	s23 =	simm.s32 $0xE0;
	v7 =	vadd.s32 s22, v2;
	v4 =	vld.idx.msk [tilespmem:v4+s2+$0x0], $0xffff  }
0x492: {  	s24 =	simm.s32 $0x118;
	v8 =	vadd.s32 s23, v2;
	v5 =	vld.idx.msk [tilespmem:v5+s2+$0x0], $0xffff  }
0x493: {  	s25 =	simm.s32 $0x268;
	v9 =	vadd.s32 s24, v2  }
0x494: {  	v14 =	vadd.s32 s25, v2;
	v6 =	vld.idx.msk [tilespmem:v6+s2+$0x0], $0xffff;
	v10 =	vshll.u32 v0, $0x3  }
0x495: {  	v0 =	vld [tilespmem:$0x1240];
	v3 =	vshll.u32 v3, $0x3;
	v10 =	vadd.s32 v1, v10  }
0x496: {  	v11 =	vld.idx.msk [tilespmem:v7+s2+$0x0], $0xffff;
	v4 =	vshll.u32 v4, $0x3;
	v3 =	vadd.s32 v1, v3  }
0x497: {  	v12 =	vld.idx.msk [tilespmem:v8+s2+$0x0], $0xffff;
	v5 =	vshll.u32 v5, $0x3;
	v4 =	vadd.s32 v1, v4  }
0x498: {  	s26 =	simm.s32 $0x230;
	v17 =	vld.idx.msk [tilespmem:v9+s2+$0x0], $0xffff;
	v13 =	vadd.s32 v1, v5  }
0x499: {  	s17 =	simm.s32 $0xC00;
	s28 =	simm.s32 $0x1C0;
	v15 =	vadd.s32 s26, v2;
	v14 =	vld.idx.msk [tilespmem:v14+s2+$0x0], $0xffff  }
0x49a: {  	s29 =	simm.s32 $0x1F8;
	s31 =	simm.s32 $0x800;
	v19 =	vadd.s32 s17, v0;
	v18 =	vld.idx.msk [tilespmem:v10+s11+$0x0], $0xffff;
	v10 =	vadd.s32 s28, v2  }
0x49b: {  	s30 =	simm.s32 $0x0;
	v8 =	vadd.s32 s29, v2;
	v6 =	vshll.u32 v6, $0x3;
	v9 =	vadd.s32 s31, v0;
	v5 =	vld.idx.msk [tilespmem:v3+s11+$0x0], $0xffff  }
0x49c: {  	s20 =	simm.s32 $0x400;
	v11 =	vshll.u32 v11, $0x3;
	v16 =	vadd.s32 v1, v6;
	v7 =	vadd.s32 s30, v0;
	v4 =	vld.idx.msk [tilespmem:v4+s11+$0x0], $0xffff  }
0x49d: {  	v12 =	vshll.u32 v12, $0x3;
	v6 =	vadd.s32 s20, v0;
	v3 =	vld.idx.msk [tilespmem:v13+s11+$0x0], $0xffff;
	v13 =	vadd.s32 v1, v11  }
0x49e: {  	v15 =	vld.idx.msk [tilespmem:v15+s2+$0x0], $0xffff;
	v17 =	vshll.u32 v17, $0x3;
	v11 =	vadd.s32 v1, v12  }
0x49f: {  	s18 =	simm.s32 $0x8;
	s19 =	simm.s32 $0x348;
	v12 =	vld.idx.msk [tilespmem:v10+s2+$0x0], $0xffff;
	v10 =	vadd.s32 v1, v17;
	[tilespmem:v19+s15+$0x0] =	vst.idx.msk $0xffff, v18  }
.LBB2_48:
0x4a0: {  	s20 =	sadd.s32 $0xFFFFFF90, s19;
	s21 =	sadd.s32 $0xFFFFFFC8, s19;
	v17 =	vadd.s32 s19, v2;
	s18 =	sadd.s32 $0x4, s18;
	v18 =	vld.idx.msk [tilespmem:v8+s2+$0x0], $0xffff;
	[tilespmem:v9+s15+$0x0] =	vst.idx.msk $0xffff, v5  }
0x4a1: {  	s22 =	sadd.s32 $0xFFFFFF58, s19;
	s17 =	sadd.s32 $0x1000, s17;
	v8 =	vadd.s32 s20, v2;
	v19 =	vadd.s32 s21, v2;
	p0 =	slt.u32 s18, $0x3C;
	v20 =	vld.idx.msk [tilespmem:v16+s11+$0x0], $0xffff;
	[tilespmem:v7+s15+$0x0] =	vst.idx.msk $0xffff, v4  }
0x4a2: {  	v21 =	vadd.s32 s22, v2;
	s20 =	sadd.s32 $0xFFFFF400, s17;
	s21 =	sadd.s32 $0xFFFFF800, s17;
	s22 =	sadd.s32 $0xFFFFFC00, s17;
	v22 =	vadd.s32 s17, v0;
	v5 =	vld.idx.msk [tilespmem:v13+s11+$0x0], $0xffff;
	[tilespmem:v6+s15+$0x0] =	vst.idx.msk $0xffff, v3  }
.Ltmp23:
0x4a3: {  	v3 =	vshll.u32 v14, $0x3;
	v7 =	vadd.s32 s20, v0;
	v9 =	vadd.s32 s22, v0;
	v4 =	vld.idx.msk [tilespmem:v11+s11+$0x0], $0xffff;
	(pc) =	sbr.rel @p0 .LBB2_48-.Ltmp23, $4  }
0x4a4: {  	v6 =	vadd.s32 s21, v0;
	v11 =	vshll.u32 v15, $0x3;
	v16 =	vadd.s32 v1, v3;
	v3 =	vld.idx.msk [tilespmem:v10+s11+$0x0], $0xffff  }
0x4a5: {  	v10 =	vshll.u32 v12, $0x3;
	v13 =	vadd.s32 v1, v11;
	v14 =	vld.idx.msk [tilespmem:v17+s2+$0x0], $0xffff  }
0x4a6: {  	v11 =	vadd.s32 v1, v10;
	v10 =	vshll.u32 v18, $0x3;
	v15 =	vld.idx.msk [tilespmem:v19+s2+$0x0], $0xffff  }
0x4a7: {  	s19 =	sadd.s32 $0xE0, s19;
	v10 =	vadd.s32 v1, v10;
	v12 =	vld.idx.msk [tilespmem:v21+s2+$0x0], $0xffff;
	[tilespmem:v22+s15+$0x0] =	vst.idx.msk $0xffff, v20  }
0x4a8: {  	_ =	sdelay $0x3  }
0x4a9: {  	v2 =	vld.idx.msk [tilespmem:v8+s2+$0x0], $0xffff;
	_ =	sdelay $0x1  }
0x4aa: {  	s17 =	sadd.s32 $0x1000, s17;
	v8 =	vshll.u32 v14, $0x3  }
0x4ab: {  	s18 =	sadd.s32 $0xFFFFFC00, s17;
	v14 =	vshll.u32 v15, $0x3;
	v8 =	vadd.s32 v1, v8  }
0x4ac: {  	v13 =	vld.idx.msk [tilespmem:v13+s11+$0x0], $0xffff;
	s19 =	sadd.s32 $0xFFFFF400, s17;
	v17 =	vadd.s32 s18, v0;
	v12 =	vshll.u32 v12, $0x3;
	v14 =	vadd.s32 v1, v14  }
0x4ad: {  	[tilespmem:v9+s15+$0x0] =	vst.idx.msk $0xffff, v5;
	v5 =	vld.idx.msk [tilespmem:v11+s11+$0x0], $0xffff;
	v9 =	vadd.s32 s19, v0;
	v12 =	vadd.s32 v1, v12;
	v2 =	vshll.u32 v2, $0x3  }
0x4ae: {  	s26 =	sadd.s32 $0xFFFFF800, s17;
	v15 =	vld.idx.msk [tilespmem:v16+s11+$0x0], $0xffff;
	v16 =	vadd.s32 s17, v0;
	v1 =	vadd.s32 v1, v2  }
0x4af: {  	[tilespmem:v7+s15+$0x0] =	vst.idx.msk $0xffff, v4;
	v4 =	vadd.s32 s26, v0;
	s17 =	sadd.s32 $0x1000, s17;
	v2 =	vld.idx.msk [tilespmem:v10+s11+$0x0], $0xffff  }
0x4b0: {  	[tilespmem:v6+s15+$0x0] =	vst.idx.msk $0xffff, v3;
	s28 =	sadd.s32 $0xFFFFFC00, s17;
	v6 =	vadd.s32 s17, v0;
	v3 =	vld.idx.msk [tilespmem:v8+s11+$0x0], $0xffff  }
0x4b1: {  	s29 =	sadd.s32 $0xFFFFF400, s17;
	[tilespmem:v17+s15+$0x0] =	vst.idx.msk $0xffff, v13;
	v8 =	vadd.s32 s28, v0;
	v7 =	vld.idx.msk [tilespmem:v14+s11+$0x0], $0xffff  }
0x4b2: {  	s17 =	sadd.s32 $0xFFFFF800, s17;
	v11 =	vadd.s32 s29, v0;
	[tilespmem:v9+s15+$0x0] =	vst.idx.msk $0xffff, v5;
	v10 =	vld.idx.msk [tilespmem:v12+s11+$0x0], $0xffff  }
0x4b3: {  	[tilespmem:v16+s15+$0x0] =	vst.idx.msk $0xffff, v15;
	v0 =	vadd.s32 s17, v0;
	v1 =	vld.idx.msk [tilespmem:v1+s11+$0x0], $0xffff  }
0x4b4: {  	[tilespmem:v4+s15+$0x0] =	vst.idx.msk $0xffff, v2  }
0x4b5: {  	[tilespmem:v6+s15+$0x0] =	vst.idx.msk $0xffff, v3  }
0x4b6: {  	[tilespmem:v8+s15+$0x0] =	vst.idx.msk $0xffff, v7  }
0x4b7: {  	[tilespmem:v11+s15+$0x0] =	vst.idx.msk $0xffff, v10  }
0x4b8: {  	[tilespmem:v0+s15+$0x0] =	vst.idx.msk $0xffff, v1  }
0x4b9: {  	v2 =	vld [tilespmem:$0x1090];
	_ =	sdelay $0x3  }
0x4ba: {  	s30 =	simm.s32 $0xA8  }
0x4bb: {  	s31 =	simm.s32 $0x70;
	v0 =	vadd.s32 s30, v2  }
0x4bc: {  	s19 =	simm.s32 $0x0;
	v3 =	vadd.s32 s31, v2  }
0x4bd: {  	s20 =	simm.s32 $0x38;
	v4 =	vadd.s32 s19, v2  }
0x4be: {  	v5 =	vadd.s32 s20, v2  }
0x4bf: {  	s21 =	simm.s32 $0x188;
	v1 =	vld [tilespmem:$0x12C0]  }
0x4c0: {  	v6 =	vadd.s32 s21, v2;
	v0 =	vld.idx.msk [tilespmem:v0+s2+$0x0], $0xffff  }
0x4c1: {  	s22 =	simm.s32 $0x150;
	v3 =	vld.idx.msk [tilespmem:v3+s2+$0x0], $0xffff  }
0x4c2: {  	s23 =	simm.s32 $0xE0;
	v7 =	vadd.s32 s22, v2;
	v4 =	vld.idx.msk [tilespmem:v4+s2+$0x0], $0xffff  }
0x4c3: {  	s24 =	simm.s32 $0x118;
	v8 =	vadd.s32 s23, v2;
	v5 =	vld.idx.msk [tilespmem:v5+s2+$0x0], $0xffff  }
0x4c4: {  	s25 =	simm.s32 $0x268;
	v9 =	vadd.s32 s24, v2  }
0x4c5: {  	v14 =	vadd.s32 s25, v2;
	v6 =	vld.idx.msk [tilespmem:v6+s2+$0x0], $0xffff;
	v10 =	vshll.u32 v0, $0x3  }
0x4c6: {  	v0 =	vld [tilespmem:$0x1250];
	v3 =	vshll.u32 v3, $0x3;
	v10 =	vadd.s32 v1, v10  }
0x4c7: {  	v11 =	vld.idx.msk [tilespmem:v7+s2+$0x0], $0xffff;
	v4 =	vshll.u32 v4, $0x3;
	v3 =	vadd.s32 v1, v3  }
0x4c8: {  	v12 =	vld.idx.msk [tilespmem:v8+s2+$0x0], $0xffff;
	v5 =	vshll.u32 v5, $0x3;
	v4 =	vadd.s32 v1, v4  }
0x4c9: {  	s26 =	simm.s32 $0x230;
	v17 =	vld.idx.msk [tilespmem:v9+s2+$0x0], $0xffff;
	v13 =	vadd.s32 v1, v5  }
0x4ca: {  	s17 =	simm.s32 $0xC00;
	s28 =	simm.s32 $0x1C0;
	v15 =	vadd.s32 s26, v2;
	v14 =	vld.idx.msk [tilespmem:v14+s2+$0x0], $0xffff  }
0x4cb: {  	s29 =	simm.s32 $0x1F8;
	s31 =	simm.s32 $0x800;
	v19 =	vadd.s32 s17, v0;
	v18 =	vld.idx.msk [tilespmem:v10+s11+$0x0], $0xffff;
	v10 =	vadd.s32 s28, v2  }
0x4cc: {  	s30 =	simm.s32 $0x0;
	v8 =	vadd.s32 s29, v2;
	v6 =	vshll.u32 v6, $0x3;
	v9 =	vadd.s32 s31, v0;
	v5 =	vld.idx.msk [tilespmem:v3+s11+$0x0], $0xffff  }
0x4cd: {  	s20 =	simm.s32 $0x400;
	v11 =	vshll.u32 v11, $0x3;
	v16 =	vadd.s32 v1, v6;
	v7 =	vadd.s32 s30, v0;
	v4 =	vld.idx.msk [tilespmem:v4+s11+$0x0], $0xffff  }
0x4ce: {  	v12 =	vshll.u32 v12, $0x3;
	v6 =	vadd.s32 s20, v0;
	v3 =	vld.idx.msk [tilespmem:v13+s11+$0x0], $0xffff;
	v13 =	vadd.s32 v1, v11  }
0x4cf: {  	v15 =	vld.idx.msk [tilespmem:v15+s2+$0x0], $0xffff;
	v17 =	vshll.u32 v17, $0x3;
	v11 =	vadd.s32 v1, v12  }
0x4d0: {  	s18 =	simm.s32 $0x8;
	s19 =	simm.s32 $0x348;
	v12 =	vld.idx.msk [tilespmem:v10+s2+$0x0], $0xffff;
	v10 =	vadd.s32 v1, v17;
	[tilespmem:v19+s15+$0x0] =	vst.idx.msk $0xffff, v18  }
.LBB2_50:
0x4d1: {  	s20 =	sadd.s32 $0xFFFFFF90, s19;
	s21 =	sadd.s32 $0xFFFFFFC8, s19;
	v17 =	vadd.s32 s19, v2;
	s18 =	sadd.s32 $0x4, s18;
	v18 =	vld.idx.msk [tilespmem:v8+s2+$0x0], $0xffff;
	[tilespmem:v9+s15+$0x0] =	vst.idx.msk $0xffff, v5  }
0x4d2: {  	s22 =	sadd.s32 $0xFFFFFF58, s19;
	s17 =	sadd.s32 $0x1000, s17;
	v8 =	vadd.s32 s20, v2;
	v19 =	vadd.s32 s21, v2;
	p0 =	slt.u32 s18, $0x3C;
	v20 =	vld.idx.msk [tilespmem:v16+s11+$0x0], $0xffff;
	[tilespmem:v7+s15+$0x0] =	vst.idx.msk $0xffff, v4  }
0x4d3: {  	v21 =	vadd.s32 s22, v2;
	s20 =	sadd.s32 $0xFFFFF400, s17;
	s21 =	sadd.s32 $0xFFFFF800, s17;
	s22 =	sadd.s32 $0xFFFFFC00, s17;
	v22 =	vadd.s32 s17, v0;
	v5 =	vld.idx.msk [tilespmem:v13+s11+$0x0], $0xffff;
	[tilespmem:v6+s15+$0x0] =	vst.idx.msk $0xffff, v3  }
.Ltmp24:
0x4d4: {  	v3 =	vshll.u32 v14, $0x3;
	v7 =	vadd.s32 s20, v0;
	v9 =	vadd.s32 s22, v0;
	v4 =	vld.idx.msk [tilespmem:v11+s11+$0x0], $0xffff;
	(pc) =	sbr.rel @p0 .LBB2_50-.Ltmp24, $4  }
0x4d5: {  	v6 =	vadd.s32 s21, v0;
	v11 =	vshll.u32 v15, $0x3;
	v16 =	vadd.s32 v1, v3;
	v3 =	vld.idx.msk [tilespmem:v10+s11+$0x0], $0xffff  }
0x4d6: {  	v10 =	vshll.u32 v12, $0x3;
	v13 =	vadd.s32 v1, v11;
	v14 =	vld.idx.msk [tilespmem:v17+s2+$0x0], $0xffff  }
0x4d7: {  	v11 =	vadd.s32 v1, v10;
	v10 =	vshll.u32 v18, $0x3;
	v15 =	vld.idx.msk [tilespmem:v19+s2+$0x0], $0xffff  }
0x4d8: {  	s19 =	sadd.s32 $0xE0, s19;
	v10 =	vadd.s32 v1, v10;
	v12 =	vld.idx.msk [tilespmem:v21+s2+$0x0], $0xffff;
	[tilespmem:v22+s15+$0x0] =	vst.idx.msk $0xffff, v20  }
0x4d9: {  	_ =	sdelay $0x3  }
0x4da: {  	v2 =	vld.idx.msk [tilespmem:v8+s2+$0x0], $0xffff;
	_ =	sdelay $0x1  }
0x4db: {  	s17 =	sadd.s32 $0x1000, s17;
	v8 =	vshll.u32 v14, $0x3  }
0x4dc: {  	s18 =	sadd.s32 $0xFFFFFC00, s17;
	v14 =	vshll.u32 v15, $0x3;
	v8 =	vadd.s32 v1, v8  }
0x4dd: {  	v13 =	vld.idx.msk [tilespmem:v13+s11+$0x0], $0xffff;
	s19 =	sadd.s32 $0xFFFFF400, s17;
	v17 =	vadd.s32 s18, v0;
	v12 =	vshll.u32 v12, $0x3;
	v14 =	vadd.s32 v1, v14  }
0x4de: {  	[tilespmem:v9+s15+$0x0] =	vst.idx.msk $0xffff, v5;
	v5 =	vld.idx.msk [tilespmem:v11+s11+$0x0], $0xffff;
	v9 =	vadd.s32 s19, v0;
	v12 =	vadd.s32 v1, v12;
	v2 =	vshll.u32 v2, $0x3  }
0x4df: {  	s26 =	sadd.s32 $0xFFFFF800, s17;
	v15 =	vld.idx.msk [tilespmem:v16+s11+$0x0], $0xffff;
	v16 =	vadd.s32 s17, v0;
	v1 =	vadd.s32 v1, v2  }
0x4e0: {  	[tilespmem:v7+s15+$0x0] =	vst.idx.msk $0xffff, v4;
	v4 =	vadd.s32 s26, v0;
	s17 =	sadd.s32 $0x1000, s17;
	v2 =	vld.idx.msk [tilespmem:v10+s11+$0x0], $0xffff  }
0x4e1: {  	[tilespmem:v6+s15+$0x0] =	vst.idx.msk $0xffff, v3;
	s28 =	sadd.s32 $0xFFFFFC00, s17;
	v6 =	vadd.s32 s17, v0;
	v3 =	vld.idx.msk [tilespmem:v8+s11+$0x0], $0xffff  }
0x4e2: {  	s29 =	sadd.s32 $0xFFFFF400, s17;
	[tilespmem:v17+s15+$0x0] =	vst.idx.msk $0xffff, v13;
	v8 =	vadd.s32 s28, v0;
	v7 =	vld.idx.msk [tilespmem:v14+s11+$0x0], $0xffff  }
0x4e3: {  	s17 =	sadd.s32 $0xFFFFF800, s17;
	v11 =	vadd.s32 s29, v0;
	[tilespmem:v9+s15+$0x0] =	vst.idx.msk $0xffff, v5;
	v10 =	vld.idx.msk [tilespmem:v12+s11+$0x0], $0xffff  }
0x4e4: {  	[tilespmem:v16+s15+$0x0] =	vst.idx.msk $0xffff, v15;
	v0 =	vadd.s32 s17, v0;
	v1 =	vld.idx.msk [tilespmem:v1+s11+$0x0], $0xffff  }
0x4e5: {  	[tilespmem:v4+s15+$0x0] =	vst.idx.msk $0xffff, v2  }
0x4e6: {  	[tilespmem:v6+s15+$0x0] =	vst.idx.msk $0xffff, v3  }
0x4e7: {  	[tilespmem:v8+s15+$0x0] =	vst.idx.msk $0xffff, v7  }
0x4e8: {  	[tilespmem:v11+s15+$0x0] =	vst.idx.msk $0xffff, v10  }
0x4e9: {  	[tilespmem:v0+s15+$0x0] =	vst.idx.msk $0xffff, v1  }
0x4ea: {  	v2 =	vld [tilespmem:$0x10A0];
	_ =	sdelay $0x3  }
0x4eb: {  	s30 =	simm.s32 $0xA8  }
0x4ec: {  	s31 =	simm.s32 $0x70;
	v0 =	vadd.s32 s30, v2  }
0x4ed: {  	s19 =	simm.s32 $0x0;
	v3 =	vadd.s32 s31, v2  }
0x4ee: {  	s20 =	simm.s32 $0x38;
	v4 =	vadd.s32 s19, v2  }
0x4ef: {  	v5 =	vadd.s32 s20, v2  }
0x4f0: {  	s21 =	simm.s32 $0x188;
	v1 =	vld [tilespmem:$0x12D0]  }
0x4f1: {  	v6 =	vadd.s32 s21, v2;
	v0 =	vld.idx.msk [tilespmem:v0+s2+$0x0], $0xffff  }
0x4f2: {  	s22 =	simm.s32 $0x150;
	v3 =	vld.idx.msk [tilespmem:v3+s2+$0x0], $0xffff  }
0x4f3: {  	s23 =	simm.s32 $0xE0;
	v7 =	vadd.s32 s22, v2;
	v4 =	vld.idx.msk [tilespmem:v4+s2+$0x0], $0xffff  }
0x4f4: {  	s24 =	simm.s32 $0x118;
	v8 =	vadd.s32 s23, v2;
	v5 =	vld.idx.msk [tilespmem:v5+s2+$0x0], $0xffff  }
0x4f5: {  	s25 =	simm.s32 $0x268;
	v9 =	vadd.s32 s24, v2  }
0x4f6: {  	v14 =	vadd.s32 s25, v2;
	v6 =	vld.idx.msk [tilespmem:v6+s2+$0x0], $0xffff;
	v10 =	vshll.u32 v0, $0x3  }
0x4f7: {  	v0 =	vld [tilespmem:$0x1260];
	v3 =	vshll.u32 v3, $0x3;
	v10 =	vadd.s32 v1, v10  }
0x4f8: {  	v11 =	vld.idx.msk [tilespmem:v7+s2+$0x0], $0xffff;
	v4 =	vshll.u32 v4, $0x3;
	v3 =	vadd.s32 v1, v3  }
0x4f9: {  	v12 =	vld.idx.msk [tilespmem:v8+s2+$0x0], $0xffff;
	v5 =	vshll.u32 v5, $0x3;
	v4 =	vadd.s32 v1, v4  }
0x4fa: {  	s26 =	simm.s32 $0x230;
	v17 =	vld.idx.msk [tilespmem:v9+s2+$0x0], $0xffff;
	v13 =	vadd.s32 v1, v5  }
0x4fb: {  	s17 =	simm.s32 $0xC00;
	s28 =	simm.s32 $0x1C0;
	v15 =	vadd.s32 s26, v2;
	v14 =	vld.idx.msk [tilespmem:v14+s2+$0x0], $0xffff  }
0x4fc: {  	s29 =	simm.s32 $0x1F8;
	s31 =	simm.s32 $0x800;
	v19 =	vadd.s32 s17, v0;
	v18 =	vld.idx.msk [tilespmem:v10+s11+$0x0], $0xffff;
	v10 =	vadd.s32 s28, v2  }
0x4fd: {  	s30 =	simm.s32 $0x0;
	v8 =	vadd.s32 s29, v2;
	v6 =	vshll.u32 v6, $0x3;
	v9 =	vadd.s32 s31, v0;
	v5 =	vld.idx.msk [tilespmem:v3+s11+$0x0], $0xffff  }
0x4fe: {  	s20 =	simm.s32 $0x400;
	v11 =	vshll.u32 v11, $0x3;
	v16 =	vadd.s32 v1, v6;
	v7 =	vadd.s32 s30, v0;
	v4 =	vld.idx.msk [tilespmem:v4+s11+$0x0], $0xffff  }
0x4ff: {  	v12 =	vshll.u32 v12, $0x3;
	v6 =	vadd.s32 s20, v0;
	v3 =	vld.idx.msk [tilespmem:v13+s11+$0x0], $0xffff;
	v13 =	vadd.s32 v1, v11  }
0x500: {  	v15 =	vld.idx.msk [tilespmem:v15+s2+$0x0], $0xffff;
	v17 =	vshll.u32 v17, $0x3;
	v11 =	vadd.s32 v1, v12  }
0x501: {  	s18 =	simm.s32 $0x8;
	s19 =	simm.s32 $0x348;
	v12 =	vld.idx.msk [tilespmem:v10+s2+$0x0], $0xffff;
	v10 =	vadd.s32 v1, v17;
	[tilespmem:v19+s15+$0x0] =	vst.idx.msk $0xffff, v18  }
.LBB2_52:
0x502: {  	s20 =	sadd.s32 $0xFFFFFF90, s19;
	s21 =	sadd.s32 $0xFFFFFFC8, s19;
	v17 =	vadd.s32 s19, v2;
	s18 =	sadd.s32 $0x4, s18;
	v18 =	vld.idx.msk [tilespmem:v8+s2+$0x0], $0xffff;
	[tilespmem:v9+s15+$0x0] =	vst.idx.msk $0xffff, v5  }
0x503: {  	s22 =	sadd.s32 $0xFFFFFF58, s19;
	s17 =	sadd.s32 $0x1000, s17;
	v8 =	vadd.s32 s20, v2;
	v19 =	vadd.s32 s21, v2;
	p0 =	slt.u32 s18, $0x3C;
	v20 =	vld.idx.msk [tilespmem:v16+s11+$0x0], $0xffff;
	[tilespmem:v7+s15+$0x0] =	vst.idx.msk $0xffff, v4  }
0x504: {  	v21 =	vadd.s32 s22, v2;
	s20 =	sadd.s32 $0xFFFFF400, s17;
	s21 =	sadd.s32 $0xFFFFF800, s17;
	s22 =	sadd.s32 $0xFFFFFC00, s17;
	v22 =	vadd.s32 s17, v0;
	v5 =	vld.idx.msk [tilespmem:v13+s11+$0x0], $0xffff;
	[tilespmem:v6+s15+$0x0] =	vst.idx.msk $0xffff, v3  }
.Ltmp25:
0x505: {  	v3 =	vshll.u32 v14, $0x3;
	v7 =	vadd.s32 s20, v0;
	v9 =	vadd.s32 s22, v0;
	v4 =	vld.idx.msk [tilespmem:v11+s11+$0x0], $0xffff;
	(pc) =	sbr.rel @p0 .LBB2_52-.Ltmp25, $4  }
0x506: {  	v6 =	vadd.s32 s21, v0;
	v11 =	vshll.u32 v15, $0x3;
	v16 =	vadd.s32 v1, v3;
	v3 =	vld.idx.msk [tilespmem:v10+s11+$0x0], $0xffff  }
0x507: {  	v10 =	vshll.u32 v12, $0x3;
	v13 =	vadd.s32 v1, v11;
	v14 =	vld.idx.msk [tilespmem:v17+s2+$0x0], $0xffff  }
0x508: {  	v11 =	vadd.s32 v1, v10;
	v10 =	vshll.u32 v18, $0x3;
	v15 =	vld.idx.msk [tilespmem:v19+s2+$0x0], $0xffff  }
0x509: {  	s19 =	sadd.s32 $0xE0, s19;
	v10 =	vadd.s32 v1, v10;
	v12 =	vld.idx.msk [tilespmem:v21+s2+$0x0], $0xffff;
	[tilespmem:v22+s15+$0x0] =	vst.idx.msk $0xffff, v20  }
0x50a: {  	_ =	sdelay $0x3  }
0x50b: {  	v2 =	vld.idx.msk [tilespmem:v8+s2+$0x0], $0xffff;
	_ =	sdelay $0x1  }
0x50c: {  	s17 =	sadd.s32 $0x1000, s17;
	v8 =	vshll.u32 v14, $0x3  }
0x50d: {  	s18 =	sadd.s32 $0xFFFFFC00, s17;
	v14 =	vshll.u32 v15, $0x3;
	v8 =	vadd.s32 v1, v8  }
0x50e: {  	v13 =	vld.idx.msk [tilespmem:v13+s11+$0x0], $0xffff;
	s19 =	sadd.s32 $0xFFFFF400, s17;
	v17 =	vadd.s32 s18, v0;
	v12 =	vshll.u32 v12, $0x3;
	v14 =	vadd.s32 v1, v14  }
0x50f: {  	[tilespmem:v9+s15+$0x0] =	vst.idx.msk $0xffff, v5;
	v5 =	vld.idx.msk [tilespmem:v11+s11+$0x0], $0xffff;
	v9 =	vadd.s32 s19, v0;
	v12 =	vadd.s32 v1, v12;
	v2 =	vshll.u32 v2, $0x3  }
0x510: {  	s26 =	sadd.s32 $0xFFFFF800, s17;
	v15 =	vld.idx.msk [tilespmem:v16+s11+$0x0], $0xffff;
	v16 =	vadd.s32 s17, v0;
	v1 =	vadd.s32 v1, v2  }
0x511: {  	[tilespmem:v7+s15+$0x0] =	vst.idx.msk $0xffff, v4;
	v4 =	vadd.s32 s26, v0;
	s17 =	sadd.s32 $0x1000, s17;
	v2 =	vld.idx.msk [tilespmem:v10+s11+$0x0], $0xffff  }
0x512: {  	[tilespmem:v6+s15+$0x0] =	vst.idx.msk $0xffff, v3;
	s28 =	sadd.s32 $0xFFFFFC00, s17;
	v6 =	vadd.s32 s17, v0;
	v3 =	vld.idx.msk [tilespmem:v8+s11+$0x0], $0xffff  }
0x513: {  	s29 =	sadd.s32 $0xFFFFF400, s17;
	[tilespmem:v17+s15+$0x0] =	vst.idx.msk $0xffff, v13;
	v8 =	vadd.s32 s28, v0;
	v7 =	vld.idx.msk [tilespmem:v14+s11+$0x0], $0xffff  }
0x514: {  	s17 =	sadd.s32 $0xFFFFF800, s17;
	v11 =	vadd.s32 s29, v0;
	[tilespmem:v9+s15+$0x0] =	vst.idx.msk $0xffff, v5;
	v10 =	vld.idx.msk [tilespmem:v12+s11+$0x0], $0xffff  }
0x515: {  	[tilespmem:v16+s15+$0x0] =	vst.idx.msk $0xffff, v15;
	v0 =	vadd.s32 s17, v0;
	v1 =	vld.idx.msk [tilespmem:v1+s11+$0x0], $0xffff  }
0x516: {  	[tilespmem:v4+s15+$0x0] =	vst.idx.msk $0xffff, v2  }
0x517: {  	[tilespmem:v6+s15+$0x0] =	vst.idx.msk $0xffff, v3  }
0x518: {  	[tilespmem:v8+s15+$0x0] =	vst.idx.msk $0xffff, v7  }
0x519: {  	[tilespmem:v11+s15+$0x0] =	vst.idx.msk $0xffff, v10  }
0x51a: {  	[tilespmem:v0+s15+$0x0] =	vst.idx.msk $0xffff, v1  }
0x51b: {  	v2 =	vld [tilespmem:$0x10B0];
	_ =	sdelay $0x3  }
0x51c: {  	s30 =	simm.s32 $0xA8  }
0x51d: {  	s31 =	simm.s32 $0x70;
	v0 =	vadd.s32 s30, v2  }
0x51e: {  	s19 =	simm.s32 $0x0;
	v3 =	vadd.s32 s31, v2  }
0x51f: {  	s20 =	simm.s32 $0x38;
	v4 =	vadd.s32 s19, v2  }
0x520: {  	v5 =	vadd.s32 s20, v2  }
0x521: {  	s21 =	simm.s32 $0x188;
	v1 =	vld [tilespmem:$0x12E0]  }
0x522: {  	v6 =	vadd.s32 s21, v2;
	v0 =	vld.idx.msk [tilespmem:v0+s2+$0x0], $0xffff  }
0x523: {  	s22 =	simm.s32 $0x150;
	v3 =	vld.idx.msk [tilespmem:v3+s2+$0x0], $0xffff  }
0x524: {  	s23 =	simm.s32 $0xE0;
	v7 =	vadd.s32 s22, v2;
	v4 =	vld.idx.msk [tilespmem:v4+s2+$0x0], $0xffff  }
0x525: {  	s24 =	simm.s32 $0x118;
	v8 =	vadd.s32 s23, v2;
	v5 =	vld.idx.msk [tilespmem:v5+s2+$0x0], $0xffff  }
0x526: {  	s25 =	simm.s32 $0x268;
	v9 =	vadd.s32 s24, v2  }
0x527: {  	v14 =	vadd.s32 s25, v2;
	v6 =	vld.idx.msk [tilespmem:v6+s2+$0x0], $0xffff;
	v10 =	vshll.u32 v0, $0x3  }
0x528: {  	v0 =	vld [tilespmem:$0x1270];
	v3 =	vshll.u32 v3, $0x3;
	v10 =	vadd.s32 v1, v10  }
0x529: {  	v11 =	vld.idx.msk [tilespmem:v7+s2+$0x0], $0xffff;
	v4 =	vshll.u32 v4, $0x3;
	v3 =	vadd.s32 v1, v3  }
0x52a: {  	v12 =	vld.idx.msk [tilespmem:v8+s2+$0x0], $0xffff;
	v5 =	vshll.u32 v5, $0x3;
	v4 =	vadd.s32 v1, v4  }
0x52b: {  	s26 =	simm.s32 $0x230;
	v17 =	vld.idx.msk [tilespmem:v9+s2+$0x0], $0xffff;
	v13 =	vadd.s32 v1, v5  }
0x52c: {  	s17 =	simm.s32 $0xC00;
	s28 =	simm.s32 $0x1C0;
	v15 =	vadd.s32 s26, v2;
	v14 =	vld.idx.msk [tilespmem:v14+s2+$0x0], $0xffff  }
0x52d: {  	s29 =	simm.s32 $0x1F8;
	s31 =	simm.s32 $0x800;
	v19 =	vadd.s32 s17, v0;
	v18 =	vld.idx.msk [tilespmem:v10+s11+$0x0], $0xffff;
	v10 =	vadd.s32 s28, v2  }
0x52e: {  	s30 =	simm.s32 $0x0;
	v8 =	vadd.s32 s29, v2;
	v6 =	vshll.u32 v6, $0x3;
	v9 =	vadd.s32 s31, v0;
	v5 =	vld.idx.msk [tilespmem:v3+s11+$0x0], $0xffff  }
0x52f: {  	s20 =	simm.s32 $0x400;
	v11 =	vshll.u32 v11, $0x3;
	v16 =	vadd.s32 v1, v6;
	v7 =	vadd.s32 s30, v0;
	v4 =	vld.idx.msk [tilespmem:v4+s11+$0x0], $0xffff  }
0x530: {  	v12 =	vshll.u32 v12, $0x3;
	v6 =	vadd.s32 s20, v0;
	v3 =	vld.idx.msk [tilespmem:v13+s11+$0x0], $0xffff;
	v13 =	vadd.s32 v1, v11  }
0x531: {  	v15 =	vld.idx.msk [tilespmem:v15+s2+$0x0], $0xffff;
	v17 =	vshll.u32 v17, $0x3;
	v11 =	vadd.s32 v1, v12  }
0x532: {  	s18 =	simm.s32 $0x8;
	s19 =	simm.s32 $0x348;
	v12 =	vld.idx.msk [tilespmem:v10+s2+$0x0], $0xffff;
	v10 =	vadd.s32 v1, v17;
	[tilespmem:v19+s15+$0x0] =	vst.idx.msk $0xffff, v18  }
.LBB2_54:
0x533: {  	s20 =	sadd.s32 $0xFFFFFF90, s19;
	s21 =	sadd.s32 $0xFFFFFFC8, s19;
	v17 =	vadd.s32 s19, v2;
	s18 =	sadd.s32 $0x4, s18;
	v18 =	vld.idx.msk [tilespmem:v8+s2+$0x0], $0xffff;
	[tilespmem:v9+s15+$0x0] =	vst.idx.msk $0xffff, v5  }
0x534: {  	s22 =	sadd.s32 $0xFFFFFF58, s19;
	s17 =	sadd.s32 $0x1000, s17;
	v8 =	vadd.s32 s20, v2;
	v19 =	vadd.s32 s21, v2;
	p0 =	slt.u32 s18, $0x3C;
	v20 =	vld.idx.msk [tilespmem:v16+s11+$0x0], $0xffff;
	[tilespmem:v7+s15+$0x0] =	vst.idx.msk $0xffff, v4  }
0x535: {  	v21 =	vadd.s32 s22, v2;
	s20 =	sadd.s32 $0xFFFFF400, s17;
	s21 =	sadd.s32 $0xFFFFF800, s17;
	s22 =	sadd.s32 $0xFFFFFC00, s17;
	v22 =	vadd.s32 s17, v0;
	v5 =	vld.idx.msk [tilespmem:v13+s11+$0x0], $0xffff;
	[tilespmem:v6+s15+$0x0] =	vst.idx.msk $0xffff, v3  }
.Ltmp26:
0x536: {  	v3 =	vshll.u32 v14, $0x3;
	v7 =	vadd.s32 s20, v0;
	v9 =	vadd.s32 s22, v0;
	v4 =	vld.idx.msk [tilespmem:v11+s11+$0x0], $0xffff;
	(pc) =	sbr.rel @p0 .LBB2_54-.Ltmp26, $4  }
0x537: {  	v6 =	vadd.s32 s21, v0;
	v11 =	vshll.u32 v15, $0x3;
	v16 =	vadd.s32 v1, v3;
	v3 =	vld.idx.msk [tilespmem:v10+s11+$0x0], $0xffff  }
0x538: {  	v10 =	vshll.u32 v12, $0x3;
	v13 =	vadd.s32 v1, v11;
	v14 =	vld.idx.msk [tilespmem:v17+s2+$0x0], $0xffff  }
0x539: {  	v11 =	vadd.s32 v1, v10;
	v10 =	vshll.u32 v18, $0x3;
	v15 =	vld.idx.msk [tilespmem:v19+s2+$0x0], $0xffff  }
0x53a: {  	s19 =	sadd.s32 $0xE0, s19;
	v10 =	vadd.s32 v1, v10;
	v12 =	vld.idx.msk [tilespmem:v21+s2+$0x0], $0xffff;
	[tilespmem:v22+s15+$0x0] =	vst.idx.msk $0xffff, v20  }
0x53b: {  	_ =	sdelay $0x3  }
0x53c: {  	v2 =	vld.idx.msk [tilespmem:v8+s2+$0x0], $0xffff;
	_ =	sdelay $0x1  }
0x53d: {  	s17 =	sadd.s32 $0x1000, s17;
	v8 =	vshll.u32 v14, $0x3  }
0x53e: {  	s18 =	sadd.s32 $0xFFFFFC00, s17;
	v14 =	vshll.u32 v15, $0x3;
	v8 =	vadd.s32 v1, v8  }
0x53f: {  	v13 =	vld.idx.msk [tilespmem:v13+s11+$0x0], $0xffff;
	s19 =	sadd.s32 $0xFFFFF400, s17;
	v17 =	vadd.s32 s18, v0;
	v12 =	vshll.u32 v12, $0x3;
	v14 =	vadd.s32 v1, v14  }
0x540: {  	[tilespmem:v9+s15+$0x0] =	vst.idx.msk $0xffff, v5;
	v5 =	vld.idx.msk [tilespmem:v11+s11+$0x0], $0xffff;
	v9 =	vadd.s32 s19, v0;
	v12 =	vadd.s32 v1, v12;
	v2 =	vshll.u32 v2, $0x3  }
0x541: {  	s26 =	sadd.s32 $0xFFFFF800, s17;
	v15 =	vld.idx.msk [tilespmem:v16+s11+$0x0], $0xffff;
	v16 =	vadd.s32 s17, v0;
	v1 =	vadd.s32 v1, v2  }
0x542: {  	[tilespmem:v7+s15+$0x0] =	vst.idx.msk $0xffff, v4;
	v4 =	vadd.s32 s26, v0;
	s17 =	sadd.s32 $0x1000, s17;
	v2 =	vld.idx.msk [tilespmem:v10+s11+$0x0], $0xffff  }
0x543: {  	[tilespmem:v6+s15+$0x0] =	vst.idx.msk $0xffff, v3;
	s28 =	sadd.s32 $0xFFFFFC00, s17;
	v6 =	vadd.s32 s17, v0;
	v3 =	vld.idx.msk [tilespmem:v8+s11+$0x0], $0xffff  }
0x544: {  	s29 =	sadd.s32 $0xFFFFF400, s17;
	[tilespmem:v17+s15+$0x0] =	vst.idx.msk $0xffff, v13;
	v8 =	vadd.s32 s28, v0;
	v7 =	vld.idx.msk [tilespmem:v14+s11+$0x0], $0xffff  }
0x545: {  	s17 =	sadd.s32 $0xFFFFF800, s17;
	v11 =	vadd.s32 s29, v0;
	[tilespmem:v9+s15+$0x0] =	vst.idx.msk $0xffff, v5;
	v10 =	vld.idx.msk [tilespmem:v12+s11+$0x0], $0xffff  }
0x546: {  	[tilespmem:v16+s15+$0x0] =	vst.idx.msk $0xffff, v15;
	v0 =	vadd.s32 s17, v0;
	v1 =	vld.idx.msk [tilespmem:v1+s11+$0x0], $0xffff  }
0x547: {  	[tilespmem:v4+s15+$0x0] =	vst.idx.msk $0xffff, v2  }
0x548: {  	[tilespmem:v6+s15+$0x0] =	vst.idx.msk $0xffff, v3  }
0x549: {  	[tilespmem:v8+s15+$0x0] =	vst.idx.msk $0xffff, v7  }
0x54a: {  	[tilespmem:v11+s15+$0x0] =	vst.idx.msk $0xffff, v10  }
0x54b: {  	[tilespmem:v0+s15+$0x0] =	vst.idx.msk $0xffff, v1  }
0x54c: {  	v2 =	vld [tilespmem:$0x10C0];
	_ =	sdelay $0x3  }
0x54d: {  	s30 =	simm.s32 $0xA8  }
0x54e: {  	s31 =	simm.s32 $0x70;
	v0 =	vadd.s32 s30, v2  }
0x54f: {  	s19 =	simm.s32 $0x0;
	v3 =	vadd.s32 s31, v2  }
0x550: {  	s20 =	simm.s32 $0x38;
	v4 =	vadd.s32 s19, v2  }
0x551: {  	v5 =	vadd.s32 s20, v2  }
0x552: {  	s21 =	simm.s32 $0x188;
	v1 =	vld [tilespmem:$0x12F0]  }
0x553: {  	v6 =	vadd.s32 s21, v2;
	v0 =	vld.idx.msk [tilespmem:v0+s2+$0x0], $0xffff  }
0x554: {  	s22 =	simm.s32 $0x150;
	v3 =	vld.idx.msk [tilespmem:v3+s2+$0x0], $0xffff  }
0x555: {  	s23 =	simm.s32 $0xE0;
	v7 =	vadd.s32 s22, v2;
	v4 =	vld.idx.msk [tilespmem:v4+s2+$0x0], $0xffff  }
0x556: {  	s24 =	simm.s32 $0x118;
	v8 =	vadd.s32 s23, v2;
	v5 =	vld.idx.msk [tilespmem:v5+s2+$0x0], $0xffff  }
0x557: {  	s25 =	simm.s32 $0x268;
	v9 =	vadd.s32 s24, v2  }
0x558: {  	v14 =	vadd.s32 s25, v2;
	v6 =	vld.idx.msk [tilespmem:v6+s2+$0x0], $0xffff;
	v10 =	vshll.u32 v0, $0x3  }
0x559: {  	v0 =	vld [tilespmem:$0x1280];
	v3 =	vshll.u32 v3, $0x3;
	v10 =	vadd.s32 v1, v10  }
0x55a: {  	v11 =	vld.idx.msk [tilespmem:v7+s2+$0x0], $0xffff;
	v4 =	vshll.u32 v4, $0x3;
	v3 =	vadd.s32 v1, v3  }
0x55b: {  	v12 =	vld.idx.msk [tilespmem:v8+s2+$0x0], $0xffff;
	v5 =	vshll.u32 v5, $0x3;
	v4 =	vadd.s32 v1, v4  }
0x55c: {  	s26 =	simm.s32 $0x230;
	v17 =	vld.idx.msk [tilespmem:v9+s2+$0x0], $0xffff;
	v13 =	vadd.s32 v1, v5  }
0x55d: {  	s17 =	simm.s32 $0xC00;
	s28 =	simm.s32 $0x1C0;
	v15 =	vadd.s32 s26, v2;
	v14 =	vld.idx.msk [tilespmem:v14+s2+$0x0], $0xffff  }
0x55e: {  	s29 =	simm.s32 $0x1F8;
	s31 =	simm.s32 $0x800;
	v19 =	vadd.s32 s17, v0;
	v18 =	vld.idx.msk [tilespmem:v10+s11+$0x0], $0xffff;
	v10 =	vadd.s32 s28, v2  }
0x55f: {  	s30 =	simm.s32 $0x0;
	v8 =	vadd.s32 s29, v2;
	v6 =	vshll.u32 v6, $0x3;
	v9 =	vadd.s32 s31, v0;
	v5 =	vld.idx.msk [tilespmem:v3+s11+$0x0], $0xffff  }
0x560: {  	s20 =	simm.s32 $0x400;
	v11 =	vshll.u32 v11, $0x3;
	v16 =	vadd.s32 v1, v6;
	v7 =	vadd.s32 s30, v0;
	v4 =	vld.idx.msk [tilespmem:v4+s11+$0x0], $0xffff  }
0x561: {  	v12 =	vshll.u32 v12, $0x3;
	v6 =	vadd.s32 s20, v0;
	v3 =	vld.idx.msk [tilespmem:v13+s11+$0x0], $0xffff;
	v13 =	vadd.s32 v1, v11  }
0x562: {  	v15 =	vld.idx.msk [tilespmem:v15+s2+$0x0], $0xffff;
	v17 =	vshll.u32 v17, $0x3;
	v11 =	vadd.s32 v1, v12  }
0x563: {  	s18 =	simm.s32 $0x8;
	s19 =	simm.s32 $0x348;
	v12 =	vld.idx.msk [tilespmem:v10+s2+$0x0], $0xffff;
	v10 =	vadd.s32 v1, v17;
	[tilespmem:v19+s15+$0x0] =	vst.idx.msk $0xffff, v18  }
.LBB2_56:
0x564: {  	s20 =	sadd.s32 $0xFFFFFF90, s19;
	s21 =	sadd.s32 $0xFFFFFFC8, s19;
	v17 =	vadd.s32 s19, v2;
	s18 =	sadd.s32 $0x4, s18;
	v18 =	vld.idx.msk [tilespmem:v8+s2+$0x0], $0xffff;
	[tilespmem:v9+s15+$0x0] =	vst.idx.msk $0xffff, v5  }
0x565: {  	s22 =	sadd.s32 $0xFFFFFF58, s19;
	s17 =	sadd.s32 $0x1000, s17;
	v8 =	vadd.s32 s20, v2;
	v19 =	vadd.s32 s21, v2;
	p0 =	slt.u32 s18, $0x3C;
	v20 =	vld.idx.msk [tilespmem:v16+s11+$0x0], $0xffff;
	[tilespmem:v7+s15+$0x0] =	vst.idx.msk $0xffff, v4  }
0x566: {  	v21 =	vadd.s32 s22, v2;
	s20 =	sadd.s32 $0xFFFFF400, s17;
	s21 =	sadd.s32 $0xFFFFF800, s17;
	s22 =	sadd.s32 $0xFFFFFC00, s17;
	v22 =	vadd.s32 s17, v0;
	v5 =	vld.idx.msk [tilespmem:v13+s11+$0x0], $0xffff;
	[tilespmem:v6+s15+$0x0] =	vst.idx.msk $0xffff, v3  }
.Ltmp27:
0x567: {  	v3 =	vshll.u32 v14, $0x3;
	v7 =	vadd.s32 s20, v0;
	v9 =	vadd.s32 s22, v0;
	v4 =	vld.idx.msk [tilespmem:v11+s11+$0x0], $0xffff;
	(pc) =	sbr.rel @p0 .LBB2_56-.Ltmp27, $4  }
0x568: {  	v6 =	vadd.s32 s21, v0;
	v11 =	vshll.u32 v15, $0x3;
	v16 =	vadd.s32 v1, v3;
	v3 =	vld.idx.msk [tilespmem:v10+s11+$0x0], $0xffff  }
0x569: {  	v10 =	vshll.u32 v12, $0x3;
	v13 =	vadd.s32 v1, v11;
	v14 =	vld.idx.msk [tilespmem:v17+s2+$0x0], $0xffff  }
0x56a: {  	v11 =	vadd.s32 v1, v10;
	v10 =	vshll.u32 v18, $0x3;
	v15 =	vld.idx.msk [tilespmem:v19+s2+$0x0], $0xffff  }
0x56b: {  	s19 =	sadd.s32 $0xE0, s19;
	v10 =	vadd.s32 v1, v10;
	v12 =	vld.idx.msk [tilespmem:v21+s2+$0x0], $0xffff;
	[tilespmem:v22+s15+$0x0] =	vst.idx.msk $0xffff, v20  }
0x56c: {  	_ =	sdelay $0x3  }
0x56d: {  	v2 =	vld.idx.msk [tilespmem:v8+s2+$0x0], $0xffff;
	_ =	sdelay $0x1  }
0x56e: {  	v48 =	vshll.u32 v14, $0x3  }
0x56f: {  	s17 =	sadd.s32 $0x1000, s17;
	v49 =	vshll.u32 v15, $0x3;
	v8 =	vadd.s32 v1, v48  }
0x570: {  	v50 =	vld.idx.msk [tilespmem:v16+s11+$0x0], $0xffff;
	s18 =	sadd.s32 $0xFFFFFC00, s17;
	v51 =	vadd.s32 s17, v0;
	v12 =	vshll.u32 v12, $0x3;
	v14 =	vadd.s32 v1, v49  }
0x571: {  	v13 =	vld.idx.msk [tilespmem:v13+s11+$0x0], $0xffff;
	s19 =	sadd.s32 $0xFFFFF400, s17;
	v17 =	vadd.s32 s18, v0;
	v12 =	vadd.s32 v1, v12;
	v2 =	vshll.u32 v2, $0x3  }
0x572: {  	[tilespmem:v9+s15+$0x0] =	vst.idx.msk $0xffff, v5;
	v52 =	vld.idx.msk [tilespmem:v11+s11+$0x0], $0xffff;
	s29 =	sadd.s32 $0xFFFFF800, s17;
	v54 =	vadd.s32 s19, v0;
	v53 =	vadd.s32 v1, v2  }
0x573: {  	[tilespmem:v7+s15+$0x0] =	vst.idx.msk $0xffff, v4;
	v55 =	vld.idx.msk [tilespmem:v10+s11+$0x0], $0xffff;
	s17 =	sadd.s32 $0x1000, s17;
	v56 =	vadd.s32 s29, v0  }
0x574: {  	[tilespmem:v6+s15+$0x0] =	vst.idx.msk $0xffff, v3;
	s30 =	sadd.s32 $0xFFFFFC00, s17;
	v58 =	vadd.s32 s17, v0;
	v57 =	vld.idx.msk [tilespmem:v8+s11+$0x0], $0xffff  }
0x575: {  	s31 =	sadd.s32 $0xFFFFF400, s17;
	v60 =	vadd.s32 s30, v0;
	[tilespmem:v51+s15+$0x0] =	vst.idx.msk $0xffff, v50;
	v59 =	vld.idx.msk [tilespmem:v14+s11+$0x0], $0xffff  }
0x576: {  	s17 =	sadd.s32 $0xFFFFF800, s17;
	v62 =	vadd.s32 s31, v0;
	[tilespmem:v17+s15+$0x0] =	vst.idx.msk $0xffff, v13;
	v61 =	vld.idx.msk [tilespmem:v12+s11+$0x0], $0xffff  }
0x577: {  	v63 =	vadd.s32 s17, v0;
	[tilespmem:v54+s15+$0x0] =	vst.idx.msk $0xffff, v52;
	v1 =	vld.idx.msk [tilespmem:v53+s11+$0x0], $0xffff  }
0x578: {  	[tilespmem:v56+s15+$0x0] =	vst.idx.msk $0xffff, v55  }
0x579: {  	[tilespmem:v58+s15+$0x0] =	vst.idx.msk $0xffff, v57  }
0x57a: {  	s16 =	sadd.s32 $0x1, s16;
	[tilespmem:v60+s15+$0x0] =	vst.idx.msk $0xffff, v59  }
0x57b: {  	p0 =	sne.s32 s16, s9;
	[tilespmem:v62+s15+$0x0] =	vst.idx.msk $0xffff, v61  }
.Ltmp28:
0x57c: {  	[tilespmem:v63+s15+$0x0] =	vst.idx.msk $0xffff, v1;
	(pc) =	sbr.rel @p0 .LBB2_1-.Ltmp28, $4  }
0x57d: {  	[hbm4b:s8+s2] =	stream.linear.scatter [tilespmem:s15], [sflag:$0x1], $0x10000, $0x38;
	[tilespmem:$0x11310] =	vst v63  }
0x57e: {  	_ =	swait.ge [sflag:s10], $0x10000  }
0x57f: {  	[sflag:s10] =	ssyncset.done $0x0  }
0x580: {  	[sflag:s10] =	ssyncadd.s32 $0xFFFF0000  }
0x581: {  	_ =	sfence.sel $0x180000  }
0x582: {  	[bflag:$0x0] =	sbarrier.arrive $0xFFFF  }
0x583: {  	p0 =	sne.s32 s1, $0x0;
	_ =	strace $0x90000047  }
0x584: {  	s0 =	sadd.s32 @!p0 $0x100000, s0;
	[bflag:$0x2] =	sbarrier.arrive $0xFFFF  }
0x585: {  	[sflag:s0] =	ssyncadd.tile.s32 @!p0 $0x1;
	_ =	shalt  }
.Lfunc_end2:
_tile_overlayer_lowered:
.L_overlay_start_2:
0x586: {  	(tag) =	ssettag $0x2  }
0x587: {  	s0 =	rddreg [dreg:$0x0];
	s2 =	stileid.u32  }
0x588: {  	s1 =	rddreg [dreg:$0x1];
	p0 =	sne.s32 s2, $0x0  }
0x589: {  	s3 =	rddreg [dreg:$0x2];
	[bflag:$0x3] =	sbarrier.arrive $0xFFFF;
	s2 =	simm.s32 @!p0 $0x1C01  }
0x58a: {  	[timem:s3], [sflag:s2] =	dma.local @!p0 [hbm:s0], s1  }
0x58b: {  	s0 =	simm.s32 @!p0 $0x1  }
0x58c: {  	_ =	swait.ge @!p0 [sflag:s0], s1  }
0x58d: {  	s1 =	ssub.s32 @!p0 $0x0, s1;
	[sflag:s0] =	ssyncset.done @!p0 $0x0  }
0x58e: {  	[sflag:s0] =	ssyncadd.s32 @!p0 s1  }
0x58f: {  	[bflag:$0x3] =	sbarrier.arrive $0xFFFF  }
0x590: {  	_ =	shalt  }

</sc_bundles>
